<compile_context>
chip_gen: v7x
topology: tpu7x:2x2x1
jax: 0.10.2.dev20260603
libtpu: 0.0.44.dev20260713+nightly
codegen_flags: <defaults>
</compile_context>

<pallas_src>
import functools

import jax
import jax.numpy as jnp
from jax import lax
from jax.experimental import pallas as pl
from jax.experimental.pallas import tpu as pltpu
from jax.experimental.pallas import tpu_sc as plsc

B = 16384
C = 1000
CP = 1024
F = 128
TAU = 2.0
ETA = 0.5
WEIGHT_CENT = 0.003
BB = 1024
NB = B // BB

NC = 2
NS = 16
NW = NC * NS
PER_W = 2 * B // NW
CHUNK = 128
NCHUNK = PER_W // CHUNK

_HIGH = jax.lax.Precision.HIGHEST


def _stage_a_body(m_ref, tok_ref, mn_ref, k_ref, h_ref, mnorm2_ref):
    del tok_ref
    m = m_ref[...]
    ssq = jnp.sum(m * m, axis=1, keepdims=True)
    inv = jax.lax.rsqrt(jnp.maximum(ssq, 1e-30))
    mn = m * inv
    gwm = jax.lax.dot_general(mn, mn, (((1,), (1,)), ((), ())),
                              precision=jax.lax.Precision.DEFAULT,
                              preferred_element_type=jnp.float32)
    lg = gwm * (1.0 / TAU)
    e = jnp.exp(lg)
    z = jnp.sum(e, axis=1, keepdims=True) - float(CP - C)
    zinv = 1.0 / z
    logz = jnp.log(z)
    p = e * zinv
    h_all = jnp.sum(p * (lg - logz), axis=1, keepdims=True)
    h_ref[...] = h_all + float(CP - C) * logz * zinv
    k_ref[...] = jax.lax.dot_general(p, mn, (((1,), (0,)), ((), ())),
                                     precision=jax.lax.Precision.DEFAULT,
                                     preferred_element_type=jnp.float32)
    mn_ref[...] = mn * (1.0 / TAU)
    mnorm2_ref[...] = ssq


def _scale_body(xf_ref, lam_ref, w_ref, wn_ref, lam16_ref):
    xf = xf_ref[...]
    lam = lam_ref[...]
    ssq = jnp.sum(xf * xf, axis=1, keepdims=True)
    w_ref[...] = lam * xf
    wn_ref[...] = (lam * jax.lax.rsqrt(ssq)) * xf
    lane0 = jax.lax.broadcasted_iota(jnp.int32, (1, F), 1) == 0
    lam16_ref[...] = jnp.where(lane0, lam, 0.0)


def _sc_scatter_body(w_hbm, wn_hbm, idx_hbm, lam16_hbm, zeros_hbm,
                     g_out, gn_out, cnt_out,
                     g_sp, gn_sp, cnt_sp,
                     wv, wnv, idxv, lamv, rb, in_sems, out_sem):
    cid = lax.axis_index("c")
    sid = lax.axis_index("s")

    @pl.when(sid == 0)
    def _():
        pltpu.sync_copy(zeros_hbm, g_sp)
        pltpu.sync_copy(zeros_hbm, gn_sp)
        pltpu.sync_copy(zeros_hbm, cnt_sp)

    plsc.subcore_barrier()

    wid = cid * NS + sid
    base_w = wid * PER_W

    def _fill(k, b):
        base = base_w + k * CHUNK
        pltpu.async_copy(idx_hbm.at[pl.ds(base, CHUNK)], idxv.at[b],
                         in_sems.at[b])
        pltpu.async_copy(lam16_hbm.at[pl.ds(base, CHUNK)], lamv.at[b],
                         in_sems.at[b])
        pltpu.async_copy(w_hbm.at[pl.ds(base, CHUNK)], wv.at[b],
                         in_sems.at[b])
        pltpu.async_copy(wn_hbm.at[pl.ds(base, CHUNK)], wnv.at[b],
                         in_sems.at[b])

    def _drain(b):
        pltpu.make_async_copy(idx_hbm.at[pl.ds(0, CHUNK)], idxv.at[b],
                              in_sems.at[b]).wait()
        pltpu.make_async_copy(lam16_hbm.at[pl.ds(0, CHUNK)], lamv.at[b],
                              in_sems.at[b]).wait()
        pltpu.make_async_copy(w_hbm.at[pl.ds(0, CHUNK)], wv.at[b],
                              in_sems.at[b]).wait()
        pltpu.make_async_copy(wn_hbm.at[pl.ds(0, CHUNK)], wnv.at[b],
                              in_sems.at[b]).wait()

    _fill(0, 0)
    for k in range(NCHUNK):
        b = k % 2
        if k + 1 < NCHUNK:
            _fill(k + 1, 1 - b)
        _drain(b)
        pltpu.sync_copy(wv.at[b], g_sp.at[idxv.at[b]], add=True)
        pltpu.sync_copy(wnv.at[b], gn_sp.at[idxv.at[b]], add=True)
        pltpu.sync_copy(lamv.at[b], cnt_sp.at[idxv.at[b]], add=True)

    pltpu.sync_copy(g_sp.at[pl.ds(0, 8)], rb)
    pltpu.sync_copy(gn_sp.at[pl.ds(0, 8)], rb)
    pltpu.sync_copy(cnt_sp.at[pl.ds(0, 8)], rb)
    plsc.subcore_barrier()

    @pl.when(sid == 0)
    def _():
        pltpu.sync_copy(g_sp, g_out.at[cid])
        pltpu.sync_copy(gn_sp, gn_out.at[cid])
        pltpu.sync_copy(cnt_sp, cnt_out.at[cid])


def _stage_b_body(xf_ref, lac_ref, lbc_ref, mn_ref, slse_ref, sxx_ref):
    i = pl.program_id(0)

    @pl.when(i == 0)
    def _():
        slse_ref[...] = jnp.zeros_like(slse_ref)
        sxx_ref[...] = jnp.zeros_like(sxx_ref)

    xf = xf_ref[...]
    xssq = jnp.sum(xf * xf, axis=1, keepdims=True)
    xfn = xf * jax.lax.rsqrt(xssq)
    mn = mn_ref[...]
    st = jax.lax.dot_general(xfn, mn, (((1,), (1,)), ((), ())),
                             precision=jax.lax.Precision.DEFAULT,
                             preferred_element_type=jnp.float32)
    z = jnp.sum(jnp.exp(st), axis=1, keepdims=True)
    lse = jnp.log(z - float(CP - C))

    lam2c = (lac_ref[0] + lbc_ref[0]).T
    slse_ref[...] += jnp.sum(lam2c * lse)
    sxx_ref[...] += jnp.sum(lam2c * xssq)


def _stage_c_body(gp_ref, gnp_ref, cntp_ref, h_ref, mnorm2_ref, k_ref,
                  m_ref, ginit_ref, cinit_ref, slse_ref, sxx_ref,
                  loss_ref, gout_ref, cntout_ref):
    gs = gp_ref[0] + gp_ref[1]
    gns = gnp_ref[0] + gnp_ref[1]
    cs = cntp_ref[:CP] + cntp_ref[CP:]
    center = (sxx_ref[0, 0]
              - 2.0 * jnp.sum(gs * m_ref[...])
              + jnp.sum(cs * mnorm2_ref[...])) * (WEIGHT_CENT / B)
    sim = (jnp.sum(cs * h_ref[...])
           + slse_ref[0, 0]
           - jnp.sum(gns * k_ref[...]) * (1.0 / TAU)) * (ETA / B)
    loss_ref[...] = jnp.full((1, 1), sim + center, jnp.float32)
    gout_ref[...] = gs + ginit_ref[...]
    cntout_ref[...] = cs + cinit_ref[...]


@jax.jit
def kernel(xf, target_a, target_b, lam_a, lam_b, epoch, matrix, grad_buf,
           count_buf):
    f32 = jnp.float32
    m_pad = jnp.pad(matrix, ((0, CP - C), (0, 0)))
    g_init = jnp.pad(grad_buf, ((0, CP - C), (0, 0)))
    c_init = jnp.pad(count_buf, ((0, CP - C), (0, 0)))

    lam_cat = jnp.concatenate([lam_a, lam_b]).reshape(2 * B, 1)
    idx_cat = jnp.concatenate([target_a, target_b]).astype(jnp.int32)
    w, wn, lam16 = pl.pallas_call(
        _scale_body,
        grid=(2 * NB,),
        in_specs=[
            pl.BlockSpec((BB, F), lambda i: (i % NB, 0)),
            pl.BlockSpec((BB, 1), lambda i: (i, 0)),
        ],
        out_specs=[pl.BlockSpec((BB, F), lambda i: (i, 0)),
                   pl.BlockSpec((BB, F), lambda i: (i, 0)),
                   pl.BlockSpec((BB, F), lambda i: (i, 0))],
        out_shape=[
            jax.ShapeDtypeStruct((2 * B, F), f32),
            jax.ShapeDtypeStruct((2 * B, F), f32),
            jax.ShapeDtypeStruct((2 * B, F), f32),
        ],
    )(xf, lam_cat)

    zeros_cpf = jnp.zeros((CP, F), f32)
    sc_scatter = pl.kernel(
        _sc_scatter_body,
        out_type=[
            jax.ShapeDtypeStruct((NC, CP, F), f32),
            jax.ShapeDtypeStruct((NC, CP, F), f32),
            jax.ShapeDtypeStruct((NC, CP, F), f32),
        ],
        mesh=plsc.VectorSubcoreMesh(core_axis_name="c", subcore_axis_name="s"),
        compiler_params=pltpu.CompilerParams(use_tc_tiling_on_sc=True),
        scratch_types=[
            pltpu.VMEM_SHARED((CP, F), f32),
            pltpu.VMEM_SHARED((CP, F), f32),
            pltpu.VMEM_SHARED((CP, F), f32),
            pltpu.VMEM((2, CHUNK, F), f32),
            pltpu.VMEM((2, CHUNK, F), f32),
            pltpu.VMEM((2, CHUNK), jnp.int32),
            pltpu.VMEM((2, CHUNK, F), f32),
            pltpu.VMEM((8, F), f32),
            pltpu.SemaphoreType.DMA((2,)),
            pltpu.SemaphoreType.DMA,
        ],
    )
    g_parts, gn_parts, cnt_parts = sc_scatter(
        w, wn, idx_cat, lam16, zeros_cpf)

    mn, k, h, mnorm2 = pl.pallas_call(
        _stage_a_body,
        grid=(1,),
        in_specs=[pl.BlockSpec((CP, F), lambda i: (0, 0)),
                  pl.BlockSpec((8, F), lambda i: (0, 0))],
        out_specs=[pl.BlockSpec((CP, F), lambda i: (0, 0)),
                   pl.BlockSpec((CP, F), lambda i: (0, 0)),
                   pl.BlockSpec((CP, 1), lambda i: (0, 0)),
                   pl.BlockSpec((CP, 1), lambda i: (0, 0))],
        out_shape=[
            jax.ShapeDtypeStruct((CP, F), f32),
            jax.ShapeDtypeStruct((CP, F), f32),
            jax.ShapeDtypeStruct((CP, 1), f32),
            jax.ShapeDtypeStruct((CP, 1), f32),
        ],
    )(m_pad, w)

    la_c = lam_a.reshape(NB, 1, BB)
    lb_c = lam_b.reshape(NB, 1, BB)
    full = lambda r, c: pl.BlockSpec((r, c), lambda i: (0, 0))
    slse, sxx = pl.pallas_call(
        _stage_b_body,
        grid=(NB,),
        in_specs=[
            pl.BlockSpec((BB, F), lambda i: (i, 0)),
            pl.BlockSpec((1, 1, BB), lambda i: (i, 0, 0)),
            pl.BlockSpec((1, 1, BB), lambda i: (i, 0, 0)),
            full(CP, F),
        ],
        out_specs=[full(1, 1), full(1, 1)],
        out_shape=[
            jax.ShapeDtypeStruct((1, 1), f32),
            jax.ShapeDtypeStruct((1, 1), f32),
        ],
    )(xf, la_c, lb_c, mn)

    cnt_packed = cnt_parts[:, :, :1].reshape(NC * CP, 1)
    loss, g_out, cnt_out = pl.pallas_call(
        _stage_c_body,
        out_shape=[
            jax.ShapeDtypeStruct((1, 1), f32),
            jax.ShapeDtypeStruct((CP, F), f32),
            jax.ShapeDtypeStruct((CP, 1), f32),
        ],
    )(g_parts, gn_parts, cnt_packed, h, mnorm2, k, m_pad, g_init,
      c_init, slse, sxx)

    loss = jnp.where(epoch >= 0, loss[0, 0], jnp.nan)
    return (loss, g_out[:C], cnt_out[:C])

# --- scband reference (transcript-rebuilt; emitter-appended) ---
"""Pipeline reference for scband-dtrg-aug-63806034149823 (READ-ONLY COPY).

The authoritative reference and input builder live on the scoring server;
editing this copy changes nothing except your own understanding.
"""

import jax, jax.numpy as jnp
import numpy as np

NUM_CLASSES = 1000
FEAT_DIM = 128
BATCH = 16384
START_DTRG = 0
TAU = 2.0
ETA = 0.5
WEIGHT_CENT = 0.003


def setup_inputs(seed: int = 0) -> dict:
    key = jax.random.key(seed)
    k = jax.random.split(key, 6)
    xf = jax.random.normal(k[0], (BATCH, FEAT_DIM), dtype=jnp.float32)
    target_a = jax.random.randint(k[1], (BATCH,), 0, NUM_CLASSES)
    target_b = jax.random.randint(k[2], (BATCH,), 0, NUM_CLASSES)
    lam_a = jax.random.uniform(k[3], (BATCH,), dtype=jnp.float32)
    lam_b = jax.random.uniform(k[4], (BATCH,), dtype=jnp.float32)
    matrix = jax.random.normal(k[5], (NUM_CLASSES, FEAT_DIM), dtype=jnp.float32)
    grad_buf = jnp.zeros((NUM_CLASSES, FEAT_DIM), dtype=jnp.float32)
    count_buf = jnp.zeros((NUM_CLASSES, 1), dtype=jnp.float32)
    return {
        'xf': xf,
        'target_a': target_a,
        'target_b': target_b,
        'lam_a': lam_a,
        'lam_b': lam_b,
        'epoch': 10,
        'matrix': matrix,
        'grad_buf': grad_buf,
        'count_buf': count_buf,
    }


def reference(xf, target_a, target_b, lam_a, lam_b, epoch, matrix, grad_buf, count_buf):
    # training-mode state update (in-place index_add_ in torch); xf is detached
    xf_det = jax.lax.stop_gradient(xf)
    new_grad = grad_buf.at[target_a].add(lam_a[:, None] * xf_det)
    new_grad = new_grad.at[target_b].add(lam_b[:, None] * xf_det)
    new_count = count_buf.at[target_a].add(lam_a[:, None])
    new_count = new_count.at[target_b].add(lam_b[:, None])

    # graph_weight_matrix as computed in __init__ from `matrix`
    matrix_norm = matrix / jnp.linalg.norm(matrix, axis=-1, keepdims=True)
    gwm = matrix_norm @ matrix_norm.T

    # ocl center loss (review_mix_center=False)
    centers_a = jnp.take(matrix, target_a, axis=0)
    centers_b = jnp.take(matrix, target_b, axis=0)
    center_loss = (lam_a * jnp.sum((xf - centers_a) ** 2, axis=-1)).mean() + \
                  (lam_b * jnp.sum((xf - centers_b) ** 2, axis=-1)).mean()
    center_loss = center_loss * WEIGHT_CENT

    # graph similarity loss, distmethod == 'kl'
    sim_a = jnp.take(gwm, target_a, axis=0)
    sim_b = jnp.take(gwm, target_b, axis=0)
    xf_norm = xf / jnp.linalg.norm(xf, axis=-1, keepdims=True)
    samples_sim = xf_norm @ matrix_norm.T
    P_a = jax.nn.softmax(sim_a / TAU, axis=-1)
    P_b = jax.nn.softmax(sim_b / TAU, axis=-1)
    logQ = jax.nn.log_softmax(samples_sim / TAU, axis=-1)
    kl_a = jnp.sum(P_a * (jnp.log(P_a) - logQ), axis=-1)
    kl_b = jnp.sum(P_b * (jnp.log(P_b) - logQ), axis=-1)
    similarity_loss = ((lam_a * kl_a).mean() + (lam_b * kl_b).mean()) * ETA

    loss = similarity_loss + center_loss
    loss = jnp.where(epoch >= START_DTRG, loss, jnp.nan)
    # torch forward returns only `loss`; new_grad/new_count are the in-place
    # mutated buffers, returned here to expose the scatter-add state update.
    return (loss, new_grad, new_count)

if __name__ == "__main__":
    import jax
    _d = setup_inputs()
    print(jax.jit(kernel)(*tuple(_d.values())))

</pallas_src>

<mosaic_0001>
#map = affine_map<(d0, d1) -> (0, 0)>
#map1 = affine_map<(d0, d1) -> (0)>
#map2 = affine_map<(d0, d1) -> (0, 0, 0)>
module attributes {stable_mosaic.version = 14 : i64} {
  func.func @_sc_scatter_body(%arg0: i32, %arg1: i32, %arg2: memref<32768x128xf32, #tpu.memory_space<hbm>>, %arg3: memref<32768x128xf32, #tpu.memory_space<hbm>>, %arg4: memref<32768xi32, #tpu.memory_space<hbm>>, %arg5: memref<32768x128xf32, #tpu.memory_space<hbm>>, %arg6: memref<1024x128xf32, #tpu.memory_space<hbm>>, %arg7: memref<2x1024x128xf32, #tpu.memory_space<hbm>>, %arg8: memref<2x1024x128xf32, #tpu.memory_space<hbm>>, %arg9: memref<2x1024x128xf32, #tpu.memory_space<hbm>>, %arg10: memref<1024x128xf32, #tpu.memory_space<vmem_shared>>, %arg11: memref<1024x128xf32, #tpu.memory_space<vmem_shared>>, %arg12: memref<1024x128xf32, #tpu.memory_space<vmem_shared>>, %arg13: memref<2x128x128xf32, #tpu.memory_space<vmem>>, %arg14: memref<2x128x128xf32, #tpu.memory_space<vmem>>, %arg15: memref<2x128xi32, #tpu.memory_space<vmem>>, %arg16: memref<2x128x128xf32, #tpu.memory_space<vmem>>, %arg17: memref<8x128xf32, #tpu.memory_space<vmem>>, %arg18: memref<2x!tpu.dma_semaphore, #tpu.memory_space<semaphore_mem>>, %arg19: memref<!tpu.dma_semaphore, #tpu.memory_space<semaphore_mem>>) attributes {dimension_semantics = [#tpu.dimension_semantics<core_parallel>, #tpu.dimension_semantics<subcore_parallel>], iteration_bounds = array<i64: 2, 16>, scalar_prefetch = 0 : i64, scratch_operands = 10 : i64, tpu.core_type = #tpu.core_type<sc_vector_subcore>, window_params = [{transform_indices = #map}, {transform_indices = #map}, {transform_indices = #map1}, {transform_indices = #map}, {transform_indices = #map}, {transform_indices = #map2}, {transform_indices = #map2}, {transform_indices = #map2}]} {
    %eq3A = arith.constant 0 : i32
    %eq3A_0 = arith.cmpi eq, %arg1, %eq3A : i32
    %convert_element_type3A = arith.extui %eq3A_0 : i1 to i32
    %cond3A = arith.constant 0 : i32
    %cond3A_1 = arith.cmpi ne, %convert_element_type3A, %cond3A : i32
    scf.if %cond3A_1 {
      "tpu.region"() ({
        %run_scoped3A_1096 = tpu.sem_alloc : memref<!tpu.dma_semaphore, #tpu.memory_space<semaphore_mem>>
        tpu.enqueue_dma source(%arg6 : memref<1024x128xf32, #tpu.memory_space<hbm>>) target(%arg10 : memref<1024x128xf32, #tpu.memory_space<vmem_shared>>) target_semaphore(%run_scoped3A_1096 : memref<!tpu.dma_semaphore, #tpu.memory_space<semaphore_mem>>)
        tpu.wait_dma2 semaphore(%run_scoped3A_1096 : memref<!tpu.dma_semaphore, #tpu.memory_space<semaphore_mem>>) src(%arg6 : memref<1024x128xf32, #tpu.memory_space<hbm>>) dst(%arg10 : memref<1024x128xf32, #tpu.memory_space<vmem_shared>>)
        tpu.yield
      }) : () -> ()
      "tpu.region"() ({
        %run_scoped3A_1096 = tpu.sem_alloc : memref<!tpu.dma_semaphore, #tpu.memory_space<semaphore_mem>>
        tpu.enqueue_dma source(%arg6 : memref<1024x128xf32, #tpu.memory_space<hbm>>) target(%arg11 : memref<1024x128xf32, #tpu.memory_space<vmem_shared>>) target_semaphore(%run_scoped3A_1096 : memref<!tpu.dma_semaphore, #tpu.memory_space<semaphore_mem>>)
        tpu.wait_dma2 semaphore(%run_scoped3A_1096 : memref<!tpu.dma_semaphore, #tpu.memory_space<semaphore_mem>>) src(%arg6 : memref<1024x128xf32, #tpu.memory_space<hbm>>) dst(%arg11 : memref<1024x128xf32, #tpu.memory_space<vmem_shared>>)
        tpu.yield
      }) : () -> ()
      "tpu.region"() ({
        %run_scoped3A_1096 = tpu.sem_alloc : memref<!tpu.dma_semaphore, #tpu.memory_space<semaphore_mem>>
        tpu.enqueue_dma source(%arg6 : memref<1024x128xf32, #tpu.memory_space<hbm>>) target(%arg12 : memref<1024x128xf32, #tpu.memory_space<vmem_shared>>) target_semaphore(%run_scoped3A_1096 : memref<!tpu.dma_semaphore, #tpu.memory_space<semaphore_mem>>)
        tpu.wait_dma2 semaphore(%run_scoped3A_1096 : memref<!tpu.dma_semaphore, #tpu.memory_space<semaphore_mem>>) src(%arg6 : memref<1024x128xf32, #tpu.memory_space<hbm>>) dst(%arg12 : memref<1024x128xf32, #tpu.memory_space<vmem_shared>>)
        tpu.yield
      }) : () -> ()
    } else {
    }
    %barrier3A = arith.constant 0 : index
    tpu.barrier barrier_id(%barrier3A)
    %mul3A = arith.constant 16 : i32
    %mul3A_2 = arith.muli %arg0, %mul3A : i32
    %add3A = arith.addi %mul3A_2, %arg1 : i32
    %mul3A_3 = arith.constant 1024 : i32
    %mul3A_4 = arith.muli %add3A, %mul3A_3 : i32
    %add3A_5 = arith.constant 0 : i32
    %add3A_6 = arith.addi %mul3A_4, %add3A_5 : i32
    %dma_start3A = arith.constant 0 : i32
    %dma_start3A_7 = arith.constant 0 : i32
    %dma_start3A_8 = arith.constant 0 : i32
    %dma_start3A_9 = tpu.memref_slice %arg15[%dma_start3A, %dma_start3A_8] : memref<2x128xi32, #tpu.memory_space<vmem>> -> memref<1x128xi32, #tpu.memory_space<vmem>>
    %dma_start3A_10 = tpu.memref_squeeze %dma_start3A_9 : memref<1x128xi32, #tpu.memory_space<vmem>> -> memref<128xi32, #tpu.memory_space<vmem>>
    %dma_start3A_11 = tpu.memref_slice %arg4[%add3A_6] : memref<32768xi32, #tpu.memory_space<hbm>> -> memref<128xi32, #tpu.memory_space<hbm>>
    %dma_start3A_12 = tpu.memref_slice %arg18[%dma_start3A_7] : memref<2x!tpu.dma_semaphore, #tpu.memory_space<semaphore_mem>> -> memref<1x!tpu.dma_semaphore, #tpu.memory_space<semaphore_mem>>
    %dma_start3A_13 = tpu.memref_squeeze %dma_start3A_12 : memref<1x!tpu.dma_semaphore, #tpu.memory_space<semaphore_mem>> -> memref<!tpu.dma_semaphore, #tpu.memory_space<semaphore_mem>>
    %dma_start3A_14 = arith.constant 0 : i32
    %dma_start3A_15 = tpu.memref_slice %arg15[%dma_start3A, %dma_start3A_14] : memref<2x128xi32, #tpu.memory_space<vmem>> -> memref<1x128xi32, #tpu.memory_space<vmem>>
    %dma_start3A_16 = tpu.memref_squeeze %dma_start3A_15 : memref<1x128xi32, #tpu.memory_space<vmem>> -> memref<128xi32, #tpu.memory_space<vmem>>
    %dma_start3A_17 = tpu.memref_slice %arg4[%add3A_6] : memref<32768xi32, #tpu.memory_space<hbm>> -> memref<128xi32, #tpu.memory_space<hbm>>
    tpu.enqueue_dma source(%dma_start3A_17 : memref<128xi32, #tpu.memory_space<hbm>>) target(%dma_start3A_16 : memref<128xi32, #tpu.memory_space<vmem>>) target_semaphore(%dma_start3A_13 : memref<!tpu.dma_semaphore, #tpu.memory_space<semaphore_mem>>)
    %dma_start3A_18 = arith.constant 0 : i32
    %dma_start3A_19 = arith.constant 0 : i32
    %dma_start3A_20 = arith.constant 0 : i32
    %dma_start3A_21 = arith.constant 0 : i32
    %dma_start3A_22 = tpu.memref_slice %arg16[%dma_start3A_18, %dma_start3A_20, %dma_start3A_21] : memref<2x128x128xf32, #tpu.memory_space<vmem>> -> memref<1x128x128xf32, #tpu.memory_space<vmem>>
    %dma_start3A_23 = tpu.memref_squeeze %dma_start3A_22 : memref<1x128x128xf32, #tpu.memory_space<vmem>> -> memref<128x128xf32, #tpu.memory_space<vmem>>
    %dma_start3A_24 = arith.constant 0 : i32
    %dma_start3A_25 = tpu.memref_slice %arg5[%add3A_6, %dma_start3A_24] : memref<32768x128xf32, #tpu.memory_space<hbm>> -> memref<128x128xf32, #tpu.memory_space<hbm>>
    %dma_start3A_26 = tpu.memref_slice %arg18[%dma_start3A_19] : memref<2x!tpu.dma_semaphore, #tpu.memory_space<semaphore_mem>> -> memref<1x!tpu.dma_semaphore, #tpu.memory_space<semaphore_mem>>
    %dma_start3A_27 = tpu.memref_squeeze %dma_start3A_26 : memref<1x!tpu.dma_semaphore, #tpu.memory_space<semaphore_mem>> -> memref<!tpu.dma_semaphore, #tpu.memory_space<semaphore_mem>>
    %dma_start3A_28 = arith.constant 0 : i32
    %dma_start3A_29 = arith.constant 0 : i32
    %dma_start3A_30 = tpu.memref_slice %arg16[%dma_start3A_18, %dma_start3A_28, %dma_start3A_29] : memref<2x128x128xf32, #tpu.memory_space<vmem>> -> memref<1x128x128xf32, #tpu.memory_space<vmem>>
    %dma_start3A_31 = tpu.memref_squeeze %dma_start3A_30 : memref<1x128x128xf32, #tpu.memory_space<vmem>> -> memref<128x128xf32, #tpu.memory_space<vmem>>
    %dma_start3A_32 = arith.constant 0 : i32
    %dma_start3A_33 = tpu.memref_slice %arg5[%add3A_6, %dma_start3A_32] : memref<32768x128xf32, #tpu.memory_space<hbm>> -> memref<128x128xf32, #tpu.memory_space<hbm>>
    tpu.enqueue_dma source(%dma_start3A_33 : memref<128x128xf32, #tpu.memory_space<hbm>>) target(%dma_start3A_31 : memref<128x128xf32, #tpu.memory_space<vmem>>) target_semaphore(%dma_start3A_27 : memref<!tpu.dma_semaphore, #tpu.memory_space<semaphore_mem>>)
    %dma_start3A_34 = arith.constant 0 : i32
    %dma_start3A_35 = arith.constant 0 : i32
    %dma_start3A_36 = arith.constant 0 : i32
    %dma_start3A_37 = arith.constant 0 : i32
    %dma_start3A_38 = tpu.memref_slice %arg13[%dma_start3A_34, %dma_start3A_36, %dma_start3A_37] : memref<2x128x128xf32, #tpu.memory_space<vmem>> -> memref<1x128x128xf32, #tpu.memory_space<vmem>>
    %dma_start3A_39 = tpu.memref_squeeze %dma_start3A_38 : memref<1x128x128xf32, #tpu.memory_space<vmem>> -> memref<128x128xf32, #tpu.memory_space<vmem>>
    %dma_start3A_40 = arith.constant 0 : i32
    %dma_start3A_41 = tpu.memref_slice %arg2[%add3A_6, %dma_start3A_40] : memref<32768x128xf32, #tpu.memory_space<hbm>> -> memref<128x128xf32, #tpu.memory_space<hbm>>
    %dma_start3A_42 = tpu.memref_slice %arg18[%dma_start3A_35] : memref<2x!tpu.dma_semaphore, #tpu.memory_space<semaphore_mem>> -> memref<1x!tpu.dma_semaphore, #tpu.memory_space<semaphore_mem>>
    %dma_start3A_43 = tpu.memref_squeeze %dma_start3A_42 : memref<1x!tpu.dma_semaphore, #tpu.memory_space<semaphore_mem>> -> memref<!tpu.dma_semaphore, #tpu.memory_space<semaphore_mem>>
    %dma_start3A_44 = arith.constant 0 : i32
    %dma_start3A_45 = arith.constant 0 : i32
    %dma_start3A_46 = tpu.memref_slice %arg13[%dma_start3A_34, %dma_start3A_44, %dma_start3A_45] : memref<2x128x128xf32, #tpu.memory_space<vmem>> -> memref<1x128x128xf32, #tpu.memory_space<vmem>>
    %dma_start3A_47 = tpu.memref_squeeze %dma_start3A_46 : memref<1x128x128xf32, #tpu.memory_space<vmem>> -> memref<128x128xf32, #tpu.memory_space<vmem>>
    %dma_start3A_48 = arith.constant 0 : i32
    %dma_start3A_49 = tpu.memref_slice %arg2[%add3A_6, %dma_start3A_48] : memref<32768x128xf32, #tpu.memory_space<hbm>> -> memref<128x128xf32, #tpu.memory_space<hbm>>
    tpu.enqueue_dma source(%dma_start3A_49 : memref<128x128xf32, #tpu.memory_space<hbm>>) target(%dma_start3A_47 : memref<128x128xf32, #tpu.memory_space<vmem>>) target_semaphore(%dma_start3A_43 : memref<!tpu.dma_semaphore, #tpu.memory_space<semaphore_mem>>)
    %dma_start3A_50 = arith.constant 0 : i32
    %dma_start3A_51 = arith.constant 0 : i32
    %dma_start3A_52 = arith.constant 0 : i32
    %dma_start3A_53 = arith.constant 0 : i32
    %dma_start3A_54 = tpu.memref_slice %arg14[%dma_start3A_50, %dma_start3A_52, %dma_start3A_53] : memref<2x128x128xf32, #tpu.memory_space<vmem>> -> memref<1x128x128xf32, #tpu.memory_space<vmem>>
    %dma_start3A_55 = tpu.memref_squeeze %dma_start3A_54 : memref<1x128x128xf32, #tpu.memory_space<vmem>> -> memref<128x128xf32, #tpu.memory_space<vmem>>
    %dma_start3A_56 = arith.constant 0 : i32
    %dma_start3A_57 = tpu.memref_slice %arg3[%add3A_6, %dma_start3A_56] : memref<32768x128xf32, #tpu.memory_space<hbm>> -> memref<128x128xf32, #tpu.memory_space<hbm>>
    %dma_start3A_58 = tpu.memref_slice %arg18[%dma_start3A_51] : memref<2x!tpu.dma_semaphore, #tpu.memory_space<semaphore_mem>> -> memref<1x!tpu.dma_semaphore, #tpu.memory_space<semaphore_mem>>
    %dma_start3A_59 = tpu.memref_squeeze %dma_start3A_58 : memref<1x!tpu.dma_semaphore, #tpu.memory_space<semaphore_mem>> -> memref<!tpu.dma_semaphore, #tpu.memory_space<semaphore_mem>>
    %dma_start3A_60 = arith.constant 0 : i32
    %dma_start3A_61 = arith.constant 0 : i32
    %dma_start3A_62 = tpu.memref_slice %arg14[%dma_start3A_50, %dma_start3A_60, %dma_start3A_61] : memref<2x128x128xf32, #tpu.memory_space<vmem>> -> memref<1x128x128xf32, #tpu.memory_space<vmem>>
    %dma_start3A_63 = tpu.memref_squeeze %dma_start3A_62 : memref<1x128x128xf32, #tpu.memory_space<vmem>> -> memref<128x128xf32, #tpu.memory_space<vmem>>
    %dma_start3A_64 = arith.constant 0 : i32
    %dma_start3A_65 = tpu.memref_slice %arg3[%add3A_6, %dma_start3A_64] : memref<32768x128xf32, #tpu.memory_space<hbm>> -> memref<128x128xf32, #tpu.memory_space<hbm>>
    tpu.enqueue_dma source(%dma_start3A_65 : memref<128x128xf32, #tpu.memory_space<hbm>>) target(%dma_start3A_63 : memref<128x128xf32, #tpu.memory_space<vmem>>) target_semaphore(%dma_start3A_59 : memref<!tpu.dma_semaphore, #tpu.memory_space<semaphore_mem>>)
    %add3A_66 = arith.constant 128 : i32
    %add3A_67 = arith.addi %mul3A_4, %add3A_66 : i32
    %dma_start3A_68 = arith.constant 1 : i32
    %dma_start3A_69 = arith.constant 1 : i32
    %dma_start3A_70 = arith.constant 0 : i32
    %dma_start3A_71 = tpu.memref_slice %arg15[%dma_start3A_68, %dma_start3A_70] : memref<2x128xi32, #tpu.memory_space<vmem>> -> memref<1x128xi32, #tpu.memory_space<vmem>>
    %dma_start3A_72 = tpu.memref_squeeze %dma_start3A_71 : memref<1x128xi32, #tpu.memory_space<vmem>> -> memref<128xi32, #tpu.memory_space<vmem>>
    %dma_start3A_73 = tpu.memref_slice %arg4[%add3A_67] : memref<32768xi32, #tpu.memory_space<hbm>> -> memref<128xi32, #tpu.memory_space<hbm>>
    %dma_start3A_74 = tpu.memref_slice %arg18[%dma_start3A_69] : memref<2x!tpu.dma_semaphore, #tpu.memory_space<semaphore_mem>> -> memref<1x!tpu.dma_semaphore, #tpu.memory_space<semaphore_mem>>
    %dma_start3A_75 = tpu.memref_squeeze %dma_start3A_74 : memref<1x!tpu.dma_semaphore, #tpu.memory_space<semaphore_mem>> -> memref<!tpu.dma_semaphore, #tpu.memory_space<semaphore_mem>>
    %dma_start3A_76 = arith.constant 0 : i32
    %dma_start3A_77 = tpu.memref_slice %arg15[%dma_start3A_68, %dma_start3A_76] : memref<2x128xi32, #tpu.memory_space<vmem>> -> memref<1x128xi32, #tpu.memory_space<vmem>>
    %dma_start3A_78 = tpu.memref_squeeze %dma_start3A_77 : memref<1x128xi32, #tpu.memory_space<vmem>> -> memref<128xi32, #tpu.memory_space<vmem>>
    %dma_start3A_79 = tpu.memref_slice %arg4[%add3A_67] : memref<32768xi32, #tpu.memory_space<hbm>> -> memref<128xi32, #tpu.memory_space<hbm>>
    tpu.enqueue_dma source(%dma_start3A_79 : memref<128xi32, #tpu.memory_space<hbm>>) target(%dma_start3A_78 : memref<128xi32, #tpu.memory_space<vmem>>) target_semaphore(%dma_start3A_75 : memref<!tpu.dma_semaphore, #tpu.memory_space<semaphore_mem>>)
    %dma_start3A_80 = arith.constant 1 : i32
    %dma_start3A_81 = arith.constant 1 : i32
    %dma_start3A_82 = arith.constant 0 : i32
    %dma_start3A_83 = arith.constant 0 : i32
    %dma_start3A_84 = tpu.memref_slice %arg16[%dma_start3A_80, %dma_start3A_82, %dma_start3A_83] : memref<2x128x128xf32, #tpu.memory_space<vmem>> -> memref<1x128x128xf32, #tpu.memory_space<vmem>>
    %dma_start3A_85 = tpu.memref_squeeze %dma_start3A_84 : memref<1x128x128xf32, #tpu.memory_space<vmem>> -> memref<128x128xf32, #tpu.memory_space<vmem>>
    %dma_start3A_86 = arith.constant 0 : i32
    %dma_start3A_87 = tpu.memref_slice %arg5[%add3A_67, %dma_start3A_86] : memref<32768x128xf32, #tpu.memory_space<hbm>> -> memref<128x128xf32, #tpu.memory_space<hbm>>
    %dma_start3A_88 = tpu.memref_slice %arg18[%dma_start3A_81] : memref<2x!tpu.dma_semaphore, #tpu.memory_space<semaphore_mem>> -> memref<1x!tpu.dma_semaphore, #tpu.memory_space<semaphore_mem>>
    %dma_start3A_89 = tpu.memref_squeeze %dma_start3A_88 : memref<1x!tpu.dma_semaphore, #tpu.memory_space<semaphore_mem>> -> memref<!tpu.dma_semaphore, #tpu.memory_space<semaphore_mem>>
    %dma_start3A_90 = arith.constant 0 : i32
    %dma_start3A_91 = arith.constant 0 : i32
    %dma_start3A_92 = tpu.memref_slice %arg16[%dma_start3A_80, %dma_start3A_90, %dma_start3A_91] : memref<2x128x128xf32, #tpu.memory_space<vmem>> -> memref<1x128x128xf32, #tpu.memory_space<vmem>>
    %dma_start3A_93 = tpu.memref_squeeze %dma_start3A_92 : memref<1x128x128xf32, #tpu.memory_space<vmem>> -> memref<128x128xf32, #tpu.memory_space<vmem>>
    %dma_start3A_94 = arith.constant 0 : i32
    %dma_start3A_95 = tpu.memref_slice %arg5[%add3A_67, %dma_start3A_94] : memref<32768x128xf32, #tpu.memory_space<hbm>> -> memref<128x128xf32, #tpu.memory_space<hbm>>
    tpu.enqueue_dma source(%dma_start3A_95 : memref<128x128xf32, #tpu.memory_space<hbm>>) target(%dma_start3A_93 : memref<128x128xf32, #tpu.memory_space<vmem>>) target_semaphore(%dma_start3A_89 : memref<!tpu.dma_semaphore, #tpu.memory_space<semaphore_mem>>)
    %dma_start3A_96 = arith.constant 1 : i32
    %dma_start3A_97 = arith.constant 1 : i32
    %dma_start3A_98 = arith.constant 0 : i32
    %dma_start3A_99 = arith.constant 0 : i32
    %dma_start3A_100 = tpu.memref_slice %arg13[%dma_start3A_96, %dma_start3A_98, %dma_start3A_99] : memref<2x128x128xf32, #tpu.memory_space<vmem>> -> memref<1x128x128xf32, #tpu.memory_space<vmem>>
    %dma_start3A_101 = tpu.memref_squeeze %dma_start3A_100 : memref<1x128x128xf32, #tpu.memory_space<vmem>> -> memref<128x128xf32, #tpu.memory_space<vmem>>
    %dma_start3A_102 = arith.constant 0 : i32
    %dma_start3A_103 = tpu.memref_slice %arg2[%add3A_67, %dma_start3A_102] : memref<32768x128xf32, #tpu.memory_space<hbm>> -> memref<128x128xf32, #tpu.memory_space<hbm>>
    %dma_start3A_104 = tpu.memref_slice %arg18[%dma_start3A_97] : memref<2x!tpu.dma_semaphore, #tpu.memory_space<semaphore_mem>> -> memref<1x!tpu.dma_semaphore, #tpu.memory_space<semaphore_mem>>
    %dma_start3A_105 = tpu.memref_squeeze %dma_start3A_104 : memref<1x!tpu.dma_semaphore, #tpu.memory_space<semaphore_mem>> -> memref<!tpu.dma_semaphore, #tpu.memory_space<semaphore_mem>>
    %dma_start3A_106 = arith.constant 0 : i32
    %dma_start3A_107 = arith.constant 0 : i32
    %dma_start3A_108 = tpu.memref_slice %arg13[%dma_start3A_96, %dma_start3A_106, %dma_start3A_107] : memref<2x128x128xf32, #tpu.memory_space<vmem>> -> memref<1x128x128xf32, #tpu.memory_space<vmem>>
    %dma_start3A_109 = tpu.memref_squeeze %dma_start3A_108 : memref<1x128x128xf32, #tpu.memory_space<vmem>> -> memref<128x128xf32, #tpu.memory_space<vmem>>
    %dma_start3A_110 = arith.constant 0 : i32
    %dma_start3A_111 = tpu.memref_slice %arg2[%add3A_67, %dma_start3A_110] : memref<32768x128xf32, #tpu.memory_space<hbm>> -> memref<128x128xf32, #tpu.memory_space<hbm>>
    tpu.enqueue_dma source(%dma_start3A_111 : memref<128x128xf32, #tpu.memory_space<hbm>>) target(%dma_start3A_109 : memref<128x128xf32, #tpu.memory_space<vmem>>) target_semaphore(%dma_start3A_105 : memref<!tpu.dma_semaphore, #tpu.memory_space<semaphore_mem>>)
    %dma_start3A_112 = arith.constant 1 : i32
    %dma_start3A_113 = arith.constant 1 : i32
    %dma_start3A_114 = arith.constant 0 : i32
    %dma_start3A_115 = arith.constant 0 : i32
    %dma_start3A_116 = tpu.memref_slice %arg14[%dma_start3A_112, %dma_start3A_114, %dma_start3A_115] : memref<2x128x128xf32, #tpu.memory_space<vmem>> -> memref<1x128x128xf32, #tpu.memory_space<vmem>>
    %dma_start3A_117 = tpu.memref_squeeze %dma_start3A_116 : memref<1x128x128xf32, #tpu.memory_space<vmem>> -> memref<128x128xf32, #tpu.memory_space<vmem>>
    %dma_start3A_118 = arith.constant 0 : i32
    %dma_start3A_119 = tpu.memref_slice %arg3[%add3A_67, %dma_start3A_118] : memref<32768x128xf32, #tpu.memory_space<hbm>> -> memref<128x128xf32, #tpu.memory_space<hbm>>
    %dma_start3A_120 = tpu.memref_slice %arg18[%dma_start3A_113] : memref<2x!tpu.dma_semaphore, #tpu.memory_space<semaphore_mem>> -> memref<1x!tpu.dma_semaphore, #tpu.memory_space<semaphore_mem>>
    %dma_start3A_121 = tpu.memref_squeeze %dma_start3A_120 : memref<1x!tpu.dma_semaphore, #tpu.memory_space<semaphore_mem>> -> memref<!tpu.dma_semaphore, #tpu.memory_space<semaphore_mem>>
    %dma_start3A_122 = arith.constant 0 : i32
    %dma_start3A_123 = arith.constant 0 : i32
    %dma_start3A_124 = tpu.memref_slice %arg14[%dma_start3A_112, %dma_start3A_122, %dma_start3A_123] : memref<2x128x128xf32, #tpu.memory_space<vmem>> -> memref<1x128x128xf32, #tpu.memory_space<vmem>>
    %dma_start3A_125 = tpu.memref_squeeze %dma_start3A_124 : memref<1x128x128xf32, #tpu.memory_space<vmem>> -> memref<128x128xf32, #tpu.memory_space<vmem>>
    %dma_start3A_126 = arith.constant 0 : i32
    %dma_start3A_127 = tpu.memref_slice %arg3[%add3A_67, %dma_start3A_126] : memref<32768x128xf32, #tpu.memory_space<hbm>> -> memref<128x128xf32, #tpu.memory_space<hbm>>
    tpu.enqueue_dma source(%dma_start3A_127 : memref<128x128xf32, #tpu.memory_space<hbm>>) target(%dma_start3A_125 : memref<128x128xf32, #tpu.memory_space<vmem>>) target_semaphore(%dma_start3A_121 : memref<!tpu.dma_semaphore, #tpu.memory_space<semaphore_mem>>)
    %dma_wait3A = arith.constant 0 : i32
    %dma_wait3A_128 = arith.constant 0 : i32
    %dma_wait3A_129 = arith.constant 0 : i32
    %dma_wait3A_130 = tpu.memref_slice %arg15[%dma_wait3A, %dma_wait3A_129] : memref<2x128xi32, #tpu.memory_space<vmem>> -> memref<1x128xi32, #tpu.memory_space<vmem>>
    %dma_wait3A_131 = tpu.memref_squeeze %dma_wait3A_130 : memref<1x128xi32, #tpu.memory_space<vmem>> -> memref<128xi32, #tpu.memory_space<vmem>>
    %dma_wait3A_132 = arith.constant 0 : i32
    %dma_wait3A_133 = tpu.memref_slice %arg4[%dma_wait3A_132] : memref<32768xi32, #tpu.memory_space<hbm>> -> memref<128xi32, #tpu.memory_space<hbm>>
    %dma_wait3A_134 = tpu.memref_slice %arg18[%dma_wait3A_128] : memref<2x!tpu.dma_semaphore, #tpu.memory_space<semaphore_mem>> -> memref<1x!tpu.dma_semaphore, #tpu.memory_space<semaphore_mem>>
    %dma_wait3A_135 = tpu.memref_squeeze %dma_wait3A_134 : memref<1x!tpu.dma_semaphore, #tpu.memory_space<semaphore_mem>> -> memref<!tpu.dma_semaphore, #tpu.memory_space<semaphore_mem>>
    %dma_wait3A_136 = arith.constant 0 : i32
    %dma_wait3A_137 = tpu.memref_slice %arg15[%dma_wait3A, %dma_wait3A_136] : memref<2x128xi32, #tpu.memory_space<vmem>> -> memref<1x128xi32, #tpu.memory_space<vmem>>
    %dma_wait3A_138 = tpu.memref_squeeze %dma_wait3A_137 : memref<1x128xi32, #tpu.memory_space<vmem>> -> memref<128xi32, #tpu.memory_space<vmem>>
    %dma_wait3A_139 = arith.constant 0 : i32
    %dma_wait3A_140 = tpu.memref_slice %arg4[%dma_wait3A_139] : memref<32768xi32, #tpu.memory_space<hbm>> -> memref<128xi32, #tpu.memory_space<hbm>>
    tpu.wait_dma2 semaphore(%dma_wait3A_135 : memref<!tpu.dma_semaphore, #tpu.memory_space<semaphore_mem>>) src(%dma_wait3A_140 : memref<128xi32, #tpu.memory_space<hbm>>) dst(%dma_wait3A_138 : memref<128xi32, #tpu.memory_space<vmem>>)
    %dma_wait3A_141 = arith.constant 0 : i32
    %dma_wait3A_142 = arith.constant 0 : i32
    %dma_wait3A_143 = arith.constant 0 : i32
    %dma_wait3A_144 = arith.constant 0 : i32
    %dma_wait3A_145 = tpu.memref_slice %arg16[%dma_wait3A_141, %dma_wait3A_143, %dma_wait3A_144] : memref<2x128x128xf32, #tpu.memory_space<vmem>> -> memref<1x128x128xf32, #tpu.memory_space<vmem>>
    %dma_wait3A_146 = tpu.memref_squeeze %dma_wait3A_145 : memref<1x128x128xf32, #tpu.memory_space<vmem>> -> memref<128x128xf32, #tpu.memory_space<vmem>>
    %dma_wait3A_147 = arith.constant 0 : i32
    %dma_wait3A_148 = arith.constant 0 : i32
    %dma_wait3A_149 = tpu.memref_slice %arg5[%dma_wait3A_147, %dma_wait3A_148] : memref<32768x128xf32, #tpu.memory_space<hbm>> -> memref<128x128xf32, #tpu.memory_space<hbm>>
    %dma_wait3A_150 = tpu.memref_slice %arg18[%dma_wait3A_142] : memref<2x!tpu.dma_semaphore, #tpu.memory_space<semaphore_mem>> -> memref<1x!tpu.dma_semaphore, #tpu.memory_space<semaphore_mem>>
    %dma_wait3A_151 = tpu.memref_squeeze %dma_wait3A_150 : memref<1x!tpu.dma_semaphore, #tpu.memory_space<semaphore_mem>> -> memref<!tpu.dma_semaphore, #tpu.memory_space<semaphore_mem>>
    %dma_wait3A_152 = arith.constant 0 : i32
    %dma_wait3A_153 = arith.constant 0 : i32
    %dma_wait3A_154 = tpu.memref_slice %arg16[%dma_wait3A_141, %dma_wait3A_152, %dma_wait3A_153] : memref<2x128x128xf32, #tpu.memory_space<vmem>> -> memref<1x128x128xf32, #tpu.memory_space<vmem>>
    %dma_wait3A_155 = tpu.memref_squeeze %dma_wait3A_154 : memref<1x128x128xf32, #tpu.memory_space<vmem>> -> memref<128x128xf32, #tpu.memory_space<vmem>>
    %dma_wait3A_156 = arith.constant 0 : i32
    %dma_wait3A_157 = arith.constant 0 : i32
    %dma_wait3A_158 = tpu.memref_slice %arg5[%dma_wait3A_156, %dma_wait3A_157] : memref<32768x128xf32, #tpu.memory_space<hbm>> -> memref<128x128xf32, #tpu.memory_space<hbm>>
    tpu.wait_dma2 semaphore(%dma_wait3A_151 : memref<!tpu.dma_semaphore, #tpu.memory_space<semaphore_mem>>) src(%dma_wait3A_158 : memref<128x128xf32, #tpu.memory_space<hbm>>) dst(%dma_wait3A_155 : memref<128x128xf32, #tpu.memory_space<vmem>>)
    %dma_wait3A_159 = arith.constant 0 : i32
    %dma_wait3A_160 = arith.constant 0 : i32
    %dma_wait3A_161 = arith.constant 0 : i32
    %dma_wait3A_162 = arith.constant 0 : i32
    %dma_wait3A_163 = tpu.memref_slice %arg13[%dma_wait3A_159, %dma_wait3A_161, %dma_wait3A_162] : memref<2x128x128xf32, #tpu.memory_space<vmem>> -> memref<1x128x128xf32, #tpu.memory_space<vmem>>
    %dma_wait3A_164 = tpu.memref_squeeze %dma_wait3A_163 : memref<1x128x128xf32, #tpu.memory_space<vmem>> -> memref<128x128xf32, #tpu.memory_space<vmem>>
    %dma_wait3A_165 = arith.constant 0 : i32
    %dma_wait3A_166 = arith.constant 0 : i32
    %dma_wait3A_167 = tpu.memref_slice %arg2[%dma_wait3A_165, %dma_wait3A_166] : memref<32768x128xf32, #tpu.memory_space<hbm>> -> memref<128x128xf32, #tpu.memory_space<hbm>>
    %dma_wait3A_168 = tpu.memref_slice %arg18[%dma_wait3A_160] : memref<2x!tpu.dma_semaphore, #tpu.memory_space<semaphore_mem>> -> memref<1x!tpu.dma_semaphore, #tpu.memory_space<semaphore_mem>>
    %dma_wait3A_169 = tpu.memref_squeeze %dma_wait3A_168 : memref<1x!tpu.dma_semaphore, #tpu.memory_space<semaphore_mem>> -> memref<!tpu.dma_semaphore, #tpu.memory_space<semaphore_mem>>
    %dma_wait3A_170 = arith.constant 0 : i32
    %dma_wait3A_171 = arith.constant 0 : i32
    %dma_wait3A_172 = tpu.memref_slice %arg13[%dma_wait3A_159, %dma_wait3A_170, %dma_wait3A_171] : memref<2x128x128xf32, #tpu.memory_space<vmem>> -> memref<1x128x128xf32, #tpu.memory_space<vmem>>
    %dma_wait3A_173 = tpu.memref_squeeze %dma_wait3A_172 : memref<1x128x128xf32, #tpu.memory_space<vmem>> -> memref<128x128xf32, #tpu.memory_space<vmem>>
    %dma_wait3A_174 = arith.constant 0 : i32
    %dma_wait3A_175 = arith.constant 0 : i32
    %dma_wait3A_176 = tpu.memref_slice %arg2[%dma_wait3A_174, %dma_wait3A_175] : memref<32768x128xf32, #tpu.memory_space<hbm>> -> memref<128x128xf32, #tpu.memory_space<hbm>>
    tpu.wait_dma2 semaphore(%dma_wait3A_169 : memref<!tpu.dma_semaphore, #tpu.memory_space<semaphore_mem>>) src(%dma_wait3A_176 : memref<128x128xf32, #tpu.memory_space<hbm>>) dst(%dma_wait3A_173 : memref<128x128xf32, #tpu.memory_space<vmem>>)
    %dma_wait3A_177 = arith.constant 0 : i32
    %dma_wait3A_178 = arith.constant 0 : i32
    %dma_wait3A_179 = arith.constant 0 : i32
    %dma_wait3A_180 = arith.constant 0 : i32
    %dma_wait3A_181 = tpu.memref_slice %arg14[%dma_wait3A_177, %dma_wait3A_179, %dma_wait3A_180] : memref<2x128x128xf32, #tpu.memory_space<vmem>> -> memref<1x128x128xf32, #tpu.memory_space<vmem>>
    %dma_wait3A_182 = tpu.memref_squeeze %dma_wait3A_181 : memref<1x128x128xf32, #tpu.memory_space<vmem>> -> memref<128x128xf32, #tpu.memory_space<vmem>>
    %dma_wait3A_183 = arith.constant 0 : i32
    %dma_wait3A_184 = arith.constant 0 : i32
    %dma_wait3A_185 = tpu.memref_slice %arg3[%dma_wait3A_183, %dma_wait3A_184] : memref<32768x128xf32, #tpu.memory_space<hbm>> -> memref<128x128xf32, #tpu.memory_space<hbm>>
    %dma_wait3A_186 = tpu.memref_slice %arg18[%dma_wait3A_178] : memref<2x!tpu.dma_semaphore, #tpu.memory_space<semaphore_mem>> -> memref<1x!tpu.dma_semaphore, #tpu.memory_space<semaphore_mem>>
    %dma_wait3A_187 = tpu.memref_squeeze %dma_wait3A_186 : memref<1x!tpu.dma_semaphore, #tpu.memory_space<semaphore_mem>> -> memref<!tpu.dma_semaphore, #tpu.memory_space<semaphore_mem>>
    %dma_wait3A_188 = arith.constant 0 : i32
    %dma_wait3A_189 = arith.constant 0 : i32
    %dma_wait3A_190 = tpu.memref_slice %arg14[%dma_wait3A_177, %dma_wait3A_188, %dma_wait3A_189] : memref<2x128x128xf32, #tpu.memory_space<vmem>> -> memref<1x128x128xf32, #tpu.memory_space<vmem>>
    %dma_wait3A_191 = tpu.memref_squeeze %dma_wait3A_190 : memref<1x128x128xf32, #tpu.memory_space<vmem>> -> memref<128x128xf32, #tpu.memory_space<vmem>>
    %dma_wait3A_192 = arith.constant 0 : i32
    %dma_wait3A_193 = arith.constant 0 : i32
    %dma_wait3A_194 = tpu.memref_slice %arg3[%dma_wait3A_192, %dma_wait3A_193] : memref<32768x128xf32, #tpu.memory_space<hbm>> -> memref<128x128xf32, #tpu.memory_space<hbm>>
    tpu.wait_dma2 semaphore(%dma_wait3A_187 : memref<!tpu.dma_semaphore, #tpu.memory_space<semaphore_mem>>) src(%dma_wait3A_194 : memref<128x128xf32, #tpu.memory_space<hbm>>) dst(%dma_wait3A_191 : memref<128x128xf32, #tpu.memory_space<vmem>>)
    %run_scoped3A = arith.constant 0 : i32
    %run_scoped3A_195 = arith.constant 0 : i32
    "tpu.region"() ({
      %run_scoped3A_1096 = tpu.sem_alloc : memref<!tpu.dma_semaphore, #tpu.memory_space<semaphore_mem>>
      %dma_start3A_1097 = arith.constant 0 : i32
      %dma_start3A_1098 = arith.constant 0 : i32
      %dma_start3A_1099 = tpu.memref_slice %arg13[%run_scoped3A, %dma_start3A_1097, %dma_start3A_1098] : memref<2x128x128xf32, #tpu.memory_space<vmem>> -> memref<1x128x128xf32, #tpu.memory_space<vmem>>
      %dma_start3A_1100 = tpu.memref_squeeze %dma_start3A_1099 : memref<1x128x128xf32, #tpu.memory_space<vmem>> -> memref<128x128xf32, #tpu.memory_space<vmem>>
      %dma_start3A_1101 = arith.constant 0 : i32
      %dma_start3A_1102 = tpu.memref_slice %arg15[%run_scoped3A_195, %dma_start3A_1101] : memref<2x128xi32, #tpu.memory_space<vmem>> -> memref<1x128xi32, #tpu.memory_space<vmem>>
      %dma_start3A_1103 = tpu.memref_squeeze %dma_start3A_1102 : memref<1x128xi32, #tpu.memory_space<vmem>> -> memref<128xi32, #tpu.memory_space<vmem>>
      %dma_start3A_1104 = arith.constant 0 : i32
      %dma_start3A_1105 = arith.constant 0 : i32
      %dma_start3A_1106 = tpu.memref_slice %arg10[%dma_start3A_1104, %dma_start3A_1105] : memref<1024x128xf32, #tpu.memory_space<vmem_shared>> -> memref<1024x128xf32, #tpu.memory_space<vmem_shared>>
      tpu.enqueue_indirect_dma source(%dma_start3A_1100 : memref<128x128xf32, #tpu.memory_space<vmem>>) target(%dma_start3A_1106 : memref<1024x128xf32, #tpu.memory_space<vmem_shared>>) offsets(%dma_start3A_1103 : memref<128xi32, #tpu.memory_space<vmem>>) semaphore(%run_scoped3A_1096 : memref<!tpu.dma_semaphore, #tpu.memory_space<semaphore_mem>>) {add = true}
      %dma_wait3A_1107 = arith.constant 0 : i32
      %dma_wait3A_1108 = arith.constant 0 : i32
      %dma_wait3A_1109 = tpu.memref_slice %arg13[%run_scoped3A, %dma_wait3A_1107, %dma_wait3A_1108] : memref<2x128x128xf32, #tpu.memory_space<vmem>> -> memref<1x128x128xf32, #tpu.memory_space<vmem>>
      %dma_wait3A_1110 = tpu.memref_squeeze %dma_wait3A_1109 : memref<1x128x128xf32, #tpu.memory_space<vmem>> -> memref<128x128xf32, #tpu.memory_space<vmem>>
      %dma_wait3A_1111 = arith.constant 0 : i32
      %dma_wait3A_1112 = tpu.memref_slice %arg15[%run_scoped3A_195, %dma_wait3A_1111] : memref<2x128xi32, #tpu.memory_space<vmem>> -> memref<1x128xi32, #tpu.memory_space<vmem>>
      %dma_wait3A_1113 = tpu.memref_squeeze %dma_wait3A_1112 : memref<1x128xi32, #tpu.memory_space<vmem>> -> memref<128xi32, #tpu.memory_space<vmem>>
      %dma_wait3A_1114 = arith.constant 0 : i32
      %dma_wait3A_1115 = arith.constant 0 : i32
      %dma_wait3A_1116 = tpu.memref_slice %arg10[%dma_wait3A_1114, %dma_wait3A_1115] : memref<1024x128xf32, #tpu.memory_space<vmem_shared>> -> memref<1024x128xf32, #tpu.memory_space<vmem_shared>>
      tpu.wait_indirect_dma semaphore(%run_scoped3A_1096 : memref<!tpu.dma_semaphore, #tpu.memory_space<semaphore_mem>>) src(%dma_wait3A_1110 : memref<128x128xf32, #tpu.memory_space<vmem>>) dst(%dma_wait3A_1116 : memref<1024x128xf32, #tpu.memory_space<vmem_shared>>)
      tpu.yield
    }) : () -> ()
    %run_scoped3A_196 = arith.constant 0 : i32
    %run_scoped3A_197 = arith.constant 0 : i32
    "tpu.region"() ({
      %run_scoped3A_1096 = tpu.sem_alloc : memref<!tpu.dma_semaphore, #tpu.memory_space<semaphore_mem>>
      %dma_start3A_1097 = arith.constant 0 : i32
      %dma_start3A_1098 = arith.constant 0 : i32
      %dma_start3A_1099 = tpu.memref_slice %arg14[%run_scoped3A_196, %dma_start3A_1097, %dma_start3A_1098] : memref<2x128x128xf32, #tpu.memory_space<vmem>> -> memref<1x128x128xf32, #tpu.memory_space<vmem>>
      %dma_start3A_1100 = tpu.memref_squeeze %dma_start3A_1099 : memref<1x128x128xf32, #tpu.memory_space<vmem>> -> memref<128x128xf32, #tpu.memory_space<vmem>>
      %dma_start3A_1101 = arith.constant 0 : i32
      %dma_start3A_1102 = tpu.memref_slice %arg15[%run_scoped3A_197, %dma_start3A_1101] : memref<2x128xi32, #tpu.memory_space<vmem>> -> memref<1x128xi32, #tpu.memory_space<vmem>>
      %dma_start3A_1103 = tpu.memref_squeeze %dma_start3A_1102 : memref<1x128xi32, #tpu.memory_space<vmem>> -> memref<128xi32, #tpu.memory_space<vmem>>
      %dma_start3A_1104 = arith.constant 0 : i32
      %dma_start3A_1105 = arith.constant 0 : i32
      %dma_start3A_1106 = tpu.memref_slice %arg11[%dma_start3A_1104, %dma_start3A_1105] : memref<1024x128xf32, #tpu.memory_space<vmem_shared>> -> memref<1024x128xf32, #tpu.memory_space<vmem_shared>>
      tpu.enqueue_indirect_dma source(%dma_start3A_1100 : memref<128x128xf32, #tpu.memory_space<vmem>>) target(%dma_start3A_1106 : memref<1024x128xf32, #tpu.memory_space<vmem_shared>>) offsets(%dma_start3A_1103 : memref<128xi32, #tpu.memory_space<vmem>>) semaphore(%run_scoped3A_1096 : memref<!tpu.dma_semaphore, #tpu.memory_space<semaphore_mem>>) {add = true}
      %dma_wait3A_1107 = arith.constant 0 : i32
      %dma_wait3A_1108 = arith.constant 0 : i32
      %dma_wait3A_1109 = tpu.memref_slice %arg14[%run_scoped3A_196, %dma_wait3A_1107, %dma_wait3A_1108] : memref<2x128x128xf32, #tpu.memory_space<vmem>> -> memref<1x128x128xf32, #tpu.memory_space<vmem>>
      %dma_wait3A_1110 = tpu.memref_squeeze %dma_wait3A_1109 : memref<1x128x128xf32, #tpu.memory_space<vmem>> -> memref<128x128xf32, #tpu.memory_space<vmem>>
      %dma_wait3A_1111 = arith.constant 0 : i32
      %dma_wait3A_1112 = tpu.memref_slice %arg15[%run_scoped3A_197, %dma_wait3A_1111] : memref<2x128xi32, #tpu.memory_space<vmem>> -> memref<1x128xi32, #tpu.memory_space<vmem>>
      %dma_wait3A_1113 = tpu.memref_squeeze %dma_wait3A_1112 : memref<1x128xi32, #tpu.memory_space<vmem>> -> memref<128xi32, #tpu.memory_space<vmem>>
      %dma_wait3A_1114 = arith.constant 0 : i32
      %dma_wait3A_1115 = arith.constant 0 : i32
      %dma_wait3A_1116 = tpu.memref_slice %arg11[%dma_wait3A_1114, %dma_wait3A_1115] : memref<1024x128xf32, #tpu.memory_space<vmem_shared>> -> memref<1024x128xf32, #tpu.memory_space<vmem_shared>>
      tpu.wait_indirect_dma semaphore(%run_scoped3A_1096 : memref<!tpu.dma_semaphore, #tpu.memory_space<semaphore_mem>>) src(%dma_wait3A_1110 : memref<128x128xf32, #tpu.memory_space<vmem>>) dst(%dma_wait3A_1116 : memref<1024x128xf32, #tpu.memory_space<vmem_shared>>)
      tpu.yield
    }) : () -> ()
    %run_scoped3A_198 = arith.constant 0 : i32
    %run_scoped3A_199 = arith.constant 0 : i32
    "tpu.region"() ({
      %run_scoped3A_1096 = tpu.sem_alloc : memref<!tpu.dma_semaphore, #tpu.memory_space<semaphore_mem>>
      %dma_start3A_1097 = arith.constant 0 : i32
      %dma_start3A_1098 = arith.constant 0 : i32
      %dma_start3A_1099 = tpu.memref_slice %arg16[%run_scoped3A_198, %dma_start3A_1097, %dma_start3A_1098] : memref<2x128x128xf32, #tpu.memory_space<vmem>> -> memref<1x128x128xf32, #tpu.memory_space<vmem>>
      %dma_start3A_1100 = tpu.memref_squeeze %dma_start3A_1099 : memref<1x128x128xf32, #tpu.memory_space<vmem>> -> memref<128x128xf32, #tpu.memory_space<vmem>>
      %dma_start3A_1101 = arith.constant 0 : i32
      %dma_start3A_1102 = tpu.memref_slice %arg15[%run_scoped3A_199, %dma_start3A_1101] : memref<2x128xi32, #tpu.memory_space<vmem>> -> memref<1x128xi32, #tpu.memory_space<vmem>>
      %dma_start3A_1103 = tpu.memref_squeeze %dma_start3A_1102 : memref<1x128xi32, #tpu.memory_space<vmem>> -> memref<128xi32, #tpu.memory_space<vmem>>
      %dma_start3A_1104 = arith.constant 0 : i32
      %dma_start3A_1105 = arith.constant 0 : i32
      %dma_start3A_1106 = tpu.memref_slice %arg12[%dma_start3A_1104, %dma_start3A_1105] : memref<1024x128xf32, #tpu.memory_space<vmem_shared>> -> memref<1024x128xf32, #tpu.memory_space<vmem_shared>>
      tpu.enqueue_indirect_dma source(%dma_start3A_1100 : memref<128x128xf32, #tpu.memory_space<vmem>>) target(%dma_start3A_1106 : memref<1024x128xf32, #tpu.memory_space<vmem_shared>>) offsets(%dma_start3A_1103 : memref<128xi32, #tpu.memory_space<vmem>>) semaphore(%run_scoped3A_1096 : memref<!tpu.dma_semaphore, #tpu.memory_space<semaphore_mem>>) {add = true}
      %dma_wait3A_1107 = arith.constant 0 : i32
      %dma_wait3A_1108 = arith.constant 0 : i32
      %dma_wait3A_1109 = tpu.memref_slice %arg16[%run_scoped3A_198, %dma_wait3A_1107, %dma_wait3A_1108] : memref<2x128x128xf32, #tpu.memory_space<vmem>> -> memref<1x128x128xf32, #tpu.memory_space<vmem>>
      %dma_wait3A_1110 = tpu.memref_squeeze %dma_wait3A_1109 : memref<1x128x128xf32, #tpu.memory_space<vmem>> -> memref<128x128xf32, #tpu.memory_space<vmem>>
      %dma_wait3A_1111 = arith.constant 0 : i32
      %dma_wait3A_1112 = tpu.memref_slice %arg15[%run_scoped3A_199, %dma_wait3A_1111] : memref<2x128xi32, #tpu.memory_space<vmem>> -> memref<1x128xi32, #tpu.memory_space<vmem>>
      %dma_wait3A_1113 = tpu.memref_squeeze %dma_wait3A_1112 : memref<1x128xi32, #tpu.memory_space<vmem>> -> memref<128xi32, #tpu.memory_space<vmem>>
      %dma_wait3A_1114 = arith.constant 0 : i32
      %dma_wait3A_1115 = arith.constant 0 : i32
      %dma_wait3A_1116 = tpu.memref_slice %arg12[%dma_wait3A_1114, %dma_wait3A_1115] : memref<1024x128xf32, #tpu.memory_space<vmem_shared>> -> memref<1024x128xf32, #tpu.memory_space<vmem_shared>>
      tpu.wait_indirect_dma semaphore(%run_scoped3A_1096 : memref<!tpu.dma_semaphore, #tpu.memory_space<semaphore_mem>>) src(%dma_wait3A_1110 : memref<128x128xf32, #tpu.memory_space<vmem>>) dst(%dma_wait3A_1116 : memref<1024x128xf32, #tpu.memory_space<vmem_shared>>)
      tpu.yield
    }) : () -> ()
    %add3A_200 = arith.constant 256 : i32
    %add3A_201 = arith.addi %mul3A_4, %add3A_200 : i32
    %dma_start3A_202 = arith.constant 0 : i32
    %dma_start3A_203 = arith.constant 0 : i32
    %dma_start3A_204 = arith.constant 0 : i32
    %dma_start3A_205 = tpu.memref_slice %arg15[%dma_start3A_202, %dma_start3A_204] : memref<2x128xi32, #tpu.memory_space<vmem>> -> memref<1x128xi32, #tpu.memory_space<vmem>>
    %dma_start3A_206 = tpu.memref_squeeze %dma_start3A_205 : memref<1x128xi32, #tpu.memory_space<vmem>> -> memref<128xi32, #tpu.memory_space<vmem>>
    %dma_start3A_207 = tpu.memref_slice %arg4[%add3A_201] : memref<32768xi32, #tpu.memory_space<hbm>> -> memref<128xi32, #tpu.memory_space<hbm>>
    %dma_start3A_208 = tpu.memref_slice %arg18[%dma_start3A_203] : memref<2x!tpu.dma_semaphore, #tpu.memory_space<semaphore_mem>> -> memref<1x!tpu.dma_semaphore, #tpu.memory_space<semaphore_mem>>
    %dma_start3A_209 = tpu.memref_squeeze %dma_start3A_208 : memref<1x!tpu.dma_semaphore, #tpu.memory_space<semaphore_mem>> -> memref<!tpu.dma_semaphore, #tpu.memory_space<semaphore_mem>>
    %dma_start3A_210 = arith.constant 0 : i32
    %dma_start3A_211 = tpu.memref_slice %arg15[%dma_start3A_202, %dma_start3A_210] : memref<2x128xi32, #tpu.memory_space<vmem>> -> memref<1x128xi32, #tpu.memory_space<vmem>>
    %dma_start3A_212 = tpu.memref_squeeze %dma_start3A_211 : memref<1x128xi32, #tpu.memory_space<vmem>> -> memref<128xi32, #tpu.memory_space<vmem>>
    %dma_start3A_213 = tpu.memref_slice %arg4[%add3A_201] : memref<32768xi32, #tpu.memory_space<hbm>> -> memref<128xi32, #tpu.memory_space<hbm>>
    tpu.enqueue_dma source(%dma_start3A_213 : memref<128xi32, #tpu.memory_space<hbm>>) target(%dma_start3A_212 : memref<128xi32, #tpu.memory_space<vmem>>) target_semaphore(%dma_start3A_209 : memref<!tpu.dma_semaphore, #tpu.memory_space<semaphore_mem>>)
    %dma_start3A_214 = arith.constant 0 : i32
    %dma_start3A_215 = arith.constant 0 : i32
    %dma_start3A_216 = arith.constant 0 : i32
    %dma_start3A_217 = arith.constant 0 : i32
    %dma_start3A_218 = tpu.memref_slice %arg16[%dma_start3A_214, %dma_start3A_216, %dma_start3A_217] : memref<2x128x128xf32, #tpu.memory_space<vmem>> -> memref<1x128x128xf32, #tpu.memory_space<vmem>>
    %dma_start3A_219 = tpu.memref_squeeze %dma_start3A_218 : memref<1x128x128xf32, #tpu.memory_space<vmem>> -> memref<128x128xf32, #tpu.memory_space<vmem>>
    %dma_start3A_220 = arith.constant 0 : i32
    %dma_start3A_221 = tpu.memref_slice %arg5[%add3A_201, %dma_start3A_220] : memref<32768x128xf32, #tpu.memory_space<hbm>> -> memref<128x128xf32, #tpu.memory_space<hbm>>
    %dma_start3A_222 = tpu.memref_slice %arg18[%dma_start3A_215] : memref<2x!tpu.dma_semaphore, #tpu.memory_space<semaphore_mem>> -> memref<1x!tpu.dma_semaphore, #tpu.memory_space<semaphore_mem>>
    %dma_start3A_223 = tpu.memref_squeeze %dma_start3A_222 : memref<1x!tpu.dma_semaphore, #tpu.memory_space<semaphore_mem>> -> memref<!tpu.dma_semaphore, #tpu.memory_space<semaphore_mem>>
    %dma_start3A_224 = arith.constant 0 : i32
    %dma_start3A_225 = arith.constant 0 : i32
    %dma_start3A_226 = tpu.memref_slice %arg16[%dma_start3A_214, %dma_start3A_224, %dma_start3A_225] : memref<2x128x128xf32, #tpu.memory_space<vmem>> -> memref<1x128x128xf32, #tpu.memory_space<vmem>>
    %dma_start3A_227 = tpu.memref_squeeze %dma_start3A_226 : memref<1x128x128xf32, #tpu.memory_space<vmem>> -> memref<128x128xf32, #tpu.memory_space<vmem>>
    %dma_start3A_228 = arith.constant 0 : i32
    %dma_start3A_229 = tpu.memref_slice %arg5[%add3A_201, %dma_start3A_228] : memref<32768x128xf32, #tpu.memory_space<hbm>> -> memref<128x128xf32, #tpu.memory_space<hbm>>
    tpu.enqueue_dma source(%dma_start3A_229 : memref<128x128xf32, #tpu.memory_space<hbm>>) target(%dma_start3A_227 : memref<128x128xf32, #tpu.memory_space<vmem>>) target_semaphore(%dma_start3A_223 : memref<!tpu.dma_semaphore, #tpu.memory_space<semaphore_mem>>)
    %dma_start3A_230 = arith.constant 0 : i32
    %dma_start3A_231 = arith.constant 0 : i32
    %dma_start3A_232 = arith.constant 0 : i32
    %dma_start3A_233 = arith.constant 0 : i32
    %dma_start3A_234 = tpu.memref_slice %arg13[%dma_start3A_230, %dma_start3A_232, %dma_start3A_233] : memref<2x128x128xf32, #tpu.memory_space<vmem>> -> memref<1x128x128xf32, #tpu.memory_space<vmem>>
    %dma_start3A_235 = tpu.memref_squeeze %dma_start3A_234 : memref<1x128x128xf32, #tpu.memory_space<vmem>> -> memref<128x128xf32, #tpu.memory_space<vmem>>
    %dma_start3A_236 = arith.constant 0 : i32
    %dma_start3A_237 = tpu.memref_slice %arg2[%add3A_201, %dma_start3A_236] : memref<32768x128xf32, #tpu.memory_space<hbm>> -> memref<128x128xf32, #tpu.memory_space<hbm>>
    %dma_start3A_238 = tpu.memref_slice %arg18[%dma_start3A_231] : memref<2x!tpu.dma_semaphore, #tpu.memory_space<semaphore_mem>> -> memref<1x!tpu.dma_semaphore, #tpu.memory_space<semaphore_mem>>
    %dma_start3A_239 = tpu.memref_squeeze %dma_start3A_238 : memref<1x!tpu.dma_semaphore, #tpu.memory_space<semaphore_mem>> -> memref<!tpu.dma_semaphore, #tpu.memory_space<semaphore_mem>>
    %dma_start3A_240 = arith.constant 0 : i32
    %dma_start3A_241 = arith.constant 0 : i32
    %dma_start3A_242 = tpu.memref_slice %arg13[%dma_start3A_230, %dma_start3A_240, %dma_start3A_241] : memref<2x128x128xf32, #tpu.memory_space<vmem>> -> memref<1x128x128xf32, #tpu.memory_space<vmem>>
    %dma_start3A_243 = tpu.memref_squeeze %dma_start3A_242 : memref<1x128x128xf32, #tpu.memory_space<vmem>> -> memref<128x128xf32, #tpu.memory_space<vmem>>
    %dma_start3A_244 = arith.constant 0 : i32
    %dma_start3A_245 = tpu.memref_slice %arg2[%add3A_201, %dma_start3A_244] : memref<32768x128xf32, #tpu.memory_space<hbm>> -> memref<128x128xf32, #tpu.memory_space<hbm>>
    tpu.enqueue_dma source(%dma_start3A_245 : memref<128x128xf32, #tpu.memory_space<hbm>>) target(%dma_start3A_243 : memref<128x128xf32, #tpu.memory_space<vmem>>) target_semaphore(%dma_start3A_239 : memref<!tpu.dma_semaphore, #tpu.memory_space<semaphore_mem>>)
    %dma_start3A_246 = arith.constant 0 : i32
    %dma_start3A_247 = arith.constant 0 : i32
    %dma_start3A_248 = arith.constant 0 : i32
    %dma_start3A_249 = arith.constant 0 : i32
    %dma_start3A_250 = tpu.memref_slice %arg14[%dma_start3A_246, %dma_start3A_248, %dma_start3A_249] : memref<2x128x128xf32, #tpu.memory_space<vmem>> -> memref<1x128x128xf32, #tpu.memory_space<vmem>>
    %dma_start3A_251 = tpu.memref_squeeze %dma_start3A_250 : memref<1x128x128xf32, #tpu.memory_space<vmem>> -> memref<128x128xf32, #tpu.memory_space<vmem>>
    %dma_start3A_252 = arith.constant 0 : i32
    %dma_start3A_253 = tpu.memref_slice %arg3[%add3A_201, %dma_start3A_252] : memref<32768x128xf32, #tpu.memory_space<hbm>> -> memref<128x128xf32, #tpu.memory_space<hbm>>
    %dma_start3A_254 = tpu.memref_slice %arg18[%dma_start3A_247] : memref<2x!tpu.dma_semaphore, #tpu.memory_space<semaphore_mem>> -> memref<1x!tpu.dma_semaphore, #tpu.memory_space<semaphore_mem>>
    %dma_start3A_255 = tpu.memref_squeeze %dma_start3A_254 : memref<1x!tpu.dma_semaphore, #tpu.memory_space<semaphore_mem>> -> memref<!tpu.dma_semaphore, #tpu.memory_space<semaphore_mem>>
    %dma_start3A_256 = arith.constant 0 : i32
    %dma_start3A_257 = arith.constant 0 : i32
    %dma_start3A_258 = tpu.memref_slice %arg14[%dma_start3A_246, %dma_start3A_256, %dma_start3A_257] : memref<2x128x128xf32, #tpu.memory_space<vmem>> -> memref<1x128x128xf32, #tpu.memory_space<vmem>>
    %dma_start3A_259 = tpu.memref_squeeze %dma_start3A_258 : memref<1x128x128xf32, #tpu.memory_space<vmem>> -> memref<128x128xf32, #tpu.memory_space<vmem>>
    %dma_start3A_260 = arith.constant 0 : i32
    %dma_start3A_261 = tpu.memref_slice %arg3[%add3A_201, %dma_start3A_260] : memref<32768x128xf32, #tpu.memory_space<hbm>> -> memref<128x128xf32, #tpu.memory_space<hbm>>
    tpu.enqueue_dma source(%dma_start3A_261 : memref<128x128xf32, #tpu.memory_space<hbm>>) target(%dma_start3A_259 : memref<128x128xf32, #tpu.memory_space<vmem>>) target_semaphore(%dma_start3A_255 : memref<!tpu.dma_semaphore, #tpu.memory_space<semaphore_mem>>)
    %dma_wait3A_262 = arith.constant 1 : i32
    %dma_wait3A_263 = arith.constant 1 : i32
    %dma_wait3A_264 = arith.constant 0 : i32
    %dma_wait3A_265 = tpu.memref_slice %arg15[%dma_wait3A_262, %dma_wait3A_264] : memref<2x128xi32, #tpu.memory_space<vmem>> -> memref<1x128xi32, #tpu.memory_space<vmem>>
    %dma_wait3A_266 = tpu.memref_squeeze %dma_wait3A_265 : memref<1x128xi32, #tpu.memory_space<vmem>> -> memref<128xi32, #tpu.memory_space<vmem>>
    %dma_wait3A_267 = arith.constant 0 : i32
    %dma_wait3A_268 = tpu.memref_slice %arg4[%dma_wait3A_267] : memref<32768xi32, #tpu.memory_space<hbm>> -> memref<128xi32, #tpu.memory_space<hbm>>
    %dma_wait3A_269 = tpu.memref_slice %arg18[%dma_wait3A_263] : memref<2x!tpu.dma_semaphore, #tpu.memory_space<semaphore_mem>> -> memref<1x!tpu.dma_semaphore, #tpu.memory_space<semaphore_mem>>
    %dma_wait3A_270 = tpu.memref_squeeze %dma_wait3A_269 : memref<1x!tpu.dma_semaphore, #tpu.memory_space<semaphore_mem>> -> memref<!tpu.dma_semaphore, #tpu.memory_space<semaphore_mem>>
    %dma_wait3A_271 = arith.constant 0 : i32
    %dma_wait3A_272 = tpu.memref_slice %arg15[%dma_wait3A_262, %dma_wait3A_271] : memref<2x128xi32, #tpu.memory_space<vmem>> -> memref<1x128xi32, #tpu.memory_space<vmem>>
    %dma_wait3A_273 = tpu.memref_squeeze %dma_wait3A_272 : memref<1x128xi32, #tpu.memory_space<vmem>> -> memref<128xi32, #tpu.memory_space<vmem>>
    %dma_wait3A_274 = arith.constant 0 : i32
    %dma_wait3A_275 = tpu.memref_slice %arg4[%dma_wait3A_274] : memref<32768xi32, #tpu.memory_space<hbm>> -> memref<128xi32, #tpu.memory_space<hbm>>
    tpu.wait_dma2 semaphore(%dma_wait3A_270 : memref<!tpu.dma_semaphore, #tpu.memory_space<semaphore_mem>>) src(%dma_wait3A_275 : memref<128xi32, #tpu.memory_space<hbm>>) dst(%dma_wait3A_273 : memref<128xi32, #tpu.memory_space<vmem>>)
    %dma_wait3A_276 = arith.constant 1 : i32
    %dma_wait3A_277 = arith.constant 1 : i32
    %dma_wait3A_278 = arith.constant 0 : i32
    %dma_wait3A_279 = arith.constant 0 : i32
    %dma_wait3A_280 = tpu.memref_slice %arg16[%dma_wait3A_276, %dma_wait3A_278, %dma_wait3A_279] : memref<2x128x128xf32, #tpu.memory_space<vmem>> -> memref<1x128x128xf32, #tpu.memory_space<vmem>>
    %dma_wait3A_281 = tpu.memref_squeeze %dma_wait3A_280 : memref<1x128x128xf32, #tpu.memory_space<vmem>> -> memref<128x128xf32, #tpu.memory_space<vmem>>
    %dma_wait3A_282 = arith.constant 0 : i32
    %dma_wait3A_283 = arith.constant 0 : i32
    %dma_wait3A_284 = tpu.memref_slice %arg5[%dma_wait3A_282, %dma_wait3A_283] : memref<32768x128xf32, #tpu.memory_space<hbm>> -> memref<128x128xf32, #tpu.memory_space<hbm>>
    %dma_wait3A_285 = tpu.memref_slice %arg18[%dma_wait3A_277] : memref<2x!tpu.dma_semaphore, #tpu.memory_space<semaphore_mem>> -> memref<1x!tpu.dma_semaphore, #tpu.memory_space<semaphore_mem>>
    %dma_wait3A_286 = tpu.memref_squeeze %dma_wait3A_285 : memref<1x!tpu.dma_semaphore, #tpu.memory_space<semaphore_mem>> -> memref<!tpu.dma_semaphore, #tpu.memory_space<semaphore_mem>>
    %dma_wait3A_287 = arith.constant 0 : i32
    %dma_wait3A_288 = arith.constant 0 : i32
    %dma_wait3A_289 = tpu.memref_slice %arg16[%dma_wait3A_276, %dma_wait3A_287, %dma_wait3A_288] : memref<2x128x128xf32, #tpu.memory_space<vmem>> -> memref<1x128x128xf32, #tpu.memory_space<vmem>>
    %dma_wait3A_290 = tpu.memref_squeeze %dma_wait3A_289 : memref<1x128x128xf32, #tpu.memory_space<vmem>> -> memref<128x128xf32, #tpu.memory_space<vmem>>
    %dma_wait3A_291 = arith.constant 0 : i32
    %dma_wait3A_292 = arith.constant 0 : i32
    %dma_wait3A_293 = tpu.memref_slice %arg5[%dma_wait3A_291, %dma_wait3A_292] : memref<32768x128xf32, #tpu.memory_space<hbm>> -> memref<128x128xf32, #tpu.memory_space<hbm>>
    tpu.wait_dma2 semaphore(%dma_wait3A_286 : memref<!tpu.dma_semaphore, #tpu.memory_space<semaphore_mem>>) src(%dma_wait3A_293 : memref<128x128xf32, #tpu.memory_space<hbm>>) dst(%dma_wait3A_290 : memref<128x128xf32, #tpu.memory_space<vmem>>)
    %dma_wait3A_294 = arith.constant 1 : i32
    %dma_wait3A_295 = arith.constant 1 : i32
    %dma_wait3A_296 = arith.constant 0 : i32
    %dma_wait3A_297 = arith.constant 0 : i32
    %dma_wait3A_298 = tpu.memref_slice %arg13[%dma_wait3A_294, %dma_wait3A_296, %dma_wait3A_297] : memref<2x128x128xf32, #tpu.memory_space<vmem>> -> memref<1x128x128xf32, #tpu.memory_space<vmem>>
    %dma_wait3A_299 = tpu.memref_squeeze %dma_wait3A_298 : memref<1x128x128xf32, #tpu.memory_space<vmem>> -> memref<128x128xf32, #tpu.memory_space<vmem>>
    %dma_wait3A_300 = arith.constant 0 : i32
    %dma_wait3A_301 = arith.constant 0 : i32
    %dma_wait3A_302 = tpu.memref_slice %arg2[%dma_wait3A_300, %dma_wait3A_301] : memref<32768x128xf32, #tpu.memory_space<hbm>> -> memref<128x128xf32, #tpu.memory_space<hbm>>
    %dma_wait3A_303 = tpu.memref_slice %arg18[%dma_wait3A_295] : memref<2x!tpu.dma_semaphore, #tpu.memory_space<semaphore_mem>> -> memref<1x!tpu.dma_semaphore, #tpu.memory_space<semaphore_mem>>
    %dma_wait3A_304 = tpu.memref_squeeze %dma_wait3A_303 : memref<1x!tpu.dma_semaphore, #tpu.memory_space<semaphore_mem>> -> memref<!tpu.dma_semaphore, #tpu.memory_space<semaphore_mem>>
    %dma_wait3A_305 = arith.constant 0 : i32
    %dma_wait3A_306 = arith.constant 0 : i32
    %dma_wait3A_307 = tpu.memref_slice %arg13[%dma_wait3A_294, %dma_wait3A_305, %dma_wait3A_306] : memref<2x128x128xf32, #tpu.memory_space<vmem>> -> memref<1x128x128xf32, #tpu.memory_space<vmem>>
    %dma_wait3A_308 = tpu.memref_squeeze %dma_wait3A_307 : memref<1x128x128xf32, #tpu.memory_space<vmem>> -> memref<128x128xf32, #tpu.memory_space<vmem>>
    %dma_wait3A_309 = arith.constant 0 : i32
    %dma_wait3A_310 = arith.constant 0 : i32
    %dma_wait3A_311 = tpu.memref_slice %arg2[%dma_wait3A_309, %dma_wait3A_310] : memref<32768x128xf32, #tpu.memory_space<hbm>> -> memref<128x128xf32, #tpu.memory_space<hbm>>
    tpu.wait_dma2 semaphore(%dma_wait3A_304 : memref<!tpu.dma_semaphore, #tpu.memory_space<semaphore_mem>>) src(%dma_wait3A_311 : memref<128x128xf32, #tpu.memory_space<hbm>>) dst(%dma_wait3A_308 : memref<128x128xf32, #tpu.memory_space<vmem>>)
    %dma_wait3A_312 = arith.constant 1 : i32
    %dma_wait3A_313 = arith.constant 1 : i32
    %dma_wait3A_314 = arith.constant 0 : i32
    %dma_wait3A_315 = arith.constant 0 : i32
    %dma_wait3A_316 = tpu.memref_slice %arg14[%dma_wait3A_312, %dma_wait3A_314, %dma_wait3A_315] : memref<2x128x128xf32, #tpu.memory_space<vmem>> -> memref<1x128x128xf32, #tpu.memory_space<vmem>>
    %dma_wait3A_317 = tpu.memref_squeeze %dma_wait3A_316 : memref<1x128x128xf32, #tpu.memory_space<vmem>> -> memref<128x128xf32, #tpu.memory_space<vmem>>
    %dma_wait3A_318 = arith.constant 0 : i32
    %dma_wait3A_319 = arith.constant 0 : i32
    %dma_wait3A_320 = tpu.memref_slice %arg3[%dma_wait3A_318, %dma_wait3A_319] : memref<32768x128xf32, #tpu.memory_space<hbm>> -> memref<128x128xf32, #tpu.memory_space<hbm>>
    %dma_wait3A_321 = tpu.memref_slice %arg18[%dma_wait3A_313] : memref<2x!tpu.dma_semaphore, #tpu.memory_space<semaphore_mem>> -> memref<1x!tpu.dma_semaphore, #tpu.memory_space<semaphore_mem>>
    %dma_wait3A_322 = tpu.memref_squeeze %dma_wait3A_321 : memref<1x!tpu.dma_semaphore, #tpu.memory_space<semaphore_mem>> -> memref<!tpu.dma_semaphore, #tpu.memory_space<semaphore_mem>>
    %dma_wait3A_323 = arith.constant 0 : i32
    %dma_wait3A_324 = arith.constant 0 : i32
    %dma_wait3A_325 = tpu.memref_slice %arg14[%dma_wait3A_312, %dma_wait3A_323, %dma_wait3A_324] : memref<2x128x128xf32, #tpu.memory_space<vmem>> -> memref<1x128x128xf32, #tpu.memory_space<vmem>>
    %dma_wait3A_326 = tpu.memref_squeeze %dma_wait3A_325 : memref<1x128x128xf32, #tpu.memory_space<vmem>> -> memref<128x128xf32, #tpu.memory_space<vmem>>
    %dma_wait3A_327 = arith.constant 0 : i32
    %dma_wait3A_328 = arith.constant 0 : i32
    %dma_wait3A_329 = tpu.memref_slice %arg3[%dma_wait3A_327, %dma_wait3A_328] : memref<32768x128xf32, #tpu.memory_space<hbm>> -> memref<128x128xf32, #tpu.memory_space<hbm>>
    tpu.wait_dma2 semaphore(%dma_wait3A_322 : memref<!tpu.dma_semaphore, #tpu.memory_space<semaphore_mem>>) src(%dma_wait3A_329 : memref<128x128xf32, #tpu.memory_space<hbm>>) dst(%dma_wait3A_326 : memref<128x128xf32, #tpu.memory_space<vmem>>)
    %run_scoped3A_330 = arith.constant 1 : i32
    %run_scoped3A_331 = arith.constant 1 : i32
    "tpu.region"() ({
      %run_scoped3A_1096 = tpu.sem_alloc : memref<!tpu.dma_semaphore, #tpu.memory_space<semaphore_mem>>
      %dma_start3A_1097 = arith.constant 0 : i32
      %dma_start3A_1098 = arith.constant 0 : i32
      %dma_start3A_1099 = tpu.memref_slice %arg13[%run_scoped3A_330, %dma_start3A_1097, %dma_start3A_1098] : memref<2x128x128xf32, #tpu.memory_space<vmem>> -> memref<1x128x128xf32, #tpu.memory_space<vmem>>
      %dma_start3A_1100 = tpu.memref_squeeze %dma_start3A_1099 : memref<1x128x128xf32, #tpu.memory_space<vmem>> -> memref<128x128xf32, #tpu.memory_space<vmem>>
      %dma_start3A_1101 = arith.constant 0 : i32
      %dma_start3A_1102 = tpu.memref_slice %arg15[%run_scoped3A_331, %dma_start3A_1101] : memref<2x128xi32, #tpu.memory_space<vmem>> -> memref<1x128xi32, #tpu.memory_space<vmem>>
      %dma_start3A_1103 = tpu.memref_squeeze %dma_start3A_1102 : memref<1x128xi32, #tpu.memory_space<vmem>> -> memref<128xi32, #tpu.memory_space<vmem>>
      %dma_start3A_1104 = arith.constant 0 : i32
      %dma_start3A_1105 = arith.constant 0 : i32
      %dma_start3A_1106 = tpu.memref_slice %arg10[%dma_start3A_1104, %dma_start3A_1105] : memref<1024x128xf32, #tpu.memory_space<vmem_shared>> -> memref<1024x128xf32, #tpu.memory_space<vmem_shared>>
      tpu.enqueue_indirect_dma source(%dma_start3A_1100 : memref<128x128xf32, #tpu.memory_space<vmem>>) target(%dma_start3A_1106 : memref<1024x128xf32, #tpu.memory_space<vmem_shared>>) offsets(%dma_start3A_1103 : memref<128xi32, #tpu.memory_space<vmem>>) semaphore(%run_scoped3A_1096 : memref<!tpu.dma_semaphore, #tpu.memory_space<semaphore_mem>>) {add = true}
      %dma_wait3A_1107 = arith.constant 0 : i32
      %dma_wait3A_1108 = arith.constant 0 : i32
      %dma_wait3A_1109 = tpu.memref_slice %arg13[%run_scoped3A_330, %dma_wait3A_1107, %dma_wait3A_1108] : memref<2x128x128xf32, #tpu.memory_space<vmem>> -> memref<1x128x128xf32, #tpu.memory_space<vmem>>
      %dma_wait3A_1110 = tpu.memref_squeeze %dma_wait3A_1109 : memref<1x128x128xf32, #tpu.memory_space<vmem>> -> memref<128x128xf32, #tpu.memory_space<vmem>>
      %dma_wait3A_1111 = arith.constant 0 : i32
      %dma_wait3A_1112 = tpu.memref_slice %arg15[%run_scoped3A_331, %dma_wait3A_1111] : memref<2x128xi32, #tpu.memory_space<vmem>> -> memref<1x128xi32, #tpu.memory_space<vmem>>
      %dma_wait3A_1113 = tpu.memref_squeeze %dma_wait3A_1112 : memref<1x128xi32, #tpu.memory_space<vmem>> -> memref<128xi32, #tpu.memory_space<vmem>>
      %dma_wait3A_1114 = arith.constant 0 : i32
      %dma_wait3A_1115 = arith.constant 0 : i32
      %dma_wait3A_1116 = tpu.memref_slice %arg10[%dma_wait3A_1114, %dma_wait3A_1115] : memref<1024x128xf32, #tpu.memory_space<vmem_shared>> -> memref<1024x128xf32, #tpu.memory_space<vmem_shared>>
      tpu.wait_indirect_dma semaphore(%run_scoped3A_1096 : memref<!tpu.dma_semaphore, #tpu.memory_space<semaphore_mem>>) src(%dma_wait3A_1110 : memref<128x128xf32, #tpu.memory_space<vmem>>) dst(%dma_wait3A_1116 : memref<1024x128xf32, #tpu.memory_space<vmem_shared>>)
      tpu.yield
    }) : () -> ()
    %run_scoped3A_332 = arith.constant 1 : i32
    %run_scoped3A_333 = arith.constant 1 : i32
    "tpu.region"() ({
      %run_scoped3A_1096 = tpu.sem_alloc : memref<!tpu.dma_semaphore, #tpu.memory_space<semaphore_mem>>
      %dma_start3A_1097 = arith.constant 0 : i32
      %dma_start3A_1098 = arith.constant 0 : i32
      %dma_start3A_1099 = tpu.memref_slice %arg14[%run_scoped3A_332, %dma_start3A_1097, %dma_start3A_1098] : memref<2x128x128xf32, #tpu.memory_space<vmem>> -> memref<1x128x128xf32, #tpu.memory_space<vmem>>
      %dma_start3A_1100 = tpu.memref_squeeze %dma_start3A_1099 : memref<1x128x128xf32, #tpu.memory_space<vmem>> -> memref<128x128xf32, #tpu.memory_space<vmem>>
      %dma_start3A_1101 = arith.constant 0 : i32
      %dma_start3A_1102 = tpu.memref_slice %arg15[%run_scoped3A_333, %dma_start3A_1101] : memref<2x128xi32, #tpu.memory_space<vmem>> -> memref<1x128xi32, #tpu.memory_space<vmem>>
      %dma_start3A_1103 = tpu.memref_squeeze %dma_start3A_1102 : memref<1x128xi32, #tpu.memory_space<vmem>> -> memref<128xi32, #tpu.memory_space<vmem>>
      %dma_start3A_1104 = arith.constant 0 : i32
      %dma_start3A_1105 = arith.constant 0 : i32
      %dma_start3A_1106 = tpu.memref_slice %arg11[%dma_start3A_1104, %dma_start3A_1105] : memref<1024x128xf32, #tpu.memory_space<vmem_shared>> -> memref<1024x128xf32, #tpu.memory_space<vmem_shared>>
      tpu.enqueue_indirect_dma source(%dma_start3A_1100 : memref<128x128xf32, #tpu.memory_space<vmem>>) target(%dma_start3A_1106 : memref<1024x128xf32, #tpu.memory_space<vmem_shared>>) offsets(%dma_start3A_1103 : memref<128xi32, #tpu.memory_space<vmem>>) semaphore(%run_scoped3A_1096 : memref<!tpu.dma_semaphore, #tpu.memory_space<semaphore_mem>>) {add = true}
      %dma_wait3A_1107 = arith.constant 0 : i32
      %dma_wait3A_1108 = arith.constant 0 : i32
      %dma_wait3A_1109 = tpu.memref_slice %arg14[%run_scoped3A_332, %dma_wait3A_1107, %dma_wait3A_1108] : memref<2x128x128xf32, #tpu.memory_space<vmem>> -> memref<1x128x128xf32, #tpu.memory_space<vmem>>
      %dma_wait3A_1110 = tpu.memref_squeeze %dma_wait3A_1109 : memref<1x128x128xf32, #tpu.memory_space<vmem>> -> memref<128x128xf32, #tpu.memory_space<vmem>>
      %dma_wait3A_1111 = arith.constant 0 : i32
      %dma_wait3A_1112 = tpu.memref_slice %arg15[%run_scoped3A_333, %dma_wait3A_1111] : memref<2x128xi32, #tpu.memory_space<vmem>> -> memref<1x128xi32, #tpu.memory_space<vmem>>
      %dma_wait3A_1113 = tpu.memref_squeeze %dma_wait3A_1112 : memref<1x128xi32, #tpu.memory_space<vmem>> -> memref<128xi32, #tpu.memory_space<vmem>>
      %dma_wait3A_1114 = arith.constant 0 : i32
      %dma_wait3A_1115 = arith.constant 0 : i32
      %dma_wait3A_1116 = tpu.memref_slice %arg11[%dma_wait3A_1114, %dma_wait3A_1115] : memref<1024x128xf32, #tpu.memory_space<vmem_shared>> -> memref<1024x128xf32, #tpu.memory_space<vmem_shared>>
      tpu.wait_indirect_dma semaphore(%run_scoped3A_1096 : memref<!tpu.dma_semaphore, #tpu.memory_space<semaphore_mem>>) src(%dma_wait3A_1110 : memref<128x128xf32, #tpu.memory_space<vmem>>) dst(%dma_wait3A_1116 : memref<1024x128xf32, #tpu.memory_space<vmem_shared>>)
      tpu.yield
    }) : () -> ()
    %run_scoped3A_334 = arith.constant 1 : i32
    %run_scoped3A_335 = arith.constant 1 : i32
    "tpu.region"() ({
      %run_scoped3A_1096 = tpu.sem_alloc : memref<!tpu.dma_semaphore, #tpu.memory_space<semaphore_mem>>
      %dma_start3A_1097 = arith.constant 0 : i32
      %dma_start3A_1098 = arith.constant 0 : i32
      %dma_start3A_1099 = tpu.memref_slice %arg16[%run_scoped3A_334, %dma_start3A_1097, %dma_start3A_1098] : memref<2x128x128xf32, #tpu.memory_space<vmem>> -> memref<1x128x128xf32, #tpu.memory_space<vmem>>
      %dma_start3A_1100 = tpu.memref_squeeze %dma_start3A_1099 : memref<1x128x128xf32, #tpu.memory_space<vmem>> -> memref<128x128xf32, #tpu.memory_space<vmem>>
      %dma_start3A_1101 = arith.constant 0 : i32
      %dma_start3A_1102 = tpu.memref_slice %arg15[%run_scoped3A_335, %dma_start3A_1101] : memref<2x128xi32, #tpu.memory_space<vmem>> -> memref<1x128xi32, #tpu.memory_space<vmem>>
      %dma_start3A_1103 = tpu.memref_squeeze %dma_start3A_1102 : memref<1x128xi32, #tpu.memory_space<vmem>> -> memref<128xi32, #tpu.memory_space<vmem>>
      %dma_start3A_1104 = arith.constant 0 : i32
      %dma_start3A_1105 = arith.constant 0 : i32
      %dma_start3A_1106 = tpu.memref_slice %arg12[%dma_start3A_1104, %dma_start3A_1105] : memref<1024x128xf32, #tpu.memory_space<vmem_shared>> -> memref<1024x128xf32, #tpu.memory_space<vmem_shared>>
      tpu.enqueue_indirect_dma source(%dma_start3A_1100 : memref<128x128xf32, #tpu.memory_space<vmem>>) target(%dma_start3A_1106 : memref<1024x128xf32, #tpu.memory_space<vmem_shared>>) offsets(%dma_start3A_1103 : memref<128xi32, #tpu.memory_space<vmem>>) semaphore(%run_scoped3A_1096 : memref<!tpu.dma_semaphore, #tpu.memory_space<semaphore_mem>>) {add = true}
      %dma_wait3A_1107 = arith.constant 0 : i32
      %dma_wait3A_1108 = arith.constant 0 : i32
      %dma_wait3A_1109 = tpu.memref_slice %arg16[%run_scoped3A_334, %dma_wait3A_1107, %dma_wait3A_1108] : memref<2x128x128xf32, #tpu.memory_space<vmem>> -> memref<1x128x128xf32, #tpu.memory_space<vmem>>
      %dma_wait3A_1110 = tpu.memref_squeeze %dma_wait3A_1109 : memref<1x128x128xf32, #tpu.memory_space<vmem>> -> memref<128x128xf32, #tpu.memory_space<vmem>>
      %dma_wait3A_1111 = arith.constant 0 : i32
      %dma_wait3A_1112 = tpu.memref_slice %arg15[%run_scoped3A_335, %dma_wait3A_1111] : memref<2x128xi32, #tpu.memory_space<vmem>> -> memref<1x128xi32, #tpu.memory_space<vmem>>
      %dma_wait3A_1113 = tpu.memref_squeeze %dma_wait3A_1112 : memref<1x128xi32, #tpu.memory_space<vmem>> -> memref<128xi32, #tpu.memory_space<vmem>>
      %dma_wait3A_1114 = arith.constant 0 : i32
      %dma_wait3A_1115 = arith.constant 0 : i32
      %dma_wait3A_1116 = tpu.memref_slice %arg12[%dma_wait3A_1114, %dma_wait3A_1115] : memref<1024x128xf32, #tpu.memory_space<vmem_shared>> -> memref<1024x128xf32, #tpu.memory_space<vmem_shared>>
      tpu.wait_indirect_dma semaphore(%run_scoped3A_1096 : memref<!tpu.dma_semaphore, #tpu.memory_space<semaphore_mem>>) src(%dma_wait3A_1110 : memref<128x128xf32, #tpu.memory_space<vmem>>) dst(%dma_wait3A_1116 : memref<1024x128xf32, #tpu.memory_space<vmem_shared>>)
      tpu.yield
    }) : () -> ()
    %add3A_336 = arith.constant 384 : i32
    %add3A_337 = arith.addi %mul3A_4, %add3A_336 : i32
    %dma_start3A_338 = arith.constant 1 : i32
    %dma_start3A_339 = arith.constant 1 : i32
    %dma_start3A_340 = arith.constant 0 : i32
    %dma_start3A_341 = tpu.memref_slice %arg15[%dma_start3A_338, %dma_start3A_340] : memref<2x128xi32, #tpu.memory_space<vmem>> -> memref<1x128xi32, #tpu.memory_space<vmem>>
    %dma_start3A_342 = tpu.memref_squeeze %dma_start3A_341 : memref<1x128xi32, #tpu.memory_space<vmem>> -> memref<128xi32, #tpu.memory_space<vmem>>
    %dma_start3A_343 = tpu.memref_slice %arg4[%add3A_337] : memref<32768xi32, #tpu.memory_space<hbm>> -> memref<128xi32, #tpu.memory_space<hbm>>
    %dma_start3A_344 = tpu.memref_slice %arg18[%dma_start3A_339] : memref<2x!tpu.dma_semaphore, #tpu.memory_space<semaphore_mem>> -> memref<1x!tpu.dma_semaphore, #tpu.memory_space<semaphore_mem>>
    %dma_start3A_345 = tpu.memref_squeeze %dma_start3A_344 : memref<1x!tpu.dma_semaphore, #tpu.memory_space<semaphore_mem>> -> memref<!tpu.dma_semaphore, #tpu.memory_space<semaphore_mem>>
    %dma_start3A_346 = arith.constant 0 : i32
    %dma_start3A_347 = tpu.memref_slice %arg15[%dma_start3A_338, %dma_start3A_346] : memref<2x128xi32, #tpu.memory_space<vmem>> -> memref<1x128xi32, #tpu.memory_space<vmem>>
    %dma_start3A_348 = tpu.memref_squeeze %dma_start3A_347 : memref<1x128xi32, #tpu.memory_space<vmem>> -> memref<128xi32, #tpu.memory_space<vmem>>
    %dma_start3A_349 = tpu.memref_slice %arg4[%add3A_337] : memref<32768xi32, #tpu.memory_space<hbm>> -> memref<128xi32, #tpu.memory_space<hbm>>
    tpu.enqueue_dma source(%dma_start3A_349 : memref<128xi32, #tpu.memory_space<hbm>>) target(%dma_start3A_348 : memref<128xi32, #tpu.memory_space<vmem>>) target_semaphore(%dma_start3A_345 : memref<!tpu.dma_semaphore, #tpu.memory_space<semaphore_mem>>)
    %dma_start3A_350 = arith.constant 1 : i32
    %dma_start3A_351 = arith.constant 1 : i32
    %dma_start3A_352 = arith.constant 0 : i32
    %dma_start3A_353 = arith.constant 0 : i32
    %dma_start3A_354 = tpu.memref_slice %arg16[%dma_start3A_350, %dma_start3A_352, %dma_start3A_353] : memref<2x128x128xf32, #tpu.memory_space<vmem>> -> memref<1x128x128xf32, #tpu.memory_space<vmem>>
    %dma_start3A_355 = tpu.memref_squeeze %dma_start3A_354 : memref<1x128x128xf32, #tpu.memory_space<vmem>> -> memref<128x128xf32, #tpu.memory_space<vmem>>
    %dma_start3A_356 = arith.constant 0 : i32
    %dma_start3A_357 = tpu.memref_slice %arg5[%add3A_337, %dma_start3A_356] : memref<32768x128xf32, #tpu.memory_space<hbm>> -> memref<128x128xf32, #tpu.memory_space<hbm>>
    %dma_start3A_358 = tpu.memref_slice %arg18[%dma_start3A_351] : memref<2x!tpu.dma_semaphore, #tpu.memory_space<semaphore_mem>> -> memref<1x!tpu.dma_semaphore, #tpu.memory_space<semaphore_mem>>
    %dma_start3A_359 = tpu.memref_squeeze %dma_start3A_358 : memref<1x!tpu.dma_semaphore, #tpu.memory_space<semaphore_mem>> -> memref<!tpu.dma_semaphore, #tpu.memory_space<semaphore_mem>>
    %dma_start3A_360 = arith.constant 0 : i32
    %dma_start3A_361 = arith.constant 0 : i32
    %dma_start3A_362 = tpu.memref_slice %arg16[%dma_start3A_350, %dma_start3A_360, %dma_start3A_361] : memref<2x128x128xf32, #tpu.memory_space<vmem>> -> memref<1x128x128xf32, #tpu.memory_space<vmem>>
    %dma_start3A_363 = tpu.memref_squeeze %dma_start3A_362 : memref<1x128x128xf32, #tpu.memory_space<vmem>> -> memref<128x128xf32, #tpu.memory_space<vmem>>
    %dma_start3A_364 = arith.constant 0 : i32
    %dma_start3A_365 = tpu.memref_slice %arg5[%add3A_337, %dma_start3A_364] : memref<32768x128xf32, #tpu.memory_space<hbm>> -> memref<128x128xf32, #tpu.memory_space<hbm>>
    tpu.enqueue_dma source(%dma_start3A_365 : memref<128x128xf32, #tpu.memory_space<hbm>>) target(%dma_start3A_363 : memref<128x128xf32, #tpu.memory_space<vmem>>) target_semaphore(%dma_start3A_359 : memref<!tpu.dma_semaphore, #tpu.memory_space<semaphore_mem>>)
    %dma_start3A_366 = arith.constant 1 : i32
    %dma_start3A_367 = arith.constant 1 : i32
    %dma_start3A_368 = arith.constant 0 : i32
    %dma_start3A_369 = arith.constant 0 : i32
    %dma_start3A_370 = tpu.memref_slice %arg13[%dma_start3A_366, %dma_start3A_368, %dma_start3A_369] : memref<2x128x128xf32, #tpu.memory_space<vmem>> -> memref<1x128x128xf32, #tpu.memory_space<vmem>>
    %dma_start3A_371 = tpu.memref_squeeze %dma_start3A_370 : memref<1x128x128xf32, #tpu.memory_space<vmem>> -> memref<128x128xf32, #tpu.memory_space<vmem>>
    %dma_start3A_372 = arith.constant 0 : i32
    %dma_start3A_373 = tpu.memref_slice %arg2[%add3A_337, %dma_start3A_372] : memref<32768x128xf32, #tpu.memory_space<hbm>> -> memref<128x128xf32, #tpu.memory_space<hbm>>
    %dma_start3A_374 = tpu.memref_slice %arg18[%dma_start3A_367] : memref<2x!tpu.dma_semaphore, #tpu.memory_space<semaphore_mem>> -> memref<1x!tpu.dma_semaphore, #tpu.memory_space<semaphore_mem>>
    %dma_start3A_375 = tpu.memref_squeeze %dma_start3A_374 : memref<1x!tpu.dma_semaphore, #tpu.memory_space<semaphore_mem>> -> memref<!tpu.dma_semaphore, #tpu.memory_space<semaphore_mem>>
    %dma_start3A_376 = arith.constant 0 : i32
    %dma_start3A_377 = arith.constant 0 : i32
    %dma_start3A_378 = tpu.memref_slice %arg13[%dma_start3A_366, %dma_start3A_376, %dma_start3A_377] : memref<2x128x128xf32, #tpu.memory_space<vmem>> -> memref<1x128x128xf32, #tpu.memory_space<vmem>>
    %dma_start3A_379 = tpu.memref_squeeze %dma_start3A_378 : memref<1x128x128xf32, #tpu.memory_space<vmem>> -> memref<128x128xf32, #tpu.memory_space<vmem>>
    %dma_start3A_380 = arith.constant 0 : i32
    %dma_start3A_381 = tpu.memref_slice %arg2[%add3A_337, %dma_start3A_380] : memref<32768x128xf32, #tpu.memory_space<hbm>> -> memref<128x128xf32, #tpu.memory_space<hbm>>
    tpu.enqueue_dma source(%dma_start3A_381 : memref<128x128xf32, #tpu.memory_space<hbm>>) target(%dma_start3A_379 : memref<128x128xf32, #tpu.memory_space<vmem>>) target_semaphore(%dma_start3A_375 : memref<!tpu.dma_semaphore, #tpu.memory_space<semaphore_mem>>)
    %dma_start3A_382 = arith.constant 1 : i32
    %dma_start3A_383 = arith.constant 1 : i32
    %dma_start3A_384 = arith.constant 0 : i32
    %dma_start3A_385 = arith.constant 0 : i32
    %dma_start3A_386 = tpu.memref_slice %arg14[%dma_start3A_382, %dma_start3A_384, %dma_start3A_385] : memref<2x128x128xf32, #tpu.memory_space<vmem>> -> memref<1x128x128xf32, #tpu.memory_space<vmem>>
    %dma_start3A_387 = tpu.memref_squeeze %dma_start3A_386 : memref<1x128x128xf32, #tpu.memory_space<vmem>> -> memref<128x128xf32, #tpu.memory_space<vmem>>
    %dma_start3A_388 = arith.constant 0 : i32
    %dma_start3A_389 = tpu.memref_slice %arg3[%add3A_337, %dma_start3A_388] : memref<32768x128xf32, #tpu.memory_space<hbm>> -> memref<128x128xf32, #tpu.memory_space<hbm>>
    %dma_start3A_390 = tpu.memref_slice %arg18[%dma_start3A_383] : memref<2x!tpu.dma_semaphore, #tpu.memory_space<semaphore_mem>> -> memref<1x!tpu.dma_semaphore, #tpu.memory_space<semaphore_mem>>
    %dma_start3A_391 = tpu.memref_squeeze %dma_start3A_390 : memref<1x!tpu.dma_semaphore, #tpu.memory_space<semaphore_mem>> -> memref<!tpu.dma_semaphore, #tpu.memory_space<semaphore_mem>>
    %dma_start3A_392 = arith.constant 0 : i32
    %dma_start3A_393 = arith.constant 0 : i32
    %dma_start3A_394 = tpu.memref_slice %arg14[%dma_start3A_382, %dma_start3A_392, %dma_start3A_393] : memref<2x128x128xf32, #tpu.memory_space<vmem>> -> memref<1x128x128xf32, #tpu.memory_space<vmem>>
    %dma_start3A_395 = tpu.memref_squeeze %dma_start3A_394 : memref<1x128x128xf32, #tpu.memory_space<vmem>> -> memref<128x128xf32, #tpu.memory_space<vmem>>
    %dma_start3A_396 = arith.constant 0 : i32
    %dma_start3A_397 = tpu.memref_slice %arg3[%add3A_337, %dma_start3A_396] : memref<32768x128xf32, #tpu.memory_space<hbm>> -> memref<128x128xf32, #tpu.memory_space<hbm>>
    tpu.enqueue_dma source(%dma_start3A_397 : memref<128x128xf32, #tpu.memory_space<hbm>>) target(%dma_start3A_395 : memref<128x128xf32, #tpu.memory_space<vmem>>) target_semaphore(%dma_start3A_391 : memref<!tpu.dma_semaphore, #tpu.memory_space<semaphore_mem>>)
    %dma_wait3A_398 = arith.constant 0 : i32
    %dma_wait3A_399 = arith.constant 0 : i32
    %dma_wait3A_400 = arith.constant 0 : i32
    %dma_wait3A_401 = tpu.memref_slice %arg15[%dma_wait3A_398, %dma_wait3A_400] : memref<2x128xi32, #tpu.memory_space<vmem>> -> memref<1x128xi32, #tpu.memory_space<vmem>>
    %dma_wait3A_402 = tpu.memref_squeeze %dma_wait3A_401 : memref<1x128xi32, #tpu.memory_space<vmem>> -> memref<128xi32, #tpu.memory_space<vmem>>
    %dma_wait3A_403 = arith.constant 0 : i32
    %dma_wait3A_404 = tpu.memref_slice %arg4[%dma_wait3A_403] : memref<32768xi32, #tpu.memory_space<hbm>> -> memref<128xi32, #tpu.memory_space<hbm>>
    %dma_wait3A_405 = tpu.memref_slice %arg18[%dma_wait3A_399] : memref<2x!tpu.dma_semaphore, #tpu.memory_space<semaphore_mem>> -> memref<1x!tpu.dma_semaphore, #tpu.memory_space<semaphore_mem>>
    %dma_wait3A_406 = tpu.memref_squeeze %dma_wait3A_405 : memref<1x!tpu.dma_semaphore, #tpu.memory_space<semaphore_mem>> -> memref<!tpu.dma_semaphore, #tpu.memory_space<semaphore_mem>>
    %dma_wait3A_407 = arith.constant 0 : i32
    %dma_wait3A_408 = tpu.memref_slice %arg15[%dma_wait3A_398, %dma_wait3A_407] : memref<2x128xi32, #tpu.memory_space<vmem>> -> memref<1x128xi32, #tpu.memory_space<vmem>>
    %dma_wait3A_409 = tpu.memref_squeeze %dma_wait3A_408 : memref<1x128xi32, #tpu.memory_space<vmem>> -> memref<128xi32, #tpu.memory_space<vmem>>
    %dma_wait3A_410 = arith.constant 0 : i32
    %dma_wait3A_411 = tpu.memref_slice %arg4[%dma_wait3A_410] : memref<32768xi32, #tpu.memory_space<hbm>> -> memref<128xi32, #tpu.memory_space<hbm>>
    tpu.wait_dma2 semaphore(%dma_wait3A_406 : memref<!tpu.dma_semaphore, #tpu.memory_space<semaphore_mem>>) src(%dma_wait3A_411 : memref<128xi32, #tpu.memory_space<hbm>>) dst(%dma_wait3A_409 : memref<128xi32, #tpu.memory_space<vmem>>)
    %dma_wait3A_412 = arith.constant 0 : i32
    %dma_wait3A_413 = arith.constant 0 : i32
    %dma_wait3A_414 = arith.constant 0 : i32
    %dma_wait3A_415 = arith.constant 0 : i32
    %dma_wait3A_416 = tpu.memref_slice %arg16[%dma_wait3A_412, %dma_wait3A_414, %dma_wait3A_415] : memref<2x128x128xf32, #tpu.memory_space<vmem>> -> memref<1x128x128xf32, #tpu.memory_space<vmem>>
    %dma_wait3A_417 = tpu.memref_squeeze %dma_wait3A_416 : memref<1x128x128xf32, #tpu.memory_space<vmem>> -> memref<128x128xf32, #tpu.memory_space<vmem>>
    %dma_wait3A_418 = arith.constant 0 : i32
    %dma_wait3A_419 = arith.constant 0 : i32
    %dma_wait3A_420 = tpu.memref_slice %arg5[%dma_wait3A_418, %dma_wait3A_419] : memref<32768x128xf32, #tpu.memory_space<hbm>> -> memref<128x128xf32, #tpu.memory_space<hbm>>
    %dma_wait3A_421 = tpu.memref_slice %arg18[%dma_wait3A_413] : memref<2x!tpu.dma_semaphore, #tpu.memory_space<semaphore_mem>> -> memref<1x!tpu.dma_semaphore, #tpu.memory_space<semaphore_mem>>
    %dma_wait3A_422 = tpu.memref_squeeze %dma_wait3A_421 : memref<1x!tpu.dma_semaphore, #tpu.memory_space<semaphore_mem>> -> memref<!tpu.dma_semaphore, #tpu.memory_space<semaphore_mem>>
    %dma_wait3A_423 = arith.constant 0 : i32
    %dma_wait3A_424 = arith.constant 0 : i32
    %dma_wait3A_425 = tpu.memref_slice %arg16[%dma_wait3A_412, %dma_wait3A_423, %dma_wait3A_424] : memref<2x128x128xf32, #tpu.memory_space<vmem>> -> memref<1x128x128xf32, #tpu.memory_space<vmem>>
    %dma_wait3A_426 = tpu.memref_squeeze %dma_wait3A_425 : memref<1x128x128xf32, #tpu.memory_space<vmem>> -> memref<128x128xf32, #tpu.memory_space<vmem>>
    %dma_wait3A_427 = arith.constant 0 : i32
    %dma_wait3A_428 = arith.constant 0 : i32
    %dma_wait3A_429 = tpu.memref_slice %arg5[%dma_wait3A_427, %dma_wait3A_428] : memref<32768x128xf32, #tpu.memory_space<hbm>> -> memref<128x128xf32, #tpu.memory_space<hbm>>
    tpu.wait_dma2 semaphore(%dma_wait3A_422 : memref<!tpu.dma_semaphore, #tpu.memory_space<semaphore_mem>>) src(%dma_wait3A_429 : memref<128x128xf32, #tpu.memory_space<hbm>>) dst(%dma_wait3A_426 : memref<128x128xf32, #tpu.memory_space<vmem>>)
    %dma_wait3A_430 = arith.constant 0 : i32
    %dma_wait3A_431 = arith.constant 0 : i32
    %dma_wait3A_432 = arith.constant 0 : i32
    %dma_wait3A_433 = arith.constant 0 : i32
    %dma_wait3A_434 = tpu.memref_slice %arg13[%dma_wait3A_430, %dma_wait3A_432, %dma_wait3A_433] : memref<2x128x128xf32, #tpu.memory_space<vmem>> -> memref<1x128x128xf32, #tpu.memory_space<vmem>>
    %dma_wait3A_435 = tpu.memref_squeeze %dma_wait3A_434 : memref<1x128x128xf32, #tpu.memory_space<vmem>> -> memref<128x128xf32, #tpu.memory_space<vmem>>
    %dma_wait3A_436 = arith.constant 0 : i32
    %dma_wait3A_437 = arith.constant 0 : i32
    %dma_wait3A_438 = tpu.memref_slice %arg2[%dma_wait3A_436, %dma_wait3A_437] : memref<32768x128xf32, #tpu.memory_space<hbm>> -> memref<128x128xf32, #tpu.memory_space<hbm>>
    %dma_wait3A_439 = tpu.memref_slice %arg18[%dma_wait3A_431] : memref<2x!tpu.dma_semaphore, #tpu.memory_space<semaphore_mem>> -> memref<1x!tpu.dma_semaphore, #tpu.memory_space<semaphore_mem>>
    %dma_wait3A_440 = tpu.memref_squeeze %dma_wait3A_439 : memref<1x!tpu.dma_semaphore, #tpu.memory_space<semaphore_mem>> -> memref<!tpu.dma_semaphore, #tpu.memory_space<semaphore_mem>>
    %dma_wait3A_441 = arith.constant 0 : i32
    %dma_wait3A_442 = arith.constant 0 : i32
    %dma_wait3A_443 = tpu.memref_slice %arg13[%dma_wait3A_430, %dma_wait3A_441, %dma_wait3A_442] : memref<2x128x128xf32, #tpu.memory_space<vmem>> -> memref<1x128x128xf32, #tpu.memory_space<vmem>>
    %dma_wait3A_444 = tpu.memref_squeeze %dma_wait3A_443 : memref<1x128x128xf32, #tpu.memory_space<vmem>> -> memref<128x128xf32, #tpu.memory_space<vmem>>
    %dma_wait3A_445 = arith.constant 0 : i32
    %dma_wait3A_446 = arith.constant 0 : i32
    %dma_wait3A_447 = tpu.memref_slice %arg2[%dma_wait3A_445, %dma_wait3A_446] : memref<32768x128xf32, #tpu.memory_space<hbm>> -> memref<128x128xf32, #tpu.memory_space<hbm>>
    tpu.wait_dma2 semaphore(%dma_wait3A_440 : memref<!tpu.dma_semaphore, #tpu.memory_space<semaphore_mem>>) src(%dma_wait3A_447 : memref<128x128xf32, #tpu.memory_space<hbm>>) dst(%dma_wait3A_444 : memref<128x128xf32, #tpu.memory_space<vmem>>)
    %dma_wait3A_448 = arith.constant 0 : i32
    %dma_wait3A_449 = arith.constant 0 : i32
    %dma_wait3A_450 = arith.constant 0 : i32
    %dma_wait3A_451 = arith.constant 0 : i32
    %dma_wait3A_452 = tpu.memref_slice %arg14[%dma_wait3A_448, %dma_wait3A_450, %dma_wait3A_451] : memref<2x128x128xf32, #tpu.memory_space<vmem>> -> memref<1x128x128xf32, #tpu.memory_space<vmem>>
    %dma_wait3A_453 = tpu.memref_squeeze %dma_wait3A_452 : memref<1x128x128xf32, #tpu.memory_space<vmem>> -> memref<128x128xf32, #tpu.memory_space<vmem>>
    %dma_wait3A_454 = arith.constant 0 : i32
    %dma_wait3A_455 = arith.constant 0 : i32
    %dma_wait3A_456 = tpu.memref_slice %arg3[%dma_wait3A_454, %dma_wait3A_455] : memref<32768x128xf32, #tpu.memory_space<hbm>> -> memref<128x128xf32, #tpu.memory_space<hbm>>
    %dma_wait3A_457 = tpu.memref_slice %arg18[%dma_wait3A_449] : memref<2x!tpu.dma_semaphore, #tpu.memory_space<semaphore_mem>> -> memref<1x!tpu.dma_semaphore, #tpu.memory_space<semaphore_mem>>
    %dma_wait3A_458 = tpu.memref_squeeze %dma_wait3A_457 : memref<1x!tpu.dma_semaphore, #tpu.memory_space<semaphore_mem>> -> memref<!tpu.dma_semaphore, #tpu.memory_space<semaphore_mem>>
    %dma_wait3A_459 = arith.constant 0 : i32
    %dma_wait3A_460 = arith.constant 0 : i32
    %dma_wait3A_461 = tpu.memref_slice %arg14[%dma_wait3A_448, %dma_wait3A_459, %dma_wait3A_460] : memref<2x128x128xf32, #tpu.memory_space<vmem>> -> memref<1x128x128xf32, #tpu.memory_space<vmem>>
    %dma_wait3A_462 = tpu.memref_squeeze %dma_wait3A_461 : memref<1x128x128xf32, #tpu.memory_space<vmem>> -> memref<128x128xf32, #tpu.memory_space<vmem>>
    %dma_wait3A_463 = arith.constant 0 : i32
    %dma_wait3A_464 = arith.constant 0 : i32
    %dma_wait3A_465 = tpu.memref_slice %arg3[%dma_wait3A_463, %dma_wait3A_464] : memref<32768x128xf32, #tpu.memory_space<hbm>> -> memref<128x128xf32, #tpu.memory_space<hbm>>
    tpu.wait_dma2 semaphore(%dma_wait3A_458 : memref<!tpu.dma_semaphore, #tpu.memory_space<semaphore_mem>>) src(%dma_wait3A_465 : memref<128x128xf32, #tpu.memory_space<hbm>>) dst(%dma_wait3A_462 : memref<128x128xf32, #tpu.memory_space<vmem>>)
    %run_scoped3A_466 = arith.constant 0 : i32
    %run_scoped3A_467 = arith.constant 0 : i32
    "tpu.region"() ({
      %run_scoped3A_1096 = tpu.sem_alloc : memref<!tpu.dma_semaphore, #tpu.memory_space<semaphore_mem>>
      %dma_start3A_1097 = arith.constant 0 : i32
      %dma_start3A_1098 = arith.constant 0 : i32
      %dma_start3A_1099 = tpu.memref_slice %arg13[%run_scoped3A_466, %dma_start3A_1097, %dma_start3A_1098] : memref<2x128x128xf32, #tpu.memory_space<vmem>> -> memref<1x128x128xf32, #tpu.memory_space<vmem>>
      %dma_start3A_1100 = tpu.memref_squeeze %dma_start3A_1099 : memref<1x128x128xf32, #tpu.memory_space<vmem>> -> memref<128x128xf32, #tpu.memory_space<vmem>>
      %dma_start3A_1101 = arith.constant 0 : i32
      %dma_start3A_1102 = tpu.memref_slice %arg15[%run_scoped3A_467, %dma_start3A_1101] : memref<2x128xi32, #tpu.memory_space<vmem>> -> memref<1x128xi32, #tpu.memory_space<vmem>>
      %dma_start3A_1103 = tpu.memref_squeeze %dma_start3A_1102 : memref<1x128xi32, #tpu.memory_space<vmem>> -> memref<128xi32, #tpu.memory_space<vmem>>
      %dma_start3A_1104 = arith.constant 0 : i32
      %dma_start3A_1105 = arith.constant 0 : i32
      %dma_start3A_1106 = tpu.memref_slice %arg10[%dma_start3A_1104, %dma_start3A_1105] : memref<1024x128xf32, #tpu.memory_space<vmem_shared>> -> memref<1024x128xf32, #tpu.memory_space<vmem_shared>>
      tpu.enqueue_indirect_dma source(%dma_start3A_1100 : memref<128x128xf32, #tpu.memory_space<vmem>>) target(%dma_start3A_1106 : memref<1024x128xf32, #tpu.memory_space<vmem_shared>>) offsets(%dma_start3A_1103 : memref<128xi32, #tpu.memory_space<vmem>>) semaphore(%run_scoped3A_1096 : memref<!tpu.dma_semaphore, #tpu.memory_space<semaphore_mem>>) {add = true}
      %dma_wait3A_1107 = arith.constant 0 : i32
      %dma_wait3A_1108 = arith.constant 0 : i32
      %dma_wait3A_1109 = tpu.memref_slice %arg13[%run_scoped3A_466, %dma_wait3A_1107, %dma_wait3A_1108] : memref<2x128x128xf32, #tpu.memory_space<vmem>> -> memref<1x128x128xf32, #tpu.memory_space<vmem>>
      %dma_wait3A_1110 = tpu.memref_squeeze %dma_wait3A_1109 : memref<1x128x128xf32, #tpu.memory_space<vmem>> -> memref<128x128xf32, #tpu.memory_space<vmem>>
      %dma_wait3A_1111 = arith.constant 0 : i32
      %dma_wait3A_1112 = tpu.memref_slice %arg15[%run_scoped3A_467, %dma_wait3A_1111] : memref<2x128xi32, #tpu.memory_space<vmem>> -> memref<1x128xi32, #tpu.memory_space<vmem>>
      %dma_wait3A_1113 = tpu.memref_squeeze %dma_wait3A_1112 : memref<1x128xi32, #tpu.memory_space<vmem>> -> memref<128xi32, #tpu.memory_space<vmem>>
      %dma_wait3A_1114 = arith.constant 0 : i32
      %dma_wait3A_1115 = arith.constant 0 : i32
      %dma_wait3A_1116 = tpu.memref_slice %arg10[%dma_wait3A_1114, %dma_wait3A_1115] : memref<1024x128xf32, #tpu.memory_space<vmem_shared>> -> memref<1024x128xf32, #tpu.memory_space<vmem_shared>>
      tpu.wait_indirect_dma semaphore(%run_scoped3A_1096 : memref<!tpu.dma_semaphore, #tpu.memory_space<semaphore_mem>>) src(%dma_wait3A_1110 : memref<128x128xf32, #tpu.memory_space<vmem>>) dst(%dma_wait3A_1116 : memref<1024x128xf32, #tpu.memory_space<vmem_shared>>)
      tpu.yield
    }) : () -> ()
    %run_scoped3A_468 = arith.constant 0 : i32
    %run_scoped3A_469 = arith.constant 0 : i32
    "tpu.region"() ({
      %run_scoped3A_1096 = tpu.sem_alloc : memref<!tpu.dma_semaphore, #tpu.memory_space<semaphore_mem>>
      %dma_start3A_1097 = arith.constant 0 : i32
      %dma_start3A_1098 = arith.constant 0 : i32
      %dma_start3A_1099 = tpu.memref_slice %arg14[%run_scoped3A_468, %dma_start3A_1097, %dma_start3A_1098] : memref<2x128x128xf32, #tpu.memory_space<vmem>> -> memref<1x128x128xf32, #tpu.memory_space<vmem>>
      %dma_start3A_1100 = tpu.memref_squeeze %dma_start3A_1099 : memref<1x128x128xf32, #tpu.memory_space<vmem>> -> memref<128x128xf32, #tpu.memory_space<vmem>>
      %dma_start3A_1101 = arith.constant 0 : i32
      %dma_start3A_1102 = tpu.memref_slice %arg15[%run_scoped3A_469, %dma_start3A_1101] : memref<2x128xi32, #tpu.memory_space<vmem>> -> memref<1x128xi32, #tpu.memory_space<vmem>>
      %dma_start3A_1103 = tpu.memref_squeeze %dma_start3A_1102 : memref<1x128xi32, #tpu.memory_space<vmem>> -> memref<128xi32, #tpu.memory_space<vmem>>
      %dma_start3A_1104 = arith.constant 0 : i32
      %dma_start3A_1105 = arith.constant 0 : i32
      %dma_start3A_1106 = tpu.memref_slice %arg11[%dma_start3A_1104, %dma_start3A_1105] : memref<1024x128xf32, #tpu.memory_space<vmem_shared>> -> memref<1024x128xf32, #tpu.memory_space<vmem_shared>>
      tpu.enqueue_indirect_dma source(%dma_start3A_1100 : memref<128x128xf32, #tpu.memory_space<vmem>>) target(%dma_start3A_1106 : memref<1024x128xf32, #tpu.memory_space<vmem_shared>>) offsets(%dma_start3A_1103 : memref<128xi32, #tpu.memory_space<vmem>>) semaphore(%run_scoped3A_1096 : memref<!tpu.dma_semaphore, #tpu.memory_space<semaphore_mem>>) {add = true}
      %dma_wait3A_1107 = arith.constant 0 : i32
      %dma_wait3A_1108 = arith.constant 0 : i32
      %dma_wait3A_1109 = tpu.memref_slice %arg14[%run_scoped3A_468, %dma_wait3A_1107, %dma_wait3A_1108] : memref<2x128x128xf32, #tpu.memory_space<vmem>> -> memref<1x128x128xf32, #tpu.memory_space<vmem>>
      %dma_wait3A_1110 = tpu.memref_squeeze %dma_wait3A_1109 : memref<1x128x128xf32, #tpu.memory_space<vmem>> -> memref<128x128xf32, #tpu.memory_space<vmem>>
      %dma_wait3A_1111 = arith.constant 0 : i32
      %dma_wait3A_1112 = tpu.memref_slice %arg15[%run_scoped3A_469, %dma_wait3A_1111] : memref<2x128xi32, #tpu.memory_space<vmem>> -> memref<1x128xi32, #tpu.memory_space<vmem>>
      %dma_wait3A_1113 = tpu.memref_squeeze %dma_wait3A_1112 : memref<1x128xi32, #tpu.memory_space<vmem>> -> memref<128xi32, #tpu.memory_space<vmem>>
      %dma_wait3A_1114 = arith.constant 0 : i32
      %dma_wait3A_1115 = arith.constant 0 : i32
      %dma_wait3A_1116 = tpu.memref_slice %arg11[%dma_wait3A_1114, %dma_wait3A_1115] : memref<1024x128xf32, #tpu.memory_space<vmem_shared>> -> memref<1024x128xf32, #tpu.memory_space<vmem_shared>>
      tpu.wait_indirect_dma semaphore(%run_scoped3A_1096 : memref<!tpu.dma_semaphore, #tpu.memory_space<semaphore_mem>>) src(%dma_wait3A_1110 : memref<128x128xf32, #tpu.memory_space<vmem>>) dst(%dma_wait3A_1116 : memref<1024x128xf32, #tpu.memory_space<vmem_shared>>)
      tpu.yield
    }) : () -> ()
    %run_scoped3A_470 = arith.constant 0 : i32
    %run_scoped3A_471 = arith.constant 0 : i32
    "tpu.region"() ({
      %run_scoped3A_1096 = tpu.sem_alloc : memref<!tpu.dma_semaphore, #tpu.memory_space<semaphore_mem>>
      %dma_start3A_1097 = arith.constant 0 : i32
      %dma_start3A_1098 = arith.constant 0 : i32
      %dma_start3A_1099 = tpu.memref_slice %arg16[%run_scoped3A_470, %dma_start3A_1097, %dma_start3A_1098] : memref<2x128x128xf32, #tpu.memory_space<vmem>> -> memref<1x128x128xf32, #tpu.memory_space<vmem>>
      %dma_start3A_1100 = tpu.memref_squeeze %dma_start3A_1099 : memref<1x128x128xf32, #tpu.memory_space<vmem>> -> memref<128x128xf32, #tpu.memory_space<vmem>>
      %dma_start3A_1101 = arith.constant 0 : i32
      %dma_start3A_1102 = tpu.memref_slice %arg15[%run_scoped3A_471, %dma_start3A_1101] : memref<2x128xi32, #tpu.memory_space<vmem>> -> memref<1x128xi32, #tpu.memory_space<vmem>>
      %dma_start3A_1103 = tpu.memref_squeeze %dma_start3A_1102 : memref<1x128xi32, #tpu.memory_space<vmem>> -> memref<128xi32, #tpu.memory_space<vmem>>
      %dma_start3A_1104 = arith.constant 0 : i32
      %dma_start3A_1105 = arith.constant 0 : i32
      %dma_start3A_1106 = tpu.memref_slice %arg12[%dma_start3A_1104, %dma_start3A_1105] : memref<1024x128xf32, #tpu.memory_space<vmem_shared>> -> memref<1024x128xf32, #tpu.memory_space<vmem_shared>>
      tpu.enqueue_indirect_dma source(%dma_start3A_1100 : memref<128x128xf32, #tpu.memory_space<vmem>>) target(%dma_start3A_1106 : memref<1024x128xf32, #tpu.memory_space<vmem_shared>>) offsets(%dma_start3A_1103 : memref<128xi32, #tpu.memory_space<vmem>>) semaphore(%run_scoped3A_1096 : memref<!tpu.dma_semaphore, #tpu.memory_space<semaphore_mem>>) {add = true}
      %dma_wait3A_1107 = arith.constant 0 : i32
      %dma_wait3A_1108 = arith.constant 0 : i32
      %dma_wait3A_1109 = tpu.memref_slice %arg16[%run_scoped3A_470, %dma_wait3A_1107, %dma_wait3A_1108] : memref<2x128x128xf32, #tpu.memory_space<vmem>> -> memref<1x128x128xf32, #tpu.memory_space<vmem>>
      %dma_wait3A_1110 = tpu.memref_squeeze %dma_wait3A_1109 : memref<1x128x128xf32, #tpu.memory_space<vmem>> -> memref<128x128xf32, #tpu.memory_space<vmem>>
      %dma_wait3A_1111 = arith.constant 0 : i32
      %dma_wait3A_1112 = tpu.memref_slice %arg15[%run_scoped3A_471, %dma_wait3A_1111] : memref<2x128xi32, #tpu.memory_space<vmem>> -> memref<1x128xi32, #tpu.memory_space<vmem>>
      %dma_wait3A_1113 = tpu.memref_squeeze %dma_wait3A_1112 : memref<1x128xi32, #tpu.memory_space<vmem>> -> memref<128xi32, #tpu.memory_space<vmem>>
      %dma_wait3A_1114 = arith.constant 0 : i32
      %dma_wait3A_1115 = arith.constant 0 : i32
      %dma_wait3A_1116 = tpu.memref_slice %arg12[%dma_wait3A_1114, %dma_wait3A_1115] : memref<1024x128xf32, #tpu.memory_space<vmem_shared>> -> memref<1024x128xf32, #tpu.memory_space<vmem_shared>>
      tpu.wait_indirect_dma semaphore(%run_scoped3A_1096 : memref<!tpu.dma_semaphore, #tpu.memory_space<semaphore_mem>>) src(%dma_wait3A_1110 : memref<128x128xf32, #tpu.memory_space<vmem>>) dst(%dma_wait3A_1116 : memref<1024x128xf32, #tpu.memory_space<vmem_shared>>)
      tpu.yield
    }) : () -> ()
    %add3A_472 = arith.constant 512 : i32
    %add3A_473 = arith.addi %mul3A_4, %add3A_472 : i32
    %dma_start3A_474 = arith.constant 0 : i32
    %dma_start3A_475 = arith.constant 0 : i32
    %dma_start3A_476 = arith.constant 0 : i32
    %dma_start3A_477 = tpu.memref_slice %arg15[%dma_start3A_474, %dma_start3A_476] : memref<2x128xi32, #tpu.memory_space<vmem>> -> memref<1x128xi32, #tpu.memory_space<vmem>>
    %dma_start3A_478 = tpu.memref_squeeze %dma_start3A_477 : memref<1x128xi32, #tpu.memory_space<vmem>> -> memref<128xi32, #tpu.memory_space<vmem>>
    %dma_start3A_479 = tpu.memref_slice %arg4[%add3A_473] : memref<32768xi32, #tpu.memory_space<hbm>> -> memref<128xi32, #tpu.memory_space<hbm>>
    %dma_start3A_480 = tpu.memref_slice %arg18[%dma_start3A_475] : memref<2x!tpu.dma_semaphore, #tpu.memory_space<semaphore_mem>> -> memref<1x!tpu.dma_semaphore, #tpu.memory_space<semaphore_mem>>
    %dma_start3A_481 = tpu.memref_squeeze %dma_start3A_480 : memref<1x!tpu.dma_semaphore, #tpu.memory_space<semaphore_mem>> -> memref<!tpu.dma_semaphore, #tpu.memory_space<semaphore_mem>>
    %dma_start3A_482 = arith.constant 0 : i32
    %dma_start3A_483 = tpu.memref_slice %arg15[%dma_start3A_474, %dma_start3A_482] : memref<2x128xi32, #tpu.memory_space<vmem>> -> memref<1x128xi32, #tpu.memory_space<vmem>>
    %dma_start3A_484 = tpu.memref_squeeze %dma_start3A_483 : memref<1x128xi32, #tpu.memory_space<vmem>> -> memref<128xi32, #tpu.memory_space<vmem>>
    %dma_start3A_485 = tpu.memref_slice %arg4[%add3A_473] : memref<32768xi32, #tpu.memory_space<hbm>> -> memref<128xi32, #tpu.memory_space<hbm>>
    tpu.enqueue_dma source(%dma_start3A_485 : memref<128xi32, #tpu.memory_space<hbm>>) target(%dma_start3A_484 : memref<128xi32, #tpu.memory_space<vmem>>) target_semaphore(%dma_start3A_481 : memref<!tpu.dma_semaphore, #tpu.memory_space<semaphore_mem>>)
    %dma_start3A_486 = arith.constant 0 : i32
    %dma_start3A_487 = arith.constant 0 : i32
    %dma_start3A_488 = arith.constant 0 : i32
    %dma_start3A_489 = arith.constant 0 : i32
    %dma_start3A_490 = tpu.memref_slice %arg16[%dma_start3A_486, %dma_start3A_488, %dma_start3A_489] : memref<2x128x128xf32, #tpu.memory_space<vmem>> -> memref<1x128x128xf32, #tpu.memory_space<vmem>>
    %dma_start3A_491 = tpu.memref_squeeze %dma_start3A_490 : memref<1x128x128xf32, #tpu.memory_space<vmem>> -> memref<128x128xf32, #tpu.memory_space<vmem>>
    %dma_start3A_492 = arith.constant 0 : i32
    %dma_start3A_493 = tpu.memref_slice %arg5[%add3A_473, %dma_start3A_492] : memref<32768x128xf32, #tpu.memory_space<hbm>> -> memref<128x128xf32, #tpu.memory_space<hbm>>
    %dma_start3A_494 = tpu.memref_slice %arg18[%dma_start3A_487] : memref<2x!tpu.dma_semaphore, #tpu.memory_space<semaphore_mem>> -> memref<1x!tpu.dma_semaphore, #tpu.memory_space<semaphore_mem>>
    %dma_start3A_495 = tpu.memref_squeeze %dma_start3A_494 : memref<1x!tpu.dma_semaphore, #tpu.memory_space<semaphore_mem>> -> memref<!tpu.dma_semaphore, #tpu.memory_space<semaphore_mem>>
    %dma_start3A_496 = arith.constant 0 : i32
    %dma_start3A_497 = arith.constant 0 : i32
    %dma_start3A_498 = tpu.memref_slice %arg16[%dma_start3A_486, %dma_start3A_496, %dma_start3A_497] : memref<2x128x128xf32, #tpu.memory_space<vmem>> -> memref<1x128x128xf32, #tpu.memory_space<vmem>>
    %dma_start3A_499 = tpu.memref_squeeze %dma_start3A_498 : memref<1x128x128xf32, #tpu.memory_space<vmem>> -> memref<128x128xf32, #tpu.memory_space<vmem>>
    %dma_start3A_500 = arith.constant 0 : i32
    %dma_start3A_501 = tpu.memref_slice %arg5[%add3A_473, %dma_start3A_500] : memref<32768x128xf32, #tpu.memory_space<hbm>> -> memref<128x128xf32, #tpu.memory_space<hbm>>
    tpu.enqueue_dma source(%dma_start3A_501 : memref<128x128xf32, #tpu.memory_space<hbm>>) target(%dma_start3A_499 : memref<128x128xf32, #tpu.memory_space<vmem>>) target_semaphore(%dma_start3A_495 : memref<!tpu.dma_semaphore, #tpu.memory_space<semaphore_mem>>)
    %dma_start3A_502 = arith.constant 0 : i32
    %dma_start3A_503 = arith.constant 0 : i32
    %dma_start3A_504 = arith.constant 0 : i32
    %dma_start3A_505 = arith.constant 0 : i32
    %dma_start3A_506 = tpu.memref_slice %arg13[%dma_start3A_502, %dma_start3A_504, %dma_start3A_505] : memref<2x128x128xf32, #tpu.memory_space<vmem>> -> memref<1x128x128xf32, #tpu.memory_space<vmem>>
    %dma_start3A_507 = tpu.memref_squeeze %dma_start3A_506 : memref<1x128x128xf32, #tpu.memory_space<vmem>> -> memref<128x128xf32, #tpu.memory_space<vmem>>
    %dma_start3A_508 = arith.constant 0 : i32
    %dma_start3A_509 = tpu.memref_slice %arg2[%add3A_473, %dma_start3A_508] : memref<32768x128xf32, #tpu.memory_space<hbm>> -> memref<128x128xf32, #tpu.memory_space<hbm>>
    %dma_start3A_510 = tpu.memref_slice %arg18[%dma_start3A_503] : memref<2x!tpu.dma_semaphore, #tpu.memory_space<semaphore_mem>> -> memref<1x!tpu.dma_semaphore, #tpu.memory_space<semaphore_mem>>
    %dma_start3A_511 = tpu.memref_squeeze %dma_start3A_510 : memref<1x!tpu.dma_semaphore, #tpu.memory_space<semaphore_mem>> -> memref<!tpu.dma_semaphore, #tpu.memory_space<semaphore_mem>>
    %dma_start3A_512 = arith.constant 0 : i32
    %dma_start3A_513 = arith.constant 0 : i32
    %dma_start3A_514 = tpu.memref_slice %arg13[%dma_start3A_502, %dma_start3A_512, %dma_start3A_513] : memref<2x128x128xf32, #tpu.memory_space<vmem>> -> memref<1x128x128xf32, #tpu.memory_space<vmem>>
    %dma_start3A_515 = tpu.memref_squeeze %dma_start3A_514 : memref<1x128x128xf32, #tpu.memory_space<vmem>> -> memref<128x128xf32, #tpu.memory_space<vmem>>
    %dma_start3A_516 = arith.constant 0 : i32
    %dma_start3A_517 = tpu.memref_slice %arg2[%add3A_473, %dma_start3A_516] : memref<32768x128xf32, #tpu.memory_space<hbm>> -> memref<128x128xf32, #tpu.memory_space<hbm>>
    tpu.enqueue_dma source(%dma_start3A_517 : memref<128x128xf32, #tpu.memory_space<hbm>>) target(%dma_start3A_515 : memref<128x128xf32, #tpu.memory_space<vmem>>) target_semaphore(%dma_start3A_511 : memref<!tpu.dma_semaphore, #tpu.memory_space<semaphore_mem>>)
    %dma_start3A_518 = arith.constant 0 : i32
    %dma_start3A_519 = arith.constant 0 : i32
    %dma_start3A_520 = arith.constant 0 : i32
    %dma_start3A_521 = arith.constant 0 : i32
    %dma_start3A_522 = tpu.memref_slice %arg14[%dma_start3A_518, %dma_start3A_520, %dma_start3A_521] : memref<2x128x128xf32, #tpu.memory_space<vmem>> -> memref<1x128x128xf32, #tpu.memory_space<vmem>>
    %dma_start3A_523 = tpu.memref_squeeze %dma_start3A_522 : memref<1x128x128xf32, #tpu.memory_space<vmem>> -> memref<128x128xf32, #tpu.memory_space<vmem>>
    %dma_start3A_524 = arith.constant 0 : i32
    %dma_start3A_525 = tpu.memref_slice %arg3[%add3A_473, %dma_start3A_524] : memref<32768x128xf32, #tpu.memory_space<hbm>> -> memref<128x128xf32, #tpu.memory_space<hbm>>
    %dma_start3A_526 = tpu.memref_slice %arg18[%dma_start3A_519] : memref<2x!tpu.dma_semaphore, #tpu.memory_space<semaphore_mem>> -> memref<1x!tpu.dma_semaphore, #tpu.memory_space<semaphore_mem>>
    %dma_start3A_527 = tpu.memref_squeeze %dma_start3A_526 : memref<1x!tpu.dma_semaphore, #tpu.memory_space<semaphore_mem>> -> memref<!tpu.dma_semaphore, #tpu.memory_space<semaphore_mem>>
    %dma_start3A_528 = arith.constant 0 : i32
    %dma_start3A_529 = arith.constant 0 : i32
    %dma_start3A_530 = tpu.memref_slice %arg14[%dma_start3A_518, %dma_start3A_528, %dma_start3A_529] : memref<2x128x128xf32, #tpu.memory_space<vmem>> -> memref<1x128x128xf32, #tpu.memory_space<vmem>>
    %dma_start3A_531 = tpu.memref_squeeze %dma_start3A_530 : memref<1x128x128xf32, #tpu.memory_space<vmem>> -> memref<128x128xf32, #tpu.memory_space<vmem>>
    %dma_start3A_532 = arith.constant 0 : i32
    %dma_start3A_533 = tpu.memref_slice %arg3[%add3A_473, %dma_start3A_532] : memref<32768x128xf32, #tpu.memory_space<hbm>> -> memref<128x128xf32, #tpu.memory_space<hbm>>
    tpu.enqueue_dma source(%dma_start3A_533 : memref<128x128xf32, #tpu.memory_space<hbm>>) target(%dma_start3A_531 : memref<128x128xf32, #tpu.memory_space<vmem>>) target_semaphore(%dma_start3A_527 : memref<!tpu.dma_semaphore, #tpu.memory_space<semaphore_mem>>)
    %dma_wait3A_534 = arith.constant 1 : i32
    %dma_wait3A_535 = arith.constant 1 : i32
    %dma_wait3A_536 = arith.constant 0 : i32
    %dma_wait3A_537 = tpu.memref_slice %arg15[%dma_wait3A_534, %dma_wait3A_536] : memref<2x128xi32, #tpu.memory_space<vmem>> -> memref<1x128xi32, #tpu.memory_space<vmem>>
    %dma_wait3A_538 = tpu.memref_squeeze %dma_wait3A_537 : memref<1x128xi32, #tpu.memory_space<vmem>> -> memref<128xi32, #tpu.memory_space<vmem>>
    %dma_wait3A_539 = arith.constant 0 : i32
    %dma_wait3A_540 = tpu.memref_slice %arg4[%dma_wait3A_539] : memref<32768xi32, #tpu.memory_space<hbm>> -> memref<128xi32, #tpu.memory_space<hbm>>
    %dma_wait3A_541 = tpu.memref_slice %arg18[%dma_wait3A_535] : memref<2x!tpu.dma_semaphore, #tpu.memory_space<semaphore_mem>> -> memref<1x!tpu.dma_semaphore, #tpu.memory_space<semaphore_mem>>
    %dma_wait3A_542 = tpu.memref_squeeze %dma_wait3A_541 : memref<1x!tpu.dma_semaphore, #tpu.memory_space<semaphore_mem>> -> memref<!tpu.dma_semaphore, #tpu.memory_space<semaphore_mem>>
    %dma_wait3A_543 = arith.constant 0 : i32
    %dma_wait3A_544 = tpu.memref_slice %arg15[%dma_wait3A_534, %dma_wait3A_543] : memref<2x128xi32, #tpu.memory_space<vmem>> -> memref<1x128xi32, #tpu.memory_space<vmem>>
    %dma_wait3A_545 = tpu.memref_squeeze %dma_wait3A_544 : memref<1x128xi32, #tpu.memory_space<vmem>> -> memref<128xi32, #tpu.memory_space<vmem>>
    %dma_wait3A_546 = arith.constant 0 : i32
    %dma_wait3A_547 = tpu.memref_slice %arg4[%dma_wait3A_546] : memref<32768xi32, #tpu.memory_space<hbm>> -> memref<128xi32, #tpu.memory_space<hbm>>
    tpu.wait_dma2 semaphore(%dma_wait3A_542 : memref<!tpu.dma_semaphore, #tpu.memory_space<semaphore_mem>>) src(%dma_wait3A_547 : memref<128xi32, #tpu.memory_space<hbm>>) dst(%dma_wait3A_545 : memref<128xi32, #tpu.memory_space<vmem>>)
    %dma_wait3A_548 = arith.constant 1 : i32
    %dma_wait3A_549 = arith.constant 1 : i32
    %dma_wait3A_550 = arith.constant 0 : i32
    %dma_wait3A_551 = arith.constant 0 : i32
    %dma_wait3A_552 = tpu.memref_slice %arg16[%dma_wait3A_548, %dma_wait3A_550, %dma_wait3A_551] : memref<2x128x128xf32, #tpu.memory_space<vmem>> -> memref<1x128x128xf32, #tpu.memory_space<vmem>>
    %dma_wait3A_553 = tpu.memref_squeeze %dma_wait3A_552 : memref<1x128x128xf32, #tpu.memory_space<vmem>> -> memref<128x128xf32, #tpu.memory_space<vmem>>
    %dma_wait3A_554 = arith.constant 0 : i32
    %dma_wait3A_555 = arith.constant 0 : i32
    %dma_wait3A_556 = tpu.memref_slice %arg5[%dma_wait3A_554, %dma_wait3A_555] : memref<32768x128xf32, #tpu.memory_space<hbm>> -> memref<128x128xf32, #tpu.memory_space<hbm>>
    %dma_wait3A_557 = tpu.memref_slice %arg18[%dma_wait3A_549] : memref<2x!tpu.dma_semaphore, #tpu.memory_space<semaphore_mem>> -> memref<1x!tpu.dma_semaphore, #tpu.memory_space<semaphore_mem>>
    %dma_wait3A_558 = tpu.memref_squeeze %dma_wait3A_557 : memref<1x!tpu.dma_semaphore, #tpu.memory_space<semaphore_mem>> -> memref<!tpu.dma_semaphore, #tpu.memory_space<semaphore_mem>>
    %dma_wait3A_559 = arith.constant 0 : i32
    %dma_wait3A_560 = arith.constant 0 : i32
    %dma_wait3A_561 = tpu.memref_slice %arg16[%dma_wait3A_548, %dma_wait3A_559, %dma_wait3A_560] : memref<2x128x128xf32, #tpu.memory_space<vmem>> -> memref<1x128x128xf32, #tpu.memory_space<vmem>>
    %dma_wait3A_562 = tpu.memref_squeeze %dma_wait3A_561 : memref<1x128x128xf32, #tpu.memory_space<vmem>> -> memref<128x128xf32, #tpu.memory_space<vmem>>
    %dma_wait3A_563 = arith.constant 0 : i32
    %dma_wait3A_564 = arith.constant 0 : i32
    %dma_wait3A_565 = tpu.memref_slice %arg5[%dma_wait3A_563, %dma_wait3A_564] : memref<32768x128xf32, #tpu.memory_space<hbm>> -> memref<128x128xf32, #tpu.memory_space<hbm>>
    tpu.wait_dma2 semaphore(%dma_wait3A_558 : memref<!tpu.dma_semaphore, #tpu.memory_space<semaphore_mem>>) src(%dma_wait3A_565 : memref<128x128xf32, #tpu.memory_space<hbm>>) dst(%dma_wait3A_562 : memref<128x128xf32, #tpu.memory_space<vmem>>)
    %dma_wait3A_566 = arith.constant 1 : i32
    %dma_wait3A_567 = arith.constant 1 : i32
    %dma_wait3A_568 = arith.constant 0 : i32
    %dma_wait3A_569 = arith.constant 0 : i32
    %dma_wait3A_570 = tpu.memref_slice %arg13[%dma_wait3A_566, %dma_wait3A_568, %dma_wait3A_569] : memref<2x128x128xf32, #tpu.memory_space<vmem>> -> memref<1x128x128xf32, #tpu.memory_space<vmem>>
    %dma_wait3A_571 = tpu.memref_squeeze %dma_wait3A_570 : memref<1x128x128xf32, #tpu.memory_space<vmem>> -> memref<128x128xf32, #tpu.memory_space<vmem>>
    %dma_wait3A_572 = arith.constant 0 : i32
    %dma_wait3A_573 = arith.constant 0 : i32
    %dma_wait3A_574 = tpu.memref_slice %arg2[%dma_wait3A_572, %dma_wait3A_573] : memref<32768x128xf32, #tpu.memory_space<hbm>> -> memref<128x128xf32, #tpu.memory_space<hbm>>
    %dma_wait3A_575 = tpu.memref_slice %arg18[%dma_wait3A_567] : memref<2x!tpu.dma_semaphore, #tpu.memory_space<semaphore_mem>> -> memref<1x!tpu.dma_semaphore, #tpu.memory_space<semaphore_mem>>
    %dma_wait3A_576 = tpu.memref_squeeze %dma_wait3A_575 : memref<1x!tpu.dma_semaphore, #tpu.memory_space<semaphore_mem>> -> memref<!tpu.dma_semaphore, #tpu.memory_space<semaphore_mem>>
    %dma_wait3A_577 = arith.constant 0 : i32
    %dma_wait3A_578 = arith.constant 0 : i32
    %dma_wait3A_579 = tpu.memref_slice %arg13[%dma_wait3A_566, %dma_wait3A_577, %dma_wait3A_578] : memref<2x128x128xf32, #tpu.memory_space<vmem>> -> memref<1x128x128xf32, #tpu.memory_space<vmem>>
    %dma_wait3A_580 = tpu.memref_squeeze %dma_wait3A_579 : memref<1x128x128xf32, #tpu.memory_space<vmem>> -> memref<128x128xf32, #tpu.memory_space<vmem>>
    %dma_wait3A_581 = arith.constant 0 : i32
    %dma_wait3A_582 = arith.constant 0 : i32
    %dma_wait3A_583 = tpu.memref_slice %arg2[%dma_wait3A_581, %dma_wait3A_582] : memref<32768x128xf32, #tpu.memory_space<hbm>> -> memref<128x128xf32, #tpu.memory_space<hbm>>
    tpu.wait_dma2 semaphore(%dma_wait3A_576 : memref<!tpu.dma_semaphore, #tpu.memory_space<semaphore_mem>>) src(%dma_wait3A_583 : memref<128x128xf32, #tpu.memory_space<hbm>>) dst(%dma_wait3A_580 : memref<128x128xf32, #tpu.memory_space<vmem>>)
    %dma_wait3A_584 = arith.constant 1 : i32
    %dma_wait3A_585 = arith.constant 1 : i32
    %dma_wait3A_586 = arith.constant 0 : i32
    %dma_wait3A_587 = arith.constant 0 : i32
    %dma_wait3A_588 = tpu.memref_slice %arg14[%dma_wait3A_584, %dma_wait3A_586, %dma_wait3A_587] : memref<2x128x128xf32, #tpu.memory_space<vmem>> -> memref<1x128x128xf32, #tpu.memory_space<vmem>>
    %dma_wait3A_589 = tpu.memref_squeeze %dma_wait3A_588 : memref<1x128x128xf32, #tpu.memory_space<vmem>> -> memref<128x128xf32, #tpu.memory_space<vmem>>
    %dma_wait3A_590 = arith.constant 0 : i32
    %dma_wait3A_591 = arith.constant 0 : i32
    %dma_wait3A_592 = tpu.memref_slice %arg3[%dma_wait3A_590, %dma_wait3A_591] : memref<32768x128xf32, #tpu.memory_space<hbm>> -> memref<128x128xf32, #tpu.memory_space<hbm>>
    %dma_wait3A_593 = tpu.memref_slice %arg18[%dma_wait3A_585] : memref<2x!tpu.dma_semaphore, #tpu.memory_space<semaphore_mem>> -> memref<1x!tpu.dma_semaphore, #tpu.memory_space<semaphore_mem>>
    %dma_wait3A_594 = tpu.memref_squeeze %dma_wait3A_593 : memref<1x!tpu.dma_semaphore, #tpu.memory_space<semaphore_mem>> -> memref<!tpu.dma_semaphore, #tpu.memory_space<semaphore_mem>>
    %dma_wait3A_595 = arith.constant 0 : i32
    %dma_wait3A_596 = arith.constant 0 : i32
    %dma_wait3A_597 = tpu.memref_slice %arg14[%dma_wait3A_584, %dma_wait3A_595, %dma_wait3A_596] : memref<2x128x128xf32, #tpu.memory_space<vmem>> -> memref<1x128x128xf32, #tpu.memory_space<vmem>>
    %dma_wait3A_598 = tpu.memref_squeeze %dma_wait3A_597 : memref<1x128x128xf32, #tpu.memory_space<vmem>> -> memref<128x128xf32, #tpu.memory_space<vmem>>
    %dma_wait3A_599 = arith.constant 0 : i32
    %dma_wait3A_600 = arith.constant 0 : i32
    %dma_wait3A_601 = tpu.memref_slice %arg3[%dma_wait3A_599, %dma_wait3A_600] : memref<32768x128xf32, #tpu.memory_space<hbm>> -> memref<128x128xf32, #tpu.memory_space<hbm>>
    tpu.wait_dma2 semaphore(%dma_wait3A_594 : memref<!tpu.dma_semaphore, #tpu.memory_space<semaphore_mem>>) src(%dma_wait3A_601 : memref<128x128xf32, #tpu.memory_space<hbm>>) dst(%dma_wait3A_598 : memref<128x128xf32, #tpu.memory_space<vmem>>)
    %run_scoped3A_602 = arith.constant 1 : i32
    %run_scoped3A_603 = arith.constant 1 : i32
    "tpu.region"() ({
      %run_scoped3A_1096 = tpu.sem_alloc : memref<!tpu.dma_semaphore, #tpu.memory_space<semaphore_mem>>
      %dma_start3A_1097 = arith.constant 0 : i32
      %dma_start3A_1098 = arith.constant 0 : i32
      %dma_start3A_1099 = tpu.memref_slice %arg13[%run_scoped3A_602, %dma_start3A_1097, %dma_start3A_1098] : memref<2x128x128xf32, #tpu.memory_space<vmem>> -> memref<1x128x128xf32, #tpu.memory_space<vmem>>
      %dma_start3A_1100 = tpu.memref_squeeze %dma_start3A_1099 : memref<1x128x128xf32, #tpu.memory_space<vmem>> -> memref<128x128xf32, #tpu.memory_space<vmem>>
      %dma_start3A_1101 = arith.constant 0 : i32
      %dma_start3A_1102 = tpu.memref_slice %arg15[%run_scoped3A_603, %dma_start3A_1101] : memref<2x128xi32, #tpu.memory_space<vmem>> -> memref<1x128xi32, #tpu.memory_space<vmem>>
      %dma_start3A_1103 = tpu.memref_squeeze %dma_start3A_1102 : memref<1x128xi32, #tpu.memory_space<vmem>> -> memref<128xi32, #tpu.memory_space<vmem>>
      %dma_start3A_1104 = arith.constant 0 : i32
      %dma_start3A_1105 = arith.constant 0 : i32
      %dma_start3A_1106 = tpu.memref_slice %arg10[%dma_start3A_1104, %dma_start3A_1105] : memref<1024x128xf32, #tpu.memory_space<vmem_shared>> -> memref<1024x128xf32, #tpu.memory_space<vmem_shared>>
      tpu.enqueue_indirect_dma source(%dma_start3A_1100 : memref<128x128xf32, #tpu.memory_space<vmem>>) target(%dma_start3A_1106 : memref<1024x128xf32, #tpu.memory_space<vmem_shared>>) offsets(%dma_start3A_1103 : memref<128xi32, #tpu.memory_space<vmem>>) semaphore(%run_scoped3A_1096 : memref<!tpu.dma_semaphore, #tpu.memory_space<semaphore_mem>>) {add = true}
      %dma_wait3A_1107 = arith.constant 0 : i32
      %dma_wait3A_1108 = arith.constant 0 : i32
      %dma_wait3A_1109 = tpu.memref_slice %arg13[%run_scoped3A_602, %dma_wait3A_1107, %dma_wait3A_1108] : memref<2x128x128xf32, #tpu.memory_space<vmem>> -> memref<1x128x128xf32, #tpu.memory_space<vmem>>
      %dma_wait3A_1110 = tpu.memref_squeeze %dma_wait3A_1109 : memref<1x128x128xf32, #tpu.memory_space<vmem>> -> memref<128x128xf32, #tpu.memory_space<vmem>>
      %dma_wait3A_1111 = arith.constant 0 : i32
      %dma_wait3A_1112 = tpu.memref_slice %arg15[%run_scoped3A_603, %dma_wait3A_1111] : memref<2x128xi32, #tpu.memory_space<vmem>> -> memref<1x128xi32, #tpu.memory_space<vmem>>
      %dma_wait3A_1113 = tpu.memref_squeeze %dma_wait3A_1112 : memref<1x128xi32, #tpu.memory_space<vmem>> -> memref<128xi32, #tpu.memory_space<vmem>>
      %dma_wait3A_1114 = arith.constant 0 : i32
      %dma_wait3A_1115 = arith.constant 0 : i32
      %dma_wait3A_1116 = tpu.memref_slice %arg10[%dma_wait3A_1114, %dma_wait3A_1115] : memref<1024x128xf32, #tpu.memory_space<vmem_shared>> -> memref<1024x128xf32, #tpu.memory_space<vmem_shared>>
      tpu.wait_indirect_dma semaphore(%run_scoped3A_1096 : memref<!tpu.dma_semaphore, #tpu.memory_space<semaphore_mem>>) src(%dma_wait3A_1110 : memref<128x128xf32, #tpu.memory_space<vmem>>) dst(%dma_wait3A_1116 : memref<1024x128xf32, #tpu.memory_space<vmem_shared>>)
      tpu.yield
    }) : () -> ()
    %run_scoped3A_604 = arith.constant 1 : i32
    %run_scoped3A_605 = arith.constant 1 : i32
    "tpu.region"() ({
      %run_scoped3A_1096 = tpu.sem_alloc : memref<!tpu.dma_semaphore, #tpu.memory_space<semaphore_mem>>
      %dma_start3A_1097 = arith.constant 0 : i32
      %dma_start3A_1098 = arith.constant 0 : i32
      %dma_start3A_1099 = tpu.memref_slice %arg14[%run_scoped3A_604, %dma_start3A_1097, %dma_start3A_1098] : memref<2x128x128xf32, #tpu.memory_space<vmem>> -> memref<1x128x128xf32, #tpu.memory_space<vmem>>
      %dma_start3A_1100 = tpu.memref_squeeze %dma_start3A_1099 : memref<1x128x128xf32, #tpu.memory_space<vmem>> -> memref<128x128xf32, #tpu.memory_space<vmem>>
      %dma_start3A_1101 = arith.constant 0 : i32
      %dma_start3A_1102 = tpu.memref_slice %arg15[%run_scoped3A_605, %dma_start3A_1101] : memref<2x128xi32, #tpu.memory_space<vmem>> -> memref<1x128xi32, #tpu.memory_space<vmem>>
      %dma_start3A_1103 = tpu.memref_squeeze %dma_start3A_1102 : memref<1x128xi32, #tpu.memory_space<vmem>> -> memref<128xi32, #tpu.memory_space<vmem>>
      %dma_start3A_1104 = arith.constant 0 : i32
      %dma_start3A_1105 = arith.constant 0 : i32
      %dma_start3A_1106 = tpu.memref_slice %arg11[%dma_start3A_1104, %dma_start3A_1105] : memref<1024x128xf32, #tpu.memory_space<vmem_shared>> -> memref<1024x128xf32, #tpu.memory_space<vmem_shared>>
      tpu.enqueue_indirect_dma source(%dma_start3A_1100 : memref<128x128xf32, #tpu.memory_space<vmem>>) target(%dma_start3A_1106 : memref<1024x128xf32, #tpu.memory_space<vmem_shared>>) offsets(%dma_start3A_1103 : memref<128xi32, #tpu.memory_space<vmem>>) semaphore(%run_scoped3A_1096 : memref<!tpu.dma_semaphore, #tpu.memory_space<semaphore_mem>>) {add = true}
      %dma_wait3A_1107 = arith.constant 0 : i32
      %dma_wait3A_1108 = arith.constant 0 : i32
      %dma_wait3A_1109 = tpu.memref_slice %arg14[%run_scoped3A_604, %dma_wait3A_1107, %dma_wait3A_1108] : memref<2x128x128xf32, #tpu.memory_space<vmem>> -> memref<1x128x128xf32, #tpu.memory_space<vmem>>
      %dma_wait3A_1110 = tpu.memref_squeeze %dma_wait3A_1109 : memref<1x128x128xf32, #tpu.memory_space<vmem>> -> memref<128x128xf32, #tpu.memory_space<vmem>>
      %dma_wait3A_1111 = arith.constant 0 : i32
      %dma_wait3A_1112 = tpu.memref_slice %arg15[%run_scoped3A_605, %dma_wait3A_1111] : memref<2x128xi32, #tpu.memory_space<vmem>> -> memref<1x128xi32, #tpu.memory_space<vmem>>
      %dma_wait3A_1113 = tpu.memref_squeeze %dma_wait3A_1112 : memref<1x128xi32, #tpu.memory_space<vmem>> -> memref<128xi32, #tpu.memory_space<vmem>>
      %dma_wait3A_1114 = arith.constant 0 : i32
      %dma_wait3A_1115 = arith.constant 0 : i32
      %dma_wait3A_1116 = tpu.memref_slice %arg11[%dma_wait3A_1114, %dma_wait3A_1115] : memref<1024x128xf32, #tpu.memory_space<vmem_shared>> -> memref<1024x128xf32, #tpu.memory_space<vmem_shared>>
      tpu.wait_indirect_dma semaphore(%run_scoped3A_1096 : memref<!tpu.dma_semaphore, #tpu.memory_space<semaphore_mem>>) src(%dma_wait3A_1110 : memref<128x128xf32, #tpu.memory_space<vmem>>) dst(%dma_wait3A_1116 : memref<1024x128xf32, #tpu.memory_space<vmem_shared>>)
      tpu.yield
    }) : () -> ()
    %run_scoped3A_606 = arith.constant 1 : i32
    %run_scoped3A_607 = arith.constant 1 : i32
    "tpu.region"() ({
      %run_scoped3A_1096 = tpu.sem_alloc : memref<!tpu.dma_semaphore, #tpu.memory_space<semaphore_mem>>
      %dma_start3A_1097 = arith.constant 0 : i32
      %dma_start3A_1098 = arith.constant 0 : i32
      %dma_start3A_1099 = tpu.memref_slice %arg16[%run_scoped3A_606, %dma_start3A_1097, %dma_start3A_1098] : memref<2x128x128xf32, #tpu.memory_space<vmem>> -> memref<1x128x128xf32, #tpu.memory_space<vmem>>
      %dma_start3A_1100 = tpu.memref_squeeze %dma_start3A_1099 : memref<1x128x128xf32, #tpu.memory_space<vmem>> -> memref<128x128xf32, #tpu.memory_space<vmem>>
      %dma_start3A_1101 = arith.constant 0 : i32
      %dma_start3A_1102 = tpu.memref_slice %arg15[%run_scoped3A_607, %dma_start3A_1101] : memref<2x128xi32, #tpu.memory_space<vmem>> -> memref<1x128xi32, #tpu.memory_space<vmem>>
      %dma_start3A_1103 = tpu.memref_squeeze %dma_start3A_1102 : memref<1x128xi32, #tpu.memory_space<vmem>> -> memref<128xi32, #tpu.memory_space<vmem>>
      %dma_start3A_1104 = arith.constant 0 : i32
      %dma_start3A_1105 = arith.constant 0 : i32
      %dma_start3A_1106 = tpu.memref_slice %arg12[%dma_start3A_1104, %dma_start3A_1105] : memref<1024x128xf32, #tpu.memory_space<vmem_shared>> -> memref<1024x128xf32, #tpu.memory_space<vmem_shared>>
      tpu.enqueue_indirect_dma source(%dma_start3A_1100 : memref<128x128xf32, #tpu.memory_space<vmem>>) target(%dma_start3A_1106 : memref<1024x128xf32, #tpu.memory_space<vmem_shared>>) offsets(%dma_start3A_1103 : memref<128xi32, #tpu.memory_space<vmem>>) semaphore(%run_scoped3A_1096 : memref<!tpu.dma_semaphore, #tpu.memory_space<semaphore_mem>>) {add = true}
      %dma_wait3A_1107 = arith.constant 0 : i32
      %dma_wait3A_1108 = arith.constant 0 : i32
      %dma_wait3A_1109 = tpu.memref_slice %arg16[%run_scoped3A_606, %dma_wait3A_1107, %dma_wait3A_1108] : memref<2x128x128xf32, #tpu.memory_space<vmem>> -> memref<1x128x128xf32, #tpu.memory_space<vmem>>
      %dma_wait3A_1110 = tpu.memref_squeeze %dma_wait3A_1109 : memref<1x128x128xf32, #tpu.memory_space<vmem>> -> memref<128x128xf32, #tpu.memory_space<vmem>>
      %dma_wait3A_1111 = arith.constant 0 : i32
      %dma_wait3A_1112 = tpu.memref_slice %arg15[%run_scoped3A_607, %dma_wait3A_1111] : memref<2x128xi32, #tpu.memory_space<vmem>> -> memref<1x128xi32, #tpu.memory_space<vmem>>
      %dma_wait3A_1113 = tpu.memref_squeeze %dma_wait3A_1112 : memref<1x128xi32, #tpu.memory_space<vmem>> -> memref<128xi32, #tpu.memory_space<vmem>>
      %dma_wait3A_1114 = arith.constant 0 : i32
      %dma_wait3A_1115 = arith.constant 0 : i32
      %dma_wait3A_1116 = tpu.memref_slice %arg12[%dma_wait3A_1114, %dma_wait3A_1115] : memref<1024x128xf32, #tpu.memory_space<vmem_shared>> -> memref<1024x128xf32, #tpu.memory_space<vmem_shared>>
      tpu.wait_indirect_dma semaphore(%run_scoped3A_1096 : memref<!tpu.dma_semaphore, #tpu.memory_space<semaphore_mem>>) src(%dma_wait3A_1110 : memref<128x128xf32, #tpu.memory_space<vmem>>) dst(%dma_wait3A_1116 : memref<1024x128xf32, #tpu.memory_space<vmem_shared>>)
      tpu.yield
    }) : () -> ()
    %add3A_608 = arith.constant 640 : i32
    %add3A_609 = arith.addi %mul3A_4, %add3A_608 : i32
    %dma_start3A_610 = arith.constant 1 : i32
    %dma_start3A_611 = arith.constant 1 : i32
    %dma_start3A_612 = arith.constant 0 : i32
    %dma_start3A_613 = tpu.memref_slice %arg15[%dma_start3A_610, %dma_start3A_612] : memref<2x128xi32, #tpu.memory_space<vmem>> -> memref<1x128xi32, #tpu.memory_space<vmem>>
    %dma_start3A_614 = tpu.memref_squeeze %dma_start3A_613 : memref<1x128xi32, #tpu.memory_space<vmem>> -> memref<128xi32, #tpu.memory_space<vmem>>
    %dma_start3A_615 = tpu.memref_slice %arg4[%add3A_609] : memref<32768xi32, #tpu.memory_space<hbm>> -> memref<128xi32, #tpu.memory_space<hbm>>
    %dma_start3A_616 = tpu.memref_slice %arg18[%dma_start3A_611] : memref<2x!tpu.dma_semaphore, #tpu.memory_space<semaphore_mem>> -> memref<1x!tpu.dma_semaphore, #tpu.memory_space<semaphore_mem>>
    %dma_start3A_617 = tpu.memref_squeeze %dma_start3A_616 : memref<1x!tpu.dma_semaphore, #tpu.memory_space<semaphore_mem>> -> memref<!tpu.dma_semaphore, #tpu.memory_space<semaphore_mem>>
    %dma_start3A_618 = arith.constant 0 : i32
    %dma_start3A_619 = tpu.memref_slice %arg15[%dma_start3A_610, %dma_start3A_618] : memref<2x128xi32, #tpu.memory_space<vmem>> -> memref<1x128xi32, #tpu.memory_space<vmem>>
    %dma_start3A_620 = tpu.memref_squeeze %dma_start3A_619 : memref<1x128xi32, #tpu.memory_space<vmem>> -> memref<128xi32, #tpu.memory_space<vmem>>
    %dma_start3A_621 = tpu.memref_slice %arg4[%add3A_609] : memref<32768xi32, #tpu.memory_space<hbm>> -> memref<128xi32, #tpu.memory_space<hbm>>
    tpu.enqueue_dma source(%dma_start3A_621 : memref<128xi32, #tpu.memory_space<hbm>>) target(%dma_start3A_620 : memref<128xi32, #tpu.memory_space<vmem>>) target_semaphore(%dma_start3A_617 : memref<!tpu.dma_semaphore, #tpu.memory_space<semaphore_mem>>)
    %dma_start3A_622 = arith.constant 1 : i32
    %dma_start3A_623 = arith.constant 1 : i32
    %dma_start3A_624 = arith.constant 0 : i32
    %dma_start3A_625 = arith.constant 0 : i32
    %dma_start3A_626 = tpu.memref_slice %arg16[%dma_start3A_622, %dma_start3A_624, %dma_start3A_625] : memref<2x128x128xf32, #tpu.memory_space<vmem>> -> memref<1x128x128xf32, #tpu.memory_space<vmem>>
    %dma_start3A_627 = tpu.memref_squeeze %dma_start3A_626 : memref<1x128x128xf32, #tpu.memory_space<vmem>> -> memref<128x128xf32, #tpu.memory_space<vmem>>
    %dma_start3A_628 = arith.constant 0 : i32
    %dma_start3A_629 = tpu.memref_slice %arg5[%add3A_609, %dma_start3A_628] : memref<32768x128xf32, #tpu.memory_space<hbm>> -> memref<128x128xf32, #tpu.memory_space<hbm>>
    %dma_start3A_630 = tpu.memref_slice %arg18[%dma_start3A_623] : memref<2x!tpu.dma_semaphore, #tpu.memory_space<semaphore_mem>> -> memref<1x!tpu.dma_semaphore, #tpu.memory_space<semaphore_mem>>
    %dma_start3A_631 = tpu.memref_squeeze %dma_start3A_630 : memref<1x!tpu.dma_semaphore, #tpu.memory_space<semaphore_mem>> -> memref<!tpu.dma_semaphore, #tpu.memory_space<semaphore_mem>>
    %dma_start3A_632 = arith.constant 0 : i32
    %dma_start3A_633 = arith.constant 0 : i32
    %dma_start3A_634 = tpu.memref_slice %arg16[%dma_start3A_622, %dma_start3A_632, %dma_start3A_633] : memref<2x128x128xf32, #tpu.memory_space<vmem>> -> memref<1x128x128xf32, #tpu.memory_space<vmem>>
    %dma_start3A_635 = tpu.memref_squeeze %dma_start3A_634 : memref<1x128x128xf32, #tpu.memory_space<vmem>> -> memref<128x128xf32, #tpu.memory_space<vmem>>
    %dma_start3A_636 = arith.constant 0 : i32
    %dma_start3A_637 = tpu.memref_slice %arg5[%add3A_609, %dma_start3A_636] : memref<32768x128xf32, #tpu.memory_space<hbm>> -> memref<128x128xf32, #tpu.memory_space<hbm>>
    tpu.enqueue_dma source(%dma_start3A_637 : memref<128x128xf32, #tpu.memory_space<hbm>>) target(%dma_start3A_635 : memref<128x128xf32, #tpu.memory_space<vmem>>) target_semaphore(%dma_start3A_631 : memref<!tpu.dma_semaphore, #tpu.memory_space<semaphore_mem>>)
    %dma_start3A_638 = arith.constant 1 : i32
    %dma_start3A_639 = arith.constant 1 : i32
    %dma_start3A_640 = arith.constant 0 : i32
    %dma_start3A_641 = arith.constant 0 : i32
    %dma_start3A_642 = tpu.memref_slice %arg13[%dma_start3A_638, %dma_start3A_640, %dma_start3A_641] : memref<2x128x128xf32, #tpu.memory_space<vmem>> -> memref<1x128x128xf32, #tpu.memory_space<vmem>>
    %dma_start3A_643 = tpu.memref_squeeze %dma_start3A_642 : memref<1x128x128xf32, #tpu.memory_space<vmem>> -> memref<128x128xf32, #tpu.memory_space<vmem>>
    %dma_start3A_644 = arith.constant 0 : i32
    %dma_start3A_645 = tpu.memref_slice %arg2[%add3A_609, %dma_start3A_644] : memref<32768x128xf32, #tpu.memory_space<hbm>> -> memref<128x128xf32, #tpu.memory_space<hbm>>
    %dma_start3A_646 = tpu.memref_slice %arg18[%dma_start3A_639] : memref<2x!tpu.dma_semaphore, #tpu.memory_space<semaphore_mem>> -> memref<1x!tpu.dma_semaphore, #tpu.memory_space<semaphore_mem>>
    %dma_start3A_647 = tpu.memref_squeeze %dma_start3A_646 : memref<1x!tpu.dma_semaphore, #tpu.memory_space<semaphore_mem>> -> memref<!tpu.dma_semaphore, #tpu.memory_space<semaphore_mem>>
    %dma_start3A_648 = arith.constant 0 : i32
    %dma_start3A_649 = arith.constant 0 : i32
    %dma_start3A_650 = tpu.memref_slice %arg13[%dma_start3A_638, %dma_start3A_648, %dma_start3A_649] : memref<2x128x128xf32, #tpu.memory_space<vmem>> -> memref<1x128x128xf32, #tpu.memory_space<vmem>>
    %dma_start3A_651 = tpu.memref_squeeze %dma_start3A_650 : memref<1x128x128xf32, #tpu.memory_space<vmem>> -> memref<128x128xf32, #tpu.memory_space<vmem>>
    %dma_start3A_652 = arith.constant 0 : i32
    %dma_start3A_653 = tpu.memref_slice %arg2[%add3A_609, %dma_start3A_652] : memref<32768x128xf32, #tpu.memory_space<hbm>> -> memref<128x128xf32, #tpu.memory_space<hbm>>
    tpu.enqueue_dma source(%dma_start3A_653 : memref<128x128xf32, #tpu.memory_space<hbm>>) target(%dma_start3A_651 : memref<128x128xf32, #tpu.memory_space<vmem>>) target_semaphore(%dma_start3A_647 : memref<!tpu.dma_semaphore, #tpu.memory_space<semaphore_mem>>)
    %dma_start3A_654 = arith.constant 1 : i32
    %dma_start3A_655 = arith.constant 1 : i32
    %dma_start3A_656 = arith.constant 0 : i32
    %dma_start3A_657 = arith.constant 0 : i32
    %dma_start3A_658 = tpu.memref_slice %arg14[%dma_start3A_654, %dma_start3A_656, %dma_start3A_657] : memref<2x128x128xf32, #tpu.memory_space<vmem>> -> memref<1x128x128xf32, #tpu.memory_space<vmem>>
    %dma_start3A_659 = tpu.memref_squeeze %dma_start3A_658 : memref<1x128x128xf32, #tpu.memory_space<vmem>> -> memref<128x128xf32, #tpu.memory_space<vmem>>
    %dma_start3A_660 = arith.constant 0 : i32
    %dma_start3A_661 = tpu.memref_slice %arg3[%add3A_609, %dma_start3A_660] : memref<32768x128xf32, #tpu.memory_space<hbm>> -> memref<128x128xf32, #tpu.memory_space<hbm>>
    %dma_start3A_662 = tpu.memref_slice %arg18[%dma_start3A_655] : memref<2x!tpu.dma_semaphore, #tpu.memory_space<semaphore_mem>> -> memref<1x!tpu.dma_semaphore, #tpu.memory_space<semaphore_mem>>
    %dma_start3A_663 = tpu.memref_squeeze %dma_start3A_662 : memref<1x!tpu.dma_semaphore, #tpu.memory_space<semaphore_mem>> -> memref<!tpu.dma_semaphore, #tpu.memory_space<semaphore_mem>>
    %dma_start3A_664 = arith.constant 0 : i32
    %dma_start3A_665 = arith.constant 0 : i32
    %dma_start3A_666 = tpu.memref_slice %arg14[%dma_start3A_654, %dma_start3A_664, %dma_start3A_665] : memref<2x128x128xf32, #tpu.memory_space<vmem>> -> memref<1x128x128xf32, #tpu.memory_space<vmem>>
    %dma_start3A_667 = tpu.memref_squeeze %dma_start3A_666 : memref<1x128x128xf32, #tpu.memory_space<vmem>> -> memref<128x128xf32, #tpu.memory_space<vmem>>
    %dma_start3A_668 = arith.constant 0 : i32
    %dma_start3A_669 = tpu.memref_slice %arg3[%add3A_609, %dma_start3A_668] : memref<32768x128xf32, #tpu.memory_space<hbm>> -> memref<128x128xf32, #tpu.memory_space<hbm>>
    tpu.enqueue_dma source(%dma_start3A_669 : memref<128x128xf32, #tpu.memory_space<hbm>>) target(%dma_start3A_667 : memref<128x128xf32, #tpu.memory_space<vmem>>) target_semaphore(%dma_start3A_663 : memref<!tpu.dma_semaphore, #tpu.memory_space<semaphore_mem>>)
    %dma_wait3A_670 = arith.constant 0 : i32
    %dma_wait3A_671 = arith.constant 0 : i32
    %dma_wait3A_672 = arith.constant 0 : i32
    %dma_wait3A_673 = tpu.memref_slice %arg15[%dma_wait3A_670, %dma_wait3A_672] : memref<2x128xi32, #tpu.memory_space<vmem>> -> memref<1x128xi32, #tpu.memory_space<vmem>>
    %dma_wait3A_674 = tpu.memref_squeeze %dma_wait3A_673 : memref<1x128xi32, #tpu.memory_space<vmem>> -> memref<128xi32, #tpu.memory_space<vmem>>
    %dma_wait3A_675 = arith.constant 0 : i32
    %dma_wait3A_676 = tpu.memref_slice %arg4[%dma_wait3A_675] : memref<32768xi32, #tpu.memory_space<hbm>> -> memref<128xi32, #tpu.memory_space<hbm>>
    %dma_wait3A_677 = tpu.memref_slice %arg18[%dma_wait3A_671] : memref<2x!tpu.dma_semaphore, #tpu.memory_space<semaphore_mem>> -> memref<1x!tpu.dma_semaphore, #tpu.memory_space<semaphore_mem>>
    %dma_wait3A_678 = tpu.memref_squeeze %dma_wait3A_677 : memref<1x!tpu.dma_semaphore, #tpu.memory_space<semaphore_mem>> -> memref<!tpu.dma_semaphore, #tpu.memory_space<semaphore_mem>>
    %dma_wait3A_679 = arith.constant 0 : i32
    %dma_wait3A_680 = tpu.memref_slice %arg15[%dma_wait3A_670, %dma_wait3A_679] : memref<2x128xi32, #tpu.memory_space<vmem>> -> memref<1x128xi32, #tpu.memory_space<vmem>>
    %dma_wait3A_681 = tpu.memref_squeeze %dma_wait3A_680 : memref<1x128xi32, #tpu.memory_space<vmem>> -> memref<128xi32, #tpu.memory_space<vmem>>
    %dma_wait3A_682 = arith.constant 0 : i32
    %dma_wait3A_683 = tpu.memref_slice %arg4[%dma_wait3A_682] : memref<32768xi32, #tpu.memory_space<hbm>> -> memref<128xi32, #tpu.memory_space<hbm>>
    tpu.wait_dma2 semaphore(%dma_wait3A_678 : memref<!tpu.dma_semaphore, #tpu.memory_space<semaphore_mem>>) src(%dma_wait3A_683 : memref<128xi32, #tpu.memory_space<hbm>>) dst(%dma_wait3A_681 : memref<128xi32, #tpu.memory_space<vmem>>)
    %dma_wait3A_684 = arith.constant 0 : i32
    %dma_wait3A_685 = arith.constant 0 : i32
    %dma_wait3A_686 = arith.constant 0 : i32
    %dma_wait3A_687 = arith.constant 0 : i32
    %dma_wait3A_688 = tpu.memref_slice %arg16[%dma_wait3A_684, %dma_wait3A_686, %dma_wait3A_687] : memref<2x128x128xf32, #tpu.memory_space<vmem>> -> memref<1x128x128xf32, #tpu.memory_space<vmem>>
    %dma_wait3A_689 = tpu.memref_squeeze %dma_wait3A_688 : memref<1x128x128xf32, #tpu.memory_space<vmem>> -> memref<128x128xf32, #tpu.memory_space<vmem>>
    %dma_wait3A_690 = arith.constant 0 : i32
    %dma_wait3A_691 = arith.constant 0 : i32
    %dma_wait3A_692 = tpu.memref_slice %arg5[%dma_wait3A_690, %dma_wait3A_691] : memref<32768x128xf32, #tpu.memory_space<hbm>> -> memref<128x128xf32, #tpu.memory_space<hbm>>
    %dma_wait3A_693 = tpu.memref_slice %arg18[%dma_wait3A_685] : memref<2x!tpu.dma_semaphore, #tpu.memory_space<semaphore_mem>> -> memref<1x!tpu.dma_semaphore, #tpu.memory_space<semaphore_mem>>
    %dma_wait3A_694 = tpu.memref_squeeze %dma_wait3A_693 : memref<1x!tpu.dma_semaphore, #tpu.memory_space<semaphore_mem>> -> memref<!tpu.dma_semaphore, #tpu.memory_space<semaphore_mem>>
    %dma_wait3A_695 = arith.constant 0 : i32
    %dma_wait3A_696 = arith.constant 0 : i32
    %dma_wait3A_697 = tpu.memref_slice %arg16[%dma_wait3A_684, %dma_wait3A_695, %dma_wait3A_696] : memref<2x128x128xf32, #tpu.memory_space<vmem>> -> memref<1x128x128xf32, #tpu.memory_space<vmem>>
    %dma_wait3A_698 = tpu.memref_squeeze %dma_wait3A_697 : memref<1x128x128xf32, #tpu.memory_space<vmem>> -> memref<128x128xf32, #tpu.memory_space<vmem>>
    %dma_wait3A_699 = arith.constant 0 : i32
    %dma_wait3A_700 = arith.constant 0 : i32
    %dma_wait3A_701 = tpu.memref_slice %arg5[%dma_wait3A_699, %dma_wait3A_700] : memref<32768x128xf32, #tpu.memory_space<hbm>> -> memref<128x128xf32, #tpu.memory_space<hbm>>
    tpu.wait_dma2 semaphore(%dma_wait3A_694 : memref<!tpu.dma_semaphore, #tpu.memory_space<semaphore_mem>>) src(%dma_wait3A_701 : memref<128x128xf32, #tpu.memory_space<hbm>>) dst(%dma_wait3A_698 : memref<128x128xf32, #tpu.memory_space<vmem>>)
    %dma_wait3A_702 = arith.constant 0 : i32
    %dma_wait3A_703 = arith.constant 0 : i32
    %dma_wait3A_704 = arith.constant 0 : i32
    %dma_wait3A_705 = arith.constant 0 : i32
    %dma_wait3A_706 = tpu.memref_slice %arg13[%dma_wait3A_702, %dma_wait3A_704, %dma_wait3A_705] : memref<2x128x128xf32, #tpu.memory_space<vmem>> -> memref<1x128x128xf32, #tpu.memory_space<vmem>>
    %dma_wait3A_707 = tpu.memref_squeeze %dma_wait3A_706 : memref<1x128x128xf32, #tpu.memory_space<vmem>> -> memref<128x128xf32, #tpu.memory_space<vmem>>
    %dma_wait3A_708 = arith.constant 0 : i32
    %dma_wait3A_709 = arith.constant 0 : i32
    %dma_wait3A_710 = tpu.memref_slice %arg2[%dma_wait3A_708, %dma_wait3A_709] : memref<32768x128xf32, #tpu.memory_space<hbm>> -> memref<128x128xf32, #tpu.memory_space<hbm>>
    %dma_wait3A_711 = tpu.memref_slice %arg18[%dma_wait3A_703] : memref<2x!tpu.dma_semaphore, #tpu.memory_space<semaphore_mem>> -> memref<1x!tpu.dma_semaphore, #tpu.memory_space<semaphore_mem>>
    %dma_wait3A_712 = tpu.memref_squeeze %dma_wait3A_711 : memref<1x!tpu.dma_semaphore, #tpu.memory_space<semaphore_mem>> -> memref<!tpu.dma_semaphore, #tpu.memory_space<semaphore_mem>>
    %dma_wait3A_713 = arith.constant 0 : i32
    %dma_wait3A_714 = arith.constant 0 : i32
    %dma_wait3A_715 = tpu.memref_slice %arg13[%dma_wait3A_702, %dma_wait3A_713, %dma_wait3A_714] : memref<2x128x128xf32, #tpu.memory_space<vmem>> -> memref<1x128x128xf32, #tpu.memory_space<vmem>>
    %dma_wait3A_716 = tpu.memref_squeeze %dma_wait3A_715 : memref<1x128x128xf32, #tpu.memory_space<vmem>> -> memref<128x128xf32, #tpu.memory_space<vmem>>
    %dma_wait3A_717 = arith.constant 0 : i32
    %dma_wait3A_718 = arith.constant 0 : i32
    %dma_wait3A_719 = tpu.memref_slice %arg2[%dma_wait3A_717, %dma_wait3A_718] : memref<32768x128xf32, #tpu.memory_space<hbm>> -> memref<128x128xf32, #tpu.memory_space<hbm>>
    tpu.wait_dma2 semaphore(%dma_wait3A_712 : memref<!tpu.dma_semaphore, #tpu.memory_space<semaphore_mem>>) src(%dma_wait3A_719 : memref<128x128xf32, #tpu.memory_space<hbm>>) dst(%dma_wait3A_716 : memref<128x128xf32, #tpu.memory_space<vmem>>)
    %dma_wait3A_720 = arith.constant 0 : i32
    %dma_wait3A_721 = arith.constant 0 : i32
    %dma_wait3A_722 = arith.constant 0 : i32
    %dma_wait3A_723 = arith.constant 0 : i32
    %dma_wait3A_724 = tpu.memref_slice %arg14[%dma_wait3A_720, %dma_wait3A_722, %dma_wait3A_723] : memref<2x128x128xf32, #tpu.memory_space<vmem>> -> memref<1x128x128xf32, #tpu.memory_space<vmem>>
    %dma_wait3A_725 = tpu.memref_squeeze %dma_wait3A_724 : memref<1x128x128xf32, #tpu.memory_space<vmem>> -> memref<128x128xf32, #tpu.memory_space<vmem>>
    %dma_wait3A_726 = arith.constant 0 : i32
    %dma_wait3A_727 = arith.constant 0 : i32
    %dma_wait3A_728 = tpu.memref_slice %arg3[%dma_wait3A_726, %dma_wait3A_727] : memref<32768x128xf32, #tpu.memory_space<hbm>> -> memref<128x128xf32, #tpu.memory_space<hbm>>
    %dma_wait3A_729 = tpu.memref_slice %arg18[%dma_wait3A_721] : memref<2x!tpu.dma_semaphore, #tpu.memory_space<semaphore_mem>> -> memref<1x!tpu.dma_semaphore, #tpu.memory_space<semaphore_mem>>
    %dma_wait3A_730 = tpu.memref_squeeze %dma_wait3A_729 : memref<1x!tpu.dma_semaphore, #tpu.memory_space<semaphore_mem>> -> memref<!tpu.dma_semaphore, #tpu.memory_space<semaphore_mem>>
    %dma_wait3A_731 = arith.constant 0 : i32
    %dma_wait3A_732 = arith.constant 0 : i32
    %dma_wait3A_733 = tpu.memref_slice %arg14[%dma_wait3A_720, %dma_wait3A_731, %dma_wait3A_732] : memref<2x128x128xf32, #tpu.memory_space<vmem>> -> memref<1x128x128xf32, #tpu.memory_space<vmem>>
    %dma_wait3A_734 = tpu.memref_squeeze %dma_wait3A_733 : memref<1x128x128xf32, #tpu.memory_space<vmem>> -> memref<128x128xf32, #tpu.memory_space<vmem>>
    %dma_wait3A_735 = arith.constant 0 : i32
    %dma_wait3A_736 = arith.constant 0 : i32
    %dma_wait3A_737 = tpu.memref_slice %arg3[%dma_wait3A_735, %dma_wait3A_736] : memref<32768x128xf32, #tpu.memory_space<hbm>> -> memref<128x128xf32, #tpu.memory_space<hbm>>
    tpu.wait_dma2 semaphore(%dma_wait3A_730 : memref<!tpu.dma_semaphore, #tpu.memory_space<semaphore_mem>>) src(%dma_wait3A_737 : memref<128x128xf32, #tpu.memory_space<hbm>>) dst(%dma_wait3A_734 : memref<128x128xf32, #tpu.memory_space<vmem>>)
    %run_scoped3A_738 = arith.constant 0 : i32
    %run_scoped3A_739 = arith.constant 0 : i32
    "tpu.region"() ({
      %run_scoped3A_1096 = tpu.sem_alloc : memref<!tpu.dma_semaphore, #tpu.memory_space<semaphore_mem>>
      %dma_start3A_1097 = arith.constant 0 : i32
      %dma_start3A_1098 = arith.constant 0 : i32
      %dma_start3A_1099 = tpu.memref_slice %arg13[%run_scoped3A_738, %dma_start3A_1097, %dma_start3A_1098] : memref<2x128x128xf32, #tpu.memory_space<vmem>> -> memref<1x128x128xf32, #tpu.memory_space<vmem>>
      %dma_start3A_1100 = tpu.memref_squeeze %dma_start3A_1099 : memref<1x128x128xf32, #tpu.memory_space<vmem>> -> memref<128x128xf32, #tpu.memory_space<vmem>>
      %dma_start3A_1101 = arith.constant 0 : i32
      %dma_start3A_1102 = tpu.memref_slice %arg15[%run_scoped3A_739, %dma_start3A_1101] : memref<2x128xi32, #tpu.memory_space<vmem>> -> memref<1x128xi32, #tpu.memory_space<vmem>>
      %dma_start3A_1103 = tpu.memref_squeeze %dma_start3A_1102 : memref<1x128xi32, #tpu.memory_space<vmem>> -> memref<128xi32, #tpu.memory_space<vmem>>
      %dma_start3A_1104 = arith.constant 0 : i32
      %dma_start3A_1105 = arith.constant 0 : i32
      %dma_start3A_1106 = tpu.memref_slice %arg10[%dma_start3A_1104, %dma_start3A_1105] : memref<1024x128xf32, #tpu.memory_space<vmem_shared>> -> memref<1024x128xf32, #tpu.memory_space<vmem_shared>>
      tpu.enqueue_indirect_dma source(%dma_start3A_1100 : memref<128x128xf32, #tpu.memory_space<vmem>>) target(%dma_start3A_1106 : memref<1024x128xf32, #tpu.memory_space<vmem_shared>>) offsets(%dma_start3A_1103 : memref<128xi32, #tpu.memory_space<vmem>>) semaphore(%run_scoped3A_1096 : memref<!tpu.dma_semaphore, #tpu.memory_space<semaphore_mem>>) {add = true}
      %dma_wait3A_1107 = arith.constant 0 : i32
      %dma_wait3A_1108 = arith.constant 0 : i32
      %dma_wait3A_1109 = tpu.memref_slice %arg13[%run_scoped3A_738, %dma_wait3A_1107, %dma_wait3A_1108] : memref<2x128x128xf32, #tpu.memory_space<vmem>> -> memref<1x128x128xf32, #tpu.memory_space<vmem>>
      %dma_wait3A_1110 = tpu.memref_squeeze %dma_wait3A_1109 : memref<1x128x128xf32, #tpu.memory_space<vmem>> -> memref<128x128xf32, #tpu.memory_space<vmem>>
      %dma_wait3A_1111 = arith.constant 0 : i32
      %dma_wait3A_1112 = tpu.memref_slice %arg15[%run_scoped3A_739, %dma_wait3A_1111] : memref<2x128xi32, #tpu.memory_space<vmem>> -> memref<1x128xi32, #tpu.memory_space<vmem>>
      %dma_wait3A_1113 = tpu.memref_squeeze %dma_wait3A_1112 : memref<1x128xi32, #tpu.memory_space<vmem>> -> memref<128xi32, #tpu.memory_space<vmem>>
      %dma_wait3A_1114 = arith.constant 0 : i32
      %dma_wait3A_1115 = arith.constant 0 : i32
      %dma_wait3A_1116 = tpu.memref_slice %arg10[%dma_wait3A_1114, %dma_wait3A_1115] : memref<1024x128xf32, #tpu.memory_space<vmem_shared>> -> memref<1024x128xf32, #tpu.memory_space<vmem_shared>>
      tpu.wait_indirect_dma semaphore(%run_scoped3A_1096 : memref<!tpu.dma_semaphore, #tpu.memory_space<semaphore_mem>>) src(%dma_wait3A_1110 : memref<128x128xf32, #tpu.memory_space<vmem>>) dst(%dma_wait3A_1116 : memref<1024x128xf32, #tpu.memory_space<vmem_shared>>)
      tpu.yield
    }) : () -> ()
    %run_scoped3A_740 = arith.constant 0 : i32
    %run_scoped3A_741 = arith.constant 0 : i32
    "tpu.region"() ({
      %run_scoped3A_1096 = tpu.sem_alloc : memref<!tpu.dma_semaphore, #tpu.memory_space<semaphore_mem>>
      %dma_start3A_1097 = arith.constant 0 : i32
      %dma_start3A_1098 = arith.constant 0 : i32
      %dma_start3A_1099 = tpu.memref_slice %arg14[%run_scoped3A_740, %dma_start3A_1097, %dma_start3A_1098] : memref<2x128x128xf32, #tpu.memory_space<vmem>> -> memref<1x128x128xf32, #tpu.memory_space<vmem>>
      %dma_start3A_1100 = tpu.memref_squeeze %dma_start3A_1099 : memref<1x128x128xf32, #tpu.memory_space<vmem>> -> memref<128x128xf32, #tpu.memory_space<vmem>>
      %dma_start3A_1101 = arith.constant 0 : i32
      %dma_start3A_1102 = tpu.memref_slice %arg15[%run_scoped3A_741, %dma_start3A_1101] : memref<2x128xi32, #tpu.memory_space<vmem>> -> memref<1x128xi32, #tpu.memory_space<vmem>>
      %dma_start3A_1103 = tpu.memref_squeeze %dma_start3A_1102 : memref<1x128xi32, #tpu.memory_space<vmem>> -> memref<128xi32, #tpu.memory_space<vmem>>
      %dma_start3A_1104 = arith.constant 0 : i32
      %dma_start3A_1105 = arith.constant 0 : i32
      %dma_start3A_1106 = tpu.memref_slice %arg11[%dma_start3A_1104, %dma_start3A_1105] : memref<1024x128xf32, #tpu.memory_space<vmem_shared>> -> memref<1024x128xf32, #tpu.memory_space<vmem_shared>>
      tpu.enqueue_indirect_dma source(%dma_start3A_1100 : memref<128x128xf32, #tpu.memory_space<vmem>>) target(%dma_start3A_1106 : memref<1024x128xf32, #tpu.memory_space<vmem_shared>>) offsets(%dma_start3A_1103 : memref<128xi32, #tpu.memory_space<vmem>>) semaphore(%run_scoped3A_1096 : memref<!tpu.dma_semaphore, #tpu.memory_space<semaphore_mem>>) {add = true}
      %dma_wait3A_1107 = arith.constant 0 : i32
      %dma_wait3A_1108 = arith.constant 0 : i32
      %dma_wait3A_1109 = tpu.memref_slice %arg14[%run_scoped3A_740, %dma_wait3A_1107, %dma_wait3A_1108] : memref<2x128x128xf32, #tpu.memory_space<vmem>> -> memref<1x128x128xf32, #tpu.memory_space<vmem>>
      %dma_wait3A_1110 = tpu.memref_squeeze %dma_wait3A_1109 : memref<1x128x128xf32, #tpu.memory_space<vmem>> -> memref<128x128xf32, #tpu.memory_space<vmem>>
      %dma_wait3A_1111 = arith.constant 0 : i32
      %dma_wait3A_1112 = tpu.memref_slice %arg15[%run_scoped3A_741, %dma_wait3A_1111] : memref<2x128xi32, #tpu.memory_space<vmem>> -> memref<1x128xi32, #tpu.memory_space<vmem>>
      %dma_wait3A_1113 = tpu.memref_squeeze %dma_wait3A_1112 : memref<1x128xi32, #tpu.memory_space<vmem>> -> memref<128xi32, #tpu.memory_space<vmem>>
      %dma_wait3A_1114 = arith.constant 0 : i32
      %dma_wait3A_1115 = arith.constant 0 : i32
      %dma_wait3A_1116 = tpu.memref_slice %arg11[%dma_wait3A_1114, %dma_wait3A_1115] : memref<1024x128xf32, #tpu.memory_space<vmem_shared>> -> memref<1024x128xf32, #tpu.memory_space<vmem_shared>>
      tpu.wait_indirect_dma semaphore(%run_scoped3A_1096 : memref<!tpu.dma_semaphore, #tpu.memory_space<semaphore_mem>>) src(%dma_wait3A_1110 : memref<128x128xf32, #tpu.memory_space<vmem>>) dst(%dma_wait3A_1116 : memref<1024x128xf32, #tpu.memory_space<vmem_shared>>)
      tpu.yield
    }) : () -> ()
    %run_scoped3A_742 = arith.constant 0 : i32
    %run_scoped3A_743 = arith.constant 0 : i32
    "tpu.region"() ({
      %run_scoped3A_1096 = tpu.sem_alloc : memref<!tpu.dma_semaphore, #tpu.memory_space<semaphore_mem>>
      %dma_start3A_1097 = arith.constant 0 : i32
      %dma_start3A_1098 = arith.constant 0 : i32
      %dma_start3A_1099 = tpu.memref_slice %arg16[%run_scoped3A_742, %dma_start3A_1097, %dma_start3A_1098] : memref<2x128x128xf32, #tpu.memory_space<vmem>> -> memref<1x128x128xf32, #tpu.memory_space<vmem>>
      %dma_start3A_1100 = tpu.memref_squeeze %dma_start3A_1099 : memref<1x128x128xf32, #tpu.memory_space<vmem>> -> memref<128x128xf32, #tpu.memory_space<vmem>>
      %dma_start3A_1101 = arith.constant 0 : i32
      %dma_start3A_1102 = tpu.memref_slice %arg15[%run_scoped3A_743, %dma_start3A_1101] : memref<2x128xi32, #tpu.memory_space<vmem>> -> memref<1x128xi32, #tpu.memory_space<vmem>>
      %dma_start3A_1103 = tpu.memref_squeeze %dma_start3A_1102 : memref<1x128xi32, #tpu.memory_space<vmem>> -> memref<128xi32, #tpu.memory_space<vmem>>
      %dma_start3A_1104 = arith.constant 0 : i32
      %dma_start3A_1105 = arith.constant 0 : i32
      %dma_start3A_1106 = tpu.memref_slice %arg12[%dma_start3A_1104, %dma_start3A_1105] : memref<1024x128xf32, #tpu.memory_space<vmem_shared>> -> memref<1024x128xf32, #tpu.memory_space<vmem_shared>>
      tpu.enqueue_indirect_dma source(%dma_start3A_1100 : memref<128x128xf32, #tpu.memory_space<vmem>>) target(%dma_start3A_1106 : memref<1024x128xf32, #tpu.memory_space<vmem_shared>>) offsets(%dma_start3A_1103 : memref<128xi32, #tpu.memory_space<vmem>>) semaphore(%run_scoped3A_1096 : memref<!tpu.dma_semaphore, #tpu.memory_space<semaphore_mem>>) {add = true}
      %dma_wait3A_1107 = arith.constant 0 : i32
      %dma_wait3A_1108 = arith.constant 0 : i32
      %dma_wait3A_1109 = tpu.memref_slice %arg16[%run_scoped3A_742, %dma_wait3A_1107, %dma_wait3A_1108] : memref<2x128x128xf32, #tpu.memory_space<vmem>> -> memref<1x128x128xf32, #tpu.memory_space<vmem>>
      %dma_wait3A_1110 = tpu.memref_squeeze %dma_wait3A_1109 : memref<1x128x128xf32, #tpu.memory_space<vmem>> -> memref<128x128xf32, #tpu.memory_space<vmem>>
      %dma_wait3A_1111 = arith.constant 0 : i32
      %dma_wait3A_1112 = tpu.memref_slice %arg15[%run_scoped3A_743, %dma_wait3A_1111] : memref<2x128xi32, #tpu.memory_space<vmem>> -> memref<1x128xi32, #tpu.memory_space<vmem>>
      %dma_wait3A_1113 = tpu.memref_squeeze %dma_wait3A_1112 : memref<1x128xi32, #tpu.memory_space<vmem>> -> memref<128xi32, #tpu.memory_space<vmem>>
      %dma_wait3A_1114 = arith.constant 0 : i32
      %dma_wait3A_1115 = arith.constant 0 : i32
      %dma_wait3A_1116 = tpu.memref_slice %arg12[%dma_wait3A_1114, %dma_wait3A_1115] : memref<1024x128xf32, #tpu.memory_space<vmem_shared>> -> memref<1024x128xf32, #tpu.memory_space<vmem_shared>>
      tpu.wait_indirect_dma semaphore(%run_scoped3A_1096 : memref<!tpu.dma_semaphore, #tpu.memory_space<semaphore_mem>>) src(%dma_wait3A_1110 : memref<128x128xf32, #tpu.memory_space<vmem>>) dst(%dma_wait3A_1116 : memref<1024x128xf32, #tpu.memory_space<vmem_shared>>)
      tpu.yield
    }) : () -> ()
    %add3A_744 = arith.constant 768 : i32
    %add3A_745 = arith.addi %mul3A_4, %add3A_744 : i32
    %dma_start3A_746 = arith.constant 0 : i32
    %dma_start3A_747 = arith.constant 0 : i32
    %dma_start3A_748 = arith.constant 0 : i32
    %dma_start3A_749 = tpu.memref_slice %arg15[%dma_start3A_746, %dma_start3A_748] : memref<2x128xi32, #tpu.memory_space<vmem>> -> memref<1x128xi32, #tpu.memory_space<vmem>>
    %dma_start3A_750 = tpu.memref_squeeze %dma_start3A_749 : memref<1x128xi32, #tpu.memory_space<vmem>> -> memref<128xi32, #tpu.memory_space<vmem>>
    %dma_start3A_751 = tpu.memref_slice %arg4[%add3A_745] : memref<32768xi32, #tpu.memory_space<hbm>> -> memref<128xi32, #tpu.memory_space<hbm>>
    %dma_start3A_752 = tpu.memref_slice %arg18[%dma_start3A_747] : memref<2x!tpu.dma_semaphore, #tpu.memory_space<semaphore_mem>> -> memref<1x!tpu.dma_semaphore, #tpu.memory_space<semaphore_mem>>
    %dma_start3A_753 = tpu.memref_squeeze %dma_start3A_752 : memref<1x!tpu.dma_semaphore, #tpu.memory_space<semaphore_mem>> -> memref<!tpu.dma_semaphore, #tpu.memory_space<semaphore_mem>>
    %dma_start3A_754 = arith.constant 0 : i32
    %dma_start3A_755 = tpu.memref_slice %arg15[%dma_start3A_746, %dma_start3A_754] : memref<2x128xi32, #tpu.memory_space<vmem>> -> memref<1x128xi32, #tpu.memory_space<vmem>>
    %dma_start3A_756 = tpu.memref_squeeze %dma_start3A_755 : memref<1x128xi32, #tpu.memory_space<vmem>> -> memref<128xi32, #tpu.memory_space<vmem>>
    %dma_start3A_757 = tpu.memref_slice %arg4[%add3A_745] : memref<32768xi32, #tpu.memory_space<hbm>> -> memref<128xi32, #tpu.memory_space<hbm>>
    tpu.enqueue_dma source(%dma_start3A_757 : memref<128xi32, #tpu.memory_space<hbm>>) target(%dma_start3A_756 : memref<128xi32, #tpu.memory_space<vmem>>) target_semaphore(%dma_start3A_753 : memref<!tpu.dma_semaphore, #tpu.memory_space<semaphore_mem>>)
    %dma_start3A_758 = arith.constant 0 : i32
    %dma_start3A_759 = arith.constant 0 : i32
    %dma_start3A_760 = arith.constant 0 : i32
    %dma_start3A_761 = arith.constant 0 : i32
    %dma_start3A_762 = tpu.memref_slice %arg16[%dma_start3A_758, %dma_start3A_760, %dma_start3A_761] : memref<2x128x128xf32, #tpu.memory_space<vmem>> -> memref<1x128x128xf32, #tpu.memory_space<vmem>>
    %dma_start3A_763 = tpu.memref_squeeze %dma_start3A_762 : memref<1x128x128xf32, #tpu.memory_space<vmem>> -> memref<128x128xf32, #tpu.memory_space<vmem>>
    %dma_start3A_764 = arith.constant 0 : i32
    %dma_start3A_765 = tpu.memref_slice %arg5[%add3A_745, %dma_start3A_764] : memref<32768x128xf32, #tpu.memory_space<hbm>> -> memref<128x128xf32, #tpu.memory_space<hbm>>
    %dma_start3A_766 = tpu.memref_slice %arg18[%dma_start3A_759] : memref<2x!tpu.dma_semaphore, #tpu.memory_space<semaphore_mem>> -> memref<1x!tpu.dma_semaphore, #tpu.memory_space<semaphore_mem>>
    %dma_start3A_767 = tpu.memref_squeeze %dma_start3A_766 : memref<1x!tpu.dma_semaphore, #tpu.memory_space<semaphore_mem>> -> memref<!tpu.dma_semaphore, #tpu.memory_space<semaphore_mem>>
    %dma_start3A_768 = arith.constant 0 : i32
    %dma_start3A_769 = arith.constant 0 : i32
    %dma_start3A_770 = tpu.memref_slice %arg16[%dma_start3A_758, %dma_start3A_768, %dma_start3A_769] : memref<2x128x128xf32, #tpu.memory_space<vmem>> -> memref<1x128x128xf32, #tpu.memory_space<vmem>>
    %dma_start3A_771 = tpu.memref_squeeze %dma_start3A_770 : memref<1x128x128xf32, #tpu.memory_space<vmem>> -> memref<128x128xf32, #tpu.memory_space<vmem>>
    %dma_start3A_772 = arith.constant 0 : i32
    %dma_start3A_773 = tpu.memref_slice %arg5[%add3A_745, %dma_start3A_772] : memref<32768x128xf32, #tpu.memory_space<hbm>> -> memref<128x128xf32, #tpu.memory_space<hbm>>
    tpu.enqueue_dma source(%dma_start3A_773 : memref<128x128xf32, #tpu.memory_space<hbm>>) target(%dma_start3A_771 : memref<128x128xf32, #tpu.memory_space<vmem>>) target_semaphore(%dma_start3A_767 : memref<!tpu.dma_semaphore, #tpu.memory_space<semaphore_mem>>)
    %dma_start3A_774 = arith.constant 0 : i32
    %dma_start3A_775 = arith.constant 0 : i32
    %dma_start3A_776 = arith.constant 0 : i32
    %dma_start3A_777 = arith.constant 0 : i32
    %dma_start3A_778 = tpu.memref_slice %arg13[%dma_start3A_774, %dma_start3A_776, %dma_start3A_777] : memref<2x128x128xf32, #tpu.memory_space<vmem>> -> memref<1x128x128xf32, #tpu.memory_space<vmem>>
    %dma_start3A_779 = tpu.memref_squeeze %dma_start3A_778 : memref<1x128x128xf32, #tpu.memory_space<vmem>> -> memref<128x128xf32, #tpu.memory_space<vmem>>
    %dma_start3A_780 = arith.constant 0 : i32
    %dma_start3A_781 = tpu.memref_slice %arg2[%add3A_745, %dma_start3A_780] : memref<32768x128xf32, #tpu.memory_space<hbm>> -> memref<128x128xf32, #tpu.memory_space<hbm>>
    %dma_start3A_782 = tpu.memref_slice %arg18[%dma_start3A_775] : memref<2x!tpu.dma_semaphore, #tpu.memory_space<semaphore_mem>> -> memref<1x!tpu.dma_semaphore, #tpu.memory_space<semaphore_mem>>
    %dma_start3A_783 = tpu.memref_squeeze %dma_start3A_782 : memref<1x!tpu.dma_semaphore, #tpu.memory_space<semaphore_mem>> -> memref<!tpu.dma_semaphore, #tpu.memory_space<semaphore_mem>>
    %dma_start3A_784 = arith.constant 0 : i32
    %dma_start3A_785 = arith.constant 0 : i32
    %dma_start3A_786 = tpu.memref_slice %arg13[%dma_start3A_774, %dma_start3A_784, %dma_start3A_785] : memref<2x128x128xf32, #tpu.memory_space<vmem>> -> memref<1x128x128xf32, #tpu.memory_space<vmem>>
    %dma_start3A_787 = tpu.memref_squeeze %dma_start3A_786 : memref<1x128x128xf32, #tpu.memory_space<vmem>> -> memref<128x128xf32, #tpu.memory_space<vmem>>
    %dma_start3A_788 = arith.constant 0 : i32
    %dma_start3A_789 = tpu.memref_slice %arg2[%add3A_745, %dma_start3A_788] : memref<32768x128xf32, #tpu.memory_space<hbm>> -> memref<128x128xf32, #tpu.memory_space<hbm>>
    tpu.enqueue_dma source(%dma_start3A_789 : memref<128x128xf32, #tpu.memory_space<hbm>>) target(%dma_start3A_787 : memref<128x128xf32, #tpu.memory_space<vmem>>) target_semaphore(%dma_start3A_783 : memref<!tpu.dma_semaphore, #tpu.memory_space<semaphore_mem>>)
    %dma_start3A_790 = arith.constant 0 : i32
    %dma_start3A_791 = arith.constant 0 : i32
    %dma_start3A_792 = arith.constant 0 : i32
    %dma_start3A_793 = arith.constant 0 : i32
    %dma_start3A_794 = tpu.memref_slice %arg14[%dma_start3A_790, %dma_start3A_792, %dma_start3A_793] : memref<2x128x128xf32, #tpu.memory_space<vmem>> -> memref<1x128x128xf32, #tpu.memory_space<vmem>>
    %dma_start3A_795 = tpu.memref_squeeze %dma_start3A_794 : memref<1x128x128xf32, #tpu.memory_space<vmem>> -> memref<128x128xf32, #tpu.memory_space<vmem>>
    %dma_start3A_796 = arith.constant 0 : i32
    %dma_start3A_797 = tpu.memref_slice %arg3[%add3A_745, %dma_start3A_796] : memref<32768x128xf32, #tpu.memory_space<hbm>> -> memref<128x128xf32, #tpu.memory_space<hbm>>
    %dma_start3A_798 = tpu.memref_slice %arg18[%dma_start3A_791] : memref<2x!tpu.dma_semaphore, #tpu.memory_space<semaphore_mem>> -> memref<1x!tpu.dma_semaphore, #tpu.memory_space<semaphore_mem>>
    %dma_start3A_799 = tpu.memref_squeeze %dma_start3A_798 : memref<1x!tpu.dma_semaphore, #tpu.memory_space<semaphore_mem>> -> memref<!tpu.dma_semaphore, #tpu.memory_space<semaphore_mem>>
    %dma_start3A_800 = arith.constant 0 : i32
    %dma_start3A_801 = arith.constant 0 : i32
    %dma_start3A_802 = tpu.memref_slice %arg14[%dma_start3A_790, %dma_start3A_800, %dma_start3A_801] : memref<2x128x128xf32, #tpu.memory_space<vmem>> -> memref<1x128x128xf32, #tpu.memory_space<vmem>>
    %dma_start3A_803 = tpu.memref_squeeze %dma_start3A_802 : memref<1x128x128xf32, #tpu.memory_space<vmem>> -> memref<128x128xf32, #tpu.memory_space<vmem>>
    %dma_start3A_804 = arith.constant 0 : i32
    %dma_start3A_805 = tpu.memref_slice %arg3[%add3A_745, %dma_start3A_804] : memref<32768x128xf32, #tpu.memory_space<hbm>> -> memref<128x128xf32, #tpu.memory_space<hbm>>
    tpu.enqueue_dma source(%dma_start3A_805 : memref<128x128xf32, #tpu.memory_space<hbm>>) target(%dma_start3A_803 : memref<128x128xf32, #tpu.memory_space<vmem>>) target_semaphore(%dma_start3A_799 : memref<!tpu.dma_semaphore, #tpu.memory_space<semaphore_mem>>)
    %dma_wait3A_806 = arith.constant 1 : i32
    %dma_wait3A_807 = arith.constant 1 : i32
    %dma_wait3A_808 = arith.constant 0 : i32
    %dma_wait3A_809 = tpu.memref_slice %arg15[%dma_wait3A_806, %dma_wait3A_808] : memref<2x128xi32, #tpu.memory_space<vmem>> -> memref<1x128xi32, #tpu.memory_space<vmem>>
    %dma_wait3A_810 = tpu.memref_squeeze %dma_wait3A_809 : memref<1x128xi32, #tpu.memory_space<vmem>> -> memref<128xi32, #tpu.memory_space<vmem>>
    %dma_wait3A_811 = arith.constant 0 : i32
    %dma_wait3A_812 = tpu.memref_slice %arg4[%dma_wait3A_811] : memref<32768xi32, #tpu.memory_space<hbm>> -> memref<128xi32, #tpu.memory_space<hbm>>
    %dma_wait3A_813 = tpu.memref_slice %arg18[%dma_wait3A_807] : memref<2x!tpu.dma_semaphore, #tpu.memory_space<semaphore_mem>> -> memref<1x!tpu.dma_semaphore, #tpu.memory_space<semaphore_mem>>
    %dma_wait3A_814 = tpu.memref_squeeze %dma_wait3A_813 : memref<1x!tpu.dma_semaphore, #tpu.memory_space<semaphore_mem>> -> memref<!tpu.dma_semaphore, #tpu.memory_space<semaphore_mem>>
    %dma_wait3A_815 = arith.constant 0 : i32
    %dma_wait3A_816 = tpu.memref_slice %arg15[%dma_wait3A_806, %dma_wait3A_815] : memref<2x128xi32, #tpu.memory_space<vmem>> -> memref<1x128xi32, #tpu.memory_space<vmem>>
    %dma_wait3A_817 = tpu.memref_squeeze %dma_wait3A_816 : memref<1x128xi32, #tpu.memory_space<vmem>> -> memref<128xi32, #tpu.memory_space<vmem>>
    %dma_wait3A_818 = arith.constant 0 : i32
    %dma_wait3A_819 = tpu.memref_slice %arg4[%dma_wait3A_818] : memref<32768xi32, #tpu.memory_space<hbm>> -> memref<128xi32, #tpu.memory_space<hbm>>
    tpu.wait_dma2 semaphore(%dma_wait3A_814 : memref<!tpu.dma_semaphore, #tpu.memory_space<semaphore_mem>>) src(%dma_wait3A_819 : memref<128xi32, #tpu.memory_space<hbm>>) dst(%dma_wait3A_817 : memref<128xi32, #tpu.memory_space<vmem>>)
    %dma_wait3A_820 = arith.constant 1 : i32
    %dma_wait3A_821 = arith.constant 1 : i32
    %dma_wait3A_822 = arith.constant 0 : i32
    %dma_wait3A_823 = arith.constant 0 : i32
    %dma_wait3A_824 = tpu.memref_slice %arg16[%dma_wait3A_820, %dma_wait3A_822, %dma_wait3A_823] : memref<2x128x128xf32, #tpu.memory_space<vmem>> -> memref<1x128x128xf32, #tpu.memory_space<vmem>>
    %dma_wait3A_825 = tpu.memref_squeeze %dma_wait3A_824 : memref<1x128x128xf32, #tpu.memory_space<vmem>> -> memref<128x128xf32, #tpu.memory_space<vmem>>
    %dma_wait3A_826 = arith.constant 0 : i32
    %dma_wait3A_827 = arith.constant 0 : i32
    %dma_wait3A_828 = tpu.memref_slice %arg5[%dma_wait3A_826, %dma_wait3A_827] : memref<32768x128xf32, #tpu.memory_space<hbm>> -> memref<128x128xf32, #tpu.memory_space<hbm>>
    %dma_wait3A_829 = tpu.memref_slice %arg18[%dma_wait3A_821] : memref<2x!tpu.dma_semaphore, #tpu.memory_space<semaphore_mem>> -> memref<1x!tpu.dma_semaphore, #tpu.memory_space<semaphore_mem>>
    %dma_wait3A_830 = tpu.memref_squeeze %dma_wait3A_829 : memref<1x!tpu.dma_semaphore, #tpu.memory_space<semaphore_mem>> -> memref<!tpu.dma_semaphore, #tpu.memory_space<semaphore_mem>>
    %dma_wait3A_831 = arith.constant 0 : i32
    %dma_wait3A_832 = arith.constant 0 : i32
    %dma_wait3A_833 = tpu.memref_slice %arg16[%dma_wait3A_820, %dma_wait3A_831, %dma_wait3A_832] : memref<2x128x128xf32, #tpu.memory_space<vmem>> -> memref<1x128x128xf32, #tpu.memory_space<vmem>>
    %dma_wait3A_834 = tpu.memref_squeeze %dma_wait3A_833 : memref<1x128x128xf32, #tpu.memory_space<vmem>> -> memref<128x128xf32, #tpu.memory_space<vmem>>
    %dma_wait3A_835 = arith.constant 0 : i32
    %dma_wait3A_836 = arith.constant 0 : i32
    %dma_wait3A_837 = tpu.memref_slice %arg5[%dma_wait3A_835, %dma_wait3A_836] : memref<32768x128xf32, #tpu.memory_space<hbm>> -> memref<128x128xf32, #tpu.memory_space<hbm>>
    tpu.wait_dma2 semaphore(%dma_wait3A_830 : memref<!tpu.dma_semaphore, #tpu.memory_space<semaphore_mem>>) src(%dma_wait3A_837 : memref<128x128xf32, #tpu.memory_space<hbm>>) dst(%dma_wait3A_834 : memref<128x128xf32, #tpu.memory_space<vmem>>)
    %dma_wait3A_838 = arith.constant 1 : i32
    %dma_wait3A_839 = arith.constant 1 : i32
    %dma_wait3A_840 = arith.constant 0 : i32
    %dma_wait3A_841 = arith.constant 0 : i32
    %dma_wait3A_842 = tpu.memref_slice %arg13[%dma_wait3A_838, %dma_wait3A_840, %dma_wait3A_841] : memref<2x128x128xf32, #tpu.memory_space<vmem>> -> memref<1x128x128xf32, #tpu.memory_space<vmem>>
    %dma_wait3A_843 = tpu.memref_squeeze %dma_wait3A_842 : memref<1x128x128xf32, #tpu.memory_space<vmem>> -> memref<128x128xf32, #tpu.memory_space<vmem>>
    %dma_wait3A_844 = arith.constant 0 : i32
    %dma_wait3A_845 = arith.constant 0 : i32
    %dma_wait3A_846 = tpu.memref_slice %arg2[%dma_wait3A_844, %dma_wait3A_845] : memref<32768x128xf32, #tpu.memory_space<hbm>> -> memref<128x128xf32, #tpu.memory_space<hbm>>
    %dma_wait3A_847 = tpu.memref_slice %arg18[%dma_wait3A_839] : memref<2x!tpu.dma_semaphore, #tpu.memory_space<semaphore_mem>> -> memref<1x!tpu.dma_semaphore, #tpu.memory_space<semaphore_mem>>
    %dma_wait3A_848 = tpu.memref_squeeze %dma_wait3A_847 : memref<1x!tpu.dma_semaphore, #tpu.memory_space<semaphore_mem>> -> memref<!tpu.dma_semaphore, #tpu.memory_space<semaphore_mem>>
    %dma_wait3A_849 = arith.constant 0 : i32
    %dma_wait3A_850 = arith.constant 0 : i32
    %dma_wait3A_851 = tpu.memref_slice %arg13[%dma_wait3A_838, %dma_wait3A_849, %dma_wait3A_850] : memref<2x128x128xf32, #tpu.memory_space<vmem>> -> memref<1x128x128xf32, #tpu.memory_space<vmem>>
    %dma_wait3A_852 = tpu.memref_squeeze %dma_wait3A_851 : memref<1x128x128xf32, #tpu.memory_space<vmem>> -> memref<128x128xf32, #tpu.memory_space<vmem>>
    %dma_wait3A_853 = arith.constant 0 : i32
    %dma_wait3A_854 = arith.constant 0 : i32
    %dma_wait3A_855 = tpu.memref_slice %arg2[%dma_wait3A_853, %dma_wait3A_854] : memref<32768x128xf32, #tpu.memory_space<hbm>> -> memref<128x128xf32, #tpu.memory_space<hbm>>
    tpu.wait_dma2 semaphore(%dma_wait3A_848 : memref<!tpu.dma_semaphore, #tpu.memory_space<semaphore_mem>>) src(%dma_wait3A_855 : memref<128x128xf32, #tpu.memory_space<hbm>>) dst(%dma_wait3A_852 : memref<128x128xf32, #tpu.memory_space<vmem>>)
    %dma_wait3A_856 = arith.constant 1 : i32
    %dma_wait3A_857 = arith.constant 1 : i32
    %dma_wait3A_858 = arith.constant 0 : i32
    %dma_wait3A_859 = arith.constant 0 : i32
    %dma_wait3A_860 = tpu.memref_slice %arg14[%dma_wait3A_856, %dma_wait3A_858, %dma_wait3A_859] : memref<2x128x128xf32, #tpu.memory_space<vmem>> -> memref<1x128x128xf32, #tpu.memory_space<vmem>>
    %dma_wait3A_861 = tpu.memref_squeeze %dma_wait3A_860 : memref<1x128x128xf32, #tpu.memory_space<vmem>> -> memref<128x128xf32, #tpu.memory_space<vmem>>
    %dma_wait3A_862 = arith.constant 0 : i32
    %dma_wait3A_863 = arith.constant 0 : i32
    %dma_wait3A_864 = tpu.memref_slice %arg3[%dma_wait3A_862, %dma_wait3A_863] : memref<32768x128xf32, #tpu.memory_space<hbm>> -> memref<128x128xf32, #tpu.memory_space<hbm>>
    %dma_wait3A_865 = tpu.memref_slice %arg18[%dma_wait3A_857] : memref<2x!tpu.dma_semaphore, #tpu.memory_space<semaphore_mem>> -> memref<1x!tpu.dma_semaphore, #tpu.memory_space<semaphore_mem>>
    %dma_wait3A_866 = tpu.memref_squeeze %dma_wait3A_865 : memref<1x!tpu.dma_semaphore, #tpu.memory_space<semaphore_mem>> -> memref<!tpu.dma_semaphore, #tpu.memory_space<semaphore_mem>>
    %dma_wait3A_867 = arith.constant 0 : i32
    %dma_wait3A_868 = arith.constant 0 : i32
    %dma_wait3A_869 = tpu.memref_slice %arg14[%dma_wait3A_856, %dma_wait3A_867, %dma_wait3A_868] : memref<2x128x128xf32, #tpu.memory_space<vmem>> -> memref<1x128x128xf32, #tpu.memory_space<vmem>>
    %dma_wait3A_870 = tpu.memref_squeeze %dma_wait3A_869 : memref<1x128x128xf32, #tpu.memory_space<vmem>> -> memref<128x128xf32, #tpu.memory_space<vmem>>
    %dma_wait3A_871 = arith.constant 0 : i32
    %dma_wait3A_872 = arith.constant 0 : i32
    %dma_wait3A_873 = tpu.memref_slice %arg3[%dma_wait3A_871, %dma_wait3A_872] : memref<32768x128xf32, #tpu.memory_space<hbm>> -> memref<128x128xf32, #tpu.memory_space<hbm>>
    tpu.wait_dma2 semaphore(%dma_wait3A_866 : memref<!tpu.dma_semaphore, #tpu.memory_space<semaphore_mem>>) src(%dma_wait3A_873 : memref<128x128xf32, #tpu.memory_space<hbm>>) dst(%dma_wait3A_870 : memref<128x128xf32, #tpu.memory_space<vmem>>)
    %run_scoped3A_874 = arith.constant 1 : i32
    %run_scoped3A_875 = arith.constant 1 : i32
    "tpu.region"() ({
      %run_scoped3A_1096 = tpu.sem_alloc : memref<!tpu.dma_semaphore, #tpu.memory_space<semaphore_mem>>
      %dma_start3A_1097 = arith.constant 0 : i32
      %dma_start3A_1098 = arith.constant 0 : i32
      %dma_start3A_1099 = tpu.memref_slice %arg13[%run_scoped3A_874, %dma_start3A_1097, %dma_start3A_1098] : memref<2x128x128xf32, #tpu.memory_space<vmem>> -> memref<1x128x128xf32, #tpu.memory_space<vmem>>
      %dma_start3A_1100 = tpu.memref_squeeze %dma_start3A_1099 : memref<1x128x128xf32, #tpu.memory_space<vmem>> -> memref<128x128xf32, #tpu.memory_space<vmem>>
      %dma_start3A_1101 = arith.constant 0 : i32
      %dma_start3A_1102 = tpu.memref_slice %arg15[%run_scoped3A_875, %dma_start3A_1101] : memref<2x128xi32, #tpu.memory_space<vmem>> -> memref<1x128xi32, #tpu.memory_space<vmem>>
      %dma_start3A_1103 = tpu.memref_squeeze %dma_start3A_1102 : memref<1x128xi32, #tpu.memory_space<vmem>> -> memref<128xi32, #tpu.memory_space<vmem>>
      %dma_start3A_1104 = arith.constant 0 : i32
      %dma_start3A_1105 = arith.constant 0 : i32
      %dma_start3A_1106 = tpu.memref_slice %arg10[%dma_start3A_1104, %dma_start3A_1105] : memref<1024x128xf32, #tpu.memory_space<vmem_shared>> -> memref<1024x128xf32, #tpu.memory_space<vmem_shared>>
      tpu.enqueue_indirect_dma source(%dma_start3A_1100 : memref<128x128xf32, #tpu.memory_space<vmem>>) target(%dma_start3A_1106 : memref<1024x128xf32, #tpu.memory_space<vmem_shared>>) offsets(%dma_start3A_1103 : memref<128xi32, #tpu.memory_space<vmem>>) semaphore(%run_scoped3A_1096 : memref<!tpu.dma_semaphore, #tpu.memory_space<semaphore_mem>>) {add = true}
      %dma_wait3A_1107 = arith.constant 0 : i32
      %dma_wait3A_1108 = arith.constant 0 : i32
      %dma_wait3A_1109 = tpu.memref_slice %arg13[%run_scoped3A_874, %dma_wait3A_1107, %dma_wait3A_1108] : memref<2x128x128xf32, #tpu.memory_space<vmem>> -> memref<1x128x128xf32, #tpu.memory_space<vmem>>
      %dma_wait3A_1110 = tpu.memref_squeeze %dma_wait3A_1109 : memref<1x128x128xf32, #tpu.memory_space<vmem>> -> memref<128x128xf32, #tpu.memory_space<vmem>>
      %dma_wait3A_1111 = arith.constant 0 : i32
      %dma_wait3A_1112 = tpu.memref_slice %arg15[%run_scoped3A_875, %dma_wait3A_1111] : memref<2x128xi32, #tpu.memory_space<vmem>> -> memref<1x128xi32, #tpu.memory_space<vmem>>
      %dma_wait3A_1113 = tpu.memref_squeeze %dma_wait3A_1112 : memref<1x128xi32, #tpu.memory_space<vmem>> -> memref<128xi32, #tpu.memory_space<vmem>>
      %dma_wait3A_1114 = arith.constant 0 : i32
      %dma_wait3A_1115 = arith.constant 0 : i32
      %dma_wait3A_1116 = tpu.memref_slice %arg10[%dma_wait3A_1114, %dma_wait3A_1115] : memref<1024x128xf32, #tpu.memory_space<vmem_shared>> -> memref<1024x128xf32, #tpu.memory_space<vmem_shared>>
      tpu.wait_indirect_dma semaphore(%run_scoped3A_1096 : memref<!tpu.dma_semaphore, #tpu.memory_space<semaphore_mem>>) src(%dma_wait3A_1110 : memref<128x128xf32, #tpu.memory_space<vmem>>) dst(%dma_wait3A_1116 : memref<1024x128xf32, #tpu.memory_space<vmem_shared>>)
      tpu.yield
    }) : () -> ()
    %run_scoped3A_876 = arith.constant 1 : i32
    %run_scoped3A_877 = arith.constant 1 : i32
    "tpu.region"() ({
      %run_scoped3A_1096 = tpu.sem_alloc : memref<!tpu.dma_semaphore, #tpu.memory_space<semaphore_mem>>
      %dma_start3A_1097 = arith.constant 0 : i32
      %dma_start3A_1098 = arith.constant 0 : i32
      %dma_start3A_1099 = tpu.memref_slice %arg14[%run_scoped3A_876, %dma_start3A_1097, %dma_start3A_1098] : memref<2x128x128xf32, #tpu.memory_space<vmem>> -> memref<1x128x128xf32, #tpu.memory_space<vmem>>
      %dma_start3A_1100 = tpu.memref_squeeze %dma_start3A_1099 : memref<1x128x128xf32, #tpu.memory_space<vmem>> -> memref<128x128xf32, #tpu.memory_space<vmem>>
      %dma_start3A_1101 = arith.constant 0 : i32
      %dma_start3A_1102 = tpu.memref_slice %arg15[%run_scoped3A_877, %dma_start3A_1101] : memref<2x128xi32, #tpu.memory_space<vmem>> -> memref<1x128xi32, #tpu.memory_space<vmem>>
      %dma_start3A_1103 = tpu.memref_squeeze %dma_start3A_1102 : memref<1x128xi32, #tpu.memory_space<vmem>> -> memref<128xi32, #tpu.memory_space<vmem>>
      %dma_start3A_1104 = arith.constant 0 : i32
      %dma_start3A_1105 = arith.constant 0 : i32
      %dma_start3A_1106 = tpu.memref_slice %arg11[%dma_start3A_1104, %dma_start3A_1105] : memref<1024x128xf32, #tpu.memory_space<vmem_shared>> -> memref<1024x128xf32, #tpu.memory_space<vmem_shared>>
      tpu.enqueue_indirect_dma source(%dma_start3A_1100 : memref<128x128xf32, #tpu.memory_space<vmem>>) target(%dma_start3A_1106 : memref<1024x128xf32, #tpu.memory_space<vmem_shared>>) offsets(%dma_start3A_1103 : memref<128xi32, #tpu.memory_space<vmem>>) semaphore(%run_scoped3A_1096 : memref<!tpu.dma_semaphore, #tpu.memory_space<semaphore_mem>>) {add = true}
      %dma_wait3A_1107 = arith.constant 0 : i32
      %dma_wait3A_1108 = arith.constant 0 : i32
      %dma_wait3A_1109 = tpu.memref_slice %arg14[%run_scoped3A_876, %dma_wait3A_1107, %dma_wait3A_1108] : memref<2x128x128xf32, #tpu.memory_space<vmem>> -> memref<1x128x128xf32, #tpu.memory_space<vmem>>
      %dma_wait3A_1110 = tpu.memref_squeeze %dma_wait3A_1109 : memref<1x128x128xf32, #tpu.memory_space<vmem>> -> memref<128x128xf32, #tpu.memory_space<vmem>>
      %dma_wait3A_1111 = arith.constant 0 : i32
      %dma_wait3A_1112 = tpu.memref_slice %arg15[%run_scoped3A_877, %dma_wait3A_1111] : memref<2x128xi32, #tpu.memory_space<vmem>> -> memref<1x128xi32, #tpu.memory_space<vmem>>
      %dma_wait3A_1113 = tpu.memref_squeeze %dma_wait3A_1112 : memref<1x128xi32, #tpu.memory_space<vmem>> -> memref<128xi32, #tpu.memory_space<vmem>>
      %dma_wait3A_1114 = arith.constant 0 : i32
      %dma_wait3A_1115 = arith.constant 0 : i32
      %dma_wait3A_1116 = tpu.memref_slice %arg11[%dma_wait3A_1114, %dma_wait3A_1115] : memref<1024x128xf32, #tpu.memory_space<vmem_shared>> -> memref<1024x128xf32, #tpu.memory_space<vmem_shared>>
      tpu.wait_indirect_dma semaphore(%run_scoped3A_1096 : memref<!tpu.dma_semaphore, #tpu.memory_space<semaphore_mem>>) src(%dma_wait3A_1110 : memref<128x128xf32, #tpu.memory_space<vmem>>) dst(%dma_wait3A_1116 : memref<1024x128xf32, #tpu.memory_space<vmem_shared>>)
      tpu.yield
    }) : () -> ()
    %run_scoped3A_878 = arith.constant 1 : i32
    %run_scoped3A_879 = arith.constant 1 : i32
    "tpu.region"() ({
      %run_scoped3A_1096 = tpu.sem_alloc : memref<!tpu.dma_semaphore, #tpu.memory_space<semaphore_mem>>
      %dma_start3A_1097 = arith.constant 0 : i32
      %dma_start3A_1098 = arith.constant 0 : i32
      %dma_start3A_1099 = tpu.memref_slice %arg16[%run_scoped3A_878, %dma_start3A_1097, %dma_start3A_1098] : memref<2x128x128xf32, #tpu.memory_space<vmem>> -> memref<1x128x128xf32, #tpu.memory_space<vmem>>
      %dma_start3A_1100 = tpu.memref_squeeze %dma_start3A_1099 : memref<1x128x128xf32, #tpu.memory_space<vmem>> -> memref<128x128xf32, #tpu.memory_space<vmem>>
      %dma_start3A_1101 = arith.constant 0 : i32
      %dma_start3A_1102 = tpu.memref_slice %arg15[%run_scoped3A_879, %dma_start3A_1101] : memref<2x128xi32, #tpu.memory_space<vmem>> -> memref<1x128xi32, #tpu.memory_space<vmem>>
      %dma_start3A_1103 = tpu.memref_squeeze %dma_start3A_1102 : memref<1x128xi32, #tpu.memory_space<vmem>> -> memref<128xi32, #tpu.memory_space<vmem>>
      %dma_start3A_1104 = arith.constant 0 : i32
      %dma_start3A_1105 = arith.constant 0 : i32
      %dma_start3A_1106 = tpu.memref_slice %arg12[%dma_start3A_1104, %dma_start3A_1105] : memref<1024x128xf32, #tpu.memory_space<vmem_shared>> -> memref<1024x128xf32, #tpu.memory_space<vmem_shared>>
      tpu.enqueue_indirect_dma source(%dma_start3A_1100 : memref<128x128xf32, #tpu.memory_space<vmem>>) target(%dma_start3A_1106 : memref<1024x128xf32, #tpu.memory_space<vmem_shared>>) offsets(%dma_start3A_1103 : memref<128xi32, #tpu.memory_space<vmem>>) semaphore(%run_scoped3A_1096 : memref<!tpu.dma_semaphore, #tpu.memory_space<semaphore_mem>>) {add = true}
      %dma_wait3A_1107 = arith.constant 0 : i32
      %dma_wait3A_1108 = arith.constant 0 : i32
      %dma_wait3A_1109 = tpu.memref_slice %arg16[%run_scoped3A_878, %dma_wait3A_1107, %dma_wait3A_1108] : memref<2x128x128xf32, #tpu.memory_space<vmem>> -> memref<1x128x128xf32, #tpu.memory_space<vmem>>
      %dma_wait3A_1110 = tpu.memref_squeeze %dma_wait3A_1109 : memref<1x128x128xf32, #tpu.memory_space<vmem>> -> memref<128x128xf32, #tpu.memory_space<vmem>>
      %dma_wait3A_1111 = arith.constant 0 : i32
      %dma_wait3A_1112 = tpu.memref_slice %arg15[%run_scoped3A_879, %dma_wait3A_1111] : memref<2x128xi32, #tpu.memory_space<vmem>> -> memref<1x128xi32, #tpu.memory_space<vmem>>
      %dma_wait3A_1113 = tpu.memref_squeeze %dma_wait3A_1112 : memref<1x128xi32, #tpu.memory_space<vmem>> -> memref<128xi32, #tpu.memory_space<vmem>>
      %dma_wait3A_1114 = arith.constant 0 : i32
      %dma_wait3A_1115 = arith.constant 0 : i32
      %dma_wait3A_1116 = tpu.memref_slice %arg12[%dma_wait3A_1114, %dma_wait3A_1115] : memref<1024x128xf32, #tpu.memory_space<vmem_shared>> -> memref<1024x128xf32, #tpu.memory_space<vmem_shared>>
      tpu.wait_indirect_dma semaphore(%run_scoped3A_1096 : memref<!tpu.dma_semaphore, #tpu.memory_space<semaphore_mem>>) src(%dma_wait3A_1110 : memref<128x128xf32, #tpu.memory_space<vmem>>) dst(%dma_wait3A_1116 : memref<1024x128xf32, #tpu.memory_space<vmem_shared>>)
      tpu.yield
    }) : () -> ()
    %add3A_880 = arith.constant 896 : i32
    %add3A_881 = arith.addi %mul3A_4, %add3A_880 : i32
    %dma_start3A_882 = arith.constant 1 : i32
    %dma_start3A_883 = arith.constant 1 : i32
    %dma_start3A_884 = arith.constant 0 : i32
    %dma_start3A_885 = tpu.memref_slice %arg15[%dma_start3A_882, %dma_start3A_884] : memref<2x128xi32, #tpu.memory_space<vmem>> -> memref<1x128xi32, #tpu.memory_space<vmem>>
    %dma_start3A_886 = tpu.memref_squeeze %dma_start3A_885 : memref<1x128xi32, #tpu.memory_space<vmem>> -> memref<128xi32, #tpu.memory_space<vmem>>
    %dma_start3A_887 = tpu.memref_slice %arg4[%add3A_881] : memref<32768xi32, #tpu.memory_space<hbm>> -> memref<128xi32, #tpu.memory_space<hbm>>
    %dma_start3A_888 = tpu.memref_slice %arg18[%dma_start3A_883] : memref<2x!tpu.dma_semaphore, #tpu.memory_space<semaphore_mem>> -> memref<1x!tpu.dma_semaphore, #tpu.memory_space<semaphore_mem>>
    %dma_start3A_889 = tpu.memref_squeeze %dma_start3A_888 : memref<1x!tpu.dma_semaphore, #tpu.memory_space<semaphore_mem>> -> memref<!tpu.dma_semaphore, #tpu.memory_space<semaphore_mem>>
    %dma_start3A_890 = arith.constant 0 : i32
    %dma_start3A_891 = tpu.memref_slice %arg15[%dma_start3A_882, %dma_start3A_890] : memref<2x128xi32, #tpu.memory_space<vmem>> -> memref<1x128xi32, #tpu.memory_space<vmem>>
    %dma_start3A_892 = tpu.memref_squeeze %dma_start3A_891 : memref<1x128xi32, #tpu.memory_space<vmem>> -> memref<128xi32, #tpu.memory_space<vmem>>
    %dma_start3A_893 = tpu.memref_slice %arg4[%add3A_881] : memref<32768xi32, #tpu.memory_space<hbm>> -> memref<128xi32, #tpu.memory_space<hbm>>
    tpu.enqueue_dma source(%dma_start3A_893 : memref<128xi32, #tpu.memory_space<hbm>>) target(%dma_start3A_892 : memref<128xi32, #tpu.memory_space<vmem>>) target_semaphore(%dma_start3A_889 : memref<!tpu.dma_semaphore, #tpu.memory_space<semaphore_mem>>)
    %dma_start3A_894 = arith.constant 1 : i32
    %dma_start3A_895 = arith.constant 1 : i32
    %dma_start3A_896 = arith.constant 0 : i32
    %dma_start3A_897 = arith.constant 0 : i32
    %dma_start3A_898 = tpu.memref_slice %arg16[%dma_start3A_894, %dma_start3A_896, %dma_start3A_897] : memref<2x128x128xf32, #tpu.memory_space<vmem>> -> memref<1x128x128xf32, #tpu.memory_space<vmem>>
    %dma_start3A_899 = tpu.memref_squeeze %dma_start3A_898 : memref<1x128x128xf32, #tpu.memory_space<vmem>> -> memref<128x128xf32, #tpu.memory_space<vmem>>
    %dma_start3A_900 = arith.constant 0 : i32
    %dma_start3A_901 = tpu.memref_slice %arg5[%add3A_881, %dma_start3A_900] : memref<32768x128xf32, #tpu.memory_space<hbm>> -> memref<128x128xf32, #tpu.memory_space<hbm>>
    %dma_start3A_902 = tpu.memref_slice %arg18[%dma_start3A_895] : memref<2x!tpu.dma_semaphore, #tpu.memory_space<semaphore_mem>> -> memref<1x!tpu.dma_semaphore, #tpu.memory_space<semaphore_mem>>
    %dma_start3A_903 = tpu.memref_squeeze %dma_start3A_902 : memref<1x!tpu.dma_semaphore, #tpu.memory_space<semaphore_mem>> -> memref<!tpu.dma_semaphore, #tpu.memory_space<semaphore_mem>>
    %dma_start3A_904 = arith.constant 0 : i32
    %dma_start3A_905 = arith.constant 0 : i32
    %dma_start3A_906 = tpu.memref_slice %arg16[%dma_start3A_894, %dma_start3A_904, %dma_start3A_905] : memref<2x128x128xf32, #tpu.memory_space<vmem>> -> memref<1x128x128xf32, #tpu.memory_space<vmem>>
    %dma_start3A_907 = tpu.memref_squeeze %dma_start3A_906 : memref<1x128x128xf32, #tpu.memory_space<vmem>> -> memref<128x128xf32, #tpu.memory_space<vmem>>
    %dma_start3A_908 = arith.constant 0 : i32
    %dma_start3A_909 = tpu.memref_slice %arg5[%add3A_881, %dma_start3A_908] : memref<32768x128xf32, #tpu.memory_space<hbm>> -> memref<128x128xf32, #tpu.memory_space<hbm>>
    tpu.enqueue_dma source(%dma_start3A_909 : memref<128x128xf32, #tpu.memory_space<hbm>>) target(%dma_start3A_907 : memref<128x128xf32, #tpu.memory_space<vmem>>) target_semaphore(%dma_start3A_903 : memref<!tpu.dma_semaphore, #tpu.memory_space<semaphore_mem>>)
    %dma_start3A_910 = arith.constant 1 : i32
    %dma_start3A_911 = arith.constant 1 : i32
    %dma_start3A_912 = arith.constant 0 : i32
    %dma_start3A_913 = arith.constant 0 : i32
    %dma_start3A_914 = tpu.memref_slice %arg13[%dma_start3A_910, %dma_start3A_912, %dma_start3A_913] : memref<2x128x128xf32, #tpu.memory_space<vmem>> -> memref<1x128x128xf32, #tpu.memory_space<vmem>>
    %dma_start3A_915 = tpu.memref_squeeze %dma_start3A_914 : memref<1x128x128xf32, #tpu.memory_space<vmem>> -> memref<128x128xf32, #tpu.memory_space<vmem>>
    %dma_start3A_916 = arith.constant 0 : i32
    %dma_start3A_917 = tpu.memref_slice %arg2[%add3A_881, %dma_start3A_916] : memref<32768x128xf32, #tpu.memory_space<hbm>> -> memref<128x128xf32, #tpu.memory_space<hbm>>
    %dma_start3A_918 = tpu.memref_slice %arg18[%dma_start3A_911] : memref<2x!tpu.dma_semaphore, #tpu.memory_space<semaphore_mem>> -> memref<1x!tpu.dma_semaphore, #tpu.memory_space<semaphore_mem>>
    %dma_start3A_919 = tpu.memref_squeeze %dma_start3A_918 : memref<1x!tpu.dma_semaphore, #tpu.memory_space<semaphore_mem>> -> memref<!tpu.dma_semaphore, #tpu.memory_space<semaphore_mem>>
    %dma_start3A_920 = arith.constant 0 : i32
    %dma_start3A_921 = arith.constant 0 : i32
    %dma_start3A_922 = tpu.memref_slice %arg13[%dma_start3A_910, %dma_start3A_920, %dma_start3A_921] : memref<2x128x128xf32, #tpu.memory_space<vmem>> -> memref<1x128x128xf32, #tpu.memory_space<vmem>>
    %dma_start3A_923 = tpu.memref_squeeze %dma_start3A_922 : memref<1x128x128xf32, #tpu.memory_space<vmem>> -> memref<128x128xf32, #tpu.memory_space<vmem>>
    %dma_start3A_924 = arith.constant 0 : i32
    %dma_start3A_925 = tpu.memref_slice %arg2[%add3A_881, %dma_start3A_924] : memref<32768x128xf32, #tpu.memory_space<hbm>> -> memref<128x128xf32, #tpu.memory_space<hbm>>
    tpu.enqueue_dma source(%dma_start3A_925 : memref<128x128xf32, #tpu.memory_space<hbm>>) target(%dma_start3A_923 : memref<128x128xf32, #tpu.memory_space<vmem>>) target_semaphore(%dma_start3A_919 : memref<!tpu.dma_semaphore, #tpu.memory_space<semaphore_mem>>)
    %dma_start3A_926 = arith.constant 1 : i32
    %dma_start3A_927 = arith.constant 1 : i32
    %dma_start3A_928 = arith.constant 0 : i32
    %dma_start3A_929 = arith.constant 0 : i32
    %dma_start3A_930 = tpu.memref_slice %arg14[%dma_start3A_926, %dma_start3A_928, %dma_start3A_929] : memref<2x128x128xf32, #tpu.memory_space<vmem>> -> memref<1x128x128xf32, #tpu.memory_space<vmem>>
    %dma_start3A_931 = tpu.memref_squeeze %dma_start3A_930 : memref<1x128x128xf32, #tpu.memory_space<vmem>> -> memref<128x128xf32, #tpu.memory_space<vmem>>
    %dma_start3A_932 = arith.constant 0 : i32
    %dma_start3A_933 = tpu.memref_slice %arg3[%add3A_881, %dma_start3A_932] : memref<32768x128xf32, #tpu.memory_space<hbm>> -> memref<128x128xf32, #tpu.memory_space<hbm>>
    %dma_start3A_934 = tpu.memref_slice %arg18[%dma_start3A_927] : memref<2x!tpu.dma_semaphore, #tpu.memory_space<semaphore_mem>> -> memref<1x!tpu.dma_semaphore, #tpu.memory_space<semaphore_mem>>
    %dma_start3A_935 = tpu.memref_squeeze %dma_start3A_934 : memref<1x!tpu.dma_semaphore, #tpu.memory_space<semaphore_mem>> -> memref<!tpu.dma_semaphore, #tpu.memory_space<semaphore_mem>>
    %dma_start3A_936 = arith.constant 0 : i32
    %dma_start3A_937 = arith.constant 0 : i32
    %dma_start3A_938 = tpu.memref_slice %arg14[%dma_start3A_926, %dma_start3A_936, %dma_start3A_937] : memref<2x128x128xf32, #tpu.memory_space<vmem>> -> memref<1x128x128xf32, #tpu.memory_space<vmem>>
    %dma_start3A_939 = tpu.memref_squeeze %dma_start3A_938 : memref<1x128x128xf32, #tpu.memory_space<vmem>> -> memref<128x128xf32, #tpu.memory_space<vmem>>
    %dma_start3A_940 = arith.constant 0 : i32
    %dma_start3A_941 = tpu.memref_slice %arg3[%add3A_881, %dma_start3A_940] : memref<32768x128xf32, #tpu.memory_space<hbm>> -> memref<128x128xf32, #tpu.memory_space<hbm>>
    tpu.enqueue_dma source(%dma_start3A_941 : memref<128x128xf32, #tpu.memory_space<hbm>>) target(%dma_start3A_939 : memref<128x128xf32, #tpu.memory_space<vmem>>) target_semaphore(%dma_start3A_935 : memref<!tpu.dma_semaphore, #tpu.memory_space<semaphore_mem>>)
    %dma_wait3A_942 = arith.constant 0 : i32
    %dma_wait3A_943 = arith.constant 0 : i32
    %dma_wait3A_944 = arith.constant 0 : i32
    %dma_wait3A_945 = tpu.memref_slice %arg15[%dma_wait3A_942, %dma_wait3A_944] : memref<2x128xi32, #tpu.memory_space<vmem>> -> memref<1x128xi32, #tpu.memory_space<vmem>>
    %dma_wait3A_946 = tpu.memref_squeeze %dma_wait3A_945 : memref<1x128xi32, #tpu.memory_space<vmem>> -> memref<128xi32, #tpu.memory_space<vmem>>
    %dma_wait3A_947 = arith.constant 0 : i32
    %dma_wait3A_948 = tpu.memref_slice %arg4[%dma_wait3A_947] : memref<32768xi32, #tpu.memory_space<hbm>> -> memref<128xi32, #tpu.memory_space<hbm>>
    %dma_wait3A_949 = tpu.memref_slice %arg18[%dma_wait3A_943] : memref<2x!tpu.dma_semaphore, #tpu.memory_space<semaphore_mem>> -> memref<1x!tpu.dma_semaphore, #tpu.memory_space<semaphore_mem>>
    %dma_wait3A_950 = tpu.memref_squeeze %dma_wait3A_949 : memref<1x!tpu.dma_semaphore, #tpu.memory_space<semaphore_mem>> -> memref<!tpu.dma_semaphore, #tpu.memory_space<semaphore_mem>>
    %dma_wait3A_951 = arith.constant 0 : i32
    %dma_wait3A_952 = tpu.memref_slice %arg15[%dma_wait3A_942, %dma_wait3A_951] : memref<2x128xi32, #tpu.memory_space<vmem>> -> memref<1x128xi32, #tpu.memory_space<vmem>>
    %dma_wait3A_953 = tpu.memref_squeeze %dma_wait3A_952 : memref<1x128xi32, #tpu.memory_space<vmem>> -> memref<128xi32, #tpu.memory_space<vmem>>
    %dma_wait3A_954 = arith.constant 0 : i32
    %dma_wait3A_955 = tpu.memref_slice %arg4[%dma_wait3A_954] : memref<32768xi32, #tpu.memory_space<hbm>> -> memref<128xi32, #tpu.memory_space<hbm>>
    tpu.wait_dma2 semaphore(%dma_wait3A_950 : memref<!tpu.dma_semaphore, #tpu.memory_space<semaphore_mem>>) src(%dma_wait3A_955 : memref<128xi32, #tpu.memory_space<hbm>>) dst(%dma_wait3A_953 : memref<128xi32, #tpu.memory_space<vmem>>)
    %dma_wait3A_956 = arith.constant 0 : i32
    %dma_wait3A_957 = arith.constant 0 : i32
    %dma_wait3A_958 = arith.constant 0 : i32
    %dma_wait3A_959 = arith.constant 0 : i32
    %dma_wait3A_960 = tpu.memref_slice %arg16[%dma_wait3A_956, %dma_wait3A_958, %dma_wait3A_959] : memref<2x128x128xf32, #tpu.memory_space<vmem>> -> memref<1x128x128xf32, #tpu.memory_space<vmem>>
    %dma_wait3A_961 = tpu.memref_squeeze %dma_wait3A_960 : memref<1x128x128xf32, #tpu.memory_space<vmem>> -> memref<128x128xf32, #tpu.memory_space<vmem>>
    %dma_wait3A_962 = arith.constant 0 : i32
    %dma_wait3A_963 = arith.constant 0 : i32
    %dma_wait3A_964 = tpu.memref_slice %arg5[%dma_wait3A_962, %dma_wait3A_963] : memref<32768x128xf32, #tpu.memory_space<hbm>> -> memref<128x128xf32, #tpu.memory_space<hbm>>
    %dma_wait3A_965 = tpu.memref_slice %arg18[%dma_wait3A_957] : memref<2x!tpu.dma_semaphore, #tpu.memory_space<semaphore_mem>> -> memref<1x!tpu.dma_semaphore, #tpu.memory_space<semaphore_mem>>
    %dma_wait3A_966 = tpu.memref_squeeze %dma_wait3A_965 : memref<1x!tpu.dma_semaphore, #tpu.memory_space<semaphore_mem>> -> memref<!tpu.dma_semaphore, #tpu.memory_space<semaphore_mem>>
    %dma_wait3A_967 = arith.constant 0 : i32
    %dma_wait3A_968 = arith.constant 0 : i32
    %dma_wait3A_969 = tpu.memref_slice %arg16[%dma_wait3A_956, %dma_wait3A_967, %dma_wait3A_968] : memref<2x128x128xf32, #tpu.memory_space<vmem>> -> memref<1x128x128xf32, #tpu.memory_space<vmem>>
    %dma_wait3A_970 = tpu.memref_squeeze %dma_wait3A_969 : memref<1x128x128xf32, #tpu.memory_space<vmem>> -> memref<128x128xf32, #tpu.memory_space<vmem>>
    %dma_wait3A_971 = arith.constant 0 : i32
    %dma_wait3A_972 = arith.constant 0 : i32
    %dma_wait3A_973 = tpu.memref_slice %arg5[%dma_wait3A_971, %dma_wait3A_972] : memref<32768x128xf32, #tpu.memory_space<hbm>> -> memref<128x128xf32, #tpu.memory_space<hbm>>
    tpu.wait_dma2 semaphore(%dma_wait3A_966 : memref<!tpu.dma_semaphore, #tpu.memory_space<semaphore_mem>>) src(%dma_wait3A_973 : memref<128x128xf32, #tpu.memory_space<hbm>>) dst(%dma_wait3A_970 : memref<128x128xf32, #tpu.memory_space<vmem>>)
    %dma_wait3A_974 = arith.constant 0 : i32
    %dma_wait3A_975 = arith.constant 0 : i32
    %dma_wait3A_976 = arith.constant 0 : i32
    %dma_wait3A_977 = arith.constant 0 : i32
    %dma_wait3A_978 = tpu.memref_slice %arg13[%dma_wait3A_974, %dma_wait3A_976, %dma_wait3A_977] : memref<2x128x128xf32, #tpu.memory_space<vmem>> -> memref<1x128x128xf32, #tpu.memory_space<vmem>>
    %dma_wait3A_979 = tpu.memref_squeeze %dma_wait3A_978 : memref<1x128x128xf32, #tpu.memory_space<vmem>> -> memref<128x128xf32, #tpu.memory_space<vmem>>
    %dma_wait3A_980 = arith.constant 0 : i32
    %dma_wait3A_981 = arith.constant 0 : i32
    %dma_wait3A_982 = tpu.memref_slice %arg2[%dma_wait3A_980, %dma_wait3A_981] : memref<32768x128xf32, #tpu.memory_space<hbm>> -> memref<128x128xf32, #tpu.memory_space<hbm>>
    %dma_wait3A_983 = tpu.memref_slice %arg18[%dma_wait3A_975] : memref<2x!tpu.dma_semaphore, #tpu.memory_space<semaphore_mem>> -> memref<1x!tpu.dma_semaphore, #tpu.memory_space<semaphore_mem>>
    %dma_wait3A_984 = tpu.memref_squeeze %dma_wait3A_983 : memref<1x!tpu.dma_semaphore, #tpu.memory_space<semaphore_mem>> -> memref<!tpu.dma_semaphore, #tpu.memory_space<semaphore_mem>>
    %dma_wait3A_985 = arith.constant 0 : i32
    %dma_wait3A_986 = arith.constant 0 : i32
    %dma_wait3A_987 = tpu.memref_slice %arg13[%dma_wait3A_974, %dma_wait3A_985, %dma_wait3A_986] : memref<2x128x128xf32, #tpu.memory_space<vmem>> -> memref<1x128x128xf32, #tpu.memory_space<vmem>>
    %dma_wait3A_988 = tpu.memref_squeeze %dma_wait3A_987 : memref<1x128x128xf32, #tpu.memory_space<vmem>> -> memref<128x128xf32, #tpu.memory_space<vmem>>
    %dma_wait3A_989 = arith.constant 0 : i32
    %dma_wait3A_990 = arith.constant 0 : i32
    %dma_wait3A_991 = tpu.memref_slice %arg2[%dma_wait3A_989, %dma_wait3A_990] : memref<32768x128xf32, #tpu.memory_space<hbm>> -> memref<128x128xf32, #tpu.memory_space<hbm>>
    tpu.wait_dma2 semaphore(%dma_wait3A_984 : memref<!tpu.dma_semaphore, #tpu.memory_space<semaphore_mem>>) src(%dma_wait3A_991 : memref<128x128xf32, #tpu.memory_space<hbm>>) dst(%dma_wait3A_988 : memref<128x128xf32, #tpu.memory_space<vmem>>)
    %dma_wait3A_992 = arith.constant 0 : i32
    %dma_wait3A_993 = arith.constant 0 : i32
    %dma_wait3A_994 = arith.constant 0 : i32
    %dma_wait3A_995 = arith.constant 0 : i32
    %dma_wait3A_996 = tpu.memref_slice %arg14[%dma_wait3A_992, %dma_wait3A_994, %dma_wait3A_995] : memref<2x128x128xf32, #tpu.memory_space<vmem>> -> memref<1x128x128xf32, #tpu.memory_space<vmem>>
    %dma_wait3A_997 = tpu.memref_squeeze %dma_wait3A_996 : memref<1x128x128xf32, #tpu.memory_space<vmem>> -> memref<128x128xf32, #tpu.memory_space<vmem>>
    %dma_wait3A_998 = arith.constant 0 : i32
    %dma_wait3A_999 = arith.constant 0 : i32
    %dma_wait3A_1000 = tpu.memref_slice %arg3[%dma_wait3A_998, %dma_wait3A_999] : memref<32768x128xf32, #tpu.memory_space<hbm>> -> memref<128x128xf32, #tpu.memory_space<hbm>>
    %dma_wait3A_1001 = tpu.memref_slice %arg18[%dma_wait3A_993] : memref<2x!tpu.dma_semaphore, #tpu.memory_space<semaphore_mem>> -> memref<1x!tpu.dma_semaphore, #tpu.memory_space<semaphore_mem>>
    %dma_wait3A_1002 = tpu.memref_squeeze %dma_wait3A_1001 : memref<1x!tpu.dma_semaphore, #tpu.memory_space<semaphore_mem>> -> memref<!tpu.dma_semaphore, #tpu.memory_space<semaphore_mem>>
    %dma_wait3A_1003 = arith.constant 0 : i32
    %dma_wait3A_1004 = arith.constant 0 : i32
    %dma_wait3A_1005 = tpu.memref_slice %arg14[%dma_wait3A_992, %dma_wait3A_1003, %dma_wait3A_1004] : memref<2x128x128xf32, #tpu.memory_space<vmem>> -> memref<1x128x128xf32, #tpu.memory_space<vmem>>
    %dma_wait3A_1006 = tpu.memref_squeeze %dma_wait3A_1005 : memref<1x128x128xf32, #tpu.memory_space<vmem>> -> memref<128x128xf32, #tpu.memory_space<vmem>>
    %dma_wait3A_1007 = arith.constant 0 : i32
    %dma_wait3A_1008 = arith.constant 0 : i32
    %dma_wait3A_1009 = tpu.memref_slice %arg3[%dma_wait3A_1007, %dma_wait3A_1008] : memref<32768x128xf32, #tpu.memory_space<hbm>> -> memref<128x128xf32, #tpu.memory_space<hbm>>
    tpu.wait_dma2 semaphore(%dma_wait3A_1002 : memref<!tpu.dma_semaphore, #tpu.memory_space<semaphore_mem>>) src(%dma_wait3A_1009 : memref<128x128xf32, #tpu.memory_space<hbm>>) dst(%dma_wait3A_1006 : memref<128x128xf32, #tpu.memory_space<vmem>>)
    %run_scoped3A_1010 = arith.constant 0 : i32
    %run_scoped3A_1011 = arith.constant 0 : i32
    "tpu.region"() ({
      %run_scoped3A_1096 = tpu.sem_alloc : memref<!tpu.dma_semaphore, #tpu.memory_space<semaphore_mem>>
      %dma_start3A_1097 = arith.constant 0 : i32
      %dma_start3A_1098 = arith.constant 0 : i32
      %dma_start3A_1099 = tpu.memref_slice %arg13[%run_scoped3A_1010, %dma_start3A_1097, %dma_start3A_1098] : memref<2x128x128xf32, #tpu.memory_space<vmem>> -> memref<1x128x128xf32, #tpu.memory_space<vmem>>
      %dma_start3A_1100 = tpu.memref_squeeze %dma_start3A_1099 : memref<1x128x128xf32, #tpu.memory_space<vmem>> -> memref<128x128xf32, #tpu.memory_space<vmem>>
      %dma_start3A_1101 = arith.constant 0 : i32
      %dma_start3A_1102 = tpu.memref_slice %arg15[%run_scoped3A_1011, %dma_start3A_1101] : memref<2x128xi32, #tpu.memory_space<vmem>> -> memref<1x128xi32, #tpu.memory_space<vmem>>
      %dma_start3A_1103 = tpu.memref_squeeze %dma_start3A_1102 : memref<1x128xi32, #tpu.memory_space<vmem>> -> memref<128xi32, #tpu.memory_space<vmem>>
      %dma_start3A_1104 = arith.constant 0 : i32
      %dma_start3A_1105 = arith.constant 0 : i32
      %dma_start3A_1106 = tpu.memref_slice %arg10[%dma_start3A_1104, %dma_start3A_1105] : memref<1024x128xf32, #tpu.memory_space<vmem_shared>> -> memref<1024x128xf32, #tpu.memory_space<vmem_shared>>
      tpu.enqueue_indirect_dma source(%dma_start3A_1100 : memref<128x128xf32, #tpu.memory_space<vmem>>) target(%dma_start3A_1106 : memref<1024x128xf32, #tpu.memory_space<vmem_shared>>) offsets(%dma_start3A_1103 : memref<128xi32, #tpu.memory_space<vmem>>) semaphore(%run_scoped3A_1096 : memref<!tpu.dma_semaphore, #tpu.memory_space<semaphore_mem>>) {add = true}
      %dma_wait3A_1107 = arith.constant 0 : i32
      %dma_wait3A_1108 = arith.constant 0 : i32
      %dma_wait3A_1109 = tpu.memref_slice %arg13[%run_scoped3A_1010, %dma_wait3A_1107, %dma_wait3A_1108] : memref<2x128x128xf32, #tpu.memory_space<vmem>> -> memref<1x128x128xf32, #tpu.memory_space<vmem>>
      %dma_wait3A_1110 = tpu.memref_squeeze %dma_wait3A_1109 : memref<1x128x128xf32, #tpu.memory_space<vmem>> -> memref<128x128xf32, #tpu.memory_space<vmem>>
      %dma_wait3A_1111 = arith.constant 0 : i32
      %dma_wait3A_1112 = tpu.memref_slice %arg15[%run_scoped3A_1011, %dma_wait3A_1111] : memref<2x128xi32, #tpu.memory_space<vmem>> -> memref<1x128xi32, #tpu.memory_space<vmem>>
      %dma_wait3A_1113 = tpu.memref_squeeze %dma_wait3A_1112 : memref<1x128xi32, #tpu.memory_space<vmem>> -> memref<128xi32, #tpu.memory_space<vmem>>
      %dma_wait3A_1114 = arith.constant 0 : i32
      %dma_wait3A_1115 = arith.constant 0 : i32
      %dma_wait3A_1116 = tpu.memref_slice %arg10[%dma_wait3A_1114, %dma_wait3A_1115] : memref<1024x128xf32, #tpu.memory_space<vmem_shared>> -> memref<1024x128xf32, #tpu.memory_space<vmem_shared>>
      tpu.wait_indirect_dma semaphore(%run_scoped3A_1096 : memref<!tpu.dma_semaphore, #tpu.memory_space<semaphore_mem>>) src(%dma_wait3A_1110 : memref<128x128xf32, #tpu.memory_space<vmem>>) dst(%dma_wait3A_1116 : memref<1024x128xf32, #tpu.memory_space<vmem_shared>>)
      tpu.yield
    }) : () -> ()
    %run_scoped3A_1012 = arith.constant 0 : i32
    %run_scoped3A_1013 = arith.constant 0 : i32
    "tpu.region"() ({
      %run_scoped3A_1096 = tpu.sem_alloc : memref<!tpu.dma_semaphore, #tpu.memory_space<semaphore_mem>>
      %dma_start3A_1097 = arith.constant 0 : i32
      %dma_start3A_1098 = arith.constant 0 : i32
      %dma_start3A_1099 = tpu.memref_slice %arg14[%run_scoped3A_1012, %dma_start3A_1097, %dma_start3A_1098] : memref<2x128x128xf32, #tpu.memory_space<vmem>> -> memref<1x128x128xf32, #tpu.memory_space<vmem>>
      %dma_start3A_1100 = tpu.memref_squeeze %dma_start3A_1099 : memref<1x128x128xf32, #tpu.memory_space<vmem>> -> memref<128x128xf32, #tpu.memory_space<vmem>>
      %dma_start3A_1101 = arith.constant 0 : i32
      %dma_start3A_1102 = tpu.memref_slice %arg15[%run_scoped3A_1013, %dma_start3A_1101] : memref<2x128xi32, #tpu.memory_space<vmem>> -> memref<1x128xi32, #tpu.memory_space<vmem>>
      %dma_start3A_1103 = tpu.memref_squeeze %dma_start3A_1102 : memref<1x128xi32, #tpu.memory_space<vmem>> -> memref<128xi32, #tpu.memory_space<vmem>>
      %dma_start3A_1104 = arith.constant 0 : i32
      %dma_start3A_1105 = arith.constant 0 : i32
      %dma_start3A_1106 = tpu.memref_slice %arg11[%dma_start3A_1104, %dma_start3A_1105] : memref<1024x128xf32, #tpu.memory_space<vmem_shared>> -> memref<1024x128xf32, #tpu.memory_space<vmem_shared>>
      tpu.enqueue_indirect_dma source(%dma_start3A_1100 : memref<128x128xf32, #tpu.memory_space<vmem>>) target(%dma_start3A_1106 : memref<1024x128xf32, #tpu.memory_space<vmem_shared>>) offsets(%dma_start3A_1103 : memref<128xi32, #tpu.memory_space<vmem>>) semaphore(%run_scoped3A_1096 : memref<!tpu.dma_semaphore, #tpu.memory_space<semaphore_mem>>) {add = true}
      %dma_wait3A_1107 = arith.constant 0 : i32
      %dma_wait3A_1108 = arith.constant 0 : i32
      %dma_wait3A_1109 = tpu.memref_slice %arg14[%run_scoped3A_1012, %dma_wait3A_1107, %dma_wait3A_1108] : memref<2x128x128xf32, #tpu.memory_space<vmem>> -> memref<1x128x128xf32, #tpu.memory_space<vmem>>
      %dma_wait3A_1110 = tpu.memref_squeeze %dma_wait3A_1109 : memref<1x128x128xf32, #tpu.memory_space<vmem>> -> memref<128x128xf32, #tpu.memory_space<vmem>>
      %dma_wait3A_1111 = arith.constant 0 : i32
      %dma_wait3A_1112 = tpu.memref_slice %arg15[%run_scoped3A_1013, %dma_wait3A_1111] : memref<2x128xi32, #tpu.memory_space<vmem>> -> memref<1x128xi32, #tpu.memory_space<vmem>>
      %dma_wait3A_1113 = tpu.memref_squeeze %dma_wait3A_1112 : memref<1x128xi32, #tpu.memory_space<vmem>> -> memref<128xi32, #tpu.memory_space<vmem>>
      %dma_wait3A_1114 = arith.constant 0 : i32
      %dma_wait3A_1115 = arith.constant 0 : i32
      %dma_wait3A_1116 = tpu.memref_slice %arg11[%dma_wait3A_1114, %dma_wait3A_1115] : memref<1024x128xf32, #tpu.memory_space<vmem_shared>> -> memref<1024x128xf32, #tpu.memory_space<vmem_shared>>
      tpu.wait_indirect_dma semaphore(%run_scoped3A_1096 : memref<!tpu.dma_semaphore, #tpu.memory_space<semaphore_mem>>) src(%dma_wait3A_1110 : memref<128x128xf32, #tpu.memory_space<vmem>>) dst(%dma_wait3A_1116 : memref<1024x128xf32, #tpu.memory_space<vmem_shared>>)
      tpu.yield
    }) : () -> ()
    %run_scoped3A_1014 = arith.constant 0 : i32
    %run_scoped3A_1015 = arith.constant 0 : i32
    "tpu.region"() ({
      %run_scoped3A_1096 = tpu.sem_alloc : memref<!tpu.dma_semaphore, #tpu.memory_space<semaphore_mem>>
      %dma_start3A_1097 = arith.constant 0 : i32
      %dma_start3A_1098 = arith.constant 0 : i32
      %dma_start3A_1099 = tpu.memref_slice %arg16[%run_scoped3A_1014, %dma_start3A_1097, %dma_start3A_1098] : memref<2x128x128xf32, #tpu.memory_space<vmem>> -> memref<1x128x128xf32, #tpu.memory_space<vmem>>
      %dma_start3A_1100 = tpu.memref_squeeze %dma_start3A_1099 : memref<1x128x128xf32, #tpu.memory_space<vmem>> -> memref<128x128xf32, #tpu.memory_space<vmem>>
      %dma_start3A_1101 = arith.constant 0 : i32
      %dma_start3A_1102 = tpu.memref_slice %arg15[%run_scoped3A_1015, %dma_start3A_1101] : memref<2x128xi32, #tpu.memory_space<vmem>> -> memref<1x128xi32, #tpu.memory_space<vmem>>
      %dma_start3A_1103 = tpu.memref_squeeze %dma_start3A_1102 : memref<1x128xi32, #tpu.memory_space<vmem>> -> memref<128xi32, #tpu.memory_space<vmem>>
      %dma_start3A_1104 = arith.constant 0 : i32
      %dma_start3A_1105 = arith.constant 0 : i32
      %dma_start3A_1106 = tpu.memref_slice %arg12[%dma_start3A_1104, %dma_start3A_1105] : memref<1024x128xf32, #tpu.memory_space<vmem_shared>> -> memref<1024x128xf32, #tpu.memory_space<vmem_shared>>
      tpu.enqueue_indirect_dma source(%dma_start3A_1100 : memref<128x128xf32, #tpu.memory_space<vmem>>) target(%dma_start3A_1106 : memref<1024x128xf32, #tpu.memory_space<vmem_shared>>) offsets(%dma_start3A_1103 : memref<128xi32, #tpu.memory_space<vmem>>) semaphore(%run_scoped3A_1096 : memref<!tpu.dma_semaphore, #tpu.memory_space<semaphore_mem>>) {add = true}
      %dma_wait3A_1107 = arith.constant 0 : i32
      %dma_wait3A_1108 = arith.constant 0 : i32
      %dma_wait3A_1109 = tpu.memref_slice %arg16[%run_scoped3A_1014, %dma_wait3A_1107, %dma_wait3A_1108] : memref<2x128x128xf32, #tpu.memory_space<vmem>> -> memref<1x128x128xf32, #tpu.memory_space<vmem>>
      %dma_wait3A_1110 = tpu.memref_squeeze %dma_wait3A_1109 : memref<1x128x128xf32, #tpu.memory_space<vmem>> -> memref<128x128xf32, #tpu.memory_space<vmem>>
      %dma_wait3A_1111 = arith.constant 0 : i32
      %dma_wait3A_1112 = tpu.memref_slice %arg15[%run_scoped3A_1015, %dma_wait3A_1111] : memref<2x128xi32, #tpu.memory_space<vmem>> -> memref<1x128xi32, #tpu.memory_space<vmem>>
      %dma_wait3A_1113 = tpu.memref_squeeze %dma_wait3A_1112 : memref<1x128xi32, #tpu.memory_space<vmem>> -> memref<128xi32, #tpu.memory_space<vmem>>
      %dma_wait3A_1114 = arith.constant 0 : i32
      %dma_wait3A_1115 = arith.constant 0 : i32
      %dma_wait3A_1116 = tpu.memref_slice %arg12[%dma_wait3A_1114, %dma_wait3A_1115] : memref<1024x128xf32, #tpu.memory_space<vmem_shared>> -> memref<1024x128xf32, #tpu.memory_space<vmem_shared>>
      tpu.wait_indirect_dma semaphore(%run_scoped3A_1096 : memref<!tpu.dma_semaphore, #tpu.memory_space<semaphore_mem>>) src(%dma_wait3A_1110 : memref<128x128xf32, #tpu.memory_space<vmem>>) dst(%dma_wait3A_1116 : memref<1024x128xf32, #tpu.memory_space<vmem_shared>>)
      tpu.yield
    }) : () -> ()
    %dma_wait3A_1016 = arith.constant 1 : i32
    %dma_wait3A_1017 = arith.constant 1 : i32
    %dma_wait3A_1018 = arith.constant 0 : i32
    %dma_wait3A_1019 = tpu.memref_slice %arg15[%dma_wait3A_1016, %dma_wait3A_1018] : memref<2x128xi32, #tpu.memory_space<vmem>> -> memref<1x128xi32, #tpu.memory_space<vmem>>
    %dma_wait3A_1020 = tpu.memref_squeeze %dma_wait3A_1019 : memref<1x128xi32, #tpu.memory_space<vmem>> -> memref<128xi32, #tpu.memory_space<vmem>>
    %dma_wait3A_1021 = arith.constant 0 : i32
    %dma_wait3A_1022 = tpu.memref_slice %arg4[%dma_wait3A_1021] : memref<32768xi32, #tpu.memory_space<hbm>> -> memref<128xi32, #tpu.memory_space<hbm>>
    %dma_wait3A_1023 = tpu.memref_slice %arg18[%dma_wait3A_1017] : memref<2x!tpu.dma_semaphore, #tpu.memory_space<semaphore_mem>> -> memref<1x!tpu.dma_semaphore, #tpu.memory_space<semaphore_mem>>
    %dma_wait3A_1024 = tpu.memref_squeeze %dma_wait3A_1023 : memref<1x!tpu.dma_semaphore, #tpu.memory_space<semaphore_mem>> -> memref<!tpu.dma_semaphore, #tpu.memory_space<semaphore_mem>>
    %dma_wait3A_1025 = arith.constant 0 : i32
    %dma_wait3A_1026 = tpu.memref_slice %arg15[%dma_wait3A_1016, %dma_wait3A_1025] : memref<2x128xi32, #tpu.memory_space<vmem>> -> memref<1x128xi32, #tpu.memory_space<vmem>>
    %dma_wait3A_1027 = tpu.memref_squeeze %dma_wait3A_1026 : memref<1x128xi32, #tpu.memory_space<vmem>> -> memref<128xi32, #tpu.memory_space<vmem>>
    %dma_wait3A_1028 = arith.constant 0 : i32
    %dma_wait3A_1029 = tpu.memref_slice %arg4[%dma_wait3A_1028] : memref<32768xi32, #tpu.memory_space<hbm>> -> memref<128xi32, #tpu.memory_space<hbm>>
    tpu.wait_dma2 semaphore(%dma_wait3A_1024 : memref<!tpu.dma_semaphore, #tpu.memory_space<semaphore_mem>>) src(%dma_wait3A_1029 : memref<128xi32, #tpu.memory_space<hbm>>) dst(%dma_wait3A_1027 : memref<128xi32, #tpu.memory_space<vmem>>)
    %dma_wait3A_1030 = arith.constant 1 : i32
    %dma_wait3A_1031 = arith.constant 1 : i32
    %dma_wait3A_1032 = arith.constant 0 : i32
    %dma_wait3A_1033 = arith.constant 0 : i32
    %dma_wait3A_1034 = tpu.memref_slice %arg16[%dma_wait3A_1030, %dma_wait3A_1032, %dma_wait3A_1033] : memref<2x128x128xf32, #tpu.memory_space<vmem>> -> memref<1x128x128xf32, #tpu.memory_space<vmem>>
    %dma_wait3A_1035 = tpu.memref_squeeze %dma_wait3A_1034 : memref<1x128x128xf32, #tpu.memory_space<vmem>> -> memref<128x128xf32, #tpu.memory_space<vmem>>
    %dma_wait3A_1036 = arith.constant 0 : i32
    %dma_wait3A_1037 = arith.constant 0 : i32
    %dma_wait3A_1038 = tpu.memref_slice %arg5[%dma_wait3A_1036, %dma_wait3A_1037] : memref<32768x128xf32, #tpu.memory_space<hbm>> -> memref<128x128xf32, #tpu.memory_space<hbm>>
    %dma_wait3A_1039 = tpu.memref_slice %arg18[%dma_wait3A_1031] : memref<2x!tpu.dma_semaphore, #tpu.memory_space<semaphore_mem>> -> memref<1x!tpu.dma_semaphore, #tpu.memory_space<semaphore_mem>>
    %dma_wait3A_1040 = tpu.memref_squeeze %dma_wait3A_1039 : memref<1x!tpu.dma_semaphore, #tpu.memory_space<semaphore_mem>> -> memref<!tpu.dma_semaphore, #tpu.memory_space<semaphore_mem>>
    %dma_wait3A_1041 = arith.constant 0 : i32
    %dma_wait3A_1042 = arith.constant 0 : i32
    %dma_wait3A_1043 = tpu.memref_slice %arg16[%dma_wait3A_1030, %dma_wait3A_1041, %dma_wait3A_1042] : memref<2x128x128xf32, #tpu.memory_space<vmem>> -> memref<1x128x128xf32, #tpu.memory_space<vmem>>
    %dma_wait3A_1044 = tpu.memref_squeeze %dma_wait3A_1043 : memref<1x128x128xf32, #tpu.memory_space<vmem>> -> memref<128x128xf32, #tpu.memory_space<vmem>>
    %dma_wait3A_1045 = arith.constant 0 : i32
    %dma_wait3A_1046 = arith.constant 0 : i32
    %dma_wait3A_1047 = tpu.memref_slice %arg5[%dma_wait3A_1045, %dma_wait3A_1046] : memref<32768x128xf32, #tpu.memory_space<hbm>> -> memref<128x128xf32, #tpu.memory_space<hbm>>
    tpu.wait_dma2 semaphore(%dma_wait3A_1040 : memref<!tpu.dma_semaphore, #tpu.memory_space<semaphore_mem>>) src(%dma_wait3A_1047 : memref<128x128xf32, #tpu.memory_space<hbm>>) dst(%dma_wait3A_1044 : memref<128x128xf32, #tpu.memory_space<vmem>>)
    %dma_wait3A_1048 = arith.constant 1 : i32
    %dma_wait3A_1049 = arith.constant 1 : i32
    %dma_wait3A_1050 = arith.constant 0 : i32
    %dma_wait3A_1051 = arith.constant 0 : i32
    %dma_wait3A_1052 = tpu.memref_slice %arg13[%dma_wait3A_1048, %dma_wait3A_1050, %dma_wait3A_1051] : memref<2x128x128xf32, #tpu.memory_space<vmem>> -> memref<1x128x128xf32, #tpu.memory_space<vmem>>
    %dma_wait3A_1053 = tpu.memref_squeeze %dma_wait3A_1052 : memref<1x128x128xf32, #tpu.memory_space<vmem>> -> memref<128x128xf32, #tpu.memory_space<vmem>>
    %dma_wait3A_1054 = arith.constant 0 : i32
    %dma_wait3A_1055 = arith.constant 0 : i32
    %dma_wait3A_1056 = tpu.memref_slice %arg2[%dma_wait3A_1054, %dma_wait3A_1055] : memref<32768x128xf32, #tpu.memory_space<hbm>> -> memref<128x128xf32, #tpu.memory_space<hbm>>
    %dma_wait3A_1057 = tpu.memref_slice %arg18[%dma_wait3A_1049] : memref<2x!tpu.dma_semaphore, #tpu.memory_space<semaphore_mem>> -> memref<1x!tpu.dma_semaphore, #tpu.memory_space<semaphore_mem>>
    %dma_wait3A_1058 = tpu.memref_squeeze %dma_wait3A_1057 : memref<1x!tpu.dma_semaphore, #tpu.memory_space<semaphore_mem>> -> memref<!tpu.dma_semaphore, #tpu.memory_space<semaphore_mem>>
    %dma_wait3A_1059 = arith.constant 0 : i32
    %dma_wait3A_1060 = arith.constant 0 : i32
    %dma_wait3A_1061 = tpu.memref_slice %arg13[%dma_wait3A_1048, %dma_wait3A_1059, %dma_wait3A_1060] : memref<2x128x128xf32, #tpu.memory_space<vmem>> -> memref<1x128x128xf32, #tpu.memory_space<vmem>>
    %dma_wait3A_1062 = tpu.memref_squeeze %dma_wait3A_1061 : memref<1x128x128xf32, #tpu.memory_space<vmem>> -> memref<128x128xf32, #tpu.memory_space<vmem>>
    %dma_wait3A_1063 = arith.constant 0 : i32
    %dma_wait3A_1064 = arith.constant 0 : i32
    %dma_wait3A_1065 = tpu.memref_slice %arg2[%dma_wait3A_1063, %dma_wait3A_1064] : memref<32768x128xf32, #tpu.memory_space<hbm>> -> memref<128x128xf32, #tpu.memory_space<hbm>>
    tpu.wait_dma2 semaphore(%dma_wait3A_1058 : memref<!tpu.dma_semaphore, #tpu.memory_space<semaphore_mem>>) src(%dma_wait3A_1065 : memref<128x128xf32, #tpu.memory_space<hbm>>) dst(%dma_wait3A_1062 : memref<128x128xf32, #tpu.memory_space<vmem>>)
    %dma_wait3A_1066 = arith.constant 1 : i32
    %dma_wait3A_1067 = arith.constant 1 : i32
    %dma_wait3A_1068 = arith.constant 0 : i32
    %dma_wait3A_1069 = arith.constant 0 : i32
    %dma_wait3A_1070 = tpu.memref_slice %arg14[%dma_wait3A_1066, %dma_wait3A_1068, %dma_wait3A_1069] : memref<2x128x128xf32, #tpu.memory_space<vmem>> -> memref<1x128x128xf32, #tpu.memory_space<vmem>>
    %dma_wait3A_1071 = tpu.memref_squeeze %dma_wait3A_1070 : memref<1x128x128xf32, #tpu.memory_space<vmem>> -> memref<128x128xf32, #tpu.memory_space<vmem>>
    %dma_wait3A_1072 = arith.constant 0 : i32
    %dma_wait3A_1073 = arith.constant 0 : i32
    %dma_wait3A_1074 = tpu.memref_slice %arg3[%dma_wait3A_1072, %dma_wait3A_1073] : memref<32768x128xf32, #tpu.memory_space<hbm>> -> memref<128x128xf32, #tpu.memory_space<hbm>>
    %dma_wait3A_1075 = tpu.memref_slice %arg18[%dma_wait3A_1067] : memref<2x!tpu.dma_semaphore, #tpu.memory_space<semaphore_mem>> -> memref<1x!tpu.dma_semaphore, #tpu.memory_space<semaphore_mem>>
    %dma_wait3A_1076 = tpu.memref_squeeze %dma_wait3A_1075 : memref<1x!tpu.dma_semaphore, #tpu.memory_space<semaphore_mem>> -> memref<!tpu.dma_semaphore, #tpu.memory_space<semaphore_mem>>
    %dma_wait3A_1077 = arith.constant 0 : i32
    %dma_wait3A_1078 = arith.constant 0 : i32
    %dma_wait3A_1079 = tpu.memref_slice %arg14[%dma_wait3A_1066, %dma_wait3A_1077, %dma_wait3A_1078] : memref<2x128x128xf32, #tpu.memory_space<vmem>> -> memref<1x128x128xf32, #tpu.memory_space<vmem>>
    %dma_wait3A_1080 = tpu.memref_squeeze %dma_wait3A_1079 : memref<1x128x128xf32, #tpu.memory_space<vmem>> -> memref<128x128xf32, #tpu.memory_space<vmem>>
    %dma_wait3A_1081 = arith.constant 0 : i32
    %dma_wait3A_1082 = arith.constant 0 : i32
    %dma_wait3A_1083 = tpu.memref_slice %arg3[%dma_wait3A_1081, %dma_wait3A_1082] : memref<32768x128xf32, #tpu.memory_space<hbm>> -> memref<128x128xf32, #tpu.memory_space<hbm>>
    tpu.wait_dma2 semaphore(%dma_wait3A_1076 : memref<!tpu.dma_semaphore, #tpu.memory_space<semaphore_mem>>) src(%dma_wait3A_1083 : memref<128x128xf32, #tpu.memory_space<hbm>>) dst(%dma_wait3A_1080 : memref<128x128xf32, #tpu.memory_space<vmem>>)
    %run_scoped3A_1084 = arith.constant 1 : i32
    %run_scoped3A_1085 = arith.constant 1 : i32
    "tpu.region"() ({
      %run_scoped3A_1096 = tpu.sem_alloc : memref<!tpu.dma_semaphore, #tpu.memory_space<semaphore_mem>>
      %dma_start3A_1097 = arith.constant 0 : i32
      %dma_start3A_1098 = arith.constant 0 : i32
      %dma_start3A_1099 = tpu.memref_slice %arg13[%run_scoped3A_1084, %dma_start3A_1097, %dma_start3A_1098] : memref<2x128x128xf32, #tpu.memory_space<vmem>> -> memref<1x128x128xf32, #tpu.memory_space<vmem>>
      %dma_start3A_1100 = tpu.memref_squeeze %dma_start3A_1099 : memref<1x128x128xf32, #tpu.memory_space<vmem>> -> memref<128x128xf32, #tpu.memory_space<vmem>>
      %dma_start3A_1101 = arith.constant 0 : i32
      %dma_start3A_1102 = tpu.memref_slice %arg15[%run_scoped3A_1085, %dma_start3A_1101] : memref<2x128xi32, #tpu.memory_space<vmem>> -> memref<1x128xi32, #tpu.memory_space<vmem>>
      %dma_start3A_1103 = tpu.memref_squeeze %dma_start3A_1102 : memref<1x128xi32, #tpu.memory_space<vmem>> -> memref<128xi32, #tpu.memory_space<vmem>>
      %dma_start3A_1104 = arith.constant 0 : i32
      %dma_start3A_1105 = arith.constant 0 : i32
      %dma_start3A_1106 = tpu.memref_slice %arg10[%dma_start3A_1104, %dma_start3A_1105] : memref<1024x128xf32, #tpu.memory_space<vmem_shared>> -> memref<1024x128xf32, #tpu.memory_space<vmem_shared>>
      tpu.enqueue_indirect_dma source(%dma_start3A_1100 : memref<128x128xf32, #tpu.memory_space<vmem>>) target(%dma_start3A_1106 : memref<1024x128xf32, #tpu.memory_space<vmem_shared>>) offsets(%dma_start3A_1103 : memref<128xi32, #tpu.memory_space<vmem>>) semaphore(%run_scoped3A_1096 : memref<!tpu.dma_semaphore, #tpu.memory_space<semaphore_mem>>) {add = true}
      %dma_wait3A_1107 = arith.constant 0 : i32
      %dma_wait3A_1108 = arith.constant 0 : i32
      %dma_wait3A_1109 = tpu.memref_slice %arg13[%run_scoped3A_1084, %dma_wait3A_1107, %dma_wait3A_1108] : memref<2x128x128xf32, #tpu.memory_space<vmem>> -> memref<1x128x128xf32, #tpu.memory_space<vmem>>
      %dma_wait3A_1110 = tpu.memref_squeeze %dma_wait3A_1109 : memref<1x128x128xf32, #tpu.memory_space<vmem>> -> memref<128x128xf32, #tpu.memory_space<vmem>>
      %dma_wait3A_1111 = arith.constant 0 : i32
      %dma_wait3A_1112 = tpu.memref_slice %arg15[%run_scoped3A_1085, %dma_wait3A_1111] : memref<2x128xi32, #tpu.memory_space<vmem>> -> memref<1x128xi32, #tpu.memory_space<vmem>>
      %dma_wait3A_1113 = tpu.memref_squeeze %dma_wait3A_1112 : memref<1x128xi32, #tpu.memory_space<vmem>> -> memref<128xi32, #tpu.memory_space<vmem>>
      %dma_wait3A_1114 = arith.constant 0 : i32
      %dma_wait3A_1115 = arith.constant 0 : i32
      %dma_wait3A_1116 = tpu.memref_slice %arg10[%dma_wait3A_1114, %dma_wait3A_1115] : memref<1024x128xf32, #tpu.memory_space<vmem_shared>> -> memref<1024x128xf32, #tpu.memory_space<vmem_shared>>
      tpu.wait_indirect_dma semaphore(%run_scoped3A_1096 : memref<!tpu.dma_semaphore, #tpu.memory_space<semaphore_mem>>) src(%dma_wait3A_1110 : memref<128x128xf32, #tpu.memory_space<vmem>>) dst(%dma_wait3A_1116 : memref<1024x128xf32, #tpu.memory_space<vmem_shared>>)
      tpu.yield
    }) : () -> ()
    %run_scoped3A_1086 = arith.constant 1 : i32
    %run_scoped3A_1087 = arith.constant 1 : i32
    "tpu.region"() ({
      %run_scoped3A_1096 = tpu.sem_alloc : memref<!tpu.dma_semaphore, #tpu.memory_space<semaphore_mem>>
      %dma_start3A_1097 = arith.constant 0 : i32
      %dma_start3A_1098 = arith.constant 0 : i32
      %dma_start3A_1099 = tpu.memref_slice %arg14[%run_scoped3A_1086, %dma_start3A_1097, %dma_start3A_1098] : memref<2x128x128xf32, #tpu.memory_space<vmem>> -> memref<1x128x128xf32, #tpu.memory_space<vmem>>
      %dma_start3A_1100 = tpu.memref_squeeze %dma_start3A_1099 : memref<1x128x128xf32, #tpu.memory_space<vmem>> -> memref<128x128xf32, #tpu.memory_space<vmem>>
      %dma_start3A_1101 = arith.constant 0 : i32
      %dma_start3A_1102 = tpu.memref_slice %arg15[%run_scoped3A_1087, %dma_start3A_1101] : memref<2x128xi32, #tpu.memory_space<vmem>> -> memref<1x128xi32, #tpu.memory_space<vmem>>
      %dma_start3A_1103 = tpu.memref_squeeze %dma_start3A_1102 : memref<1x128xi32, #tpu.memory_space<vmem>> -> memref<128xi32, #tpu.memory_space<vmem>>
      %dma_start3A_1104 = arith.constant 0 : i32
      %dma_start3A_1105 = arith.constant 0 : i32
      %dma_start3A_1106 = tpu.memref_slice %arg11[%dma_start3A_1104, %dma_start3A_1105] : memref<1024x128xf32, #tpu.memory_space<vmem_shared>> -> memref<1024x128xf32, #tpu.memory_space<vmem_shared>>
      tpu.enqueue_indirect_dma source(%dma_start3A_1100 : memref<128x128xf32, #tpu.memory_space<vmem>>) target(%dma_start3A_1106 : memref<1024x128xf32, #tpu.memory_space<vmem_shared>>) offsets(%dma_start3A_1103 : memref<128xi32, #tpu.memory_space<vmem>>) semaphore(%run_scoped3A_1096 : memref<!tpu.dma_semaphore, #tpu.memory_space<semaphore_mem>>) {add = true}
      %dma_wait3A_1107 = arith.constant 0 : i32
      %dma_wait3A_1108 = arith.constant 0 : i32
      %dma_wait3A_1109 = tpu.memref_slice %arg14[%run_scoped3A_1086, %dma_wait3A_1107, %dma_wait3A_1108] : memref<2x128x128xf32, #tpu.memory_space<vmem>> -> memref<1x128x128xf32, #tpu.memory_space<vmem>>
      %dma_wait3A_1110 = tpu.memref_squeeze %dma_wait3A_1109 : memref<1x128x128xf32, #tpu.memory_space<vmem>> -> memref<128x128xf32, #tpu.memory_space<vmem>>
      %dma_wait3A_1111 = arith.constant 0 : i32
      %dma_wait3A_1112 = tpu.memref_slice %arg15[%run_scoped3A_1087, %dma_wait3A_1111] : memref<2x128xi32, #tpu.memory_space<vmem>> -> memref<1x128xi32, #tpu.memory_space<vmem>>
      %dma_wait3A_1113 = tpu.memref_squeeze %dma_wait3A_1112 : memref<1x128xi32, #tpu.memory_space<vmem>> -> memref<128xi32, #tpu.memory_space<vmem>>
      %dma_wait3A_1114 = arith.constant 0 : i32
      %dma_wait3A_1115 = arith.constant 0 : i32
      %dma_wait3A_1116 = tpu.memref_slice %arg11[%dma_wait3A_1114, %dma_wait3A_1115] : memref<1024x128xf32, #tpu.memory_space<vmem_shared>> -> memref<1024x128xf32, #tpu.memory_space<vmem_shared>>
      tpu.wait_indirect_dma semaphore(%run_scoped3A_1096 : memref<!tpu.dma_semaphore, #tpu.memory_space<semaphore_mem>>) src(%dma_wait3A_1110 : memref<128x128xf32, #tpu.memory_space<vmem>>) dst(%dma_wait3A_1116 : memref<1024x128xf32, #tpu.memory_space<vmem_shared>>)
      tpu.yield
    }) : () -> ()
    %run_scoped3A_1088 = arith.constant 1 : i32
    %run_scoped3A_1089 = arith.constant 1 : i32
    "tpu.region"() ({
      %run_scoped3A_1096 = tpu.sem_alloc : memref<!tpu.dma_semaphore, #tpu.memory_space<semaphore_mem>>
      %dma_start3A_1097 = arith.constant 0 : i32
      %dma_start3A_1098 = arith.constant 0 : i32
      %dma_start3A_1099 = tpu.memref_slice %arg16[%run_scoped3A_1088, %dma_start3A_1097, %dma_start3A_1098] : memref<2x128x128xf32, #tpu.memory_space<vmem>> -> memref<1x128x128xf32, #tpu.memory_space<vmem>>
      %dma_start3A_1100 = tpu.memref_squeeze %dma_start3A_1099 : memref<1x128x128xf32, #tpu.memory_space<vmem>> -> memref<128x128xf32, #tpu.memory_space<vmem>>
      %dma_start3A_1101 = arith.constant 0 : i32
      %dma_start3A_1102 = tpu.memref_slice %arg15[%run_scoped3A_1089, %dma_start3A_1101] : memref<2x128xi32, #tpu.memory_space<vmem>> -> memref<1x128xi32, #tpu.memory_space<vmem>>
      %dma_start3A_1103 = tpu.memref_squeeze %dma_start3A_1102 : memref<1x128xi32, #tpu.memory_space<vmem>> -> memref<128xi32, #tpu.memory_space<vmem>>
      %dma_start3A_1104 = arith.constant 0 : i32
      %dma_start3A_1105 = arith.constant 0 : i32
      %dma_start3A_1106 = tpu.memref_slice %arg12[%dma_start3A_1104, %dma_start3A_1105] : memref<1024x128xf32, #tpu.memory_space<vmem_shared>> -> memref<1024x128xf32, #tpu.memory_space<vmem_shared>>
      tpu.enqueue_indirect_dma source(%dma_start3A_1100 : memref<128x128xf32, #tpu.memory_space<vmem>>) target(%dma_start3A_1106 : memref<1024x128xf32, #tpu.memory_space<vmem_shared>>) offsets(%dma_start3A_1103 : memref<128xi32, #tpu.memory_space<vmem>>) semaphore(%run_scoped3A_1096 : memref<!tpu.dma_semaphore, #tpu.memory_space<semaphore_mem>>) {add = true}
      %dma_wait3A_1107 = arith.constant 0 : i32
      %dma_wait3A_1108 = arith.constant 0 : i32
      %dma_wait3A_1109 = tpu.memref_slice %arg16[%run_scoped3A_1088, %dma_wait3A_1107, %dma_wait3A_1108] : memref<2x128x128xf32, #tpu.memory_space<vmem>> -> memref<1x128x128xf32, #tpu.memory_space<vmem>>
      %dma_wait3A_1110 = tpu.memref_squeeze %dma_wait3A_1109 : memref<1x128x128xf32, #tpu.memory_space<vmem>> -> memref<128x128xf32, #tpu.memory_space<vmem>>
      %dma_wait3A_1111 = arith.constant 0 : i32
      %dma_wait3A_1112 = tpu.memref_slice %arg15[%run_scoped3A_1089, %dma_wait3A_1111] : memref<2x128xi32, #tpu.memory_space<vmem>> -> memref<1x128xi32, #tpu.memory_space<vmem>>
      %dma_wait3A_1113 = tpu.memref_squeeze %dma_wait3A_1112 : memref<1x128xi32, #tpu.memory_space<vmem>> -> memref<128xi32, #tpu.memory_space<vmem>>
      %dma_wait3A_1114 = arith.constant 0 : i32
      %dma_wait3A_1115 = arith.constant 0 : i32
      %dma_wait3A_1116 = tpu.memref_slice %arg12[%dma_wait3A_1114, %dma_wait3A_1115] : memref<1024x128xf32, #tpu.memory_space<vmem_shared>> -> memref<1024x128xf32, #tpu.memory_space<vmem_shared>>
      tpu.wait_indirect_dma semaphore(%run_scoped3A_1096 : memref<!tpu.dma_semaphore, #tpu.memory_space<semaphore_mem>>) src(%dma_wait3A_1110 : memref<128x128xf32, #tpu.memory_space<vmem>>) dst(%dma_wait3A_1116 : memref<1024x128xf32, #tpu.memory_space<vmem_shared>>)
      tpu.yield
    }) : () -> ()
    "tpu.region"() ({
      %run_scoped3A_1096 = tpu.sem_alloc : memref<!tpu.dma_semaphore, #tpu.memory_space<semaphore_mem>>
      %dma_start3A_1097 = arith.constant 0 : i32
      %dma_start3A_1098 = arith.constant 0 : i32
      %dma_start3A_1099 = tpu.memref_slice %arg10[%dma_start3A_1097, %dma_start3A_1098] : memref<1024x128xf32, #tpu.memory_space<vmem_shared>> -> memref<8x128xf32, #tpu.memory_space<vmem_shared>>
      %dma_start3A_1100 = arith.constant 0 : i32
      %dma_start3A_1101 = arith.constant 0 : i32
      %dma_start3A_1102 = tpu.memref_slice %arg10[%dma_start3A_1100, %dma_start3A_1101] : memref<1024x128xf32, #tpu.memory_space<vmem_shared>> -> memref<8x128xf32, #tpu.memory_space<vmem_shared>>
      tpu.enqueue_dma source(%dma_start3A_1102 : memref<8x128xf32, #tpu.memory_space<vmem_shared>>) target(%arg17 : memref<8x128xf32, #tpu.memory_space<vmem>>) target_semaphore(%run_scoped3A_1096 : memref<!tpu.dma_semaphore, #tpu.memory_space<semaphore_mem>>)
      %dma_wait3A_1103 = arith.constant 0 : i32
      %dma_wait3A_1104 = arith.constant 0 : i32
      %dma_wait3A_1105 = tpu.memref_slice %arg10[%dma_wait3A_1103, %dma_wait3A_1104] : memref<1024x128xf32, #tpu.memory_space<vmem_shared>> -> memref<8x128xf32, #tpu.memory_space<vmem_shared>>
      %dma_wait3A_1106 = arith.constant 0 : i32
      %dma_wait3A_1107 = arith.constant 0 : i32
      %dma_wait3A_1108 = tpu.memref_slice %arg10[%dma_wait3A_1106, %dma_wait3A_1107] : memref<1024x128xf32, #tpu.memory_space<vmem_shared>> -> memref<8x128xf32, #tpu.memory_space<vmem_shared>>
      tpu.wait_dma2 semaphore(%run_scoped3A_1096 : memref<!tpu.dma_semaphore, #tpu.memory_space<semaphore_mem>>) src(%dma_wait3A_1108 : memref<8x128xf32, #tpu.memory_space<vmem_shared>>) dst(%arg17 : memref<8x128xf32, #tpu.memory_space<vmem>>)
      tpu.yield
    }) : () -> ()
    "tpu.region"() ({
      %run_scoped3A_1096 = tpu.sem_alloc : memref<!tpu.dma_semaphore, #tpu.memory_space<semaphore_mem>>
      %dma_start3A_1097 = arith.constant 0 : i32
      %dma_start3A_1098 = arith.constant 0 : i32
      %dma_start3A_1099 = tpu.memref_slice %arg11[%dma_start3A_1097, %dma_start3A_1098] : memref<1024x128xf32, #tpu.memory_space<vmem_shared>> -> memref<8x128xf32, #tpu.memory_space<vmem_shared>>
      %dma_start3A_1100 = arith.constant 0 : i32
      %dma_start3A_1101 = arith.constant 0 : i32
      %dma_start3A_1102 = tpu.memref_slice %arg11[%dma_start3A_1100, %dma_start3A_1101] : memref<1024x128xf32, #tpu.memory_space<vmem_shared>> -> memref<8x128xf32, #tpu.memory_space<vmem_shared>>
      tpu.enqueue_dma source(%dma_start3A_1102 : memref<8x128xf32, #tpu.memory_space<vmem_shared>>) target(%arg17 : memref<8x128xf32, #tpu.memory_space<vmem>>) target_semaphore(%run_scoped3A_1096 : memref<!tpu.dma_semaphore, #tpu.memory_space<semaphore_mem>>)
      %dma_wait3A_1103 = arith.constant 0 : i32
      %dma_wait3A_1104 = arith.constant 0 : i32
      %dma_wait3A_1105 = tpu.memref_slice %arg11[%dma_wait3A_1103, %dma_wait3A_1104] : memref<1024x128xf32, #tpu.memory_space<vmem_shared>> -> memref<8x128xf32, #tpu.memory_space<vmem_shared>>
      %dma_wait3A_1106 = arith.constant 0 : i32
      %dma_wait3A_1107 = arith.constant 0 : i32
      %dma_wait3A_1108 = tpu.memref_slice %arg11[%dma_wait3A_1106, %dma_wait3A_1107] : memref<1024x128xf32, #tpu.memory_space<vmem_shared>> -> memref<8x128xf32, #tpu.memory_space<vmem_shared>>
      tpu.wait_dma2 semaphore(%run_scoped3A_1096 : memref<!tpu.dma_semaphore, #tpu.memory_space<semaphore_mem>>) src(%dma_wait3A_1108 : memref<8x128xf32, #tpu.memory_space<vmem_shared>>) dst(%arg17 : memref<8x128xf32, #tpu.memory_space<vmem>>)
      tpu.yield
    }) : () -> ()
    "tpu.region"() ({
      %run_scoped3A_1096 = tpu.sem_alloc : memref<!tpu.dma_semaphore, #tpu.memory_space<semaphore_mem>>
      %dma_start3A_1097 = arith.constant 0 : i32
      %dma_start3A_1098 = arith.constant 0 : i32
      %dma_start3A_1099 = tpu.memref_slice %arg12[%dma_start3A_1097, %dma_start3A_1098] : memref<1024x128xf32, #tpu.memory_space<vmem_shared>> -> memref<8x128xf32, #tpu.memory_space<vmem_shared>>
      %dma_start3A_1100 = arith.constant 0 : i32
      %dma_start3A_1101 = arith.constant 0 : i32
      %dma_start3A_1102 = tpu.memref_slice %arg12[%dma_start3A_1100, %dma_start3A_1101] : memref<1024x128xf32, #tpu.memory_space<vmem_shared>> -> memref<8x128xf32, #tpu.memory_space<vmem_shared>>
      tpu.enqueue_dma source(%dma_start3A_1102 : memref<8x128xf32, #tpu.memory_space<vmem_shared>>) target(%arg17 : memref<8x128xf32, #tpu.memory_space<vmem>>) target_semaphore(%run_scoped3A_1096 : memref<!tpu.dma_semaphore, #tpu.memory_space<semaphore_mem>>)
      %dma_wait3A_1103 = arith.constant 0 : i32
      %dma_wait3A_1104 = arith.constant 0 : i32
      %dma_wait3A_1105 = tpu.memref_slice %arg12[%dma_wait3A_1103, %dma_wait3A_1104] : memref<1024x128xf32, #tpu.memory_space<vmem_shared>> -> memref<8x128xf32, #tpu.memory_space<vmem_shared>>
      %dma_wait3A_1106 = arith.constant 0 : i32
      %dma_wait3A_1107 = arith.constant 0 : i32
      %dma_wait3A_1108 = tpu.memref_slice %arg12[%dma_wait3A_1106, %dma_wait3A_1107] : memref<1024x128xf32, #tpu.memory_space<vmem_shared>> -> memref<8x128xf32, #tpu.memory_space<vmem_shared>>
      tpu.wait_dma2 semaphore(%run_scoped3A_1096 : memref<!tpu.dma_semaphore, #tpu.memory_space<semaphore_mem>>) src(%dma_wait3A_1108 : memref<8x128xf32, #tpu.memory_space<vmem_shared>>) dst(%arg17 : memref<8x128xf32, #tpu.memory_space<vmem>>)
      tpu.yield
    }) : () -> ()
    %barrier3A_1090 = arith.constant 0 : index
    tpu.barrier barrier_id(%barrier3A_1090)
    %eq3A_1091 = arith.constant 0 : i32
    %eq3A_1092 = arith.cmpi eq, %arg1, %eq3A_1091 : i32
    %convert_element_type3A_1093 = arith.extui %eq3A_1092 : i1 to i32
    %cond3A_1094 = arith.constant 0 : i32
    %cond3A_1095 = arith.cmpi ne, %convert_element_type3A_1093, %cond3A_1094 : i32
    scf.if %cond3A_1095 {
      "tpu.region"() ({
        %run_scoped3A_1096 = tpu.sem_alloc : memref<!tpu.dma_semaphore, #tpu.memory_space<semaphore_mem>>
        %dma_start3A_1097 = arith.constant 0 : i32
        %dma_start3A_1098 = arith.constant 0 : i32
        %dma_start3A_1099 = tpu.memref_slice %arg7[%arg0, %dma_start3A_1097, %dma_start3A_1098] : memref<2x1024x128xf32, #tpu.memory_space<hbm>> -> memref<1x1024x128xf32, #tpu.memory_space<hbm>>
        %dma_start3A_1100 = tpu.memref_squeeze %dma_start3A_1099 : memref<1x1024x128xf32, #tpu.memory_space<hbm>> -> memref<1024x128xf32, #tpu.memory_space<hbm>>
        tpu.enqueue_dma source(%arg10 : memref<1024x128xf32, #tpu.memory_space<vmem_shared>>) target(%dma_start3A_1100 : memref<1024x128xf32, #tpu.memory_space<hbm>>) target_semaphore(%run_scoped3A_1096 : memref<!tpu.dma_semaphore, #tpu.memory_space<semaphore_mem>>)
        %dma_wait3A_1101 = arith.constant 0 : i32
        %dma_wait3A_1102 = arith.constant 0 : i32
        %dma_wait3A_1103 = tpu.memref_slice %arg7[%arg0, %dma_wait3A_1101, %dma_wait3A_1102] : memref<2x1024x128xf32, #tpu.memory_space<hbm>> -> memref<1x1024x128xf32, #tpu.memory_space<hbm>>
        %dma_wait3A_1104 = tpu.memref_squeeze %dma_wait3A_1103 : memref<1x1024x128xf32, #tpu.memory_space<hbm>> -> memref<1024x128xf32, #tpu.memory_space<hbm>>
        tpu.wait_dma2 semaphore(%run_scoped3A_1096 : memref<!tpu.dma_semaphore, #tpu.memory_space<semaphore_mem>>) src(%arg10 : memref<1024x128xf32, #tpu.memory_space<vmem_shared>>) dst(%dma_wait3A_1104 : memref<1024x128xf32, #tpu.memory_space<hbm>>)
        tpu.yield
      }) : () -> ()
      "tpu.region"() ({
        %run_scoped3A_1096 = tpu.sem_alloc : memref<!tpu.dma_semaphore, #tpu.memory_space<semaphore_mem>>
        %dma_start3A_1097 = arith.constant 0 : i32
        %dma_start3A_1098 = arith.constant 0 : i32
        %dma_start3A_1099 = tpu.memref_slice %arg8[%arg0, %dma_start3A_1097, %dma_start3A_1098] : memref<2x1024x128xf32, #tpu.memory_space<hbm>> -> memref<1x1024x128xf32, #tpu.memory_space<hbm>>
        %dma_start3A_1100 = tpu.memref_squeeze %dma_start3A_1099 : memref<1x1024x128xf32, #tpu.memory_space<hbm>> -> memref<1024x128xf32, #tpu.memory_space<hbm>>
        tpu.enqueue_dma source(%arg11 : memref<1024x128xf32, #tpu.memory_space<vmem_shared>>) target(%dma_start3A_1100 : memref<1024x128xf32, #tpu.memory_space<hbm>>) target_semaphore(%run_scoped3A_1096 : memref<!tpu.dma_semaphore, #tpu.memory_space<semaphore_mem>>)
        %dma_wait3A_1101 = arith.constant 0 : i32
        %dma_wait3A_1102 = arith.constant 0 : i32
        %dma_wait3A_1103 = tpu.memref_slice %arg8[%arg0, %dma_wait3A_1101, %dma_wait3A_1102] : memref<2x1024x128xf32, #tpu.memory_space<hbm>> -> memref<1x1024x128xf32, #tpu.memory_space<hbm>>
        %dma_wait3A_1104 = tpu.memref_squeeze %dma_wait3A_1103 : memref<1x1024x128xf32, #tpu.memory_space<hbm>> -> memref<1024x128xf32, #tpu.memory_space<hbm>>
        tpu.wait_dma2 semaphore(%run_scoped3A_1096 : memref<!tpu.dma_semaphore, #tpu.memory_space<semaphore_mem>>) src(%arg11 : memref<1024x128xf32, #tpu.memory_space<vmem_shared>>) dst(%dma_wait3A_1104 : memref<1024x128xf32, #tpu.memory_space<hbm>>)
        tpu.yield
      }) : () -> ()
      "tpu.region"() ({
        %run_scoped3A_1096 = tpu.sem_alloc : memref<!tpu.dma_semaphore, #tpu.memory_space<semaphore_mem>>
        %dma_start3A_1097 = arith.constant 0 : i32
        %dma_start3A_1098 = arith.constant 0 : i32
        %dma_start3A_1099 = tpu.memref_slice %arg9[%arg0, %dma_start3A_1097, %dma_start3A_1098] : memref<2x1024x128xf32, #tpu.memory_space<hbm>> -> memref<1x1024x128xf32, #tpu.memory_space<hbm>>
        %dma_start3A_1100 = tpu.memref_squeeze %dma_start3A_1099 : memref<1x1024x128xf32, #tpu.memory_space<hbm>> -> memref<1024x128xf32, #tpu.memory_space<hbm>>
        tpu.enqueue_dma source(%arg12 : memref<1024x128xf32, #tpu.memory_space<vmem_shared>>) target(%dma_start3A_1100 : memref<1024x128xf32, #tpu.memory_space<hbm>>) target_semaphore(%run_scoped3A_1096 : memref<!tpu.dma_semaphore, #tpu.memory_space<semaphore_mem>>)
        %dma_wait3A_1101 = arith.constant 0 : i32
        %dma_wait3A_1102 = arith.constant 0 : i32
        %dma_wait3A_1103 = tpu.memref_slice %arg9[%arg0, %dma_wait3A_1101, %dma_wait3A_1102] : memref<2x1024x128xf32, #tpu.memory_space<hbm>> -> memref<1x1024x128xf32, #tpu.memory_space<hbm>>
        %dma_wait3A_1104 = tpu.memref_squeeze %dma_wait3A_1103 : memref<1x1024x128xf32, #tpu.memory_space<hbm>> -> memref<1024x128xf32, #tpu.memory_space<hbm>>
        tpu.wait_dma2 semaphore(%run_scoped3A_1096 : memref<!tpu.dma_semaphore, #tpu.memory_space<semaphore_mem>>) src(%arg12 : memref<1024x128xf32, #tpu.memory_space<vmem_shared>>) dst(%dma_wait3A_1104 : memref<1024x128xf32, #tpu.memory_space<hbm>>)
        tpu.yield
      }) : () -> ()
    } else {
    }
    return
  }
}

module attributes {stable_mosaic.version = 14 : i64} {
  func.func @_scale_body(%arg0: i32, %arg1: memref<1024x128xf32, #tpu.memory_space<vmem>>, %arg2: memref<1024x1xf32, #tpu.memory_space<vmem>>, %arg3: memref<1024x128xf32, #tpu.memory_space<vmem>>, %arg4: memref<1024x128xf32, #tpu.memory_space<vmem>>, %arg5: memref<1024x128xf32, #tpu.memory_space<vmem>>) attributes {dimension_semantics = [#tpu.dimension_semantics<arbitrary>], iteration_bounds = array<i64: 32>, scalar_prefetch = 0 : i64, scratch_operands = 0 : i64, tpu.core_type = #tpu.core_type<tc>, window_params = [{transform_indices = @transform_0, window_bounds = array<i64: 1024, 128>}, {transform_indices = @transform_1, window_bounds = array<i64: 1024, 1>}, {transform_indices = @transform_2, window_bounds = array<i64: 1024, 128>}, {transform_indices = @transform_3, window_bounds = array<i64: 1024, 128>}, {transform_indices = @transform_4, window_bounds = array<i64: 1024, 128>}]} {
    %get3A = arith.constant 0 : index
    %get3A_0 = arith.constant 0 : index
    %get3A_1 = vector.load %arg1[%get3A, %get3A_0] : memref<1024x128xf32, #tpu.memory_space<vmem>>, vector<1024x128xf32>
    %get3A_2 = arith.constant 0 : index
    %get3A_3 = arith.constant 0 : index
    %get3A_4 = vector.load %arg2[%get3A_2, %get3A_3] : memref<1024x1xf32, #tpu.memory_space<vmem>>, vector<1024x1xf32>
    %mul3A = arith.mulf %get3A_1, %get3A_1 : vector<1024x128xf32>
    %reduce_sum3A = arith.constant dense<0.000000e+00> : vector<1024xf32>
    %reduce_sum3A_5 = vector.multi_reduction <add>, %mul3A, %reduce_sum3A [1] : vector<1024x128xf32> to vector<1024xf32>
    %broadcast_in_dim3A = vector.shape_cast %reduce_sum3A_5 : vector<1024xf32> to vector<1024x1xf32>
    %mul3A_6 = vector.broadcast %get3A_4 : vector<1024x1xf32> to vector<1024x128xf32>
    %mul3A_7 = arith.mulf %mul3A_6, %get3A_1 : vector<1024x128xf32>
    %swap3A = arith.constant 0 : index
    %swap3A_8 = arith.constant 0 : index
    %swap3A_9 = vector.load %arg3[%swap3A, %swap3A_8] : memref<1024x128xf32, #tpu.memory_space<vmem>>, vector<1024x128xf32>
    tpu.vector_store %arg3[%swap3A, %swap3A_8], %mul3A_7 {strides = array<i32>} : memref<1024x128xf32, #tpu.memory_space<vmem>>, vector<1024x128xf32>,
    %rsqrt3A = math.rsqrt %broadcast_in_dim3A : vector<1024x1xf32>
    %mul3A_10 = arith.mulf %get3A_4, %rsqrt3A : vector<1024x1xf32>
    %mul3A_11 = vector.broadcast %mul3A_10 : vector<1024x1xf32> to vector<1024x128xf32>
    %mul3A_12 = arith.mulf %mul3A_11, %get3A_1 : vector<1024x128xf32>
    %swap3A_13 = arith.constant 0 : index
    %swap3A_14 = arith.constant 0 : index
    %swap3A_15 = vector.load %arg4[%swap3A_13, %swap3A_14] : memref<1024x128xf32, #tpu.memory_space<vmem>>, vector<1024x128xf32>
    tpu.vector_store %arg4[%swap3A_13, %swap3A_14], %mul3A_12 {strides = array<i32>} : memref<1024x128xf32, #tpu.memory_space<vmem>>, vector<1024x128xf32>,
    %iota3A = tpu.iota {dimensions = array<i32: 1>} : vector<1x128xi32>
    %eq3A = arith.constant 0 : i32
    %eq3A_16 = vector.broadcast %eq3A : i32 to vector<1x128xi32>
    %eq3A_17 = arith.cmpi eq, %iota3A, %eq3A_16 : vector<1x128xi32>
    %jit3A = arith.constant 0.000000e+00 : f32
    %broadcast_in_dim3A_18 = vector.shape_cast %eq3A_17 : vector<1x128xi1> to vector<1x128xi1>
    %broadcast_in_dim3A_19 = vector.broadcast %broadcast_in_dim3A_18 : vector<1x128xi1> to vector<1024x128xi1>
    %broadcast_in_dim3A_20 = vector.shape_cast %get3A_4 : vector<1024x1xf32> to vector<1024x1xf32>
    %broadcast_in_dim3A_21 = vector.broadcast %broadcast_in_dim3A_20 : vector<1024x1xf32> to vector<1024x128xf32>
    %broadcast_in_dim3A_22 = vector.broadcast %jit3A : f32 to vector<1024x128xf32>
    %select_n3A = arith.select %broadcast_in_dim3A_19, %broadcast_in_dim3A_21, %broadcast_in_dim3A_22 : vector<1024x128xi1>, vector<1024x128xf32>
    %swap3A_23 = arith.constant 0 : index
    %swap3A_24 = arith.constant 0 : index
    %swap3A_25 = vector.load %arg5[%swap3A_23, %swap3A_24] : memref<1024x128xf32, #tpu.memory_space<vmem>>, vector<1024x128xf32>
    tpu.vector_store %arg5[%swap3A_23, %swap3A_24], %select_n3A {strides = array<i32>} : memref<1024x128xf32, #tpu.memory_space<vmem>>, vector<1024x128xf32>,
    return
  }
  func.func @transform_0(%arg0: i32) -> (i32, i32) {
    %jit3A = arith.constant 16 : i32
    %eq3A = arith.constant 0 : i32
    %eq3A_0 = arith.cmpi eq, %jit3A, %eq3A : i32
    %jit3A_1 = arith.constant 1 : i32
    %select_n3A = arith.select %eq3A_0, %jit3A_1, %jit3A : i32
    %rem3A = arith.remsi %arg0, %select_n3A : i32
    %ne3A = arith.constant 0 : i32
    %ne3A_2 = arith.cmpi ne, %rem3A, %ne3A : i32
    %lt3A = arith.constant 0 : i32
    %lt3A_3 = arith.cmpi slt, %rem3A, %lt3A : i32
    %lt3A_4 = arith.constant 0 : i32
    %lt3A_5 = arith.cmpi slt, %select_n3A, %lt3A_4 : i32
    %ne3A_6 = arith.xori %lt3A_3, %lt3A_5 : i1
    %and3A = arith.andi %ne3A_6, %ne3A_2 : i1
    %add3A = arith.addi %rem3A, %select_n3A : i32
    %select_n3A_7 = arith.select %and3A, %add3A, %rem3A : i32
    %c0_i32 = arith.constant 0 : i32
    %c0_i32_8 = arith.constant 0 : i32
    return %select_n3A_7, %c0_i32 : i32, i32
  }
  func.func @transform_1(%arg0: i32) -> (i32, i32) {
    %c0_i32 = arith.constant 0 : i32
    %c0_i32_0 = arith.constant 0 : i32
    return %arg0, %c0_i32 : i32, i32
  }
  func.func @transform_2(%arg0: i32) -> (i32, i32) {
    %c0_i32 = arith.constant 0 : i32
    %c0_i32_0 = arith.constant 0 : i32
    return %arg0, %c0_i32 : i32, i32
  }
  func.func @transform_3(%arg0: i32) -> (i32, i32) {
    %c0_i32 = arith.constant 0 : i32
    %c0_i32_0 = arith.constant 0 : i32
    return %arg0, %c0_i32 : i32, i32
  }
  func.func @transform_4(%arg0: i32) -> (i32, i32) {
    %c0_i32 = arith.constant 0 : i32
    %c0_i32_0 = arith.constant 0 : i32
    return %arg0, %c0_i32 : i32, i32
  }
}

module attributes {stable_mosaic.version = 14 : i64} {
  func.func @_stage_a_body(%arg0: i32, %arg1: memref<1024x128xf32, #tpu.memory_space<vmem>>, %arg2: memref<8x128xf32, #tpu.memory_space<vmem>>, %arg3: memref<1024x128xf32, #tpu.memory_space<vmem>>, %arg4: memref<1024x128xf32, #tpu.memory_space<vmem>>, %arg5: memref<1024x1xf32, #tpu.memory_space<vmem>>, %arg6: memref<1024x1xf32, #tpu.memory_space<vmem>>) attributes {dimension_semantics = [#tpu.dimension_semantics<arbitrary>], iteration_bounds = array<i64: 1>, scalar_prefetch = 0 : i64, scratch_operands = 0 : i64, tpu.core_type = #tpu.core_type<tc>, window_params = [{pipeline_mode = #tpu.pipeline_mode<synchronous>, transform_indices = @transform_0, window_bounds = array<i64: 1024, 128>}, {transform_indices = @transform_1, window_bounds = array<i64: 8, 128>}, {pipeline_mode = #tpu.pipeline_mode<synchronous>, transform_indices = @transform_2, window_bounds = array<i64: 1024, 128>}, {pipeline_mode = #tpu.pipeline_mode<synchronous>, transform_indices = @transform_3, window_bounds = array<i64: 1024, 128>}, {pipeline_mode = #tpu.pipeline_mode<synchronous>, transform_indices = @transform_4, window_bounds = array<i64: 1024, 1>}, {pipeline_mode = #tpu.pipeline_mode<synchronous>, transform_indices = @transform_5, window_bounds = array<i64: 1024, 1>}]} {
    %get3A = arith.constant 0 : index
    %get3A_0 = arith.constant 0 : index
    %get3A_1 = vector.load %arg1[%get3A, %get3A_0] : memref<1024x128xf32, #tpu.memory_space<vmem>>, vector<1024x128xf32>
    %mul3A = arith.mulf %get3A_1, %get3A_1 : vector<1024x128xf32>
    %reduce_sum3A = arith.constant dense<0.000000e+00> : vector<1024xf32>
    %reduce_sum3A_2 = vector.multi_reduction <add>, %mul3A, %reduce_sum3A [1] : vector<1024x128xf32> to vector<1024xf32>
    %broadcast_in_dim3A = vector.shape_cast %reduce_sum3A_2 : vector<1024xf32> to vector<1024x1xf32>
    %max3A = arith.constant 1.000000e-30 : f32
    %max3A_3 = vector.broadcast %max3A : f32 to vector<1024x1xf32>
    %max3A_4 = arith.maximumf %broadcast_in_dim3A, %max3A_3 : vector<1024x1xf32>
    %rsqrt3A = math.rsqrt %max3A_4 : vector<1024x1xf32>
    %mul3A_5 = vector.broadcast %rsqrt3A : vector<1024x1xf32> to vector<1024x128xf32>
    %mul3A_6 = arith.mulf %get3A_1, %mul3A_5 : vector<1024x128xf32>
    %dot_general3A = arith.constant dense<0.000000e+00> : vector<1024x1024xf32>
    %dot_general3A_7 = tpu.matmul %mul3A_6, %mul3A_6, %dot_general3A {dimension_numbers = #tpu.dot_dimension_numbers<[1], [1], [0], [0], [0, 0, 1, 0], [], []>, transpose_lhs_hint = false} : vector<1024x128xf32>, vector<1024x128xf32>, vector<1024x1024xf32> -> vector<1024x1024xf32>
    %mul3A_8 = arith.constant 5.000000e-01 : f32
    %mul3A_9 = vector.broadcast %mul3A_8 : f32 to vector<1024x1024xf32>
    %mul3A_10 = arith.mulf %dot_general3A_7, %mul3A_9 : vector<1024x1024xf32>
    %exp3A = math.exp %mul3A_10 : vector<1024x1024xf32>
    %reduce_sum3A_11 = arith.constant dense<0.000000e+00> : vector<1024xf32>
    %reduce_sum3A_12 = vector.multi_reduction <add>, %exp3A, %reduce_sum3A_11 [1] : vector<1024x1024xf32> to vector<1024xf32>
    %broadcast_in_dim3A_13 = vector.shape_cast %reduce_sum3A_12 : vector<1024xf32> to vector<1024x1xf32>
    %sub3A = arith.constant 2.400000e+01 : f32
    %sub3A_14 = vector.broadcast %sub3A : f32 to vector<1024x1xf32>
    %sub3A_15 = arith.subf %broadcast_in_dim3A_13, %sub3A_14 : vector<1024x1xf32>
    %div3A = arith.constant 1.000000e+00 : f32
    %div3A_16 = vector.broadcast %div3A : f32 to vector<1024x1xf32>
    %div3A_17 = arith.divf %div3A_16, %sub3A_15 : vector<1024x1xf32>
    %log3A = math.log %sub3A_15 : vector<1024x1xf32>
    %mul3A_18 = vector.broadcast %div3A_17 : vector<1024x1xf32> to vector<1024x1024xf32>
    %mul3A_19 = arith.mulf %exp3A, %mul3A_18 : vector<1024x1024xf32>
    %sub3A_20 = vector.broadcast %log3A : vector<1024x1xf32> to vector<1024x1024xf32>
    %sub3A_21 = arith.subf %mul3A_10, %sub3A_20 : vector<1024x1024xf32>
    %mul3A_22 = arith.mulf %mul3A_19, %sub3A_21 : vector<1024x1024xf32>
    %reduce_sum3A_23 = arith.constant dense<0.000000e+00> : vector<1024xf32>
    %reduce_sum3A_24 = vector.multi_reduction <add>, %mul3A_22, %reduce_sum3A_23 [1] : vector<1024x1024xf32> to vector<1024xf32>
    %broadcast_in_dim3A_25 = vector.shape_cast %reduce_sum3A_24 : vector<1024xf32> to vector<1024x1xf32>
    %mul3A_26 = arith.constant 2.400000e+01 : f32
    %mul3A_27 = vector.broadcast %mul3A_26 : f32 to vector<1024x1xf32>
    %mul3A_28 = arith.mulf %mul3A_27, %log3A : vector<1024x1xf32>
    %mul3A_29 = arith.mulf %mul3A_28, %div3A_17 : vector<1024x1xf32>
    %add3A = arith.addf %broadcast_in_dim3A_25, %mul3A_29 : vector<1024x1xf32>
    %swap3A = arith.constant 0 : index
    %swap3A_30 = arith.constant 0 : index
    %swap3A_31 = vector.load %arg5[%swap3A, %swap3A_30] : memref<1024x1xf32, #tpu.memory_space<vmem>>, vector<1024x1xf32>
    tpu.vector_store %arg5[%swap3A, %swap3A_30], %add3A {strides = array<i32>} : memref<1024x1xf32, #tpu.memory_space<vmem>>, vector<1024x1xf32>,
    %dot_general3A_32 = arith.constant dense<0.000000e+00> : vector<1024x128xf32>
    %dot_general3A_33 = tpu.matmul %mul3A_19, %mul3A_6, %dot_general3A_32 {dimension_numbers = #tpu.dot_dimension_numbers<[1], [0], [0], [1], [0, 0, 1, 1], [], []>, transpose_lhs_hint = false} : vector<1024x1024xf32>, vector<1024x128xf32>, vector<1024x128xf32> -> vector<1024x128xf32>
    %swap3A_34 = arith.constant 0 : index
    %swap3A_35 = arith.constant 0 : index
    %swap3A_36 = vector.load %arg4[%swap3A_34, %swap3A_35] : memref<1024x128xf32, #tpu.memory_space<vmem>>, vector<1024x128xf32>
    tpu.vector_store %arg4[%swap3A_34, %swap3A_35], %dot_general3A_33 {strides = array<i32>} : memref<1024x128xf32, #tpu.memory_space<vmem>>, vector<1024x128xf32>,
    %mul3A_37 = arith.constant 5.000000e-01 : f32
    %mul3A_38 = vector.broadcast %mul3A_37 : f32 to vector<1024x128xf32>
    %mul3A_39 = arith.mulf %mul3A_6, %mul3A_38 : vector<1024x128xf32>
    %swap3A_40 = arith.constant 0 : index
    %swap3A_41 = arith.constant 0 : index
    %swap3A_42 = vector.load %arg3[%swap3A_40, %swap3A_41] : memref<1024x128xf32, #tpu.memory_space<vmem>>, vector<1024x128xf32>
    tpu.vector_store %arg3[%swap3A_40, %swap3A_41], %mul3A_39 {strides = array<i32>} : memref<1024x128xf32, #tpu.memory_space<vmem>>, vector<1024x128xf32>,
    %swap3A_43 = arith.constant 0 : index
    %swap3A_44 = arith.constant 0 : index
    %swap3A_45 = vector.load %arg6[%swap3A_43, %swap3A_44] : memref<1024x1xf32, #tpu.memory_space<vmem>>, vector<1024x1xf32>
    tpu.vector_store %arg6[%swap3A_43, %swap3A_44], %broadcast_in_dim3A {strides = array<i32>} : memref<1024x1xf32, #tpu.memory_space<vmem>>, vector<1024x1xf32>,
    return
  }
  func.func @transform_0(%arg0: i32) -> (i32, i32) {
    %c0_i32 = arith.constant 0 : i32
    %c0_i32_0 = arith.constant 0 : i32
    %c0_i32_1 = arith.constant 0 : i32
    return %c0_i32, %c0_i32_0 : i32, i32
  }
  func.func @transform_1(%arg0: i32) -> (i32, i32) {
    %c0_i32 = arith.constant 0 : i32
    %c0_i32_0 = arith.constant 0 : i32
    %c0_i32_1 = arith.constant 0 : i32
    return %c0_i32, %c0_i32_0 : i32, i32
  }
  func.func @transform_2(%arg0: i32) -> (i32, i32) {
    %c0_i32 = arith.constant 0 : i32
    %c0_i32_0 = arith.constant 0 : i32
    %c0_i32_1 = arith.constant 0 : i32
    return %c0_i32, %c0_i32_0 : i32, i32
  }
  func.func @transform_3(%arg0: i32) -> (i32, i32) {
    %c0_i32 = arith.constant 0 : i32
    %c0_i32_0 = arith.constant 0 : i32
    %c0_i32_1 = arith.constant 0 : i32
    return %c0_i32, %c0_i32_0 : i32, i32
  }
  func.func @transform_4(%arg0: i32) -> (i32, i32) {
    %c0_i32 = arith.constant 0 : i32
    %c0_i32_0 = arith.constant 0 : i32
    %c0_i32_1 = arith.constant 0 : i32
    return %c0_i32, %c0_i32_0 : i32, i32
  }
  func.func @transform_5(%arg0: i32) -> (i32, i32) {
    %c0_i32 = arith.constant 0 : i32
    %c0_i32_0 = arith.constant 0 : i32
    %c0_i32_1 = arith.constant 0 : i32
    return %c0_i32, %c0_i32_0 : i32, i32
  }
}

module attributes {stable_mosaic.version = 14 : i64} {
  func.func @_stage_b_body(%arg0: i32, %arg1: memref<1024x128xf32, #tpu.memory_space<vmem>>, %arg2: memref<1x1x1024xf32, #tpu.memory_space<vmem>>, %arg3: memref<1x1x1024xf32, #tpu.memory_space<vmem>>, %arg4: memref<1024x128xf32, #tpu.memory_space<vmem>>, %arg5: memref<1x1xf32, #tpu.memory_space<vmem>>, %arg6: memref<1x1xf32, #tpu.memory_space<vmem>>) attributes {dimension_semantics = [#tpu.dimension_semantics<arbitrary>], iteration_bounds = array<i64: 16>, scalar_prefetch = 0 : i64, scratch_operands = 0 : i64, tpu.core_type = #tpu.core_type<tc>, window_params = [{transform_indices = @transform_0, window_bounds = array<i64: 1024, 128>}, {transform_indices = @transform_1, window_bounds = array<i64: 1, 1, 1024>}, {transform_indices = @transform_2, window_bounds = array<i64: 1, 1, 1024>}, {pipeline_mode = #tpu.pipeline_mode<synchronous>, transform_indices = @transform_3, window_bounds = array<i64: 1024, 128>}, {pipeline_mode = #tpu.pipeline_mode<synchronous>, transform_indices = @transform_4, window_bounds = array<i64: 1, 1>}, {pipeline_mode = #tpu.pipeline_mode<synchronous>, transform_indices = @transform_5, window_bounds = array<i64: 1, 1>}]} {
    %eq3A = arith.constant 0 : i32
    %eq3A_0 = arith.cmpi eq, %arg0, %eq3A : i32
    %convert_element_type3A = arith.extui %eq3A_0 : i1 to i32
    %cond3A = arith.constant 0 : i32
    %cond3A_1 = arith.cmpi ne, %convert_element_type3A, %cond3A : i32
    scf.if %cond3A_1 {
      %broadcast_in_dim3A_53 = arith.constant 0.000000e+00 : f32
      %broadcast_in_dim3A_54 = vector.broadcast %broadcast_in_dim3A_53 : f32 to vector<1x1xf32>
      %swap3A_55 = arith.constant 0 : index
      %swap3A_56 = arith.constant 0 : index
      %swap3A_57 = vector.load %arg5[%swap3A_55, %swap3A_56] : memref<1x1xf32, #tpu.memory_space<vmem>>, vector<1x1xf32>
      tpu.vector_store %arg5[%swap3A_55, %swap3A_56], %broadcast_in_dim3A_54 {strides = array<i32>} : memref<1x1xf32, #tpu.memory_space<vmem>>, vector<1x1xf32>,
      %broadcast_in_dim3A_58 = arith.constant 0.000000e+00 : f32
      %broadcast_in_dim3A_59 = vector.broadcast %broadcast_in_dim3A_58 : f32 to vector<1x1xf32>
      %swap3A_60 = arith.constant 0 : index
      %swap3A_61 = arith.constant 0 : index
      %swap3A_62 = vector.load %arg6[%swap3A_60, %swap3A_61] : memref<1x1xf32, #tpu.memory_space<vmem>>, vector<1x1xf32>
      tpu.vector_store %arg6[%swap3A_60, %swap3A_61], %broadcast_in_dim3A_59 {strides = array<i32>} : memref<1x1xf32, #tpu.memory_space<vmem>>, vector<1x1xf32>,
    } else {
    }
    %get3A = arith.constant 0 : index
    %get3A_2 = arith.constant 0 : index
    %get3A_3 = vector.load %arg1[%get3A, %get3A_2] : memref<1024x128xf32, #tpu.memory_space<vmem>>, vector<1024x128xf32>
    %mul3A = arith.mulf %get3A_3, %get3A_3 : vector<1024x128xf32>
    %reduce_sum3A = arith.constant dense<0.000000e+00> : vector<1024xf32>
    %reduce_sum3A_4 = vector.multi_reduction <add>, %mul3A, %reduce_sum3A [1] : vector<1024x128xf32> to vector<1024xf32>
    %broadcast_in_dim3A = vector.shape_cast %reduce_sum3A_4 : vector<1024xf32> to vector<1024x1xf32>
    %rsqrt3A = math.rsqrt %broadcast_in_dim3A : vector<1024x1xf32>
    %mul3A_5 = vector.broadcast %rsqrt3A : vector<1024x1xf32> to vector<1024x128xf32>
    %mul3A_6 = arith.mulf %get3A_3, %mul3A_5 : vector<1024x128xf32>
    %get3A_7 = arith.constant 0 : index
    %get3A_8 = arith.constant 0 : index
    %get3A_9 = vector.load %arg4[%get3A_7, %get3A_8] : memref<1024x128xf32, #tpu.memory_space<vmem>>, vector<1024x128xf32>
    %dot_general3A = arith.constant dense<0.000000e+00> : vector<1024x1024xf32>
    %dot_general3A_10 = tpu.matmul %mul3A_6, %get3A_9, %dot_general3A {dimension_numbers = #tpu.dot_dimension_numbers<[1], [1], [0], [0], [0, 0, 1, 0], [], []>, transpose_lhs_hint = false} : vector<1024x128xf32>, vector<1024x128xf32>, vector<1024x1024xf32> -> vector<1024x1024xf32>
    %exp3A = math.exp %dot_general3A_10 : vector<1024x1024xf32>
    %reduce_sum3A_11 = arith.constant dense<0.000000e+00> : vector<1024xf32>
    %reduce_sum3A_12 = vector.multi_reduction <add>, %exp3A, %reduce_sum3A_11 [1] : vector<1024x1024xf32> to vector<1024xf32>
    %broadcast_in_dim3A_13 = vector.shape_cast %reduce_sum3A_12 : vector<1024xf32> to vector<1024x1xf32>
    %sub3A = arith.constant 2.400000e+01 : f32
    %sub3A_14 = vector.broadcast %sub3A : f32 to vector<1024x1xf32>
    %sub3A_15 = arith.subf %broadcast_in_dim3A_13, %sub3A_14 : vector<1024x1xf32>
    %log3A = math.log %sub3A_15 : vector<1024x1xf32>
    %get3A_16 = arith.constant 0 : index
    %get3A_17 = arith.constant 0 : index
    %get3A_18 = arith.constant 0 : index
    %get3A_19 = vector.load %arg2[%get3A_16, %get3A_17, %get3A_18] : memref<1x1x1024xf32, #tpu.memory_space<vmem>>, vector<1x1x1024xf32>
    %get3A_20 = vector.shape_cast %get3A_19 : vector<1x1x1024xf32> to vector<1x1024xf32>
    %get3A_21 = arith.constant 0 : index
    %get3A_22 = arith.constant 0 : index
    %get3A_23 = arith.constant 0 : index
    %get3A_24 = vector.load %arg3[%get3A_21, %get3A_22, %get3A_23] : memref<1x1x1024xf32, #tpu.memory_space<vmem>>, vector<1x1x1024xf32>
    %get3A_25 = vector.shape_cast %get3A_24 : vector<1x1x1024xf32> to vector<1x1024xf32>
    %add3A = arith.addf %get3A_20, %get3A_25 : vector<1x1024xf32>
    %transpose3A = tpu.transpose %add3A, [1, 0] : vector<1x1024xf32> -> vector<1024x1xf32>
    %get3A_26 = arith.constant 0 : index
    %get3A_27 = arith.constant 0 : index
    %get3A_28 = vector.load %arg5[%get3A_26, %get3A_27] : memref<1x1xf32, #tpu.memory_space<vmem>>, vector<1x1xf32>
    %mul3A_29 = arith.mulf %transpose3A, %log3A : vector<1024x1xf32>
    %reduce_sum3A_30 = vector.shape_cast %mul3A_29 : vector<1024x1xf32> to vector<1x1024x1xf32>
    %reduce_sum3A_31 = arith.constant dense<0.000000e+00> : vector<1xf32>
    %reduce_sum3A_32 = vector.multi_reduction <add>, %reduce_sum3A_30, %reduce_sum3A_31 [1, 2] : vector<1x1024x1xf32> to vector<1xf32>
    %reduce_sum3A_33 = vector.shape_cast %reduce_sum3A_32 : vector<1xf32> to vector<1x1x1xf32>
    %reduce_sum3A_34 = vector.extract %reduce_sum3A_33[0, 0, 0] : f32 from vector<1x1x1xf32>
    %add3A_35 = vector.broadcast %reduce_sum3A_34 : f32 to vector<1x1xf32>
    %add3A_36 = arith.addf %get3A_28, %add3A_35 : vector<1x1xf32>
    %swap3A = arith.constant 0 : index
    %swap3A_37 = arith.constant 0 : index
    %swap3A_38 = vector.load %arg5[%swap3A, %swap3A_37] : memref<1x1xf32, #tpu.memory_space<vmem>>, vector<1x1xf32>
    tpu.vector_store %arg5[%swap3A, %swap3A_37], %add3A_36 {strides = array<i32>} : memref<1x1xf32, #tpu.memory_space<vmem>>, vector<1x1xf32>,
    %get3A_39 = arith.constant 0 : index
    %get3A_40 = arith.constant 0 : index
    %get3A_41 = vector.load %arg6[%get3A_39, %get3A_40] : memref<1x1xf32, #tpu.memory_space<vmem>>, vector<1x1xf32>
    %mul3A_42 = arith.mulf %transpose3A, %broadcast_in_dim3A : vector<1024x1xf32>
    %reduce_sum3A_43 = vector.shape_cast %mul3A_42 : vector<1024x1xf32> to vector<1x1024x1xf32>
    %reduce_sum3A_44 = arith.constant dense<0.000000e+00> : vector<1xf32>
    %reduce_sum3A_45 = vector.multi_reduction <add>, %reduce_sum3A_43, %reduce_sum3A_44 [1, 2] : vector<1x1024x1xf32> to vector<1xf32>
    %reduce_sum3A_46 = vector.shape_cast %reduce_sum3A_45 : vector<1xf32> to vector<1x1x1xf32>
    %reduce_sum3A_47 = vector.extract %reduce_sum3A_46[0, 0, 0] : f32 from vector<1x1x1xf32>
    %add3A_48 = vector.broadcast %reduce_sum3A_47 : f32 to vector<1x1xf32>
    %add3A_49 = arith.addf %get3A_41, %add3A_48 : vector<1x1xf32>
    %swap3A_50 = arith.constant 0 : index
    %swap3A_51 = arith.constant 0 : index
    %swap3A_52 = vector.load %arg6[%swap3A_50, %swap3A_51] : memref<1x1xf32, #tpu.memory_space<vmem>>, vector<1x1xf32>
    tpu.vector_store %arg6[%swap3A_50, %swap3A_51], %add3A_49 {strides = array<i32>} : memref<1x1xf32, #tpu.memory_space<vmem>>, vector<1x1xf32>,
    return
  }
  func.func @transform_0(%arg0: i32) -> (i32, i32) {
    %c0_i32 = arith.constant 0 : i32
    %c0_i32_0 = arith.constant 0 : i32
    return %arg0, %c0_i32 : i32, i32
  }
  func.func @transform_1(%arg0: i32) -> (i32, i32, i32) {
    %c0_i32 = arith.constant 0 : i32
    %c0_i32_0 = arith.constant 0 : i32
    %c0_i32_1 = arith.constant 0 : i32
    return %arg0, %c0_i32, %c0_i32_0 : i32, i32, i32
  }
  func.func @transform_2(%arg0: i32) -> (i32, i32, i32) {
    %c0_i32 = arith.constant 0 : i32
    %c0_i32_0 = arith.constant 0 : i32
    %c0_i32_1 = arith.constant 0 : i32
    return %arg0, %c0_i32, %c0_i32_0 : i32, i32, i32
  }
  func.func @transform_3(%arg0: i32) -> (i32, i32) {
    %c0_i32 = arith.constant 0 : i32
    %c0_i32_0 = arith.constant 0 : i32
    %c0_i32_1 = arith.constant 0 : i32
    return %c0_i32, %c0_i32_0 : i32, i32
  }
  func.func @transform_4(%arg0: i32) -> (i32, i32) {
    %c0_i32 = arith.constant 0 : i32
    %c0_i32_0 = arith.constant 0 : i32
    %c0_i32_1 = arith.constant 0 : i32
    return %c0_i32, %c0_i32_0 : i32, i32
  }
  func.func @transform_5(%arg0: i32) -> (i32, i32) {
    %c0_i32 = arith.constant 0 : i32
    %c0_i32_0 = arith.constant 0 : i32
    %c0_i32_1 = arith.constant 0 : i32
    return %c0_i32, %c0_i32_0 : i32, i32
  }
}

module attributes {stable_mosaic.version = 14 : i64} {
  func.func @_stage_c_body(%arg0: memref<2x1024x128xf32, #tpu.memory_space<vmem>>, %arg1: memref<2x1024x128xf32, #tpu.memory_space<vmem>>, %arg2: memref<2048x1xf32, #tpu.memory_space<vmem>>, %arg3: memref<1024x1xf32, #tpu.memory_space<vmem>>, %arg4: memref<1024x1xf32, #tpu.memory_space<vmem>>, %arg5: memref<1024x128xf32, #tpu.memory_space<vmem>>, %arg6: memref<1024x128xf32, #tpu.memory_space<vmem>>, %arg7: memref<1024x128xf32, #tpu.memory_space<vmem>>, %arg8: memref<1024x1xf32, #tpu.memory_space<vmem>>, %arg9: memref<1x1xf32, #tpu.memory_space<vmem>>, %arg10: memref<1x1xf32, #tpu.memory_space<vmem>>, %arg11: memref<1x1xf32, #tpu.memory_space<vmem>>, %arg12: memref<1024x128xf32, #tpu.memory_space<vmem>>, %arg13: memref<1024x1xf32, #tpu.memory_space<vmem>>) attributes {dimension_semantics = [], scalar_prefetch = 0 : i64, scratch_operands = 0 : i64, tpu.core_type = #tpu.core_type<tc>} {
    %get3A = arith.constant 0 : index
    %get3A_0 = arith.constant 0 : index
    %get3A_1 = arith.constant 0 : index
    %get3A_2 = vector.load %arg0[%get3A, %get3A_0, %get3A_1] : memref<2x1024x128xf32, #tpu.memory_space<vmem>>, vector<1x1024x128xf32>
    %get3A_3 = vector.shape_cast %get3A_2 : vector<1x1024x128xf32> to vector<1024x128xf32>
    %get3A_4 = arith.constant 1 : index
    %get3A_5 = arith.constant 0 : index
    %get3A_6 = arith.constant 0 : index
    %get3A_7 = vector.load %arg0[%get3A_4, %get3A_5, %get3A_6] : memref<2x1024x128xf32, #tpu.memory_space<vmem>>, vector<1x1024x128xf32>
    %get3A_8 = vector.shape_cast %get3A_7 : vector<1x1024x128xf32> to vector<1024x128xf32>
    %add3A = arith.addf %get3A_3, %get3A_8 : vector<1024x128xf32>
    %get3A_9 = arith.constant 0 : index
    %get3A_10 = arith.constant 0 : index
    %get3A_11 = arith.constant 0 : index
    %get3A_12 = vector.load %arg1[%get3A_9, %get3A_10, %get3A_11] : memref<2x1024x128xf32, #tpu.memory_space<vmem>>, vector<1x1024x128xf32>
    %get3A_13 = vector.shape_cast %get3A_12 : vector<1x1024x128xf32> to vector<1024x128xf32>
    %get3A_14 = arith.constant 1 : index
    %get3A_15 = arith.constant 0 : index
    %get3A_16 = arith.constant 0 : index
    %get3A_17 = vector.load %arg1[%get3A_14, %get3A_15, %get3A_16] : memref<2x1024x128xf32, #tpu.memory_space<vmem>>, vector<1x1024x128xf32>
    %get3A_18 = vector.shape_cast %get3A_17 : vector<1x1024x128xf32> to vector<1024x128xf32>
    %add3A_19 = arith.addf %get3A_13, %get3A_18 : vector<1024x128xf32>
    %get3A_20 = arith.constant 0 : index
    %get3A_21 = arith.constant 0 : index
    %get3A_22 = vector.load %arg2[%get3A_20, %get3A_21] : memref<2048x1xf32, #tpu.memory_space<vmem>>, vector<1024x1xf32>
    %get3A_23 = arith.constant 1024 : index
    %get3A_24 = arith.constant 0 : index
    %get3A_25 = vector.load %arg2[%get3A_23, %get3A_24] : memref<2048x1xf32, #tpu.memory_space<vmem>>, vector<1024x1xf32>
    %add3A_26 = arith.addf %get3A_22, %get3A_25 : vector<1024x1xf32>
    %get3A_27 = arith.constant 0 : index
    %get3A_28 = arith.constant 0 : index
    %get3A_29 = vector.load %arg10[%get3A_27, %get3A_28] : memref<1x1xf32, #tpu.memory_space<vmem>>, vector<1x1xf32>
    %get3A_30 = vector.extract %get3A_29[0, 0] : f32 from vector<1x1xf32>
    %get3A_31 = arith.constant 0 : index
    %get3A_32 = arith.constant 0 : index
    %get3A_33 = vector.load %arg6[%get3A_31, %get3A_32] : memref<1024x128xf32, #tpu.memory_space<vmem>>, vector<1024x128xf32>
    %mul3A = arith.mulf %add3A, %get3A_33 : vector<1024x128xf32>
    %reduce_sum3A = vector.shape_cast %mul3A : vector<1024x128xf32> to vector<1x1024x128xf32>
    %reduce_sum3A_34 = arith.constant dense<0.000000e+00> : vector<1xf32>
    %reduce_sum3A_35 = vector.multi_reduction <add>, %reduce_sum3A, %reduce_sum3A_34 [1, 2] : vector<1x1024x128xf32> to vector<1xf32>
    %reduce_sum3A_36 = vector.shape_cast %reduce_sum3A_35 : vector<1xf32> to vector<1x1x1xf32>
    %reduce_sum3A_37 = vector.extract %reduce_sum3A_36[0, 0, 0] : f32 from vector<1x1x1xf32>
    %mul3A_38 = arith.constant 2.000000e+00 : f32
    %mul3A_39 = arith.mulf %mul3A_38, %reduce_sum3A_37 : f32
    %sub3A = arith.subf %get3A_30, %mul3A_39 : f32
    %get3A_40 = arith.constant 0 : index
    %get3A_41 = arith.constant 0 : index
    %get3A_42 = vector.load %arg4[%get3A_40, %get3A_41] : memref<1024x1xf32, #tpu.memory_space<vmem>>, vector<1024x1xf32>
    %mul3A_43 = arith.mulf %add3A_26, %get3A_42 : vector<1024x1xf32>
    %reduce_sum3A_44 = vector.shape_cast %mul3A_43 : vector<1024x1xf32> to vector<1x1024x1xf32>
    %reduce_sum3A_45 = arith.constant dense<0.000000e+00> : vector<1xf32>
    %reduce_sum3A_46 = vector.multi_reduction <add>, %reduce_sum3A_44, %reduce_sum3A_45 [1, 2] : vector<1x1024x1xf32> to vector<1xf32>
    %reduce_sum3A_47 = vector.shape_cast %reduce_sum3A_46 : vector<1xf32> to vector<1x1x1xf32>
    %reduce_sum3A_48 = vector.extract %reduce_sum3A_47[0, 0, 0] : f32 from vector<1x1x1xf32>
    %add3A_49 = arith.addf %sub3A, %reduce_sum3A_48 : f32
    %mul3A_50 = arith.constant 1.8310547E-7 : f32
    %mul3A_51 = arith.mulf %add3A_49, %mul3A_50 : f32
    %get3A_52 = arith.constant 0 : index
    %get3A_53 = arith.constant 0 : index
    %get3A_54 = vector.load %arg3[%get3A_52, %get3A_53] : memref<1024x1xf32, #tpu.memory_space<vmem>>, vector<1024x1xf32>
    %mul3A_55 = arith.mulf %add3A_26, %get3A_54 : vector<1024x1xf32>
    %reduce_sum3A_56 = vector.shape_cast %mul3A_55 : vector<1024x1xf32> to vector<1x1024x1xf32>
    %reduce_sum3A_57 = arith.constant dense<0.000000e+00> : vector<1xf32>
    %reduce_sum3A_58 = vector.multi_reduction <add>, %reduce_sum3A_56, %reduce_sum3A_57 [1, 2] : vector<1x1024x1xf32> to vector<1xf32>
    %reduce_sum3A_59 = vector.shape_cast %reduce_sum3A_58 : vector<1xf32> to vector<1x1x1xf32>
    %reduce_sum3A_60 = vector.extract %reduce_sum3A_59[0, 0, 0] : f32 from vector<1x1x1xf32>
    %get3A_61 = arith.constant 0 : index
    %get3A_62 = arith.constant 0 : index
    %get3A_63 = vector.load %arg9[%get3A_61, %get3A_62] : memref<1x1xf32, #tpu.memory_space<vmem>>, vector<1x1xf32>
    %get3A_64 = vector.extract %get3A_63[0, 0] : f32 from vector<1x1xf32>
    %add3A_65 = arith.addf %reduce_sum3A_60, %get3A_64 : f32
    %get3A_66 = arith.constant 0 : index
    %get3A_67 = arith.constant 0 : index
    %get3A_68 = vector.load %arg5[%get3A_66, %get3A_67] : memref<1024x128xf32, #tpu.memory_space<vmem>>, vector<1024x128xf32>
    %mul3A_69 = arith.mulf %add3A_19, %get3A_68 : vector<1024x128xf32>
    %reduce_sum3A_70 = vector.shape_cast %mul3A_69 : vector<1024x128xf32> to vector<1x1024x128xf32>
    %reduce_sum3A_71 = arith.constant dense<0.000000e+00> : vector<1xf32>
    %reduce_sum3A_72 = vector.multi_reduction <add>, %reduce_sum3A_70, %reduce_sum3A_71 [1, 2] : vector<1x1024x128xf32> to vector<1xf32>
    %reduce_sum3A_73 = vector.shape_cast %reduce_sum3A_72 : vector<1xf32> to vector<1x1x1xf32>
    %reduce_sum3A_74 = vector.extract %reduce_sum3A_73[0, 0, 0] : f32 from vector<1x1x1xf32>
    %mul3A_75 = arith.constant 5.000000e-01 : f32
    %mul3A_76 = arith.mulf %reduce_sum3A_74, %mul3A_75 : f32
    %sub3A_77 = arith.subf %add3A_65, %mul3A_76 : f32
    %mul3A_78 = arith.constant 3.05175781E-5 : f32
    %mul3A_79 = arith.mulf %sub3A_77, %mul3A_78 : f32
    %add3A_80 = arith.addf %mul3A_79, %mul3A_51 : f32
    %broadcast_in_dim3A = vector.broadcast %add3A_80 : f32 to vector<1x1xf32>
    %swap3A = arith.constant 0 : index
    %swap3A_81 = arith.constant 0 : index
    %swap3A_82 = vector.load %arg11[%swap3A, %swap3A_81] : memref<1x1xf32, #tpu.memory_space<vmem>>, vector<1x1xf32>
    tpu.vector_store %arg11[%swap3A, %swap3A_81], %broadcast_in_dim3A {strides = array<i32>} : memref<1x1xf32, #tpu.memory_space<vmem>>, vector<1x1xf32>,
    %get3A_83 = arith.constant 0 : index
    %get3A_84 = arith.constant 0 : index
    %get3A_85 = vector.load %arg7[%get3A_83, %get3A_84] : memref<1024x128xf32, #tpu.memory_space<vmem>>, vector<1024x128xf32>
    %add3A_86 = arith.addf %add3A, %get3A_85 : vector<1024x128xf32>
    %swap3A_87 = arith.constant 0 : index
    %swap3A_88 = arith.constant 0 : index
    %swap3A_89 = vector.load %arg12[%swap3A_87, %swap3A_88] : memref<1024x128xf32, #tpu.memory_space<vmem>>, vector<1024x128xf32>
    tpu.vector_store %arg12[%swap3A_87, %swap3A_88], %add3A_86 {strides = array<i32>} : memref<1024x128xf32, #tpu.memory_space<vmem>>, vector<1024x128xf32>,
    %get3A_90 = arith.constant 0 : index
    %get3A_91 = arith.constant 0 : index
    %get3A_92 = vector.load %arg8[%get3A_90, %get3A_91] : memref<1024x1xf32, #tpu.memory_space<vmem>>, vector<1024x1xf32>
    %add3A_93 = arith.addf %add3A_26, %get3A_92 : vector<1024x1xf32>
    %swap3A_94 = arith.constant 0 : index
    %swap3A_95 = arith.constant 0 : index
    %swap3A_96 = vector.load %arg13[%swap3A_94, %swap3A_95] : memref<1024x1xf32, #tpu.memory_space<vmem>>, vector<1024x1xf32>
    tpu.vector_store %arg13[%swap3A_94, %swap3A_95], %add3A_93 {strides = array<i32>} : memref<1024x1xf32, #tpu.memory_space<vmem>>, vector<1024x1xf32>,
    return
  }
}

</mosaic_0001>

<sc_bundles>
// kernel: kernel.7.cloned.1.call-start
scs
__scs_entry_jumppad:
0x0: {  	(pc) =	sbr.rel $0x88, $3  }
0x1: {  	(tag) =	ssettag $0x0;
	lr =	simm.s32 $0x1  }
0x2: {  	[smem:$0x3F98] =	sst lr;
	_ =	strace $0xD0000000  }
0x3: {  	_ = 	snop  }
0x4: {  	_ = 	snop  }
0x5: {  	_ = 	snop  }
0x6: {  	_ = 	snop  }
0x7: {  	_ = 	snop  }
__scs_overlays_trampoline_lowered:
0x8: {  	[smem:$0x3FA7] =	sst s0  }
0x9: {  	[smem:$0x3FA8] =	sst s1  }
0xa: {  	[smem:$0x3FA9] =	sst s2  }
0xb: {  	[smem:$0x3FAA] =	sst s3  }
0xc: {  	[smem:$0x3FAB] =	sst s4  }
0xd: {  	[smem:$0x3FAC] =	sst s5  }
0xe: {  	[smem:$0x3FAD] =	sst s6  }
0xf: {  	[smem:$0x3FAE] =	sst s7  }
0x10: {  	[smem:$0x3FAF] =	sst s8  }
0x11: {  	[smem:$0x3FB0] =	sst s9;
	s0 =	simm.s32 @!p0 $0x0  }
0x12: {  	s1 =	sld [smem:$0x3F96];
	s0 =	simm.s32 @p0 $0x1  }
0x13: {  	[smem:$0x3FB1] =	sst s0;
	s0 =	simm.s32 @!p1 $0x0  }
0x14: {  	s2 =	sld [smem:$0x3F95];
	s0 =	simm.s32 @p1 $0x1  }
0x15: {  	[smem:$0x3FB2] =	sst s0;
	s0 =	simm.s32 @!p2 $0x0  }
0x16: {  	s3 =	sld [smem:$0x3FDB];
	s0 =	simm.s32 @p2 $0x1  }
0x17: {  	s4 =	simm.s32 $0x1BF5;
	[smem:$0x3FB4] =	sst s0  }
0x18: {  	s0 =	sld [smem:$0x3F97];
	_ =	swait.ge [sflag:s4], $0x0  }
0x19: {  	s7 =	sld [smem:$0x3F98]  }
0x1a: {  	s8 =	sadd.s32 $0xFFFFE003, lr  }
0x1b: {  	s9 =	sadd.s32 $0xFFFFFEF7, lr;
	s5 =	simm.s32 $0xFFFFFFFF;
	p2 =	slt.u32 s8, $0xFFFFF086  }
0x1c: {  	p1 =	slt.u32 s9, $0xF7A;
	s5 =	simm.s32 @!p2 $0x0  }
0x1d: {  	s5 =	simm.s32 @p1 $0x1;
	p0 =	seq.s32 s7, s2  }
0x1e: {  	s7 =	smul.u32 @!p0 $0xF7A, s2;
	p2 =	seq.s32 @!p0 s5, $0x0  }
0x1f: {  	s9 =	smul.u32 $0xF7A, s1;
	s8 =	simm.s32 @!p0 $0x1BF5;
	p2 =	por !p2, p0  }
0x20: {  	[sflag:s8] =	ssyncset.s32 @!p0 $0xFFFFF086;
	s6 =	sadd.s32 @!p0 s3, s7;
	s7 =	simm.s32 @!p0 $0x108  }
0x21: {  	s3 =	sadd.s32 s3, s9;
	s6 =	sadd.s32 @!p0 $0x88, s6;
	s7 =	simm.s32 @p2 $0x1082  }
0x22: {  	[simem:s7], [sflag:s8] =	dma.local @!p0 [hbm:s6], $0xF7A  }
0x23: {  	s9 =	sor.u32 $0xD0000000, s2;
	s6 =	simm.s32 $0x108;
	_ =	swait.ge @!p0 [sflag:s8], $0x0  }
0x24: {  	s3 =	sadd.s32 $0x88, s3;
	s6 =	simm.s32 @!p1 $0x1082;
	[sflag:s4] =	ssyncset.s32 $0xFFFFF086  }
0x25: {  	[simem:s6], [sflag:s4] =	dma.local [hbm:s3], $0xF7A  }
0x26: {  	[smem:$0x3F98] =	sst s1;
	(tag) =	ssettag s2;
	_ =	strace s9  }
0x27: {  	s1 =	sld [smem:$0x3FA8]  }
0x28: {  	s2 =	sld [smem:$0x3FA9]  }
0x29: {  	s4 =	sld [smem:$0x3FAB]  }
0x2a: {  	p0 =	seq.s32 s5, $0x0;
	s5 =	sld [smem:$0x3FAC]  }
0x2b: {  	s6 =	sld [smem:$0x3FAD]  }
0x2c: {  	s7 =	sld [smem:$0x3FAE]  }
0x2d: {  	s3 =	simm.s32 $0x108;
	s8 =	sld [smem:$0x3FAF]  }
0x2e: {  	s3 =	simm.s32 @!p0 $0x1082;
	s9 =	sld [smem:$0x3FB0]  }
0x2f: {  	lr =	sadd.s32 s0, s3;
	s0 =	sld [smem:$0x3FA7]  }
0x30: {  	s3 =	sld [smem:$0x3FAA]  }
0x31: {  	[smem:$0x3FB3] =	sst s10  }
0x32: {  	s10 =	sld [smem:$0x3FB1];
	_ =	sdelay $0x3  }
0x33: {  	p0 =	seq.s32 s10, $0x1;
	s10 =	sld [smem:$0x3FB3];
	_ =	sdelay $0x3  }
0x34: {  	[smem:$0x3FB3] =	sst s10  }
0x35: {  	s10 =	sld [smem:$0x3FB2];
	_ =	sdelay $0x3  }
0x36: {  	p1 =	seq.s32 s10, $0x1;
	s10 =	sld [smem:$0x3FB3];
	_ =	sdelay $0x3  }
0x37: {  	[smem:$0x3FB3] =	sst s10  }
0x38: {  	s10 =	sld [smem:$0x3FB4]  }
0x39: {  	_ = 	snop;
	(pc) =	sbr.ind lr, $3  }
0x3a: {  	_ = 	snop  }
0x3b: {  	_ = 	snop  }
0x3c: {  	p2 =	seq.s32 s10, $0x1;
	s10 =	sld [smem:$0x3FB3]  }
0x3d: {  	_ =	shalt  }
0x3e: {  	_ =	shalt  }
0x3f: {  	_ =	shalt  }
0x40: {  	_ =	shalt  }
0x41: {  	_ =	shalt  }
0x42: {  	_ =	shalt  }
0x43: {  	_ =	shalt  }
0x44: {  	_ =	shalt  }
0x45: {  	_ =	shalt  }
0x46: {  	_ =	shalt  }
0x47: {  	_ =	shalt  }
0x48: {  	_ =	shalt  }
0x49: {  	_ =	shalt  }
0x4a: {  	_ =	shalt  }
0x4b: {  	_ =	shalt  }
0x4c: {  	_ =	shalt  }
0x4d: {  	_ =	shalt  }
0x4e: {  	_ =	shalt  }
0x4f: {  	_ =	shalt  }
0x50: {  	_ =	shalt  }
0x51: {  	_ =	shalt  }
0x52: {  	_ =	shalt  }
0x53: {  	_ =	shalt  }
0x54: {  	_ =	shalt  }
0x55: {  	_ =	shalt  }
0x56: {  	_ =	shalt  }
0x57: {  	_ =	shalt  }
0x58: {  	_ =	shalt  }
0x59: {  	_ =	shalt  }
0x5a: {  	_ =	shalt  }
0x5b: {  	_ =	shalt  }
0x5c: {  	_ =	shalt  }
0x5d: {  	_ =	shalt  }
0x5e: {  	_ =	shalt  }
0x5f: {  	_ =	shalt  }
0x60: {  	_ =	shalt  }
0x61: {  	_ =	shalt  }
0x62: {  	_ =	shalt  }
0x63: {  	_ =	shalt  }
0x64: {  	_ =	shalt  }
0x65: {  	_ =	shalt  }
0x66: {  	_ =	shalt  }
0x67: {  	_ =	shalt  }
0x68: {  	_ =	shalt  }
0x69: {  	_ =	shalt  }
0x6a: {  	_ =	shalt  }
0x6b: {  	_ =	shalt  }
0x6c: {  	_ =	shalt  }
0x6d: {  	_ =	shalt  }
0x6e: {  	_ =	shalt  }
0x6f: {  	_ =	shalt  }
0x70: {  	_ =	shalt  }
0x71: {  	_ =	shalt  }
0x72: {  	_ =	shalt  }
0x73: {  	_ =	shalt  }
0x74: {  	_ =	shalt  }
0x75: {  	_ =	shalt  }
0x76: {  	_ =	shalt  }
0x77: {  	_ =	shalt  }
0x78: {  	_ =	shalt  }
0x79: {  	_ =	shalt  }
0x7a: {  	_ =	shalt  }
0x7b: {  	_ =	shalt  }
0x7c: {  	_ =	shalt  }
0x7d: {  	_ =	shalt  }
0x7e: {  	_ =	shalt  }
0x7f: {  	_ =	shalt  }
0x80: {  	_ =	shalt  }
0x81: {  	_ =	shalt  }
0x82: {  	_ =	shalt  }
0x83: {  	_ =	shalt  }
0x84: {  	_ =	shalt  }
0x85: {  	_ =	shalt  }
0x86: {  	_ =	shalt  }
0x87: {  	_ =	shalt  }
.Lfunc_end0:
.L_simem_size_0:
called_computation_lowered:
.L_overlay_start_0:
0x88: {  	s2 =	sld [smem:$0x3FD9]  }
0x89: {  	s3 =	sld [smem:$0x3FFE];
	_ =	sdelay $0x1  }
0x8a: {  	s1 =	srdreg.scid  }
0x8b: {  	s0 =	sand.u32 $0x1, s1  }
0x8c: {  	s14 =	sshll.u32 s0, $0xA;
	s2 =	sadd.s32 s3, s2  }
0x8d: {  	s2 =	sadd.s32 s2, s14  }
0x8e: {  	[smem:$0x3FBF] =	sst s2  }
0x8f: {  	_ = 	snop  }
0x90: {  	s2 =	sld [smem:$0x3FD0];
	_ =	sdelay $0x2  }
0x91: {  	s15 =	simm.s32 $0xA;
	s4 =	simm.s32 $0x10  }
0x92: {  	[smem:s4], [sflag:s15] =	dma.local [hbm:s2], $0x1  }
0x93: {  	_ =	swait.eq [sflag:s15], $0x1  }
0x94: {  	[sflag:s15] =	ssyncset.done $0x0  }
0x95: {  	[sflag:s15] =	ssyncadd.s32 $0xFFFFFFFF  }
0x96: {  	s16 =	sld [smem:$0x11];
	(tm) =	ssettm $0x1  }
0x97: {  	s17 =	sld [smem:$0x3FFB];
	_ =	sdelay $0x3  }
0x98: {  	_ =	strace s17  }
0x99: {  	s3 =	sld [smem:$0x3FFC];
	_ =	sdelay $0x3  }
0x9a: {  	_ =	strace s3  }
0x9b: {  	s3 =	sld [smem:$0x3FFD];
	_ =	sdelay $0x3  }
0x9c: {  	_ =	strace s3  }
0x9d: {  	_ =	strace $0x8FFFFFFF  }
0x9e: {  	s18 =	sld [smem:$0x3FDB];
	_ =	sdelay $0x1  }
0x9f: {  	s19 =	simm.s32 $_scs_section_size  }
0xa0: {  	s5 =	simm.s32 $_size__tile_overlayer_lowered;
	s6 =	simm.s32 $_tile_overlayer_lowered  }
0xa1: {  	s22 =	simm.s32 $0x1BFF;
	s21 =	sshll.u32 s6, $0x1;
	s3 =	sadd.s32 s19, s18  }
0xa2: {  	s7 =	simm.s32 $0x0;
	s20 =	sshll.u32 s5, $0x1;
	s5 =	sadd.s32 s21, s3  }
0xa3: {  	[timem:s7], [sflag:s22] =	dma.local [hbm:s5], s20  }
0xa4: {  	_ =	swait.ge [sflag:s22], s20  }
0xa5: {  	s4 =	ssub.s32 $0x0, s20;
	[sflag:s22] =	ssyncset.done $0x0  }
0xa6: {  	[sflag:s22] =	ssyncadd.s32 s4;
	_ =	sdelay $0x1  }
0xa7: {  	s23 =	simm.s32 $0x1B8B  }
0xa8: {  	_ =	swait.ge [sflag:s23], $0x1  }
0xa9: {  	[sflag:s23] =	ssyncset.done $0x0  }
0xaa: {  	s25 =	simm.s32 $0x1B8E;
	s24 =	sld [smem:$0x3FFE];
	[sflag:s23] =	ssyncadd.s32 $0xFFFFFFFF  }
0xab: {  	s26 =	simm.s32 $execute0_lowered;
	[smem:$0x3FD2] =	sst s25  }
0xac: {  	s5 =	sshll.u32 s26, $0x1;
	_ =	strace $0x80000046;
	[dreg:$0x1] =	wrdreg $0xFFFFFFFF  }
0xad: {  	s28 =	simm.s32 $_size_execute0_lowered;
	s3 =	sadd.s32 s3, s5;
	[dreg:$0x0] =	wrdreg $0x0  }
0xae: {  	s5 =	sshll.u32 s28, $0x1;
	[dreg:$0x2] =	wrdreg s3  }
0xaf: {  	[dreg:$0x3] =	wrdreg s5  }
0xb0: {  	[dreg:$0x4] =	wrdreg $0xC0  }
0xb1: {  	_ =	task [dreg:s7], $0x5FFFF  }
0xb2: {  	[dreg:$0x1] =	wrdreg $0xFFFFFFFF  }
0xb3: {  	[dreg:$0x0] =	wrdreg $0x60  }
0xb4: {  	[dreg:$0x2] =	wrdreg s24  }
0xb5: {  	[dreg:$0x3] =	wrdreg s16  }
0xb6: {  	[dreg:$0x4] =	wrdreg $0x0  }
0xb7: {  	[dreg:$0x5] =	wrdreg $0x20000  }
0xb8: {  	[dreg:$0x6] =	wrdreg $0x40000  }
0xb9: {  	[dreg:$0x7] =	wrdreg $0x9  }
0xba: {  	_ =	task.clear_ibuf [dreg:s7], $0x8FFFF;
	_ =	strace $0x90000046  }
0xbb: {  	s29 =	simm.s32 $0x9;
	_ =	strace $0x80000048  }
0xbc: {  	_ =	swait.ge [sflag:s29], $0x1  }
0xbd: {  	[sflag:s29] =	ssyncadd.s32 $0xFFFFFFFF  }
0xbe: {  	_ =	strace $0x90000048  }
0xbf: {  	_ =	sfence  }
0xc0: {  	s30 =	sld [smem:$0x0];
	_ =	sdelay $0x2  }
0xc1: {  	s31 =	sshll.u32 s1, $0xD;
	s1 =	sshrl.u32 s1, $0x2  }
0xc2: {  	s3 =	sand.u32 $0x4000, s31;
	s1 =	sadd.s32 s1, s30  }
0xc3: {  	s0 =	sor.u32 s3, s0;
	s1 =	sshll.u32 s1, $0x11  }
0xc4: {  	s0 =	sor.u32 s1, s0  }
0xc5: {  	s0 =	sadd.s32 $0x8F2B, s0  }
0xc6: {  	[sflag:s0] =	ssyncadd.remote.s32 $0x1  }
0xc7: {  	_ =	sfence.sel $0xFFFF  }
0xc8: {  	[dreg:$0x0] =	wrdreg $0xFFFFFFFF;
	(pc) =	sbr.abs _section_cstart, $3  }
0xc9: {  	[dreg:$0x1] =	wrdreg $0xFFFFFFFF  }
0xca: {  	_ =	task.clear_ibuf [dreg:s7], $0x2FFFF;
	_ =	strace $0x9FFFFFFF  }
0xcb: {  	(tm) =	ssettm $0x7FFFFFFF  }
tec
execute0_lowered:
.L_overlay_start_1:
0x0: {  	(tag) =	ssettag $0x1  }
0x1: {  	s11 =	rddreg [dreg:$0x0]  }
0x2: {  	s5 =	rddreg [dreg:$0x1]  }
0x3: {  	s22 =	rddreg [dreg:$0x2]  }
0x4: {  	s31 =	rddreg [dreg:$0x3]  }
0x5: {  	s3 =	rddreg [dreg:$0x4]  }
0x6: {  	s0 =	srdreg.scid;
	s25 =	rddreg [dreg:$0x5];
	s4 =	simm.s32 $0x0  }
0x7: {  	s29 =	simm.s32 $0x1;
	s10 =	sand.u32 $0x1, s0;
	s0 =	stileid.u32  }
0x8: {  	p1 =	por $0x0, $0x0;
	s12 =	sshll.u32 s10, $0xE;
	s6 =	sshll.u32 s0, $0xA  }
0x9: {  	[smem:$0x7FF] =	sst s4;
	s7 =	sadd.s32 $0x182E00, s11;
	s9 =	sor.u32 s6, s12  }
0xa: {  	s30 =	sadd.s32 $0x2E00, s11;
	_ =	strace $0x80000047;
	s8 =	sshrl.u32 s9, $0x3  }
0xb: {  	s6 =	sadd.s32 $0x82E00, s11;
	s14 =	sshll.u32 s9, $0x4;
	s13 =	sadd.s32 s5, s8  }
0xc: {  	s15 =	sor.u32 $0x80, s9;
	s18 =	sadd.s32 s7, s14;
	[dreg:$0x6] =	wrdreg s13  }
0xd: {  	s8 =	sadd.s32 $0x102E00, s11;
	s19 =	sadd.s32 s6, s14;
	[dreg:$0x7] =	wrdreg s18  }
0xe: {  	s21 =	sshrl.u32 s15, $0x3;
	[dreg:$0x8] =	wrdreg s19;
	s20 =	sadd.s32 s8, s14  }
0xf: {  	s24 =	sshll.u32 s15, $0x4;
	s23 =	sadd.s32 s5, s21;
	[dreg:$0x9] =	wrdreg s20  }
0x10: {  	s10 =	ssub.s32 $0x2, s10;
	s26 =	sadd.s32 s7, s24;
	[dreg:$0xa] =	wrdreg s23  }
0x11: {  	s2 =	sor.u32 $0x100, s9;
	s1 =	sadd.s32 s6, s24;
	[dreg:$0xb] =	wrdreg s26  }
0x12: {  	s17 =	sshrl.u32 s2, $0x3;
	s16 =	sadd.s32 s8, s24;
	[dreg:$0xc] =	wrdreg s1  }
0x13: {  	s18 =	sadd.s32 s5, s17;
	s19 =	sshll.u32 s2, $0x4;
	[dreg:$0xd] =	wrdreg s16  }
0x14: {  	s17 =	sor.u32 $0x200, s9;
	[dreg:$0xe] =	wrdreg s18;
	s20 =	sadd.s32 s7, s19  }
0x15: {  	s21 =	sadd.s32 s6, s19;
	s23 =	sor.u32 $0x180, s9;
	[dreg:$0xf] =	wrdreg s20  }
0x16: {  	s24 =	sadd.s32 s8, s19;
	s19 =	sshrl.u32 s17, $0x3;
	[dreg:$0x10] =	wrdreg s21  }
0x17: {  	s26 =	sshrl.u32 s23, $0x3;
	[dreg:$0x11] =	wrdreg s24;
	s20 =	sadd.s32 s5, s19  }
0x18: {  	s2 =	sshll.u32 s23, $0x4;
	s1 =	sadd.s32 s5, s26;
	[dreg:$0x16] =	wrdreg s20  }
0x19: {  	p0 =	sne.s32 s0, $0x0;
	s15 =	sadd.s32 s7, s2;
	[dreg:$0x12] =	wrdreg s1  }
0x1a: {  	s11 =	sadd.s32 s12, s11;
	s16 =	sadd.s32 s6, s2;
	[dreg:$0x13] =	wrdreg s15  }
0x1b: {  	s21 =	sshll.u32 s17, $0x4;
	s18 =	sadd.s32 s8, s2;
	[dreg:$0x14] =	wrdreg s16  }
0x1c: {  	s14 =	simm.s32 $0x16080;
	s23 =	sadd.s32 s7, s21;
	[dreg:$0x15] =	wrdreg s18  }
0x1d: {  	s24 =	sadd.s32 s6, s21;
	s26 =	sor.u32 $0x280, s9;
	[dreg:$0x17] =	wrdreg s23  }
0x1e: {  	s20 =	sor.u32 $0x300, s9;
	s9 =	sor.u32 $0x380, s9;
	[dreg:$0x18] =	wrdreg s24  }
0x1f: {  	s1 =	sadd.s32 s8, s21;
	s2 =	sshrl.u32 s26, $0x3;
	s17 =	sshll.u32 s26, $0x4  }
0x20: {  	s23 =	sshrl.u32 s20, $0x3;
	[dreg:$0x19] =	wrdreg s1;
	s16 =	sadd.s32 s5, s2  }
0x21: {  	s13 =	sshll.u32 s20, $0x4;
	s18 =	sadd.s32 s7, s17;
	[dreg:$0x1a] =	wrdreg s16  }
0x22: {  	s20 =	simm.s32 $0x16000;
	s19 =	sadd.s32 s6, s17;
	[dreg:$0x1b] =	wrdreg s18  }
0x23: {  	s21 =	sadd.s32 s8, s17;
	s24 =	sadd.s32 s5, s23;
	[dreg:$0x1c] =	wrdreg s19  }
0x24: {  	s26 =	sadd.s32 s7, s13;
	s1 =	sshrl.u32 s10, $0x1;
	[dreg:$0x1d] =	wrdreg s21  }
0x25: {  	s2 =	sadd.s32 s6, s13;
	s15 =	sadd.s32 s8, s13;
	[dreg:$0x1e] =	wrdreg s24  }
0x26: {  	s23 =	sadd.s32 $0x6E00, s11;
	s13 =	simm.s32 $0x1E100;
	[dreg:$0x1f] =	wrdreg s26  }
0x27: {  	s10 =	ssub.s32 s10, s1;
	[smem:$0x7FA] =	sst s2;
	s16 =	sshrl.u32 s9, $0x3  }
0x28: {  	s9 =	sshll.u32 s9, $0x4;
	[smem:$0x7FB] =	sst s15;
	s1 =	simm.s32 $0x16100  }
0x29: {  	s21 =	simm.s32 $0x6000;
	s2 =	simm.s32 $0xE000;
	s19 =	smax.u32 s10, $0x1  }
0x2a: {  	s24 =	simm.s32 $0x12000;
	s15 =	simm.s32 @!p0 $0x3;
	s0 =	sadd.s32 $0xFFFFFFFF, s19  }
0x2b: {  	s26 =	sadd.s32 s5, s16;
	s28 =	sadd.s32 s7, s9;
	p2 =	sne.s32 s0, $0x0  }
.Ltmp0:
0x2c: {  	s17 =	sadd.s32 s6, s9;
	s18 =	sadd.s32 s8, s9;
	(pc) =	sbr.rel @!p2 .LBB2_1-.Ltmp0, $4  }
0x2d: {  	s6 =	sadd.s32 $0xEE00, s11;
	s8 =	simm.s32 $0x1A100;
	s16 =	simm.s32 $0x80  }
0x2e: {  	s10 =	simm.s32 $0x3;
	s7 =	sshrl.u32 @!p0 s22, $0x3;
	[smem:$0x7FC] =	sst s17  }
0x2f: {  	s9 =	sshrl.u32 @!p0 s3, $0x3;
	[smem:$0x7FD] =	sst s18;
	s17 =	sadd.s32 $0x16E00, s11  }
0x30: {  	s18 =	simm.s32 $0xA000;
	s19 =	simm.s32 $0x2;
	s11 =	sshrl.u32 @!p0 s31, $0x3  }
0x31: {  	s8 =	simm.s32 @!p0 $0x1C03  }
0x32: {  	[spmem:s7], [sflag:s8] =	dma.local @!p0 [hbm:s30], $0x4000  }
0x33: {  	_ =	swait.ge @!p0 [sflag:s15], $0x4000  }
0x34: {  	[sflag:s15] =	ssyncset.done @!p0 $0x0  }
0x35: {  	[sflag:s15] =	ssyncadd.s32 @!p0 $0xFFFFC000  }
0x36: {  	[spmem:s11], [sflag:s8] =	dma.local @!p0 [hbm:s30], $0x4000  }
0x37: {  	_ =	swait.ge @!p0 [sflag:s15], $0x4000  }
0x38: {  	[sflag:s15] =	ssyncset.done @!p0 $0x0  }
0x39: {  	[sflag:s15] =	ssyncadd.s32 @!p0 $0xFFFFC000  }
0x3a: {  	[spmem:s9], [sflag:s8] =	dma.local @!p0 [hbm:s30], $0x4000  }
0x3b: {  	_ =	swait.ge @!p0 [sflag:s15], $0x4000  }
0x3c: {  	[sflag:s15] =	ssyncset.done @!p0 $0x0  }
0x3d: {  	[sflag:s15] =	ssyncadd.s32 @!p0 $0xFFFFC000  }
0x3e: {  	[bflag:$0x0] =	sbarrier.arrive $0xFFFF  }
0x3f: {  	s5 =	rddreg [dreg:$0x6]  }
0x40: {  	[tilespmem:s20], [sflag:$0x1] =	stream.linear.gather [hbm4b:s5+s4], $0x80, $0x38;
	[tilespmem:$0x1E500] =	vst v63  }
0x41: {  	s2 =	simm.s32 $0x16100;
	s12 =	rddreg [dreg:$0x7]  }
0x42: {  	[tilespmem:s2], [sflag:$0x1] =	stream.linear.gather [hbm4b:s12+s4], $0x4000, $0x38;
	[tilespmem:$0x1E500] =	vst v63  }
0x43: {  	s25 =	simm.s32 $0x6000;
	s5 =	rddreg [dreg:$0x8]  }
0x44: {  	[tilespmem:s25], [sflag:$0x1] =	stream.linear.gather [hbm4b:s5+s4], $0x4000, $0x38;
	[tilespmem:$0x1E500] =	vst v63  }
0x45: {  	s24 =	simm.s32 $0xE000;
	s12 =	rddreg [dreg:$0x9]  }
0x46: {  	[tilespmem:s24], [sflag:$0x1] =	stream.linear.gather [hbm4b:s12+s4], $0x4000, $0x38;
	[tilespmem:$0x1E500] =	vst v63  }
0x47: {  	s5 =	rddreg [dreg:$0xa]  }
0x48: {  	[tilespmem:s14], [sflag:$0x2] =	stream.linear.gather [hbm4b:s5+s4], $0x80, $0x38;
	[tilespmem:$0x1E500] =	vst v63  }
0x49: {  	s21 =	simm.s32 $0x1A100;
	s12 =	rddreg [dreg:$0xb]  }
0x4a: {  	[tilespmem:s21], [sflag:$0x2] =	stream.linear.gather [hbm4b:s12+s4], $0x4000, $0x38;
	[tilespmem:$0x1E500] =	vst v63  }
0x4b: {  	s18 =	simm.s32 $0xA000;
	s5 =	rddreg [dreg:$0xc]  }
0x4c: {  	[tilespmem:s18], [sflag:$0x2] =	stream.linear.gather [hbm4b:s5+s4], $0x4000, $0x38;
	[tilespmem:$0x1E500] =	vst v63  }
0x4d: {  	s1 =	simm.s32 $0x12000;
	s12 =	rddreg [dreg:$0xd]  }
0x4e: {  	[tilespmem:s1], [sflag:$0x2] =	stream.linear.gather [hbm4b:s12+s4], $0x4000, $0x38;
	[tilespmem:$0x1E500] =	vst v63  }
0x4f: {  	_ =	swait.ge [sflag:s29], $0x80  }
0x50: {  	[sflag:s29] =	ssyncset.done $0x0  }
0x51: {  	[sflag:s29] =	ssyncadd.s32 $0xFFFFFF80  }
0x52: {  	_ =	swait.ge [sflag:s29], $0x4000  }
0x53: {  	[sflag:s29] =	ssyncset.done $0x0  }
0x54: {  	[sflag:s29] =	ssyncadd.s32 $0xFFFFC000  }
0x55: {  	_ =	swait.ge [sflag:s29], $0x4000  }
0x56: {  	[sflag:s29] =	ssyncset.done $0x0  }
0x57: {  	[sflag:s29] =	ssyncadd.s32 $0xFFFFC000  }
0x58: {  	_ =	swait.ge [sflag:s29], $0x4000  }
0x59: {  	[sflag:s29] =	ssyncset.done $0x0  }
0x5a: {  	[sflag:s29] =	ssyncadd.s32 $0xFFFFC000  }
0x5b: {  	[spmem:s22] =	stream.indirect.scatter.add.f32 [tilespmem:s25], [sflag:$0x3], $0x80, s20, s16, $0xb8;
	[tilespmem:$0x1E500] =	vst v63  }
0x5c: {  	_ =	swait.ge [sflag:s10], $0x4000  }
0x5d: {  	[sflag:s10] =	ssyncset.done $0x0  }
0x5e: {  	[sflag:s10] =	ssyncadd.s32 $0xFFFFC000  }
0x5f: {  	[spmem:s31] =	stream.indirect.scatter.add.f32 [tilespmem:s24], [sflag:$0x3], $0x80, s20, s16, $0xb8;
	[tilespmem:$0x1E500] =	vst v63  }
0x60: {  	_ =	swait.ge [sflag:s10], $0x4000  }
0x61: {  	[sflag:s10] =	ssyncset.done $0x0  }
0x62: {  	[sflag:s10] =	ssyncadd.s32 $0xFFFFC000  }
0x63: {  	[spmem:s3] =	stream.indirect.scatter.add.f32 [tilespmem:s2], [sflag:$0x3], $0x80, s20, s16, $0xb8;
	[tilespmem:$0x1E500] =	vst v63  }
0x64: {  	_ =	swait.ge [sflag:s10], $0x4000  }
0x65: {  	[sflag:s10] =	ssyncset.done $0x0  }
0x66: {  	s5 =	rddreg [dreg:$0xe];
	[sflag:s10] =	ssyncadd.s32 $0xFFFFC000  }
0x67: {  	[tilespmem:s20], [sflag:$0x1] =	stream.linear.gather [hbm4b:s5+s4], $0x80, $0x38;
	[tilespmem:$0x1E500] =	vst v63  }
0x68: {  	s12 =	rddreg [dreg:$0xf]  }
0x69: {  	[tilespmem:s2], [sflag:$0x1] =	stream.linear.gather [hbm4b:s12+s4], $0x4000, $0x38;
	[tilespmem:$0x1E500] =	vst v63  }
0x6a: {  	s5 =	rddreg [dreg:$0x10]  }
0x6b: {  	[tilespmem:s25], [sflag:$0x1] =	stream.linear.gather [hbm4b:s5+s4], $0x4000, $0x38;
	[tilespmem:$0x1E500] =	vst v63  }
0x6c: {  	s12 =	rddreg [dreg:$0x11]  }
0x6d: {  	[tilespmem:s24], [sflag:$0x1] =	stream.linear.gather [hbm4b:s12+s4], $0x4000, $0x38;
	[tilespmem:$0x1E500] =	vst v63  }
0x6e: {  	_ =	swait.ge [sflag:s19], $0x80  }
0x6f: {  	[sflag:s19] =	ssyncset.done $0x0  }
0x70: {  	[sflag:s19] =	ssyncadd.s32 $0xFFFFFF80  }
0x71: {  	_ =	swait.ge [sflag:s19], $0x4000  }
0x72: {  	[sflag:s19] =	ssyncset.done $0x0  }
0x73: {  	[sflag:s19] =	ssyncadd.s32 $0xFFFFC000  }
0x74: {  	_ =	swait.ge [sflag:s19], $0x4000  }
0x75: {  	[sflag:s19] =	ssyncset.done $0x0  }
0x76: {  	[sflag:s19] =	ssyncadd.s32 $0xFFFFC000  }
0x77: {  	_ =	swait.ge [sflag:s19], $0x4000  }
0x78: {  	[sflag:s19] =	ssyncset.done $0x0  }
0x79: {  	[sflag:s19] =	ssyncadd.s32 $0xFFFFC000  }
0x7a: {  	[spmem:s22] =	stream.indirect.scatter.add.f32 [tilespmem:s18], [sflag:$0x3], $0x80, s14, s16, $0xb8;
	[tilespmem:$0x1E500] =	vst v63  }
0x7b: {  	_ =	swait.ge [sflag:s10], $0x4000  }
0x7c: {  	[sflag:s10] =	ssyncset.done $0x0  }
0x7d: {  	[sflag:s10] =	ssyncadd.s32 $0xFFFFC000  }
0x7e: {  	[spmem:s31] =	stream.indirect.scatter.add.f32 [tilespmem:s1], [sflag:$0x3], $0x80, s14, s16, $0xb8;
	[tilespmem:$0x1E500] =	vst v63  }
0x7f: {  	_ =	swait.ge [sflag:s10], $0x4000  }
0x80: {  	[sflag:s10] =	ssyncset.done $0x0  }
0x81: {  	[sflag:s10] =	ssyncadd.s32 $0xFFFFC000  }
0x82: {  	[spmem:s3] =	stream.indirect.scatter.add.f32 [tilespmem:s21], [sflag:$0x3], $0x80, s14, s16, $0xb8;
	[tilespmem:$0x1E500] =	vst v63  }
0x83: {  	_ =	swait.ge [sflag:s10], $0x4000  }
0x84: {  	[sflag:s10] =	ssyncset.done $0x0  }
0x85: {  	s5 =	rddreg [dreg:$0x12];
	[sflag:s10] =	ssyncadd.s32 $0xFFFFC000  }
0x86: {  	[tilespmem:s14], [sflag:$0x2] =	stream.linear.gather [hbm4b:s5+s4], $0x80, $0x38;
	[tilespmem:$0x1E500] =	vst v63  }
0x87: {  	s12 =	rddreg [dreg:$0x13]  }
0x88: {  	[tilespmem:s21], [sflag:$0x2] =	stream.linear.gather [hbm4b:s12+s4], $0x4000, $0x38;
	[tilespmem:$0x1E500] =	vst v63  }
0x89: {  	s5 =	rddreg [dreg:$0x14]  }
0x8a: {  	[tilespmem:s18], [sflag:$0x2] =	stream.linear.gather [hbm4b:s5+s4], $0x4000, $0x38;
	[tilespmem:$0x1E500] =	vst v63  }
0x8b: {  	s12 =	rddreg [dreg:$0x15]  }
0x8c: {  	[tilespmem:s1], [sflag:$0x2] =	stream.linear.gather [hbm4b:s12+s4], $0x4000, $0x38;
	[tilespmem:$0x1E500] =	vst v63  }
0x8d: {  	_ =	swait.ge [sflag:s29], $0x80  }
0x8e: {  	[sflag:s29] =	ssyncset.done $0x0  }
0x8f: {  	[sflag:s29] =	ssyncadd.s32 $0xFFFFFF80  }
0x90: {  	_ =	swait.ge [sflag:s29], $0x4000  }
0x91: {  	[sflag:s29] =	ssyncset.done $0x0  }
0x92: {  	[sflag:s29] =	ssyncadd.s32 $0xFFFFC000  }
0x93: {  	_ =	swait.ge [sflag:s29], $0x4000  }
0x94: {  	[sflag:s29] =	ssyncset.done $0x0  }
0x95: {  	[sflag:s29] =	ssyncadd.s32 $0xFFFFC000  }
0x96: {  	_ =	swait.ge [sflag:s29], $0x4000  }
0x97: {  	[sflag:s29] =	ssyncset.done $0x0  }
0x98: {  	[sflag:s29] =	ssyncadd.s32 $0xFFFFC000  }
0x99: {  	[spmem:s22] =	stream.indirect.scatter.add.f32 [tilespmem:s25], [sflag:$0x3], $0x80, s20, s16, $0xb8;
	[tilespmem:$0x1E500] =	vst v63  }
0x9a: {  	_ =	swait.ge [sflag:s10], $0x4000  }
0x9b: {  	[sflag:s10] =	ssyncset.done $0x0  }
0x9c: {  	[sflag:s10] =	ssyncadd.s32 $0xFFFFC000  }
0x9d: {  	[spmem:s31] =	stream.indirect.scatter.add.f32 [tilespmem:s24], [sflag:$0x3], $0x80, s20, s16, $0xb8;
	[tilespmem:$0x1E500] =	vst v63  }
0x9e: {  	_ =	swait.ge [sflag:s10], $0x4000  }
0x9f: {  	[sflag:s10] =	ssyncset.done $0x0  }
0xa0: {  	[sflag:s10] =	ssyncadd.s32 $0xFFFFC000  }
0xa1: {  	[spmem:s3] =	stream.indirect.scatter.add.f32 [tilespmem:s2], [sflag:$0x3], $0x80, s20, s16, $0xb8;
	[tilespmem:$0x1E500] =	vst v63  }
0xa2: {  	_ =	swait.ge [sflag:s10], $0x4000  }
0xa3: {  	[sflag:s10] =	ssyncset.done $0x0  }
0xa4: {  	s5 =	rddreg [dreg:$0x16];
	[sflag:s10] =	ssyncadd.s32 $0xFFFFC000  }
0xa5: {  	[tilespmem:s20], [sflag:$0x1] =	stream.linear.gather [hbm4b:s5+s4], $0x80, $0x38;
	[tilespmem:$0x1E500] =	vst v63  }
0xa6: {  	s12 =	rddreg [dreg:$0x17]  }
0xa7: {  	[tilespmem:s2], [sflag:$0x1] =	stream.linear.gather [hbm4b:s12+s4], $0x4000, $0x38;
	[tilespmem:$0x1E500] =	vst v63  }
0xa8: {  	s5 =	rddreg [dreg:$0x18]  }
0xa9: {  	[tilespmem:s25], [sflag:$0x1] =	stream.linear.gather [hbm4b:s5+s4], $0x4000, $0x38;
	[tilespmem:$0x1E500] =	vst v63  }
0xaa: {  	s12 =	rddreg [dreg:$0x19]  }
0xab: {  	[tilespmem:s24], [sflag:$0x1] =	stream.linear.gather [hbm4b:s12+s4], $0x4000, $0x38;
	[tilespmem:$0x1E500] =	vst v63  }
0xac: {  	_ =	swait.ge [sflag:s19], $0x80  }
0xad: {  	[sflag:s19] =	ssyncset.done $0x0  }
0xae: {  	[sflag:s19] =	ssyncadd.s32 $0xFFFFFF80  }
0xaf: {  	_ =	swait.ge [sflag:s19], $0x4000  }
0xb0: {  	[sflag:s19] =	ssyncset.done $0x0  }
0xb1: {  	[sflag:s19] =	ssyncadd.s32 $0xFFFFC000  }
0xb2: {  	_ =	swait.ge [sflag:s19], $0x4000  }
0xb3: {  	[sflag:s19] =	ssyncset.done $0x0  }
0xb4: {  	[sflag:s19] =	ssyncadd.s32 $0xFFFFC000  }
0xb5: {  	_ =	swait.ge [sflag:s19], $0x4000  }
0xb6: {  	[sflag:s19] =	ssyncset.done $0x0  }
0xb7: {  	[sflag:s19] =	ssyncadd.s32 $0xFFFFC000  }
0xb8: {  	[spmem:s22] =	stream.indirect.scatter.add.f32 [tilespmem:s18], [sflag:$0x3], $0x80, s14, s16, $0xb8;
	[tilespmem:$0x1E500] =	vst v63  }
0xb9: {  	_ =	swait.ge [sflag:s10], $0x4000  }
0xba: {  	[sflag:s10] =	ssyncset.done $0x0  }
0xbb: {  	[sflag:s10] =	ssyncadd.s32 $0xFFFFC000  }
0xbc: {  	[spmem:s31] =	stream.indirect.scatter.add.f32 [tilespmem:s1], [sflag:$0x3], $0x80, s14, s16, $0xb8;
	[tilespmem:$0x1E500] =	vst v63  }
0xbd: {  	_ =	swait.ge [sflag:s10], $0x4000  }
0xbe: {  	[sflag:s10] =	ssyncset.done $0x0  }
0xbf: {  	[sflag:s10] =	ssyncadd.s32 $0xFFFFC000  }
0xc0: {  	[spmem:s3] =	stream.indirect.scatter.add.f32 [tilespmem:s21], [sflag:$0x3], $0x80, s14, s16, $0xb8;
	[tilespmem:$0x1E500] =	vst v63  }
0xc1: {  	_ =	swait.ge [sflag:s10], $0x4000  }
0xc2: {  	[sflag:s10] =	ssyncset.done $0x0  }
0xc3: {  	s5 =	rddreg [dreg:$0x1a];
	[sflag:s10] =	ssyncadd.s32 $0xFFFFC000  }
0xc4: {  	[tilespmem:s14], [sflag:$0x2] =	stream.linear.gather [hbm4b:s5+s4], $0x80, $0x38;
	[tilespmem:$0x1E500] =	vst v63  }
0xc5: {  	s12 =	rddreg [dreg:$0x1b]  }
0xc6: {  	[tilespmem:s21], [sflag:$0x2] =	stream.linear.gather [hbm4b:s12+s4], $0x4000, $0x38;
	[tilespmem:$0x1E500] =	vst v63  }
0xc7: {  	s5 =	rddreg [dreg:$0x1c]  }
0xc8: {  	[tilespmem:s18], [sflag:$0x2] =	stream.linear.gather [hbm4b:s5+s4], $0x4000, $0x38;
	[tilespmem:$0x1E500] =	vst v63  }
0xc9: {  	s12 =	rddreg [dreg:$0x1d]  }
0xca: {  	[tilespmem:s1], [sflag:$0x2] =	stream.linear.gather [hbm4b:s12+s4], $0x4000, $0x38;
	[tilespmem:$0x1E500] =	vst v63  }
0xcb: {  	_ =	swait.ge [sflag:s29], $0x80  }
0xcc: {  	[sflag:s29] =	ssyncset.done $0x0  }
0xcd: {  	[sflag:s29] =	ssyncadd.s32 $0xFFFFFF80  }
0xce: {  	_ =	swait.ge [sflag:s29], $0x4000  }
0xcf: {  	[sflag:s29] =	ssyncset.done $0x0  }
0xd0: {  	[sflag:s29] =	ssyncadd.s32 $0xFFFFC000  }
0xd1: {  	_ =	swait.ge [sflag:s29], $0x4000  }
0xd2: {  	[sflag:s29] =	ssyncset.done $0x0  }
0xd3: {  	[sflag:s29] =	ssyncadd.s32 $0xFFFFC000  }
0xd4: {  	_ =	swait.ge [sflag:s29], $0x4000  }
0xd5: {  	[sflag:s29] =	ssyncset.done $0x0  }
0xd6: {  	[sflag:s29] =	ssyncadd.s32 $0xFFFFC000  }
0xd7: {  	[spmem:s22] =	stream.indirect.scatter.add.f32 [tilespmem:s25], [sflag:$0x3], $0x80, s20, s16, $0xb8;
	[tilespmem:$0x1E500] =	vst v63  }
0xd8: {  	_ =	swait.ge [sflag:s10], $0x4000  }
0xd9: {  	[sflag:s10] =	ssyncset.done $0x0  }
0xda: {  	[sflag:s10] =	ssyncadd.s32 $0xFFFFC000  }
0xdb: {  	[spmem:s31] =	stream.indirect.scatter.add.f32 [tilespmem:s24], [sflag:$0x3], $0x80, s20, s16, $0xb8;
	[tilespmem:$0x1E500] =	vst v63  }
0xdc: {  	_ =	swait.ge [sflag:s10], $0x4000  }
0xdd: {  	[sflag:s10] =	ssyncset.done $0x0  }
0xde: {  	[sflag:s10] =	ssyncadd.s32 $0xFFFFC000  }
0xdf: {  	[spmem:s3] =	stream.indirect.scatter.add.f32 [tilespmem:s2], [sflag:$0x3], $0x80, s20, s16, $0xb8;
	[tilespmem:$0x1E500] =	vst v63  }
0xe0: {  	_ =	swait.ge [sflag:s10], $0x4000  }
0xe1: {  	s5 =	rddreg [dreg:$0x1e];
	[sflag:s10] =	ssyncset.done $0x0  }
0xe2: {  	s12 =	rddreg [dreg:$0x1f];
	[sflag:s10] =	ssyncadd.s32 $0xFFFFC000  }
0xe3: {  	[tilespmem:s20], [sflag:$0x1] =	stream.linear.gather [hbm4b:s5+s4], $0x80, $0x38;
	[tilespmem:$0x1E500] =	vst v63  }
0xe4: {  	s5 =	sld [smem:$0x7FA]  }
0xe5: {  	[tilespmem:s2], [sflag:$0x1] =	stream.linear.gather [hbm4b:s12+s4], $0x4000, $0x38;
	[tilespmem:$0x1E500] =	vst v63  }
0xe6: {  	s12 =	sld [smem:$0x7FB]  }
0xe7: {  	[tilespmem:s25], [sflag:$0x1] =	stream.linear.gather [hbm4b:s5+s4], $0x4000, $0x38;
	[tilespmem:$0x1E500] =	vst v63  }
0xe8: {  	_ = 	snop  }
0xe9: {  	[tilespmem:s24], [sflag:$0x1] =	stream.linear.gather [hbm4b:s12+s4], $0x4000, $0x38;
	[tilespmem:$0x1E500] =	vst v63  }
0xea: {  	_ =	swait.ge [sflag:s19], $0x80  }
0xeb: {  	[sflag:s19] =	ssyncset.done $0x0  }
0xec: {  	[sflag:s19] =	ssyncadd.s32 $0xFFFFFF80  }
0xed: {  	_ =	swait.ge [sflag:s19], $0x4000  }
0xee: {  	[sflag:s19] =	ssyncset.done $0x0  }
0xef: {  	[sflag:s19] =	ssyncadd.s32 $0xFFFFC000  }
0xf0: {  	_ =	swait.ge [sflag:s19], $0x4000  }
0xf1: {  	[sflag:s19] =	ssyncset.done $0x0  }
0xf2: {  	[sflag:s19] =	ssyncadd.s32 $0xFFFFC000  }
0xf3: {  	_ =	swait.ge [sflag:s19], $0x4000  }
0xf4: {  	[sflag:s19] =	ssyncset.done $0x0  }
0xf5: {  	[sflag:s19] =	ssyncadd.s32 $0xFFFFC000  }
0xf6: {  	[spmem:s22] =	stream.indirect.scatter.add.f32 [tilespmem:s18], [sflag:$0x3], $0x80, s14, s16, $0xb8;
	[tilespmem:$0x1E500] =	vst v63  }
0xf7: {  	_ =	swait.ge [sflag:s10], $0x4000  }
0xf8: {  	[sflag:s10] =	ssyncset.done $0x0  }
0xf9: {  	[sflag:s10] =	ssyncadd.s32 $0xFFFFC000  }
0xfa: {  	[spmem:s31] =	stream.indirect.scatter.add.f32 [tilespmem:s1], [sflag:$0x3], $0x80, s14, s16, $0xb8;
	[tilespmem:$0x1E500] =	vst v63  }
0xfb: {  	_ =	swait.ge [sflag:s10], $0x4000  }
0xfc: {  	[sflag:s10] =	ssyncset.done $0x0  }
0xfd: {  	[sflag:s10] =	ssyncadd.s32 $0xFFFFC000  }
0xfe: {  	[spmem:s3] =	stream.indirect.scatter.add.f32 [tilespmem:s21], [sflag:$0x3], $0x80, s14, s16, $0xb8;
	[tilespmem:$0x1E500] =	vst v63  }
0xff: {  	_ =	swait.ge [sflag:s10], $0x4000  }
0x100: {  	[sflag:s10] =	ssyncset.done $0x0  }
0x101: {  	[sflag:s10] =	ssyncadd.s32 $0xFFFFC000  }
0x102: {  	[tilespmem:s14], [sflag:$0x2] =	stream.linear.gather [hbm4b:s26+s4], $0x80, $0x38;
	[tilespmem:$0x1E500] =	vst v63  }
0x103: {  	s12 =	sld [smem:$0x7FC]  }
0x104: {  	[tilespmem:s21], [sflag:$0x2] =	stream.linear.gather [hbm4b:s28+s4], $0x4000, $0x38;
	[tilespmem:$0x1E500] =	vst v63  }
0x105: {  	_ = 	snop  }
0x106: {  	[tilespmem:s18], [sflag:$0x2] =	stream.linear.gather [hbm4b:s12+s4], $0x4000, $0x38;
	[tilespmem:$0x1E500] =	vst v63  }
0x107: {  	s12 =	sld [smem:$0x7FD];
	_ =	sdelay $0x2  }
0x108: {  	[tilespmem:s1], [sflag:$0x2] =	stream.linear.gather [hbm4b:s12+s4], $0x4000, $0x38;
	[tilespmem:$0x1E500] =	vst v63  }
0x109: {  	_ =	swait.ge [sflag:s29], $0x80  }
0x10a: {  	[sflag:s29] =	ssyncset.done $0x0  }
0x10b: {  	[sflag:s29] =	ssyncadd.s32 $0xFFFFFF80  }
0x10c: {  	_ =	swait.ge [sflag:s29], $0x4000  }
0x10d: {  	[sflag:s29] =	ssyncset.done $0x0  }
0x10e: {  	[sflag:s29] =	ssyncadd.s32 $0xFFFFC000  }
0x10f: {  	_ =	swait.ge [sflag:s29], $0x4000  }
0x110: {  	[sflag:s29] =	ssyncset.done $0x0  }
0x111: {  	[sflag:s29] =	ssyncadd.s32 $0xFFFFC000  }
0x112: {  	_ =	swait.ge [sflag:s29], $0x4000  }
0x113: {  	[sflag:s29] =	ssyncset.done $0x0  }
0x114: {  	[sflag:s29] =	ssyncadd.s32 $0xFFFFC000  }
0x115: {  	[spmem:s22] =	stream.indirect.scatter.add.f32 [tilespmem:s25], [sflag:$0x3], $0x80, s20, s16, $0xb8;
	[tilespmem:$0x1E500] =	vst v63  }
0x116: {  	_ =	swait.ge [sflag:s10], $0x4000  }
0x117: {  	[sflag:s10] =	ssyncset.done $0x0  }
0x118: {  	[sflag:s10] =	ssyncadd.s32 $0xFFFFC000  }
0x119: {  	[spmem:s31] =	stream.indirect.scatter.add.f32 [tilespmem:s24], [sflag:$0x3], $0x80, s20, s16, $0xb8;
	[tilespmem:$0x1E500] =	vst v63  }
0x11a: {  	_ =	swait.ge [sflag:s10], $0x4000  }
0x11b: {  	[sflag:s10] =	ssyncset.done $0x0  }
0x11c: {  	[sflag:s10] =	ssyncadd.s32 $0xFFFFC000  }
0x11d: {  	[spmem:s3] =	stream.indirect.scatter.add.f32 [tilespmem:s2], [sflag:$0x3], $0x80, s20, s16, $0xb8;
	[tilespmem:$0x1E500] =	vst v63  }
0x11e: {  	_ =	swait.ge [sflag:s10], $0x4000  }
0x11f: {  	[sflag:s10] =	ssyncset.done $0x0  }
0x120: {  	[sflag:s10] =	ssyncadd.s32 $0xFFFFC000  }
0x121: {  	_ =	swait.ge [sflag:s19], $0x80  }
0x122: {  	[sflag:s19] =	ssyncset.done $0x0  }
0x123: {  	[sflag:s19] =	ssyncadd.s32 $0xFFFFFF80  }
0x124: {  	_ =	swait.ge [sflag:s19], $0x4000  }
0x125: {  	[sflag:s19] =	ssyncset.done $0x0  }
0x126: {  	[sflag:s19] =	ssyncadd.s32 $0xFFFFC000  }
0x127: {  	_ =	swait.ge [sflag:s19], $0x4000  }
0x128: {  	[sflag:s19] =	ssyncset.done $0x0  }
0x129: {  	[sflag:s19] =	ssyncadd.s32 $0xFFFFC000  }
0x12a: {  	_ =	swait.ge [sflag:s19], $0x4000  }
0x12b: {  	[sflag:s19] =	ssyncset.done $0x0  }
0x12c: {  	[sflag:s19] =	ssyncadd.s32 $0xFFFFC000  }
0x12d: {  	[spmem:s22] =	stream.indirect.scatter.add.f32 [tilespmem:s18], [sflag:$0x3], $0x80, s14, s16, $0xb8;
	[tilespmem:$0x1E500] =	vst v63  }
0x12e: {  	_ =	swait.ge [sflag:s10], $0x4000  }
0x12f: {  	[sflag:s10] =	ssyncset.done $0x0  }
0x130: {  	[sflag:s10] =	ssyncadd.s32 $0xFFFFC000  }
0x131: {  	[spmem:s31] =	stream.indirect.scatter.add.f32 [tilespmem:s1], [sflag:$0x3], $0x80, s14, s16, $0xb8;
	[tilespmem:$0x1E500] =	vst v63  }
0x132: {  	_ =	swait.ge [sflag:s10], $0x4000  }
0x133: {  	[sflag:s10] =	ssyncset.done $0x0  }
0x134: {  	[sflag:s10] =	ssyncadd.s32 $0xFFFFC000  }
0x135: {  	[spmem:s3] =	stream.indirect.scatter.add.f32 [tilespmem:s21], [sflag:$0x3], $0x80, s14, s16, $0xb8;
	[tilespmem:$0x1E500] =	vst v63  }
0x136: {  	_ =	swait.ge [sflag:s10], $0x4000  }
0x137: {  	[sflag:s10] =	ssyncset.done $0x0  }
0x138: {  	[sflag:s10] =	ssyncadd.s32 $0xFFFFC000  }
0x139: {  	[tilespmem:s13], [sflag:$0x3] =	stream.linear.gather [spmem:s22], $0x400, $0x38;
	[tilespmem:$0x1E500] =	vst v63  }
0x13a: {  	_ =	swait.ge [sflag:s10], $0x400  }
0x13b: {  	[sflag:s10] =	ssyncset.done $0x0  }
0x13c: {  	[sflag:s10] =	ssyncadd.s32 $0xFFFFFC00  }
0x13d: {  	[tilespmem:s13], [sflag:$0x3] =	stream.linear.gather [spmem:s31], $0x400, $0x38;
	[tilespmem:$0x1E500] =	vst v63  }
0x13e: {  	_ =	swait.ge [sflag:s10], $0x400  }
0x13f: {  	[sflag:s10] =	ssyncset.done $0x0  }
0x140: {  	[sflag:s10] =	ssyncadd.s32 $0xFFFFFC00  }
0x141: {  	[tilespmem:s13], [sflag:$0x3] =	stream.linear.gather [spmem:s3], $0x400, $0x38;
	[tilespmem:$0x1E500] =	vst v63  }
0x142: {  	_ =	swait.ge [sflag:s10], $0x400  }
0x143: {  	[sflag:s10] =	ssyncset.done $0x0  }
0x144: {  	[sflag:s10] =	ssyncadd.s32 $0xFFFFFC00  }
0x145: {  	[bflag:$0x0] =	sbarrier.arrive $0xFFFF  }
0x146: {  	[hbm:s23], [sflag:s8] =	dma.local @!p0 [spmem:s7], $0x4000  }
0x147: {  	_ =	swait.ge @!p0 [sflag:s15], $0x4000  }
0x148: {  	[sflag:s15] =	ssyncset.done @!p0 $0x0  }
0x149: {  	s0 =	sadd.s32 $0xFFFFFFFF, s0;
	[sflag:s15] =	ssyncadd.s32 @!p0 $0xFFFFC000  }
0x14a: {  	[hbm:s6], [sflag:s8] =	dma.local @!p0 [spmem:s11], $0x4000  }
0x14b: {  	p2 =	sne.s32 s0, $0x0;
	_ =	swait.ge @!p0 [sflag:s15], $0x4000  }
.Ltmp1:
0x14c: {  	[sflag:s15] =	ssyncset.done @!p0 $0x0;
	(pc) =	sbr.rel @!p2 .LBB2_7-.Ltmp1, $4  }
0x14d: {  	[sflag:s15] =	ssyncadd.s32 @!p0 $0xFFFFC000  }
0x14e: {  	[hbm:s17], [sflag:s8] =	dma.local @!p0 [spmem:s9], $0x4000  }
0x14f: {  	_ =	swait.ge @!p0 [sflag:s15], $0x4000  }
0x150: {  	p1 =	por $0x1, $0x1;
	s5 =	simm.s32 @!p0 $0x3;
	[sflag:s15] =	ssyncset.done @!p0 $0x0  }
0x151: {  	s12 =	smov.u32 s7  }
0x152: {  	s2 =	simm.s32 $0x16100;
	s21 =	simm.s32 $0x1A100;
	s18 =	simm.s32 $0xA000  }
.LBB2_4:
0x153: {  	[sflag:s5] =	ssyncadd.s32 @!p0 $0xFFFFC000;
	s1 =	simm.s32 @!p0 $0x1C03  }
0x154: {  	[spmem:s12], [sflag:s1] =	dma.local @!p0 [hbm:s30], $0x4000  }
0x155: {  	s5 =	smov.u32 s15;
	_ =	swait.ge @!p0 [sflag:s15], $0x4000  }
0x156: {  	[sflag:s5] =	ssyncset.done @!p0 $0x0  }
0x157: {  	[sflag:s5] =	ssyncadd.s32 @!p0 $0xFFFFC000  }
0x158: {  	[spmem:s11], [sflag:s1] =	dma.local @!p0 [hbm:s30], $0x4000  }
0x159: {  	_ =	swait.ge @!p0 [sflag:s5], $0x4000  }
0x15a: {  	[sflag:s5] =	ssyncset.done @!p0 $0x0  }
0x15b: {  	[sflag:s5] =	ssyncadd.s32 @!p0 $0xFFFFC000  }
0x15c: {  	[spmem:s9], [sflag:s1] =	dma.local @!p0 [hbm:s30], $0x4000  }
0x15d: {  	_ =	swait.ge @!p0 [sflag:s5], $0x4000  }
0x15e: {  	[sflag:s5] =	ssyncset.done @!p0 $0x0  }
0x15f: {  	[sflag:s5] =	ssyncadd.s32 @!p0 $0xFFFFC000  }
0x160: {  	[bflag:$0x0] =	sbarrier.arrive $0xFFFF  }
0x161: {  	s1 =	rddreg [dreg:$0x6]  }
0x162: {  	[tilespmem:s20], [sflag:$0x1] =	stream.linear.gather [hbm4b:s1+s4], $0x80, $0x38;
	[tilespmem:$0x1E500] =	vst v63  }
0x163: {  	s8 =	rddreg [dreg:$0x7]  }
0x164: {  	[tilespmem:s2], [sflag:$0x1] =	stream.linear.gather [hbm4b:s8+s4], $0x4000, $0x38;
	[tilespmem:$0x1E500] =	vst v63  }
0x165: {  	s24 =	smov.u32 s6;
	s6 =	simm.s32 $0x6000;
	s3 =	rddreg [dreg:$0x8]  }
0x166: {  	[tilespmem:s6], [sflag:$0x1] =	stream.linear.gather [hbm4b:s3+s4], $0x4000, $0x38;
	[tilespmem:$0x1E500] =	vst v63  }
0x167: {  	s31 =	smov.u32 s17;
	s17 =	simm.s32 $0xE000;
	s15 =	rddreg [dreg:$0x9]  }
0x168: {  	[tilespmem:s17], [sflag:$0x1] =	stream.linear.gather [hbm4b:s15+s4], $0x4000, $0x38;
	[tilespmem:$0x1E500] =	vst v63  }
0x169: {  	s22 =	rddreg [dreg:$0xa]  }
0x16a: {  	[tilespmem:s14], [sflag:$0x2] =	stream.linear.gather [hbm4b:s22+s4], $0x80, $0x38;
	[tilespmem:$0x1E500] =	vst v63  }
0x16b: {  	s25 =	smov.u32 s23;
	s23 =	rddreg [dreg:$0xb]  }
0x16c: {  	[tilespmem:s21], [sflag:$0x2] =	stream.linear.gather [hbm4b:s23+s4], $0x4000, $0x38;
	[tilespmem:$0x1E500] =	vst v63  }
0x16d: {  	s1 =	rddreg [dreg:$0xc]  }
0x16e: {  	[tilespmem:s18], [sflag:$0x2] =	stream.linear.gather [hbm4b:s1+s4], $0x4000, $0x38;
	[tilespmem:$0x1E500] =	vst v63  }
0x16f: {  	s3 =	rddreg [dreg:$0xd];
	s1 =	simm.s32 $0x12000  }
0x170: {  	[tilespmem:s1], [sflag:$0x2] =	stream.linear.gather [hbm4b:s3+s4], $0x4000, $0x38;
	[tilespmem:$0x1E500] =	vst v63  }
0x171: {  	_ =	swait.ge [sflag:s29], $0x80  }
0x172: {  	[sflag:s29] =	ssyncset.done $0x0  }
0x173: {  	[sflag:s29] =	ssyncadd.s32 $0xFFFFFF80  }
0x174: {  	_ =	swait.ge [sflag:s29], $0x4000  }
0x175: {  	[sflag:s29] =	ssyncset.done $0x0  }
0x176: {  	[sflag:s29] =	ssyncadd.s32 $0xFFFFC000  }
0x177: {  	_ =	swait.ge [sflag:s29], $0x4000  }
0x178: {  	[sflag:s29] =	ssyncset.done $0x0  }
0x179: {  	[sflag:s29] =	ssyncadd.s32 $0xFFFFC000  }
0x17a: {  	_ =	swait.ge [sflag:s29], $0x4000  }
0x17b: {  	[sflag:s29] =	ssyncset.done $0x0  }
0x17c: {  	[sflag:s29] =	ssyncadd.s32 $0xFFFFC000  }
0x17d: {  	s23 =	rddreg [dreg:$0x2]  }
0x17e: {  	[spmem:s23] =	stream.indirect.scatter.add.f32 [tilespmem:s6], [sflag:$0x3], $0x80, s20, s16, $0xb8;
	[tilespmem:$0x1E500] =	vst v63  }
0x17f: {  	_ =	swait.ge [sflag:s10], $0x4000  }
0x180: {  	[sflag:s10] =	ssyncset.done $0x0  }
0x181: {  	[sflag:s10] =	ssyncadd.s32 $0xFFFFC000  }
0x182: {  	s3 =	rddreg [dreg:$0x3]  }
0x183: {  	[spmem:s3] =	stream.indirect.scatter.add.f32 [tilespmem:s17], [sflag:$0x3], $0x80, s20, s16, $0xb8;
	[tilespmem:$0x1E500] =	vst v63  }
0x184: {  	_ =	swait.ge [sflag:s10], $0x4000  }
0x185: {  	[sflag:s10] =	ssyncset.done $0x0  }
0x186: {  	[sflag:s10] =	ssyncadd.s32 $0xFFFFC000  }
0x187: {  	s22 =	rddreg [dreg:$0x4]  }
0x188: {  	[spmem:s22] =	stream.indirect.scatter.add.f32 [tilespmem:s2], [sflag:$0x3], $0x80, s20, s16, $0xb8;
	[tilespmem:$0x1E500] =	vst v63  }
0x189: {  	_ =	swait.ge [sflag:s10], $0x4000  }
0x18a: {  	[sflag:s10] =	ssyncset.done $0x0  }
0x18b: {  	s8 =	rddreg [dreg:$0xe];
	[sflag:s10] =	ssyncadd.s32 $0xFFFFC000  }
0x18c: {  	[tilespmem:s20], [sflag:$0x1] =	stream.linear.gather [hbm4b:s8+s4], $0x80, $0x38;
	[tilespmem:$0x1E500] =	vst v63  }
0x18d: {  	s13 =	smov.u32 s28;
	s15 =	rddreg [dreg:$0xf]  }
0x18e: {  	[tilespmem:s2], [sflag:$0x1] =	stream.linear.gather [hbm4b:s15+s4], $0x4000, $0x38;
	[tilespmem:$0x1E500] =	vst v63  }
0x18f: {  	s28 =	smov.u32 s26;
	s26 =	smov.u32 s7;
	s7 =	rddreg [dreg:$0x10]  }
0x190: {  	[tilespmem:s6], [sflag:$0x1] =	stream.linear.gather [hbm4b:s7+s4], $0x4000, $0x38;
	[tilespmem:$0x1E500] =	vst v63  }
0x191: {  	s15 =	rddreg [dreg:$0x11]  }
0x192: {  	[tilespmem:s17], [sflag:$0x1] =	stream.linear.gather [hbm4b:s15+s4], $0x4000, $0x38;
	[tilespmem:$0x1E500] =	vst v63  }
0x193: {  	_ =	swait.ge [sflag:s19], $0x80  }
0x194: {  	[sflag:s19] =	ssyncset.done $0x0  }
0x195: {  	[sflag:s19] =	ssyncadd.s32 $0xFFFFFF80  }
0x196: {  	_ =	swait.ge [sflag:s19], $0x4000  }
0x197: {  	[sflag:s19] =	ssyncset.done $0x0  }
0x198: {  	[sflag:s19] =	ssyncadd.s32 $0xFFFFC000  }
0x199: {  	_ =	swait.ge [sflag:s19], $0x4000  }
0x19a: {  	[sflag:s19] =	ssyncset.done $0x0  }
0x19b: {  	[sflag:s19] =	ssyncadd.s32 $0xFFFFC000  }
0x19c: {  	_ =	swait.ge [sflag:s19], $0x4000  }
0x19d: {  	[sflag:s19] =	ssyncset.done $0x0  }
0x19e: {  	[sflag:s19] =	ssyncadd.s32 $0xFFFFC000  }
0x19f: {  	[spmem:s23] =	stream.indirect.scatter.add.f32 [tilespmem:s18], [sflag:$0x3], $0x80, s14, s16, $0xb8;
	[tilespmem:$0x1E500] =	vst v63  }
0x1a0: {  	_ =	swait.ge [sflag:s10], $0x4000  }
0x1a1: {  	[sflag:s10] =	ssyncset.done $0x0  }
0x1a2: {  	[sflag:s10] =	ssyncadd.s32 $0xFFFFC000  }
0x1a3: {  	[spmem:s3] =	stream.indirect.scatter.add.f32 [tilespmem:s1], [sflag:$0x3], $0x80, s14, s16, $0xb8;
	[tilespmem:$0x1E500] =	vst v63  }
0x1a4: {  	_ =	swait.ge [sflag:s10], $0x4000  }
0x1a5: {  	[sflag:s10] =	ssyncset.done $0x0  }
0x1a6: {  	[sflag:s10] =	ssyncadd.s32 $0xFFFFC000  }
0x1a7: {  	[spmem:s22] =	stream.indirect.scatter.add.f32 [tilespmem:s21], [sflag:$0x3], $0x80, s14, s16, $0xb8;
	[tilespmem:$0x1E500] =	vst v63  }
0x1a8: {  	_ =	swait.ge [sflag:s10], $0x4000  }
0x1a9: {  	[sflag:s10] =	ssyncset.done $0x0  }
0x1aa: {  	s8 =	rddreg [dreg:$0x12];
	[sflag:s10] =	ssyncadd.s32 $0xFFFFC000  }
0x1ab: {  	[tilespmem:s14], [sflag:$0x2] =	stream.linear.gather [hbm4b:s8+s4], $0x80, $0x38;
	[tilespmem:$0x1E500] =	vst v63  }
0x1ac: {  	s15 =	rddreg [dreg:$0x13]  }
0x1ad: {  	[tilespmem:s21], [sflag:$0x2] =	stream.linear.gather [hbm4b:s15+s4], $0x4000, $0x38;
	[tilespmem:$0x1E500] =	vst v63  }
0x1ae: {  	s7 =	rddreg [dreg:$0x14]  }
0x1af: {  	[tilespmem:s18], [sflag:$0x2] =	stream.linear.gather [hbm4b:s7+s4], $0x4000, $0x38;
	[tilespmem:$0x1E500] =	vst v63  }
0x1b0: {  	s15 =	rddreg [dreg:$0x15]  }
0x1b1: {  	[tilespmem:s1], [sflag:$0x2] =	stream.linear.gather [hbm4b:s15+s4], $0x4000, $0x38;
	[tilespmem:$0x1E500] =	vst v63  }
0x1b2: {  	_ =	swait.ge [sflag:s29], $0x80  }
0x1b3: {  	[sflag:s29] =	ssyncset.done $0x0  }
0x1b4: {  	[sflag:s29] =	ssyncadd.s32 $0xFFFFFF80  }
0x1b5: {  	_ =	swait.ge [sflag:s29], $0x4000  }
0x1b6: {  	[sflag:s29] =	ssyncset.done $0x0  }
0x1b7: {  	[sflag:s29] =	ssyncadd.s32 $0xFFFFC000  }
0x1b8: {  	_ =	swait.ge [sflag:s29], $0x4000  }
0x1b9: {  	[sflag:s29] =	ssyncset.done $0x0  }
0x1ba: {  	[sflag:s29] =	ssyncadd.s32 $0xFFFFC000  }
0x1bb: {  	_ =	swait.ge [sflag:s29], $0x4000  }
0x1bc: {  	[sflag:s29] =	ssyncset.done $0x0  }
0x1bd: {  	[sflag:s29] =	ssyncadd.s32 $0xFFFFC000  }
0x1be: {  	[spmem:s23] =	stream.indirect.scatter.add.f32 [tilespmem:s6], [sflag:$0x3], $0x80, s20, s16, $0xb8;
	[tilespmem:$0x1E500] =	vst v63  }
0x1bf: {  	_ =	swait.ge [sflag:s10], $0x4000  }
0x1c0: {  	[sflag:s10] =	ssyncset.done $0x0  }
0x1c1: {  	[sflag:s10] =	ssyncadd.s32 $0xFFFFC000  }
0x1c2: {  	[spmem:s3] =	stream.indirect.scatter.add.f32 [tilespmem:s17], [sflag:$0x3], $0x80, s20, s16, $0xb8;
	[tilespmem:$0x1E500] =	vst v63  }
0x1c3: {  	_ =	swait.ge [sflag:s10], $0x4000  }
0x1c4: {  	[sflag:s10] =	ssyncset.done $0x0  }
0x1c5: {  	[sflag:s10] =	ssyncadd.s32 $0xFFFFC000  }
0x1c6: {  	[spmem:s22] =	stream.indirect.scatter.add.f32 [tilespmem:s2], [sflag:$0x3], $0x80, s20, s16, $0xb8;
	[tilespmem:$0x1E500] =	vst v63  }
0x1c7: {  	_ =	swait.ge [sflag:s10], $0x4000  }
0x1c8: {  	[sflag:s10] =	ssyncset.done $0x0  }
0x1c9: {  	s8 =	rddreg [dreg:$0x16];
	[sflag:s10] =	ssyncadd.s32 $0xFFFFC000  }
0x1ca: {  	[tilespmem:s20], [sflag:$0x1] =	stream.linear.gather [hbm4b:s8+s4], $0x80, $0x38;
	[tilespmem:$0x1E500] =	vst v63  }
0x1cb: {  	s15 =	rddreg [dreg:$0x17]  }
0x1cc: {  	[tilespmem:s2], [sflag:$0x1] =	stream.linear.gather [hbm4b:s15+s4], $0x4000, $0x38;
	[tilespmem:$0x1E500] =	vst v63  }
0x1cd: {  	s7 =	rddreg [dreg:$0x18]  }
0x1ce: {  	[tilespmem:s6], [sflag:$0x1] =	stream.linear.gather [hbm4b:s7+s4], $0x4000, $0x38;
	[tilespmem:$0x1E500] =	vst v63  }
0x1cf: {  	s15 =	rddreg [dreg:$0x19]  }
0x1d0: {  	[tilespmem:s17], [sflag:$0x1] =	stream.linear.gather [hbm4b:s15+s4], $0x4000, $0x38;
	[tilespmem:$0x1E500] =	vst v63  }
0x1d1: {  	_ =	swait.ge [sflag:s19], $0x80  }
0x1d2: {  	[sflag:s19] =	ssyncset.done $0x0  }
0x1d3: {  	[sflag:s19] =	ssyncadd.s32 $0xFFFFFF80  }
0x1d4: {  	_ =	swait.ge [sflag:s19], $0x4000  }
0x1d5: {  	[sflag:s19] =	ssyncset.done $0x0  }
0x1d6: {  	[sflag:s19] =	ssyncadd.s32 $0xFFFFC000  }
0x1d7: {  	_ =	swait.ge [sflag:s19], $0x4000  }
0x1d8: {  	[sflag:s19] =	ssyncset.done $0x0  }
0x1d9: {  	[sflag:s19] =	ssyncadd.s32 $0xFFFFC000  }
0x1da: {  	_ =	swait.ge [sflag:s19], $0x4000  }
0x1db: {  	[sflag:s19] =	ssyncset.done $0x0  }
0x1dc: {  	[sflag:s19] =	ssyncadd.s32 $0xFFFFC000  }
0x1dd: {  	[spmem:s23] =	stream.indirect.scatter.add.f32 [tilespmem:s18], [sflag:$0x3], $0x80, s14, s16, $0xb8;
	[tilespmem:$0x1E500] =	vst v63  }
0x1de: {  	_ =	swait.ge [sflag:s10], $0x4000  }
0x1df: {  	[sflag:s10] =	ssyncset.done $0x0  }
0x1e0: {  	[sflag:s10] =	ssyncadd.s32 $0xFFFFC000  }
0x1e1: {  	[spmem:s3] =	stream.indirect.scatter.add.f32 [tilespmem:s1], [sflag:$0x3], $0x80, s14, s16, $0xb8;
	[tilespmem:$0x1E500] =	vst v63  }
0x1e2: {  	_ =	swait.ge [sflag:s10], $0x4000  }
0x1e3: {  	[sflag:s10] =	ssyncset.done $0x0  }
0x1e4: {  	[sflag:s10] =	ssyncadd.s32 $0xFFFFC000  }
0x1e5: {  	[spmem:s22] =	stream.indirect.scatter.add.f32 [tilespmem:s21], [sflag:$0x3], $0x80, s14, s16, $0xb8;
	[tilespmem:$0x1E500] =	vst v63  }
0x1e6: {  	_ =	swait.ge [sflag:s10], $0x4000  }
0x1e7: {  	[sflag:s10] =	ssyncset.done $0x0  }
0x1e8: {  	s8 =	rddreg [dreg:$0x1a];
	[sflag:s10] =	ssyncadd.s32 $0xFFFFC000  }
0x1e9: {  	[tilespmem:s14], [sflag:$0x2] =	stream.linear.gather [hbm4b:s8+s4], $0x80, $0x38;
	[tilespmem:$0x1E500] =	vst v63  }
0x1ea: {  	s15 =	rddreg [dreg:$0x1b]  }
0x1eb: {  	[tilespmem:s21], [sflag:$0x2] =	stream.linear.gather [hbm4b:s15+s4], $0x4000, $0x38;
	[tilespmem:$0x1E500] =	vst v63  }
0x1ec: {  	s7 =	rddreg [dreg:$0x1c]  }
0x1ed: {  	[tilespmem:s18], [sflag:$0x2] =	stream.linear.gather [hbm4b:s7+s4], $0x4000, $0x38;
	[tilespmem:$0x1E500] =	vst v63  }
0x1ee: {  	s15 =	rddreg [dreg:$0x1d]  }
0x1ef: {  	[tilespmem:s1], [sflag:$0x2] =	stream.linear.gather [hbm4b:s15+s4], $0x4000, $0x38;
	[tilespmem:$0x1E500] =	vst v63  }
0x1f0: {  	_ =	swait.ge [sflag:s29], $0x80  }
0x1f1: {  	[sflag:s29] =	ssyncset.done $0x0  }
0x1f2: {  	[sflag:s29] =	ssyncadd.s32 $0xFFFFFF80  }
0x1f3: {  	_ =	swait.ge [sflag:s29], $0x4000  }
0x1f4: {  	[sflag:s29] =	ssyncset.done $0x0  }
0x1f5: {  	[sflag:s29] =	ssyncadd.s32 $0xFFFFC000  }
0x1f6: {  	_ =	swait.ge [sflag:s29], $0x4000  }
0x1f7: {  	[sflag:s29] =	ssyncset.done $0x0  }
0x1f8: {  	[sflag:s29] =	ssyncadd.s32 $0xFFFFC000  }
0x1f9: {  	_ =	swait.ge [sflag:s29], $0x4000  }
0x1fa: {  	[sflag:s29] =	ssyncset.done $0x0  }
0x1fb: {  	[sflag:s29] =	ssyncadd.s32 $0xFFFFC000  }
0x1fc: {  	[spmem:s23] =	stream.indirect.scatter.add.f32 [tilespmem:s6], [sflag:$0x3], $0x80, s20, s16, $0xb8;
	[tilespmem:$0x1E500] =	vst v63  }
0x1fd: {  	_ =	swait.ge [sflag:s10], $0x4000  }
0x1fe: {  	[sflag:s10] =	ssyncset.done $0x0  }
0x1ff: {  	[sflag:s10] =	ssyncadd.s32 $0xFFFFC000  }
0x200: {  	[spmem:s3] =	stream.indirect.scatter.add.f32 [tilespmem:s17], [sflag:$0x3], $0x80, s20, s16, $0xb8;
	[tilespmem:$0x1E500] =	vst v63  }
0x201: {  	_ =	swait.ge [sflag:s10], $0x4000  }
0x202: {  	[sflag:s10] =	ssyncset.done $0x0  }
0x203: {  	[sflag:s10] =	ssyncadd.s32 $0xFFFFC000  }
0x204: {  	[spmem:s22] =	stream.indirect.scatter.add.f32 [tilespmem:s2], [sflag:$0x3], $0x80, s20, s16, $0xb8;
	[tilespmem:$0x1E500] =	vst v63  }
0x205: {  	_ =	swait.ge [sflag:s10], $0x4000  }
0x206: {  	s8 =	rddreg [dreg:$0x1e];
	[sflag:s10] =	ssyncset.done $0x0  }
0x207: {  	s15 =	rddreg [dreg:$0x1f];
	[sflag:s10] =	ssyncadd.s32 $0xFFFFC000  }
0x208: {  	[tilespmem:s20], [sflag:$0x1] =	stream.linear.gather [hbm4b:s8+s4], $0x80, $0x38;
	[tilespmem:$0x1E500] =	vst v63  }
0x209: {  	s7 =	sld [smem:$0x7FA]  }
0x20a: {  	[tilespmem:s2], [sflag:$0x1] =	stream.linear.gather [hbm4b:s15+s4], $0x4000, $0x38;
	[tilespmem:$0x1E500] =	vst v63  }
0x20b: {  	s15 =	sld [smem:$0x7FB]  }
0x20c: {  	[tilespmem:s6], [sflag:$0x1] =	stream.linear.gather [hbm4b:s7+s4], $0x4000, $0x38;
	[tilespmem:$0x1E500] =	vst v63  }
0x20d: {  	_ = 	snop  }
0x20e: {  	[tilespmem:s17], [sflag:$0x1] =	stream.linear.gather [hbm4b:s15+s4], $0x4000, $0x38;
	[tilespmem:$0x1E500] =	vst v63  }
0x20f: {  	_ =	swait.ge [sflag:s19], $0x80  }
0x210: {  	[sflag:s19] =	ssyncset.done $0x0  }
0x211: {  	[sflag:s19] =	ssyncadd.s32 $0xFFFFFF80  }
0x212: {  	_ =	swait.ge [sflag:s19], $0x4000  }
0x213: {  	[sflag:s19] =	ssyncset.done $0x0  }
0x214: {  	[sflag:s19] =	ssyncadd.s32 $0xFFFFC000  }
0x215: {  	_ =	swait.ge [sflag:s19], $0x4000  }
0x216: {  	[sflag:s19] =	ssyncset.done $0x0  }
0x217: {  	[sflag:s19] =	ssyncadd.s32 $0xFFFFC000  }
0x218: {  	_ =	swait.ge [sflag:s19], $0x4000  }
0x219: {  	[sflag:s19] =	ssyncset.done $0x0  }
0x21a: {  	[sflag:s19] =	ssyncadd.s32 $0xFFFFC000  }
0x21b: {  	[spmem:s23] =	stream.indirect.scatter.add.f32 [tilespmem:s18], [sflag:$0x3], $0x80, s14, s16, $0xb8;
	[tilespmem:$0x1E500] =	vst v63  }
0x21c: {  	_ =	swait.ge [sflag:s10], $0x4000  }
0x21d: {  	[sflag:s10] =	ssyncset.done $0x0  }
0x21e: {  	[sflag:s10] =	ssyncadd.s32 $0xFFFFC000  }
0x21f: {  	[spmem:s3] =	stream.indirect.scatter.add.f32 [tilespmem:s1], [sflag:$0x3], $0x80, s14, s16, $0xb8;
	[tilespmem:$0x1E500] =	vst v63  }
0x220: {  	_ =	swait.ge [sflag:s10], $0x4000  }
0x221: {  	[sflag:s10] =	ssyncset.done $0x0  }
0x222: {  	[sflag:s10] =	ssyncadd.s32 $0xFFFFC000  }
0x223: {  	[spmem:s22] =	stream.indirect.scatter.add.f32 [tilespmem:s21], [sflag:$0x3], $0x80, s14, s16, $0xb8;
	[tilespmem:$0x1E500] =	vst v63  }
0x224: {  	s8 =	smov.u32 s31;
	_ =	swait.ge [sflag:s10], $0x4000  }
0x225: {  	s31 =	smov.u32 s30;
	s30 =	smov.u32 s11;
	[sflag:s10] =	ssyncset.done $0x0  }
0x226: {  	s7 =	smov.u32 s26;
	s26 =	smov.u32 s28;
	[sflag:s10] =	ssyncadd.s32 $0xFFFFC000  }
0x227: {  	[tilespmem:s14], [sflag:$0x2] =	stream.linear.gather [hbm4b:s26+s4], $0x80, $0x38;
	[tilespmem:$0x1E500] =	vst v63  }
0x228: {  	s11 =	smov.u32 s9;
	s28 =	smov.u32 s13;
	s9 =	sld [smem:$0x7FC]  }
0x229: {  	[tilespmem:s21], [sflag:$0x2] =	stream.linear.gather [hbm4b:s28+s4], $0x4000, $0x38;
	[tilespmem:$0x1E500] =	vst v63  }
0x22a: {  	_ = 	snop  }
0x22b: {  	[tilespmem:s18], [sflag:$0x2] =	stream.linear.gather [hbm4b:s9+s4], $0x4000, $0x38;
	[tilespmem:$0x1E500] =	vst v63  }
0x22c: {  	s9 =	smov.u32 s11  }
0x22d: {  	s11 =	smov.u32 s30;
	s30 =	smov.u32 s31;
	s31 =	sld [smem:$0x7FD]  }
0x22e: {  	_ =	sdelay $0x1  }
0x22f: {  	[tilespmem:s1], [sflag:$0x2] =	stream.linear.gather [hbm4b:s31+s4], $0x4000, $0x38;
	[tilespmem:$0x1E500] =	vst v63  }
0x230: {  	_ =	swait.ge [sflag:s29], $0x80  }
0x231: {  	[sflag:s29] =	ssyncset.done $0x0  }
0x232: {  	[sflag:s29] =	ssyncadd.s32 $0xFFFFFF80  }
0x233: {  	_ =	swait.ge [sflag:s29], $0x4000  }
0x234: {  	[sflag:s29] =	ssyncset.done $0x0  }
0x235: {  	[sflag:s29] =	ssyncadd.s32 $0xFFFFC000  }
0x236: {  	_ =	swait.ge [sflag:s29], $0x4000  }
0x237: {  	[sflag:s29] =	ssyncset.done $0x0  }
0x238: {  	[sflag:s29] =	ssyncadd.s32 $0xFFFFC000  }
0x239: {  	_ =	swait.ge [sflag:s29], $0x4000  }
0x23a: {  	[sflag:s29] =	ssyncset.done $0x0  }
0x23b: {  	[sflag:s29] =	ssyncadd.s32 $0xFFFFC000  }
0x23c: {  	[spmem:s23] =	stream.indirect.scatter.add.f32 [tilespmem:s6], [sflag:$0x3], $0x80, s20, s16, $0xb8;
	[tilespmem:$0x1E500] =	vst v63  }
0x23d: {  	_ =	swait.ge [sflag:s10], $0x4000  }
0x23e: {  	[sflag:s10] =	ssyncset.done $0x0  }
0x23f: {  	[sflag:s10] =	ssyncadd.s32 $0xFFFFC000  }
0x240: {  	[spmem:s3] =	stream.indirect.scatter.add.f32 [tilespmem:s17], [sflag:$0x3], $0x80, s20, s16, $0xb8;
	[tilespmem:$0x1E500] =	vst v63  }
0x241: {  	_ =	swait.ge [sflag:s10], $0x4000  }
0x242: {  	[sflag:s10] =	ssyncset.done $0x0  }
0x243: {  	[sflag:s10] =	ssyncadd.s32 $0xFFFFC000  }
0x244: {  	[spmem:s22] =	stream.indirect.scatter.add.f32 [tilespmem:s2], [sflag:$0x3], $0x80, s20, s16, $0xb8;
	[tilespmem:$0x1E500] =	vst v63  }
0x245: {  	_ =	swait.ge [sflag:s10], $0x4000  }
0x246: {  	[sflag:s10] =	ssyncset.done $0x0  }
0x247: {  	[sflag:s10] =	ssyncadd.s32 $0xFFFFC000  }
0x248: {  	_ =	swait.ge [sflag:s19], $0x80  }
0x249: {  	[sflag:s19] =	ssyncset.done $0x0  }
0x24a: {  	[sflag:s19] =	ssyncadd.s32 $0xFFFFFF80  }
0x24b: {  	_ =	swait.ge [sflag:s19], $0x4000  }
0x24c: {  	[sflag:s19] =	ssyncset.done $0x0  }
0x24d: {  	[sflag:s19] =	ssyncadd.s32 $0xFFFFC000  }
0x24e: {  	_ =	swait.ge [sflag:s19], $0x4000  }
0x24f: {  	[sflag:s19] =	ssyncset.done $0x0  }
0x250: {  	[sflag:s19] =	ssyncadd.s32 $0xFFFFC000  }
0x251: {  	_ =	swait.ge [sflag:s19], $0x4000  }
0x252: {  	[sflag:s19] =	ssyncset.done $0x0  }
0x253: {  	[sflag:s19] =	ssyncadd.s32 $0xFFFFC000  }
0x254: {  	[spmem:s23] =	stream.indirect.scatter.add.f32 [tilespmem:s18], [sflag:$0x3], $0x80, s14, s16, $0xb8;
	[tilespmem:$0x1E500] =	vst v63  }
0x255: {  	_ =	swait.ge [sflag:s10], $0x4000  }
0x256: {  	[sflag:s10] =	ssyncset.done $0x0  }
0x257: {  	[sflag:s10] =	ssyncadd.s32 $0xFFFFC000  }
0x258: {  	[spmem:s3] =	stream.indirect.scatter.add.f32 [tilespmem:s1], [sflag:$0x3], $0x80, s14, s16, $0xb8;
	[tilespmem:$0x1E500] =	vst v63  }
0x259: {  	_ =	swait.ge [sflag:s10], $0x4000  }
0x25a: {  	[sflag:s10] =	ssyncset.done $0x0  }
0x25b: {  	[sflag:s10] =	ssyncadd.s32 $0xFFFFC000  }
0x25c: {  	[spmem:s22] =	stream.indirect.scatter.add.f32 [tilespmem:s21], [sflag:$0x3], $0x80, s14, s16, $0xb8;
	[tilespmem:$0x1E500] =	vst v63  }
0x25d: {  	_ =	swait.ge [sflag:s10], $0x4000  }
0x25e: {  	[sflag:s10] =	ssyncset.done $0x0  }
0x25f: {  	s13 =	simm.s32 $0x1E100;
	[sflag:s10] =	ssyncadd.s32 $0xFFFFC000  }
0x260: {  	[tilespmem:s13], [sflag:$0x3] =	stream.linear.gather [spmem:s23], $0x400, $0x38;
	[tilespmem:$0x1E500] =	vst v63  }
0x261: {  	_ =	swait.ge [sflag:s10], $0x400  }
0x262: {  	[sflag:s10] =	ssyncset.done $0x0  }
0x263: {  	[sflag:s10] =	ssyncadd.s32 $0xFFFFFC00  }
0x264: {  	[tilespmem:s13], [sflag:$0x3] =	stream.linear.gather [spmem:s3], $0x400, $0x38;
	[tilespmem:$0x1E500] =	vst v63  }
0x265: {  	_ =	swait.ge [sflag:s10], $0x400  }
0x266: {  	[sflag:s10] =	ssyncset.done $0x0  }
0x267: {  	[sflag:s10] =	ssyncadd.s32 $0xFFFFFC00  }
0x268: {  	[tilespmem:s13], [sflag:$0x3] =	stream.linear.gather [spmem:s22], $0x400, $0x38;
	[tilespmem:$0x1E500] =	vst v63  }
0x269: {  	_ =	swait.ge [sflag:s10], $0x400  }
0x26a: {  	[sflag:s10] =	ssyncset.done $0x0  }
0x26b: {  	[sflag:s10] =	ssyncadd.s32 $0xFFFFFC00  }
0x26c: {  	s1 =	simm.s32 @!p0 $0x1C03;
	[bflag:$0x0] =	sbarrier.arrive $0xFFFF  }
0x26d: {  	[hbm:s25], [sflag:s1] =	dma.local @!p0 [spmem:s12], $0x4000  }
0x26e: {  	_ =	swait.ge @!p0 [sflag:s5], $0x4000  }
0x26f: {  	[sflag:s5] =	ssyncset.done @!p0 $0x0  }
0x270: {  	s0 =	sadd.s32 $0xFFFFFFFF, s0;
	[sflag:s5] =	ssyncadd.s32 @!p0 $0xFFFFC000  }
0x271: {  	[hbm:s24], [sflag:s1] =	dma.local @!p0 [spmem:s11], $0x4000  }
0x272: {  	p2 =	sne.s32 s0, $0x0;
	_ =	swait.ge @!p0 [sflag:s5], $0x4000  }
.Ltmp2:
0x273: {  	[sflag:s5] =	ssyncset.done @!p0 $0x0;
	(pc) =	sbr.rel @p2 .LBB2_4-.Ltmp2, $4  }
0x274: {  	s15 =	simm.s32 @!p0 $0x3;
	s1 =	simm.s32 @!p0 $0x1C03;
	[sflag:s5] =	ssyncadd.s32 @!p0 $0xFFFFC000  }
0x275: {  	[hbm:s8], [sflag:s1] =	dma.local @!p0 [spmem:s9], $0x4000  }
0x276: {  	s6 =	smov.u32 s24;
	s17 =	smov.u32 s8;
	_ =	swait.ge @!p0 [sflag:s5], $0x4000  }
0x277: {  	s23 =	smov.u32 s25;
	s12 =	smov.u32 s7;
	[sflag:s5] =	ssyncset.done @!p0 $0x0  }
0x278: {  	s7 =	smov.u32 s12;
	s25 =	rddreg [dreg:$0x5]  }
0x279: {  	s8 =	simm.s32 $0x1A100;
	s24 =	simm.s32 $0x12000;
	s3 =	rddreg [dreg:$0x4]  }
0x27a: {  	s18 =	simm.s32 $0xA000;
	s1 =	simm.s32 $0x16100;
	s31 =	rddreg [dreg:$0x3]  }
0x27b: {  	s2 =	simm.s32 $0xE000;
	s22 =	rddreg [dreg:$0x2];
	s21 =	simm.s32 $0x6000  }
.LBB2_6:
0x27c: {  	p1 =	por p0, !p1  }
0x27d: {  	s0 =	simm.s32 @!p0 $0x1C03;
	[sflag:s5] =	ssyncadd.s32 @!p1 $0xFFFFC000  }
0x27e: {  	[spmem:s7], [sflag:s0] =	dma.local @!p0 [hbm:s30], $0x4000  }
0x27f: {  	_ =	swait.ge @!p0 [sflag:s15], $0x4000  }
0x280: {  	[sflag:s15] =	ssyncset.done @!p0 $0x0  }
0x281: {  	[sflag:s15] =	ssyncadd.s32 @!p0 $0xFFFFC000  }
0x282: {  	[spmem:s11], [sflag:s0] =	dma.local @!p0 [hbm:s30], $0x4000  }
0x283: {  	_ =	swait.ge @!p0 [sflag:s15], $0x4000  }
0x284: {  	[sflag:s15] =	ssyncset.done @!p0 $0x0  }
0x285: {  	[sflag:s15] =	ssyncadd.s32 @!p0 $0xFFFFC000  }
0x286: {  	[spmem:s9], [sflag:s0] =	dma.local @!p0 [hbm:s30], $0x4000  }
0x287: {  	_ =	swait.ge @!p0 [sflag:s15], $0x4000  }
0x288: {  	[sflag:s15] =	ssyncset.done @!p0 $0x0  }
0x289: {  	[sflag:s15] =	ssyncadd.s32 @!p0 $0xFFFFC000  }
0x28a: {  	[bflag:$0x0] =	sbarrier.arrive $0xFFFF  }
0x28b: {  	s5 =	rddreg [dreg:$0x6]  }
0x28c: {  	[tilespmem:s20], [sflag:$0x1] =	stream.linear.gather [hbm4b:s5+s4], $0x80, $0x38;
	[tilespmem:$0x1E500] =	vst v63  }
0x28d: {  	s30 =	rddreg [dreg:$0x7]  }
0x28e: {  	[tilespmem:s1], [sflag:$0x1] =	stream.linear.gather [hbm4b:s30+s4], $0x4000, $0x38;
	[tilespmem:$0x1E500] =	vst v63  }
0x28f: {  	s5 =	rddreg [dreg:$0x8]  }
0x290: {  	[tilespmem:s21], [sflag:$0x1] =	stream.linear.gather [hbm4b:s5+s4], $0x4000, $0x38;
	[tilespmem:$0x1E500] =	vst v63  }
0x291: {  	s30 =	rddreg [dreg:$0x9]  }
0x292: {  	[tilespmem:s2], [sflag:$0x1] =	stream.linear.gather [hbm4b:s30+s4], $0x4000, $0x38;
	[tilespmem:$0x1E500] =	vst v63  }
0x293: {  	s5 =	rddreg [dreg:$0xa]  }
0x294: {  	[tilespmem:s14], [sflag:$0x2] =	stream.linear.gather [hbm4b:s5+s4], $0x80, $0x38;
	[tilespmem:$0x1E500] =	vst v63  }
0x295: {  	s30 =	rddreg [dreg:$0xb]  }
0x296: {  	[tilespmem:s8], [sflag:$0x2] =	stream.linear.gather [hbm4b:s30+s4], $0x4000, $0x38;
	[tilespmem:$0x1E500] =	vst v63  }
0x297: {  	s5 =	rddreg [dreg:$0xc]  }
0x298: {  	[tilespmem:s18], [sflag:$0x2] =	stream.linear.gather [hbm4b:s5+s4], $0x4000, $0x38;
	[tilespmem:$0x1E500] =	vst v63  }
0x299: {  	s30 =	rddreg [dreg:$0xd]  }
0x29a: {  	[tilespmem:s24], [sflag:$0x2] =	stream.linear.gather [hbm4b:s30+s4], $0x4000, $0x38;
	[tilespmem:$0x1E500] =	vst v63  }
0x29b: {  	_ =	swait.ge [sflag:s29], $0x80  }
0x29c: {  	[sflag:s29] =	ssyncset.done $0x0  }
0x29d: {  	[sflag:s29] =	ssyncadd.s32 $0xFFFFFF80  }
0x29e: {  	_ =	swait.ge [sflag:s29], $0x4000  }
0x29f: {  	[sflag:s29] =	ssyncset.done $0x0  }
0x2a0: {  	[sflag:s29] =	ssyncadd.s32 $0xFFFFC000  }
0x2a1: {  	_ =	swait.ge [sflag:s29], $0x4000  }
0x2a2: {  	[sflag:s29] =	ssyncset.done $0x0  }
0x2a3: {  	[sflag:s29] =	ssyncadd.s32 $0xFFFFC000  }
0x2a4: {  	_ =	swait.ge [sflag:s29], $0x4000  }
0x2a5: {  	[sflag:s29] =	ssyncset.done $0x0  }
0x2a6: {  	[sflag:s29] =	ssyncadd.s32 $0xFFFFC000  }
0x2a7: {  	[spmem:s22] =	stream.indirect.scatter.add.f32 [tilespmem:s21], [sflag:$0x3], $0x80, s20, s16, $0xb8;
	[tilespmem:$0x1E500] =	vst v63  }
0x2a8: {  	_ =	swait.ge [sflag:s10], $0x4000  }
0x2a9: {  	[sflag:s10] =	ssyncset.done $0x0  }
0x2aa: {  	[sflag:s10] =	ssyncadd.s32 $0xFFFFC000  }
0x2ab: {  	[spmem:s31] =	stream.indirect.scatter.add.f32 [tilespmem:s2], [sflag:$0x3], $0x80, s20, s16, $0xb8;
	[tilespmem:$0x1E500] =	vst v63  }
0x2ac: {  	_ =	swait.ge [sflag:s10], $0x4000  }
0x2ad: {  	[sflag:s10] =	ssyncset.done $0x0  }
0x2ae: {  	[sflag:s10] =	ssyncadd.s32 $0xFFFFC000  }
0x2af: {  	[spmem:s3] =	stream.indirect.scatter.add.f32 [tilespmem:s1], [sflag:$0x3], $0x80, s20, s16, $0xb8;
	[tilespmem:$0x1E500] =	vst v63  }
0x2b0: {  	_ =	swait.ge [sflag:s10], $0x4000  }
0x2b1: {  	[sflag:s10] =	ssyncset.done $0x0  }
0x2b2: {  	s12 =	smov.u32 s7;
	s7 =	rddreg [dreg:$0xe];
	[sflag:s10] =	ssyncadd.s32 $0xFFFFC000  }
0x2b3: {  	[tilespmem:s20], [sflag:$0x1] =	stream.linear.gather [hbm4b:s7+s4], $0x80, $0x38;
	[tilespmem:$0x1E500] =	vst v63  }
0x2b4: {  	s30 =	rddreg [dreg:$0xf]  }
0x2b5: {  	[tilespmem:s1], [sflag:$0x1] =	stream.linear.gather [hbm4b:s30+s4], $0x4000, $0x38;
	[tilespmem:$0x1E500] =	vst v63  }
0x2b6: {  	s5 =	rddreg [dreg:$0x10]  }
0x2b7: {  	[tilespmem:s21], [sflag:$0x1] =	stream.linear.gather [hbm4b:s5+s4], $0x4000, $0x38;
	[tilespmem:$0x1E500] =	vst v63  }
0x2b8: {  	s30 =	rddreg [dreg:$0x11]  }
0x2b9: {  	[tilespmem:s2], [sflag:$0x1] =	stream.linear.gather [hbm4b:s30+s4], $0x4000, $0x38;
	[tilespmem:$0x1E500] =	vst v63  }
0x2ba: {  	_ =	swait.ge [sflag:s19], $0x80  }
0x2bb: {  	[sflag:s19] =	ssyncset.done $0x0  }
0x2bc: {  	[sflag:s19] =	ssyncadd.s32 $0xFFFFFF80  }
0x2bd: {  	_ =	swait.ge [sflag:s19], $0x4000  }
0x2be: {  	[sflag:s19] =	ssyncset.done $0x0  }
0x2bf: {  	[sflag:s19] =	ssyncadd.s32 $0xFFFFC000  }
0x2c0: {  	_ =	swait.ge [sflag:s19], $0x4000  }
0x2c1: {  	[sflag:s19] =	ssyncset.done $0x0  }
0x2c2: {  	[sflag:s19] =	ssyncadd.s32 $0xFFFFC000  }
0x2c3: {  	_ =	swait.ge [sflag:s19], $0x4000  }
0x2c4: {  	[sflag:s19] =	ssyncset.done $0x0  }
0x2c5: {  	[sflag:s19] =	ssyncadd.s32 $0xFFFFC000  }
0x2c6: {  	[spmem:s22] =	stream.indirect.scatter.add.f32 [tilespmem:s18], [sflag:$0x3], $0x80, s14, s16, $0xb8;
	[tilespmem:$0x1E500] =	vst v63  }
0x2c7: {  	_ =	swait.ge [sflag:s10], $0x4000  }
0x2c8: {  	[sflag:s10] =	ssyncset.done $0x0  }
0x2c9: {  	[sflag:s10] =	ssyncadd.s32 $0xFFFFC000  }
0x2ca: {  	[spmem:s31] =	stream.indirect.scatter.add.f32 [tilespmem:s24], [sflag:$0x3], $0x80, s14, s16, $0xb8;
	[tilespmem:$0x1E500] =	vst v63  }
0x2cb: {  	_ =	swait.ge [sflag:s10], $0x4000  }
0x2cc: {  	[sflag:s10] =	ssyncset.done $0x0  }
0x2cd: {  	[sflag:s10] =	ssyncadd.s32 $0xFFFFC000  }
0x2ce: {  	[spmem:s3] =	stream.indirect.scatter.add.f32 [tilespmem:s8], [sflag:$0x3], $0x80, s14, s16, $0xb8;
	[tilespmem:$0x1E500] =	vst v63  }
0x2cf: {  	_ =	swait.ge [sflag:s10], $0x4000  }
0x2d0: {  	[sflag:s10] =	ssyncset.done $0x0  }
0x2d1: {  	s7 =	rddreg [dreg:$0x12];
	[sflag:s10] =	ssyncadd.s32 $0xFFFFC000  }
0x2d2: {  	[tilespmem:s14], [sflag:$0x2] =	stream.linear.gather [hbm4b:s7+s4], $0x80, $0x38;
	[tilespmem:$0x1E500] =	vst v63  }
0x2d3: {  	s30 =	rddreg [dreg:$0x13]  }
0x2d4: {  	[tilespmem:s8], [sflag:$0x2] =	stream.linear.gather [hbm4b:s30+s4], $0x4000, $0x38;
	[tilespmem:$0x1E500] =	vst v63  }
0x2d5: {  	s5 =	rddreg [dreg:$0x14]  }
0x2d6: {  	[tilespmem:s18], [sflag:$0x2] =	stream.linear.gather [hbm4b:s5+s4], $0x4000, $0x38;
	[tilespmem:$0x1E500] =	vst v63  }
0x2d7: {  	s30 =	rddreg [dreg:$0x15]  }
0x2d8: {  	[tilespmem:s24], [sflag:$0x2] =	stream.linear.gather [hbm4b:s30+s4], $0x4000, $0x38;
	[tilespmem:$0x1E500] =	vst v63  }
0x2d9: {  	_ =	swait.ge [sflag:s29], $0x80  }
0x2da: {  	[sflag:s29] =	ssyncset.done $0x0  }
0x2db: {  	[sflag:s29] =	ssyncadd.s32 $0xFFFFFF80  }
0x2dc: {  	_ =	swait.ge [sflag:s29], $0x4000  }
0x2dd: {  	[sflag:s29] =	ssyncset.done $0x0  }
0x2de: {  	[sflag:s29] =	ssyncadd.s32 $0xFFFFC000  }
0x2df: {  	_ =	swait.ge [sflag:s29], $0x4000  }
0x2e0: {  	[sflag:s29] =	ssyncset.done $0x0  }
0x2e1: {  	[sflag:s29] =	ssyncadd.s32 $0xFFFFC000  }
0x2e2: {  	_ =	swait.ge [sflag:s29], $0x4000  }
0x2e3: {  	[sflag:s29] =	ssyncset.done $0x0  }
0x2e4: {  	[sflag:s29] =	ssyncadd.s32 $0xFFFFC000  }
0x2e5: {  	[spmem:s22] =	stream.indirect.scatter.add.f32 [tilespmem:s21], [sflag:$0x3], $0x80, s20, s16, $0xb8;
	[tilespmem:$0x1E500] =	vst v63  }
0x2e6: {  	_ =	swait.ge [sflag:s10], $0x4000  }
0x2e7: {  	[sflag:s10] =	ssyncset.done $0x0  }
0x2e8: {  	[sflag:s10] =	ssyncadd.s32 $0xFFFFC000  }
0x2e9: {  	[spmem:s31] =	stream.indirect.scatter.add.f32 [tilespmem:s2], [sflag:$0x3], $0x80, s20, s16, $0xb8;
	[tilespmem:$0x1E500] =	vst v63  }
0x2ea: {  	_ =	swait.ge [sflag:s10], $0x4000  }
0x2eb: {  	[sflag:s10] =	ssyncset.done $0x0  }
0x2ec: {  	[sflag:s10] =	ssyncadd.s32 $0xFFFFC000  }
0x2ed: {  	[spmem:s3] =	stream.indirect.scatter.add.f32 [tilespmem:s1], [sflag:$0x3], $0x80, s20, s16, $0xb8;
	[tilespmem:$0x1E500] =	vst v63  }
0x2ee: {  	_ =	swait.ge [sflag:s10], $0x4000  }
0x2ef: {  	[sflag:s10] =	ssyncset.done $0x0  }
0x2f0: {  	s7 =	rddreg [dreg:$0x16];
	[sflag:s10] =	ssyncadd.s32 $0xFFFFC000  }
0x2f1: {  	[tilespmem:s20], [sflag:$0x1] =	stream.linear.gather [hbm4b:s7+s4], $0x80, $0x38;
	[tilespmem:$0x1E500] =	vst v63  }
0x2f2: {  	s30 =	rddreg [dreg:$0x17]  }
0x2f3: {  	[tilespmem:s1], [sflag:$0x1] =	stream.linear.gather [hbm4b:s30+s4], $0x4000, $0x38;
	[tilespmem:$0x1E500] =	vst v63  }
0x2f4: {  	s5 =	rddreg [dreg:$0x18]  }
0x2f5: {  	[tilespmem:s21], [sflag:$0x1] =	stream.linear.gather [hbm4b:s5+s4], $0x4000, $0x38;
	[tilespmem:$0x1E500] =	vst v63  }
0x2f6: {  	s30 =	rddreg [dreg:$0x19]  }
0x2f7: {  	[tilespmem:s2], [sflag:$0x1] =	stream.linear.gather [hbm4b:s30+s4], $0x4000, $0x38;
	[tilespmem:$0x1E500] =	vst v63  }
0x2f8: {  	_ =	swait.ge [sflag:s19], $0x80  }
0x2f9: {  	[sflag:s19] =	ssyncset.done $0x0  }
0x2fa: {  	[sflag:s19] =	ssyncadd.s32 $0xFFFFFF80  }
0x2fb: {  	_ =	swait.ge [sflag:s19], $0x4000  }
0x2fc: {  	[sflag:s19] =	ssyncset.done $0x0  }
0x2fd: {  	[sflag:s19] =	ssyncadd.s32 $0xFFFFC000  }
0x2fe: {  	_ =	swait.ge [sflag:s19], $0x4000  }
0x2ff: {  	[sflag:s19] =	ssyncset.done $0x0  }
0x300: {  	[sflag:s19] =	ssyncadd.s32 $0xFFFFC000  }
0x301: {  	_ =	swait.ge [sflag:s19], $0x4000  }
0x302: {  	[sflag:s19] =	ssyncset.done $0x0  }
0x303: {  	[sflag:s19] =	ssyncadd.s32 $0xFFFFC000  }
0x304: {  	[spmem:s22] =	stream.indirect.scatter.add.f32 [tilespmem:s18], [sflag:$0x3], $0x80, s14, s16, $0xb8;
	[tilespmem:$0x1E500] =	vst v63  }
0x305: {  	_ =	swait.ge [sflag:s10], $0x4000  }
0x306: {  	[sflag:s10] =	ssyncset.done $0x0  }
0x307: {  	[sflag:s10] =	ssyncadd.s32 $0xFFFFC000  }
0x308: {  	[spmem:s31] =	stream.indirect.scatter.add.f32 [tilespmem:s24], [sflag:$0x3], $0x80, s14, s16, $0xb8;
	[tilespmem:$0x1E500] =	vst v63  }
0x309: {  	_ =	swait.ge [sflag:s10], $0x4000  }
0x30a: {  	[sflag:s10] =	ssyncset.done $0x0  }
0x30b: {  	[sflag:s10] =	ssyncadd.s32 $0xFFFFC000  }
0x30c: {  	[spmem:s3] =	stream.indirect.scatter.add.f32 [tilespmem:s8], [sflag:$0x3], $0x80, s14, s16, $0xb8;
	[tilespmem:$0x1E500] =	vst v63  }
0x30d: {  	_ =	swait.ge [sflag:s10], $0x4000  }
0x30e: {  	[sflag:s10] =	ssyncset.done $0x0  }
0x30f: {  	s7 =	rddreg [dreg:$0x1a];
	[sflag:s10] =	ssyncadd.s32 $0xFFFFC000  }
0x310: {  	[tilespmem:s14], [sflag:$0x2] =	stream.linear.gather [hbm4b:s7+s4], $0x80, $0x38;
	[tilespmem:$0x1E500] =	vst v63  }
0x311: {  	s30 =	rddreg [dreg:$0x1b]  }
0x312: {  	[tilespmem:s8], [sflag:$0x2] =	stream.linear.gather [hbm4b:s30+s4], $0x4000, $0x38;
	[tilespmem:$0x1E500] =	vst v63  }
0x313: {  	s5 =	rddreg [dreg:$0x1c]  }
0x314: {  	[tilespmem:s18], [sflag:$0x2] =	stream.linear.gather [hbm4b:s5+s4], $0x4000, $0x38;
	[tilespmem:$0x1E500] =	vst v63  }
0x315: {  	s30 =	rddreg [dreg:$0x1d]  }
0x316: {  	[tilespmem:s24], [sflag:$0x2] =	stream.linear.gather [hbm4b:s30+s4], $0x4000, $0x38;
	[tilespmem:$0x1E500] =	vst v63  }
0x317: {  	_ =	swait.ge [sflag:s29], $0x80  }
0x318: {  	[sflag:s29] =	ssyncset.done $0x0  }
0x319: {  	[sflag:s29] =	ssyncadd.s32 $0xFFFFFF80  }
0x31a: {  	_ =	swait.ge [sflag:s29], $0x4000  }
0x31b: {  	[sflag:s29] =	ssyncset.done $0x0  }
0x31c: {  	[sflag:s29] =	ssyncadd.s32 $0xFFFFC000  }
0x31d: {  	_ =	swait.ge [sflag:s29], $0x4000  }
0x31e: {  	[sflag:s29] =	ssyncset.done $0x0  }
0x31f: {  	[sflag:s29] =	ssyncadd.s32 $0xFFFFC000  }
0x320: {  	_ =	swait.ge [sflag:s29], $0x4000  }
0x321: {  	[sflag:s29] =	ssyncset.done $0x0  }
0x322: {  	[sflag:s29] =	ssyncadd.s32 $0xFFFFC000  }
0x323: {  	[spmem:s22] =	stream.indirect.scatter.add.f32 [tilespmem:s21], [sflag:$0x3], $0x80, s20, s16, $0xb8;
	[tilespmem:$0x1E500] =	vst v63  }
0x324: {  	_ =	swait.ge [sflag:s10], $0x4000  }
0x325: {  	[sflag:s10] =	ssyncset.done $0x0  }
0x326: {  	[sflag:s10] =	ssyncadd.s32 $0xFFFFC000  }
0x327: {  	[spmem:s31] =	stream.indirect.scatter.add.f32 [tilespmem:s2], [sflag:$0x3], $0x80, s20, s16, $0xb8;
	[tilespmem:$0x1E500] =	vst v63  }
0x328: {  	_ =	swait.ge [sflag:s10], $0x4000  }
0x329: {  	[sflag:s10] =	ssyncset.done $0x0  }
0x32a: {  	[sflag:s10] =	ssyncadd.s32 $0xFFFFC000  }
0x32b: {  	[spmem:s3] =	stream.indirect.scatter.add.f32 [tilespmem:s1], [sflag:$0x3], $0x80, s20, s16, $0xb8;
	[tilespmem:$0x1E500] =	vst v63  }
0x32c: {  	_ =	swait.ge [sflag:s10], $0x4000  }
0x32d: {  	s7 =	rddreg [dreg:$0x1e];
	[sflag:s10] =	ssyncset.done $0x0  }
0x32e: {  	s30 =	rddreg [dreg:$0x1f];
	[sflag:s10] =	ssyncadd.s32 $0xFFFFC000  }
0x32f: {  	[tilespmem:s20], [sflag:$0x1] =	stream.linear.gather [hbm4b:s7+s4], $0x80, $0x38;
	[tilespmem:$0x1E500] =	vst v63  }
0x330: {  	s5 =	sld [smem:$0x7FA]  }
0x331: {  	[tilespmem:s1], [sflag:$0x1] =	stream.linear.gather [hbm4b:s30+s4], $0x4000, $0x38;
	[tilespmem:$0x1E500] =	vst v63  }
0x332: {  	s30 =	sld [smem:$0x7FB]  }
0x333: {  	[tilespmem:s21], [sflag:$0x1] =	stream.linear.gather [hbm4b:s5+s4], $0x4000, $0x38;
	[tilespmem:$0x1E500] =	vst v63  }
0x334: {  	_ = 	snop  }
0x335: {  	[tilespmem:s2], [sflag:$0x1] =	stream.linear.gather [hbm4b:s30+s4], $0x4000, $0x38;
	[tilespmem:$0x1E500] =	vst v63  }
0x336: {  	_ =	swait.ge [sflag:s19], $0x80  }
0x337: {  	[sflag:s19] =	ssyncset.done $0x0  }
0x338: {  	[sflag:s19] =	ssyncadd.s32 $0xFFFFFF80  }
0x339: {  	_ =	swait.ge [sflag:s19], $0x4000  }
0x33a: {  	[sflag:s19] =	ssyncset.done $0x0  }
0x33b: {  	[sflag:s19] =	ssyncadd.s32 $0xFFFFC000  }
0x33c: {  	_ =	swait.ge [sflag:s19], $0x4000  }
0x33d: {  	[sflag:s19] =	ssyncset.done $0x0  }
0x33e: {  	[sflag:s19] =	ssyncadd.s32 $0xFFFFC000  }
0x33f: {  	_ =	swait.ge [sflag:s19], $0x4000  }
0x340: {  	[sflag:s19] =	ssyncset.done $0x0  }
0x341: {  	[sflag:s19] =	ssyncadd.s32 $0xFFFFC000  }
0x342: {  	[spmem:s22] =	stream.indirect.scatter.add.f32 [tilespmem:s18], [sflag:$0x3], $0x80, s14, s16, $0xb8;
	[tilespmem:$0x1E500] =	vst v63  }
0x343: {  	_ =	swait.ge [sflag:s10], $0x4000  }
0x344: {  	[sflag:s10] =	ssyncset.done $0x0  }
0x345: {  	[sflag:s10] =	ssyncadd.s32 $0xFFFFC000  }
0x346: {  	[spmem:s31] =	stream.indirect.scatter.add.f32 [tilespmem:s24], [sflag:$0x3], $0x80, s14, s16, $0xb8;
	[tilespmem:$0x1E500] =	vst v63  }
0x347: {  	_ =	swait.ge [sflag:s10], $0x4000  }
0x348: {  	[sflag:s10] =	ssyncset.done $0x0  }
0x349: {  	[sflag:s10] =	ssyncadd.s32 $0xFFFFC000  }
0x34a: {  	[spmem:s3] =	stream.indirect.scatter.add.f32 [tilespmem:s8], [sflag:$0x3], $0x80, s14, s16, $0xb8;
	[tilespmem:$0x1E500] =	vst v63  }
0x34b: {  	_ =	swait.ge [sflag:s10], $0x4000  }
0x34c: {  	[sflag:s10] =	ssyncset.done $0x0  }
0x34d: {  	[sflag:s10] =	ssyncadd.s32 $0xFFFFC000  }
0x34e: {  	[tilespmem:s14], [sflag:$0x2] =	stream.linear.gather [hbm4b:s26+s4], $0x80, $0x38;
	[tilespmem:$0x1E500] =	vst v63  }
0x34f: {  	_ = 	snop  }
0x350: {  	[tilespmem:s8], [sflag:$0x2] =	stream.linear.gather [hbm4b:s28+s4], $0x4000, $0x38;
	[tilespmem:$0x1E500] =	vst v63  }
0x351: {  	s28 =	sld [smem:$0x7FC];
	_ =	sdelay $0x1  }
0x352: {  	s30 =	sld [smem:$0x7FD]  }
0x353: {  	[tilespmem:s18], [sflag:$0x2] =	stream.linear.gather [hbm4b:s28+s4], $0x4000, $0x38;
	[tilespmem:$0x1E500] =	vst v63  }
0x354: {  	_ = 	snop  }
0x355: {  	[tilespmem:s24], [sflag:$0x2] =	stream.linear.gather [hbm4b:s30+s4], $0x4000, $0x38;
	[tilespmem:$0x1E500] =	vst v63  }
0x356: {  	_ =	swait.ge [sflag:s29], $0x80  }
0x357: {  	[sflag:s29] =	ssyncset.done $0x0  }
0x358: {  	[sflag:s29] =	ssyncadd.s32 $0xFFFFFF80  }
0x359: {  	_ =	swait.ge [sflag:s29], $0x4000  }
0x35a: {  	[sflag:s29] =	ssyncset.done $0x0  }
0x35b: {  	[sflag:s29] =	ssyncadd.s32 $0xFFFFC000  }
0x35c: {  	_ =	swait.ge [sflag:s29], $0x4000  }
0x35d: {  	[sflag:s29] =	ssyncset.done $0x0  }
0x35e: {  	[sflag:s29] =	ssyncadd.s32 $0xFFFFC000  }
0x35f: {  	_ =	swait.ge [sflag:s29], $0x4000  }
0x360: {  	[sflag:s29] =	ssyncset.done $0x0  }
0x361: {  	[sflag:s29] =	ssyncadd.s32 $0xFFFFC000  }
0x362: {  	[spmem:s22] =	stream.indirect.scatter.add.f32 [tilespmem:s21], [sflag:$0x3], $0x80, s20, s16, $0xb8;
	[tilespmem:$0x1E500] =	vst v63  }
0x363: {  	_ =	swait.ge [sflag:s10], $0x4000  }
0x364: {  	[sflag:s10] =	ssyncset.done $0x0  }
0x365: {  	[sflag:s10] =	ssyncadd.s32 $0xFFFFC000  }
0x366: {  	[spmem:s31] =	stream.indirect.scatter.add.f32 [tilespmem:s2], [sflag:$0x3], $0x80, s20, s16, $0xb8;
	[tilespmem:$0x1E500] =	vst v63  }
0x367: {  	_ =	swait.ge [sflag:s10], $0x4000  }
0x368: {  	[sflag:s10] =	ssyncset.done $0x0  }
0x369: {  	[sflag:s10] =	ssyncadd.s32 $0xFFFFC000  }
0x36a: {  	[spmem:s3] =	stream.indirect.scatter.add.f32 [tilespmem:s1], [sflag:$0x3], $0x80, s20, s16, $0xb8;
	[tilespmem:$0x1E500] =	vst v63  }
0x36b: {  	_ =	swait.ge [sflag:s10], $0x4000  }
0x36c: {  	[sflag:s10] =	ssyncset.done $0x0  }
0x36d: {  	[sflag:s10] =	ssyncadd.s32 $0xFFFFC000  }
0x36e: {  	_ =	swait.ge [sflag:s19], $0x80  }
0x36f: {  	[sflag:s19] =	ssyncset.done $0x0  }
0x370: {  	[sflag:s19] =	ssyncadd.s32 $0xFFFFFF80  }
0x371: {  	_ =	swait.ge [sflag:s19], $0x4000  }
0x372: {  	[sflag:s19] =	ssyncset.done $0x0  }
0x373: {  	[sflag:s19] =	ssyncadd.s32 $0xFFFFC000  }
0x374: {  	_ =	swait.ge [sflag:s19], $0x4000  }
0x375: {  	[sflag:s19] =	ssyncset.done $0x0  }
0x376: {  	[sflag:s19] =	ssyncadd.s32 $0xFFFFC000  }
0x377: {  	_ =	swait.ge [sflag:s19], $0x4000  }
0x378: {  	[sflag:s19] =	ssyncset.done $0x0  }
0x379: {  	[sflag:s19] =	ssyncadd.s32 $0xFFFFC000  }
0x37a: {  	[spmem:s22] =	stream.indirect.scatter.add.f32 [tilespmem:s18], [sflag:$0x3], $0x80, s14, s16, $0xb8;
	[tilespmem:$0x1E500] =	vst v63  }
0x37b: {  	_ =	swait.ge [sflag:s10], $0x4000  }
0x37c: {  	[sflag:s10] =	ssyncset.done $0x0  }
0x37d: {  	[sflag:s10] =	ssyncadd.s32 $0xFFFFC000  }
0x37e: {  	[spmem:s31] =	stream.indirect.scatter.add.f32 [tilespmem:s24], [sflag:$0x3], $0x80, s14, s16, $0xb8;
	[tilespmem:$0x1E500] =	vst v63  }
0x37f: {  	_ =	swait.ge [sflag:s10], $0x4000  }
0x380: {  	[sflag:s10] =	ssyncset.done $0x0  }
0x381: {  	[sflag:s10] =	ssyncadd.s32 $0xFFFFC000  }
0x382: {  	[spmem:s3] =	stream.indirect.scatter.add.f32 [tilespmem:s8], [sflag:$0x3], $0x80, s14, s16, $0xb8;
	[tilespmem:$0x1E500] =	vst v63  }
0x383: {  	_ =	swait.ge [sflag:s10], $0x4000  }
0x384: {  	[sflag:s10] =	ssyncset.done $0x0  }
0x385: {  	[sflag:s10] =	ssyncadd.s32 $0xFFFFC000  }
0x386: {  	[tilespmem:s13], [sflag:$0x3] =	stream.linear.gather [spmem:s22], $0x400, $0x38;
	[tilespmem:$0x1E500] =	vst v63  }
0x387: {  	_ =	swait.ge [sflag:s10], $0x400  }
0x388: {  	[sflag:s10] =	ssyncset.done $0x0  }
0x389: {  	[sflag:s10] =	ssyncadd.s32 $0xFFFFFC00  }
0x38a: {  	[tilespmem:s13], [sflag:$0x3] =	stream.linear.gather [spmem:s31], $0x400, $0x38;
	[tilespmem:$0x1E500] =	vst v63  }
0x38b: {  	_ =	swait.ge [sflag:s10], $0x400  }
0x38c: {  	[sflag:s10] =	ssyncset.done $0x0  }
0x38d: {  	[sflag:s10] =	ssyncadd.s32 $0xFFFFFC00  }
0x38e: {  	[tilespmem:s13], [sflag:$0x3] =	stream.linear.gather [spmem:s3], $0x400, $0x38;
	[tilespmem:$0x1E500] =	vst v63  }
0x38f: {  	_ =	swait.ge [sflag:s10], $0x400  }
0x390: {  	[sflag:s10] =	ssyncset.done $0x0  }
0x391: {  	[sflag:s10] =	ssyncadd.s32 $0xFFFFFC00  }
0x392: {  	[bflag:$0x0] =	sbarrier.arrive $0xFFFF  }
0x393: {  	[hbm:s23], [sflag:s0] =	dma.local @!p0 [spmem:s12], $0x4000  }
0x394: {  	_ =	swait.ge @!p0 [sflag:s15], $0x4000  }
0x395: {  	[sflag:s15] =	ssyncset.done @!p0 $0x0  }
0x396: {  	[sflag:s15] =	ssyncadd.s32 @!p0 $0xFFFFC000  }
0x397: {  	[hbm:s6], [sflag:s0] =	dma.local @!p0 [spmem:s11], $0x4000  }
0x398: {  	_ =	swait.ge @!p0 [sflag:s15], $0x4000  }
0x399: {  	[sflag:s15] =	ssyncset.done @!p0 $0x0  }
0x39a: {  	[sflag:s15] =	ssyncadd.s32 @!p0 $0xFFFFC000  }
0x39b: {  	[hbm:s17], [sflag:s0] =	dma.local @!p0 [spmem:s9], $0x4000  }
0x39c: {  	_ =	swait.ge @!p0 [sflag:s15], $0x4000  }
0x39d: {  	[sflag:s15] =	ssyncset.done @!p0 $0x0  }
0x39e: {  	[sflag:s15] =	ssyncadd.s32 @!p0 $0xFFFFC000  }
0x39f: {  	_ =	sfence.sel $0x180000  }
0x3a0: {  	[bflag:$0x0] =	sbarrier.arrive $0xFFFF  }
0x3a1: {  	_ =	strace $0x90000047  }
0x3a2: {  	s0 =	sadd.s32 @!p0 $0x100000, s25;
	[bflag:$0x2] =	sbarrier.arrive $0xFFFF  }
0x3a3: {  	[sflag:s0] =	ssyncadd.tile.s32 @!p0 $0x1;
	_ =	shalt  }
.LBB2_1:
.Ltmp3:
0x3a4: {  	(pc) =	sbr.rel .LBB2_6-.Ltmp3, $2  }
0x3a5: {  	_ =	sdelay $0x2  }
0x3a6: {  	_ = 	snop  }
.LBB2_7:
.Ltmp4:
0x3a7: {  	(pc) =	sbr.rel .LBB2_6-.Ltmp4, $4  }
0x3a8: {  	s5 =	simm.s32 @!p0 $0x3;
	s25 =	rddreg [dreg:$0x5]  }
0x3a9: {  	s8 =	simm.s32 $0x1A100;
	s24 =	simm.s32 $0x12000;
	s3 =	rddreg [dreg:$0x4]  }
0x3aa: {  	s18 =	simm.s32 $0xA000;
	s1 =	simm.s32 $0x16100;
	s31 =	rddreg [dreg:$0x3]  }
0x3ab: {  	s2 =	simm.s32 $0xE000;
	s22 =	rddreg [dreg:$0x2];
	s21 =	simm.s32 $0x6000  }
.Lfunc_end2:
_tile_overlayer_lowered:
.L_overlay_start_2:
0x3ac: {  	(tag) =	ssettag $0x2  }
0x3ad: {  	s0 =	rddreg [dreg:$0x0];
	s2 =	stileid.u32  }
0x3ae: {  	s1 =	rddreg [dreg:$0x1];
	p0 =	sne.s32 s2, $0x0  }
0x3af: {  	s3 =	rddreg [dreg:$0x2];
	[bflag:$0x3] =	sbarrier.arrive $0xFFFF;
	s2 =	simm.s32 @!p0 $0x1C03  }
0x3b0: {  	[timem:s3], [sflag:s2] =	dma.local @!p0 [hbm:s0], s1  }
0x3b1: {  	s0 =	simm.s32 @!p0 $0x3  }
0x3b2: {  	_ =	swait.ge @!p0 [sflag:s0], s1  }
0x3b3: {  	s1 =	ssub.s32 @!p0 $0x0, s1;
	[sflag:s0] =	ssyncset.done @!p0 $0x0  }
0x3b4: {  	[sflag:s0] =	ssyncadd.s32 @!p0 s1  }
0x3b5: {  	[bflag:$0x3] =	sbarrier.arrive $0xFFFF  }
0x3b6: {  	_ =	shalt  }

</sc_bundles>
